<compile_context>
chip_gen: v7x
topology: tpu7x:2x2x1
jax: 0.10.2.dev20260603
libtpu: 0.0.44.dev20260713+nightly
codegen_flags: <defaults>
</compile_context>

<pallas_src>
import functools
import math

import jax
import jax.numpy as jnp
from jax import lax
from jax.experimental import pallas as pl
from jax.experimental.pallas import tpu as pltpu
from jax.experimental.pallas import tpu_sc as plsc

S = 64.0
MARGIN = 0.5
SCOS = S * math.cos(MARGIN)
SSIN = S * math.sin(MARGIN)

NC = 2
NS = 16
NW = NC * NS
L = 16

NCG = 8
NRG = 4
CH = 200
NBUF = 2


def _sc_body(B, V, xt_hbm, labels_hbm, out_hbm,
             in0, in1, o0, o1, lab_v, smem_lab,
             si0, si1, so0, so1):
    rpg = V // NRG
    nch = rpg // CH
    wid = lax.axis_index("s") * NC + lax.axis_index("c")
    cg = wid // NRG
    rg = wid % NRG
    col0 = cg * 128
    row_base = rg * rpg

    ins = (in0, in1)
    outs = (o0, o1)
    sis = (si0, si1)
    sos = (so0, so1)

    pltpu.sync_copy(labels_hbm.at[pl.ds(col0, 128)], lab_v)
    for g in range(8):
        vec = lab_v[pl.ds(g * L, L)]
        for j in range(L):
            smem_lab[g * L + j] = vec[j]

    lane16 = lax.iota(jnp.int32, L)

    def load(c, b):
        pltpu.async_copy(
            xt_hbm.at[pl.ds(row_base + c * CH, CH), pl.ds(col0, 128)],
            ins[b], sis[b])

    def store(c, b):
        pltpu.async_copy(
            outs[b], out_hbm.at[pl.ds(row_base + c * CH, CH), pl.ds(col0, 128)],
            sos[b])

    def wait_load(b):
        pltpu.make_async_copy(
            xt_hbm.at[pl.ds(row_base, CH), pl.ds(col0, 128)], ins[b], sis[b]
        ).wait()

    def wait_store(b):
        pltpu.make_async_copy(
            outs[b], out_hbm.at[pl.ds(row_base, CH), pl.ds(col0, 128)], sos[b]
        ).wait()

    def process(c, b, first):
        r0 = c * CH

        if not first:
            wait_store(b)
        wait_load(b)

        @plsc.parallel_loop(0, CH, unroll=4)
        def _(i):
            for k in range(8):
                outs[b][i, pl.ds(k * L, L)] = ins[b][i, pl.ds(k * L, L)] * S

        def fix(jj, carry):
            lab = smem_lab[jj]
            local = lab - (row_base + r0)
            hit = (local >= 0) & (local < CH)

            @pl.when(hit)
            def _():
                row = jnp.clip(local, 0, CH - 1)
                start = pl.multiple_of((jj >> 4) << 4, L)
                lane = jj & 15
                y = ins[b][row, pl.ds(start, L)]
                t = jnp.maximum(1.0 - y * y, 0.0)
                gg = 0.5 * (1.0 + t)
                for _ in range(18):
                    gg = 0.5 * (gg + t / gg)
                fixed = SCOS * y - SSIN * gg
                cur = outs[b][row, pl.ds(start, L)]
                outs[b][row, pl.ds(start, L)] = jnp.where(
                    lane16 == lane, fixed, cur)
            return carry

        lax.fori_loop(0, 128, fix, 0)

        store(c, b)

    load(0, 0)
    load(1, 1)
    process(0, 0, first=True)
    load(2, 0)
    process(1, 1, first=True)
    load(3, 1)

    def ring(gp, _):
        for b in range(NBUF):
            c = 2 + gp * NBUF + b
            process(c, b, first=False)

            @pl.when(c + NBUF <= nch - 1)
            def _():
                load(c + NBUF, b)
        return 0

    lax.fori_loop(0, (nch - 2) // NBUF, ring, 0)
    process(nch - 1, 0, first=False)

    wait_store(0)
    wait_store(1)


@functools.lru_cache(maxsize=None)
def _make_sc_kernel(B, V):
    return functools.partial(
        pl.kernel,
        out_type=jax.ShapeDtypeStruct((V, B), jnp.float32),
        mesh=plsc.VectorSubcoreMesh(core_axis_name="c", subcore_axis_name="s"),
        scratch_types=[
            pltpu.VMEM((CH, 128), jnp.float32),
            pltpu.VMEM((CH, 128), jnp.float32),
            pltpu.VMEM((CH, 128), jnp.float32),
            pltpu.VMEM((CH, 128), jnp.float32),
            pltpu.VMEM((128,), jnp.int32),
            pltpu.SMEM((128,), jnp.int32),
            pltpu.SemaphoreType.DMA,
            pltpu.SemaphoreType.DMA,
            pltpu.SemaphoreType.DMA,
            pltpu.SemaphoreType.DMA,
        ],
    )(functools.partial(_sc_body, B, V))


def kernel(logits, labels):
    B, V = logits.shape
    labels = labels.astype(jnp.int32)
    out_t = _make_sc_kernel(B, V)(logits.T, labels)
    return out_t.T

# --- scband reference (transcript-rebuilt; emitter-appended) ---
"""Pipeline reference for scband-arc-face-83691732730214 (READ-ONLY COPY).

The authoritative reference and input builder live on the scoring server;
editing this copy changes nothing except your own understanding.
"""

import jax, jax.numpy as jnp
import numpy as np

B = 1024
V = 100000
S = 64.0
MARGIN = 0.5


def setup_inputs(seed: int = 0) -> dict:
    key = jax.random.key(seed)
    k1, k2 = jax.random.split(key)
    # cosine-similarity logits in [0, 1) so arccos is well-defined
    logits = jax.random.uniform(k1, (B, V), dtype=jnp.float32)
    labels = jax.random.randint(k2, (B,), 0, V, dtype=jnp.int64)
    return {"logits": logits, "labels": labels}


def reference(logits, labels):
    s = S
    margin = MARGIN
    b, v = logits.shape
    # index = where(labels != -1): rows that receive the margin
    valid = labels != -1
    safe_labels = jnp.where(valid, labels, 0)
    # additive margin only at (row, label) positions for valid rows
    margin_add = jnp.zeros((b, v), dtype=logits.dtype).at[
        jnp.arange(b), safe_labels
    ].add(jnp.where(valid, jnp.asarray(margin, logits.dtype), jnp.asarray(0.0, logits.dtype)))
    # arccos -> add margin at target -> cos  (done under no_grad in torch)
    theta = jnp.arccos(logits)
    modified = jnp.cos(theta + margin_add)
    # torch no_grad in-place trick: forward value is `modified`, but gradient
    # flows through `logits` as identity (then scaled by s)
    out = s * (logits + jax.lax.stop_gradient(modified - logits))
    return out

if __name__ == "__main__":
    import jax
    _d = setup_inputs()
    print(jax.jit(kernel)(*tuple(_d.values())))

</pallas_src>

<mosaic_0001>
#map = affine_map<(d0, d1) -> (0, 0)>
#map1 = affine_map<(d0, d1) -> (0)>
module attributes {stable_mosaic.version = 14 : i64} {
  func.func @_sc_body(%arg0: i32, %arg1: i32, %arg2: memref<100000x1024xf32, #tpu.memory_space<hbm>>, %arg3: memref<1024xi32, #tpu.memory_space<hbm>>, %arg4: memref<100000x1024xf32, #tpu.memory_space<hbm>>, %arg5: memref<200x128xf32, #tpu.memory_space<vmem>>, %arg6: memref<200x128xf32, #tpu.memory_space<vmem>>, %arg7: memref<200x128xf32, #tpu.memory_space<vmem>>, %arg8: memref<200x128xf32, #tpu.memory_space<vmem>>, %arg9: memref<128xi32, #tpu.memory_space<vmem>>, %arg10: memref<128xi32, #tpu.memory_space<smem>>, %arg11: memref<!tpu.dma_semaphore, #tpu.memory_space<semaphore_mem>>, %arg12: memref<!tpu.dma_semaphore, #tpu.memory_space<semaphore_mem>>, %arg13: memref<!tpu.dma_semaphore, #tpu.memory_space<semaphore_mem>>, %arg14: memref<!tpu.dma_semaphore, #tpu.memory_space<semaphore_mem>>) attributes {dimension_semantics = [#tpu.dimension_semantics<core_parallel>, #tpu.dimension_semantics<subcore_parallel>], iteration_bounds = array<i64: 2, 16>, scalar_prefetch = 0 : i64, scratch_operands = 10 : i64, tpu.core_type = #tpu.core_type<sc_vector_subcore>, window_params = [{transform_indices = #map}, {transform_indices = #map1}, {transform_indices = #map}]} {
    %mul3A = arith.constant 2 : i32
    %mul3A_0 = arith.muli %arg1, %mul3A : i32
    %add3A = arith.addi %mul3A_0, %arg0 : i32
    %jit3A = arith.constant 4 : i32
    %div3A = arith.divsi %add3A, %jit3A : i32
    %sign3A = arith.constant 0 : i32
    %sign3A_1 = arith.cmpi sgt, %add3A, %sign3A : i32
    %sign3A_2 = arith.extui %sign3A_1 : i1 to i32
    %sign3A_3 = arith.constant 0 : i32
    %sign3A_4 = arith.cmpi slt, %add3A, %sign3A_3 : i32
    %sign3A_5 = arith.extui %sign3A_4 : i1 to i32
    %sign3A_6 = arith.subi %sign3A_2, %sign3A_5 : i32
    %sign3A_7 = arith.constant 0 : i32
    %sign3A_8 = arith.cmpi sgt, %jit3A, %sign3A_7 : i32
    %sign3A_9 = arith.extui %sign3A_8 : i1 to i32
    %sign3A_10 = arith.constant 0 : i32
    %sign3A_11 = arith.cmpi slt, %jit3A, %sign3A_10 : i32
    %sign3A_12 = arith.extui %sign3A_11 : i1 to i32
    %sign3A_13 = arith.subi %sign3A_9, %sign3A_12 : i32
    %ne3A = arith.cmpi ne, %sign3A_6, %sign3A_13 : i32
    %rem3A = arith.remsi %add3A, %jit3A : i32
    %ne3A_14 = arith.constant 0 : i32
    %ne3A_15 = arith.cmpi ne, %rem3A, %ne3A_14 : i32
    %and3A = arith.andi %ne3A, %ne3A_15 : i1
    %sub3A = arith.constant 1 : i32
    %sub3A_16 = arith.subi %div3A, %sub3A : i32
    %select_n3A = arith.select %and3A, %sub3A_16, %div3A : i32
    %jit3A_17 = arith.constant 4 : i32
    %eq3A = arith.constant 0 : i32
    %eq3A_18 = arith.cmpi eq, %jit3A_17, %eq3A : i32
    %jit3A_19 = arith.constant 1 : i32
    %select_n3A_20 = arith.select %eq3A_18, %jit3A_19, %jit3A_17 : i32
    %rem3A_21 = arith.remsi %add3A, %select_n3A_20 : i32
    %ne3A_22 = arith.constant 0 : i32
    %ne3A_23 = arith.cmpi ne, %rem3A_21, %ne3A_22 : i32
    %lt3A = arith.constant 0 : i32
    %lt3A_24 = arith.cmpi slt, %rem3A_21, %lt3A : i32
    %lt3A_25 = arith.constant 0 : i32
    %lt3A_26 = arith.cmpi slt, %select_n3A_20, %lt3A_25 : i32
    %ne3A_27 = arith.xori %lt3A_24, %lt3A_26 : i1
    %and3A_28 = arith.andi %ne3A_27, %ne3A_23 : i1
    %add3A_29 = arith.addi %rem3A_21, %select_n3A_20 : i32
    %select_n3A_30 = arith.select %and3A_28, %add3A_29, %rem3A_21 : i32
    %mul3A_31 = arith.constant 128 : i32
    %mul3A_32 = arith.muli %select_n3A, %mul3A_31 : i32
    %mul3A_33 = arith.constant 25000 : i32
    %mul3A_34 = arith.muli %select_n3A_30, %mul3A_33 : i32
    "tpu.region"() ({
      %run_scoped3A = tpu.sem_alloc : memref<!tpu.dma_semaphore, #tpu.memory_space<semaphore_mem>>
      %dma_start3A_765 = tpu.memref_slice %arg3[%mul3A_32] : memref<1024xi32, #tpu.memory_space<hbm>> -> memref<128xi32, #tpu.memory_space<hbm>>
      %dma_start3A_766 = tpu.memref_slice %arg3[%mul3A_32] : memref<1024xi32, #tpu.memory_space<hbm>> -> memref<128xi32, #tpu.memory_space<hbm>>
      tpu.enqueue_dma source(%dma_start3A_766 : memref<128xi32, #tpu.memory_space<hbm>>) target(%arg9 : memref<128xi32, #tpu.memory_space<vmem>>) target_semaphore(%run_scoped3A : memref<!tpu.dma_semaphore, #tpu.memory_space<semaphore_mem>>)
      %dma_wait3A_767 = tpu.memref_slice %arg3[%mul3A_32] : memref<1024xi32, #tpu.memory_space<hbm>> -> memref<128xi32, #tpu.memory_space<hbm>>
      %dma_wait3A_768 = tpu.memref_slice %arg3[%mul3A_32] : memref<1024xi32, #tpu.memory_space<hbm>> -> memref<128xi32, #tpu.memory_space<hbm>>
      tpu.wait_dma2 semaphore(%run_scoped3A : memref<!tpu.dma_semaphore, #tpu.memory_space<semaphore_mem>>) src(%dma_wait3A_768 : memref<128xi32, #tpu.memory_space<hbm>>) dst(%arg9 : memref<128xi32, #tpu.memory_space<vmem>>)
      tpu.yield
    }) : () -> ()
    %get3A = arith.constant 0 : index
    %get3A_35 = tpu.vector_load %arg9[%get3A] {strides = array<i32>} : memref<128xi32, #tpu.memory_space<vmem>>, vector<16xi32>,
    %get3A_36 = vector.shape_cast %get3A_35 : vector<16xi32> to vector<16xi32>
    %slice3A = vector.extract_strided_slice %get3A_36 {offsets = [0], sizes = [1], strides = [1]} : vector<16xi32> to vector<1xi32>
    %squeeze3A = vector.extract %slice3A[0] : i32 from vector<1xi32>
    %swap3A = arith.constant 0 : i32
    %swap3A_37 = arith.index_cast %swap3A : i32 to index
    %swap3A_38 = memref.load %arg10[%swap3A_37] : memref<128xi32, #tpu.memory_space<smem>>
    memref.store %squeeze3A, %arg10[%swap3A_37] : memref<128xi32, #tpu.memory_space<smem>>
    %slice3A_39 = vector.extract_strided_slice %get3A_36 {offsets = [1], sizes = [1], strides = [1]} : vector<16xi32> to vector<1xi32>
    %squeeze3A_40 = vector.extract %slice3A_39[0] : i32 from vector<1xi32>
    %swap3A_41 = arith.constant 1 : i32
    %swap3A_42 = arith.index_cast %swap3A_41 : i32 to index
    %swap3A_43 = memref.load %arg10[%swap3A_42] : memref<128xi32, #tpu.memory_space<smem>>
    memref.store %squeeze3A_40, %arg10[%swap3A_42] : memref<128xi32, #tpu.memory_space<smem>>
    %slice3A_44 = vector.extract_strided_slice %get3A_36 {offsets = [2], sizes = [1], strides = [1]} : vector<16xi32> to vector<1xi32>
    %squeeze3A_45 = vector.extract %slice3A_44[0] : i32 from vector<1xi32>
    %swap3A_46 = arith.constant 2 : i32
    %swap3A_47 = arith.index_cast %swap3A_46 : i32 to index
    %swap3A_48 = memref.load %arg10[%swap3A_47] : memref<128xi32, #tpu.memory_space<smem>>
    memref.store %squeeze3A_45, %arg10[%swap3A_47] : memref<128xi32, #tpu.memory_space<smem>>
    %slice3A_49 = vector.extract_strided_slice %get3A_36 {offsets = [3], sizes = [1], strides = [1]} : vector<16xi32> to vector<1xi32>
    %squeeze3A_50 = vector.extract %slice3A_49[0] : i32 from vector<1xi32>
    %swap3A_51 = arith.constant 3 : i32
    %swap3A_52 = arith.index_cast %swap3A_51 : i32 to index
    %swap3A_53 = memref.load %arg10[%swap3A_52] : memref<128xi32, #tpu.memory_space<smem>>
    memref.store %squeeze3A_50, %arg10[%swap3A_52] : memref<128xi32, #tpu.memory_space<smem>>
    %slice3A_54 = vector.extract_strided_slice %get3A_36 {offsets = [4], sizes = [1], strides = [1]} : vector<16xi32> to vector<1xi32>
    %squeeze3A_55 = vector.extract %slice3A_54[0] : i32 from vector<1xi32>
    %swap3A_56 = arith.constant 4 : i32
    %swap3A_57 = arith.index_cast %swap3A_56 : i32 to index
    %swap3A_58 = memref.load %arg10[%swap3A_57] : memref<128xi32, #tpu.memory_space<smem>>
    memref.store %squeeze3A_55, %arg10[%swap3A_57] : memref<128xi32, #tpu.memory_space<smem>>
    %slice3A_59 = vector.extract_strided_slice %get3A_36 {offsets = [5], sizes = [1], strides = [1]} : vector<16xi32> to vector<1xi32>
    %squeeze3A_60 = vector.extract %slice3A_59[0] : i32 from vector<1xi32>
    %swap3A_61 = arith.constant 5 : i32
    %swap3A_62 = arith.index_cast %swap3A_61 : i32 to index
    %swap3A_63 = memref.load %arg10[%swap3A_62] : memref<128xi32, #tpu.memory_space<smem>>
    memref.store %squeeze3A_60, %arg10[%swap3A_62] : memref<128xi32, #tpu.memory_space<smem>>
    %slice3A_64 = vector.extract_strided_slice %get3A_36 {offsets = [6], sizes = [1], strides = [1]} : vector<16xi32> to vector<1xi32>
    %squeeze3A_65 = vector.extract %slice3A_64[0] : i32 from vector<1xi32>
    %swap3A_66 = arith.constant 6 : i32
    %swap3A_67 = arith.index_cast %swap3A_66 : i32 to index
    %swap3A_68 = memref.load %arg10[%swap3A_67] : memref<128xi32, #tpu.memory_space<smem>>
    memref.store %squeeze3A_65, %arg10[%swap3A_67] : memref<128xi32, #tpu.memory_space<smem>>
    %slice3A_69 = vector.extract_strided_slice %get3A_36 {offsets = [7], sizes = [1], strides = [1]} : vector<16xi32> to vector<1xi32>
    %squeeze3A_70 = vector.extract %slice3A_69[0] : i32 from vector<1xi32>
    %swap3A_71 = arith.constant 7 : i32
    %swap3A_72 = arith.index_cast %swap3A_71 : i32 to index
    %swap3A_73 = memref.load %arg10[%swap3A_72] : memref<128xi32, #tpu.memory_space<smem>>
    memref.store %squeeze3A_70, %arg10[%swap3A_72] : memref<128xi32, #tpu.memory_space<smem>>
    %slice3A_74 = vector.extract_strided_slice %get3A_36 {offsets = [8], sizes = [1], strides = [1]} : vector<16xi32> to vector<1xi32>
    %squeeze3A_75 = vector.extract %slice3A_74[0] : i32 from vector<1xi32>
    %swap3A_76 = arith.constant 8 : i32
    %swap3A_77 = arith.index_cast %swap3A_76 : i32 to index
    %swap3A_78 = memref.load %arg10[%swap3A_77] : memref<128xi32, #tpu.memory_space<smem>>
    memref.store %squeeze3A_75, %arg10[%swap3A_77] : memref<128xi32, #tpu.memory_space<smem>>
    %slice3A_79 = vector.extract_strided_slice %get3A_36 {offsets = [9], sizes = [1], strides = [1]} : vector<16xi32> to vector<1xi32>
    %squeeze3A_80 = vector.extract %slice3A_79[0] : i32 from vector<1xi32>
    %swap3A_81 = arith.constant 9 : i32
    %swap3A_82 = arith.index_cast %swap3A_81 : i32 to index
    %swap3A_83 = memref.load %arg10[%swap3A_82] : memref<128xi32, #tpu.memory_space<smem>>
    memref.store %squeeze3A_80, %arg10[%swap3A_82] : memref<128xi32, #tpu.memory_space<smem>>
    %slice3A_84 = vector.extract_strided_slice %get3A_36 {offsets = [10], sizes = [1], strides = [1]} : vector<16xi32> to vector<1xi32>
    %squeeze3A_85 = vector.extract %slice3A_84[0] : i32 from vector<1xi32>
    %swap3A_86 = arith.constant 10 : i32
    %swap3A_87 = arith.index_cast %swap3A_86 : i32 to index
    %swap3A_88 = memref.load %arg10[%swap3A_87] : memref<128xi32, #tpu.memory_space<smem>>
    memref.store %squeeze3A_85, %arg10[%swap3A_87] : memref<128xi32, #tpu.memory_space<smem>>
    %slice3A_89 = vector.extract_strided_slice %get3A_36 {offsets = [11], sizes = [1], strides = [1]} : vector<16xi32> to vector<1xi32>
    %squeeze3A_90 = vector.extract %slice3A_89[0] : i32 from vector<1xi32>
    %swap3A_91 = arith.constant 11 : i32
    %swap3A_92 = arith.index_cast %swap3A_91 : i32 to index
    %swap3A_93 = memref.load %arg10[%swap3A_92] : memref<128xi32, #tpu.memory_space<smem>>
    memref.store %squeeze3A_90, %arg10[%swap3A_92] : memref<128xi32, #tpu.memory_space<smem>>
    %slice3A_94 = vector.extract_strided_slice %get3A_36 {offsets = [12], sizes = [1], strides = [1]} : vector<16xi32> to vector<1xi32>
    %squeeze3A_95 = vector.extract %slice3A_94[0] : i32 from vector<1xi32>
    %swap3A_96 = arith.constant 12 : i32
    %swap3A_97 = arith.index_cast %swap3A_96 : i32 to index
    %swap3A_98 = memref.load %arg10[%swap3A_97] : memref<128xi32, #tpu.memory_space<smem>>
    memref.store %squeeze3A_95, %arg10[%swap3A_97] : memref<128xi32, #tpu.memory_space<smem>>
    %slice3A_99 = vector.extract_strided_slice %get3A_36 {offsets = [13], sizes = [1], strides = [1]} : vector<16xi32> to vector<1xi32>
    %squeeze3A_100 = vector.extract %slice3A_99[0] : i32 from vector<1xi32>
    %swap3A_101 = arith.constant 13 : i32
    %swap3A_102 = arith.index_cast %swap3A_101 : i32 to index
    %swap3A_103 = memref.load %arg10[%swap3A_102] : memref<128xi32, #tpu.memory_space<smem>>
    memref.store %squeeze3A_100, %arg10[%swap3A_102] : memref<128xi32, #tpu.memory_space<smem>>
    %slice3A_104 = vector.extract_strided_slice %get3A_36 {offsets = [14], sizes = [1], strides = [1]} : vector<16xi32> to vector<1xi32>
    %squeeze3A_105 = vector.extract %slice3A_104[0] : i32 from vector<1xi32>
    %swap3A_106 = arith.constant 14 : i32
    %swap3A_107 = arith.index_cast %swap3A_106 : i32 to index
    %swap3A_108 = memref.load %arg10[%swap3A_107] : memref<128xi32, #tpu.memory_space<smem>>
    memref.store %squeeze3A_105, %arg10[%swap3A_107] : memref<128xi32, #tpu.memory_space<smem>>
    %slice3A_109 = vector.extract_strided_slice %get3A_36 {offsets = [15], sizes = [1], strides = [1]} : vector<16xi32> to vector<1xi32>
    %squeeze3A_110 = vector.extract %slice3A_109[0] : i32 from vector<1xi32>
    %swap3A_111 = arith.constant 15 : i32
    %swap3A_112 = arith.index_cast %swap3A_111 : i32 to index
    %swap3A_113 = memref.load %arg10[%swap3A_112] : memref<128xi32, #tpu.memory_space<smem>>
    memref.store %squeeze3A_110, %arg10[%swap3A_112] : memref<128xi32, #tpu.memory_space<smem>>
    %get3A_114 = arith.constant 16 : index
    %get3A_115 = tpu.vector_load %arg9[%get3A_114] {strides = array<i32>} : memref<128xi32, #tpu.memory_space<vmem>>, vector<16xi32>,
    %get3A_116 = vector.shape_cast %get3A_115 : vector<16xi32> to vector<16xi32>
    %slice3A_117 = vector.extract_strided_slice %get3A_116 {offsets = [0], sizes = [1], strides = [1]} : vector<16xi32> to vector<1xi32>
    %squeeze3A_118 = vector.extract %slice3A_117[0] : i32 from vector<1xi32>
    %swap3A_119 = arith.constant 16 : i32
    %swap3A_120 = arith.index_cast %swap3A_119 : i32 to index
    %swap3A_121 = memref.load %arg10[%swap3A_120] : memref<128xi32, #tpu.memory_space<smem>>
    memref.store %squeeze3A_118, %arg10[%swap3A_120] : memref<128xi32, #tpu.memory_space<smem>>
    %slice3A_122 = vector.extract_strided_slice %get3A_116 {offsets = [1], sizes = [1], strides = [1]} : vector<16xi32> to vector<1xi32>
    %squeeze3A_123 = vector.extract %slice3A_122[0] : i32 from vector<1xi32>
    %swap3A_124 = arith.constant 17 : i32
    %swap3A_125 = arith.index_cast %swap3A_124 : i32 to index
    %swap3A_126 = memref.load %arg10[%swap3A_125] : memref<128xi32, #tpu.memory_space<smem>>
    memref.store %squeeze3A_123, %arg10[%swap3A_125] : memref<128xi32, #tpu.memory_space<smem>>
    %slice3A_127 = vector.extract_strided_slice %get3A_116 {offsets = [2], sizes = [1], strides = [1]} : vector<16xi32> to vector<1xi32>
    %squeeze3A_128 = vector.extract %slice3A_127[0] : i32 from vector<1xi32>
    %swap3A_129 = arith.constant 18 : i32
    %swap3A_130 = arith.index_cast %swap3A_129 : i32 to index
    %swap3A_131 = memref.load %arg10[%swap3A_130] : memref<128xi32, #tpu.memory_space<smem>>
    memref.store %squeeze3A_128, %arg10[%swap3A_130] : memref<128xi32, #tpu.memory_space<smem>>
    %slice3A_132 = vector.extract_strided_slice %get3A_116 {offsets = [3], sizes = [1], strides = [1]} : vector<16xi32> to vector<1xi32>
    %squeeze3A_133 = vector.extract %slice3A_132[0] : i32 from vector<1xi32>
    %swap3A_134 = arith.constant 19 : i32
    %swap3A_135 = arith.index_cast %swap3A_134 : i32 to index
    %swap3A_136 = memref.load %arg10[%swap3A_135] : memref<128xi32, #tpu.memory_space<smem>>
    memref.store %squeeze3A_133, %arg10[%swap3A_135] : memref<128xi32, #tpu.memory_space<smem>>
    %slice3A_137 = vector.extract_strided_slice %get3A_116 {offsets = [4], sizes = [1], strides = [1]} : vector<16xi32> to vector<1xi32>
    %squeeze3A_138 = vector.extract %slice3A_137[0] : i32 from vector<1xi32>
    %swap3A_139 = arith.constant 20 : i32
    %swap3A_140 = arith.index_cast %swap3A_139 : i32 to index
    %swap3A_141 = memref.load %arg10[%swap3A_140] : memref<128xi32, #tpu.memory_space<smem>>
    memref.store %squeeze3A_138, %arg10[%swap3A_140] : memref<128xi32, #tpu.memory_space<smem>>
    %slice3A_142 = vector.extract_strided_slice %get3A_116 {offsets = [5], sizes = [1], strides = [1]} : vector<16xi32> to vector<1xi32>
    %squeeze3A_143 = vector.extract %slice3A_142[0] : i32 from vector<1xi32>
    %swap3A_144 = arith.constant 21 : i32
    %swap3A_145 = arith.index_cast %swap3A_144 : i32 to index
    %swap3A_146 = memref.load %arg10[%swap3A_145] : memref<128xi32, #tpu.memory_space<smem>>
    memref.store %squeeze3A_143, %arg10[%swap3A_145] : memref<128xi32, #tpu.memory_space<smem>>
    %slice3A_147 = vector.extract_strided_slice %get3A_116 {offsets = [6], sizes = [1], strides = [1]} : vector<16xi32> to vector<1xi32>
    %squeeze3A_148 = vector.extract %slice3A_147[0] : i32 from vector<1xi32>
    %swap3A_149 = arith.constant 22 : i32
    %swap3A_150 = arith.index_cast %swap3A_149 : i32 to index
    %swap3A_151 = memref.load %arg10[%swap3A_150] : memref<128xi32, #tpu.memory_space<smem>>
    memref.store %squeeze3A_148, %arg10[%swap3A_150] : memref<128xi32, #tpu.memory_space<smem>>
    %slice3A_152 = vector.extract_strided_slice %get3A_116 {offsets = [7], sizes = [1], strides = [1]} : vector<16xi32> to vector<1xi32>
    %squeeze3A_153 = vector.extract %slice3A_152[0] : i32 from vector<1xi32>
    %swap3A_154 = arith.constant 23 : i32
    %swap3A_155 = arith.index_cast %swap3A_154 : i32 to index
    %swap3A_156 = memref.load %arg10[%swap3A_155] : memref<128xi32, #tpu.memory_space<smem>>
    memref.store %squeeze3A_153, %arg10[%swap3A_155] : memref<128xi32, #tpu.memory_space<smem>>
    %slice3A_157 = vector.extract_strided_slice %get3A_116 {offsets = [8], sizes = [1], strides = [1]} : vector<16xi32> to vector<1xi32>
    %squeeze3A_158 = vector.extract %slice3A_157[0] : i32 from vector<1xi32>
    %swap3A_159 = arith.constant 24 : i32
    %swap3A_160 = arith.index_cast %swap3A_159 : i32 to index
    %swap3A_161 = memref.load %arg10[%swap3A_160] : memref<128xi32, #tpu.memory_space<smem>>
    memref.store %squeeze3A_158, %arg10[%swap3A_160] : memref<128xi32, #tpu.memory_space<smem>>
    %slice3A_162 = vector.extract_strided_slice %get3A_116 {offsets = [9], sizes = [1], strides = [1]} : vector<16xi32> to vector<1xi32>
    %squeeze3A_163 = vector.extract %slice3A_162[0] : i32 from vector<1xi32>
    %swap3A_164 = arith.constant 25 : i32
    %swap3A_165 = arith.index_cast %swap3A_164 : i32 to index
    %swap3A_166 = memref.load %arg10[%swap3A_165] : memref<128xi32, #tpu.memory_space<smem>>
    memref.store %squeeze3A_163, %arg10[%swap3A_165] : memref<128xi32, #tpu.memory_space<smem>>
    %slice3A_167 = vector.extract_strided_slice %get3A_116 {offsets = [10], sizes = [1], strides = [1]} : vector<16xi32> to vector<1xi32>
    %squeeze3A_168 = vector.extract %slice3A_167[0] : i32 from vector<1xi32>
    %swap3A_169 = arith.constant 26 : i32
    %swap3A_170 = arith.index_cast %swap3A_169 : i32 to index
    %swap3A_171 = memref.load %arg10[%swap3A_170] : memref<128xi32, #tpu.memory_space<smem>>
    memref.store %squeeze3A_168, %arg10[%swap3A_170] : memref<128xi32, #tpu.memory_space<smem>>
    %slice3A_172 = vector.extract_strided_slice %get3A_116 {offsets = [11], sizes = [1], strides = [1]} : vector<16xi32> to vector<1xi32>
    %squeeze3A_173 = vector.extract %slice3A_172[0] : i32 from vector<1xi32>
    %swap3A_174 = arith.constant 27 : i32
    %swap3A_175 = arith.index_cast %swap3A_174 : i32 to index
    %swap3A_176 = memref.load %arg10[%swap3A_175] : memref<128xi32, #tpu.memory_space<smem>>
    memref.store %squeeze3A_173, %arg10[%swap3A_175] : memref<128xi32, #tpu.memory_space<smem>>
    %slice3A_177 = vector.extract_strided_slice %get3A_116 {offsets = [12], sizes = [1], strides = [1]} : vector<16xi32> to vector<1xi32>
    %squeeze3A_178 = vector.extract %slice3A_177[0] : i32 from vector<1xi32>
    %swap3A_179 = arith.constant 28 : i32
    %swap3A_180 = arith.index_cast %swap3A_179 : i32 to index
    %swap3A_181 = memref.load %arg10[%swap3A_180] : memref<128xi32, #tpu.memory_space<smem>>
    memref.store %squeeze3A_178, %arg10[%swap3A_180] : memref<128xi32, #tpu.memory_space<smem>>
    %slice3A_182 = vector.extract_strided_slice %get3A_116 {offsets = [13], sizes = [1], strides = [1]} : vector<16xi32> to vector<1xi32>
    %squeeze3A_183 = vector.extract %slice3A_182[0] : i32 from vector<1xi32>
    %swap3A_184 = arith.constant 29 : i32
    %swap3A_185 = arith.index_cast %swap3A_184 : i32 to index
    %swap3A_186 = memref.load %arg10[%swap3A_185] : memref<128xi32, #tpu.memory_space<smem>>
    memref.store %squeeze3A_183, %arg10[%swap3A_185] : memref<128xi32, #tpu.memory_space<smem>>
    %slice3A_187 = vector.extract_strided_slice %get3A_116 {offsets = [14], sizes = [1], strides = [1]} : vector<16xi32> to vector<1xi32>
    %squeeze3A_188 = vector.extract %slice3A_187[0] : i32 from vector<1xi32>
    %swap3A_189 = arith.constant 30 : i32
    %swap3A_190 = arith.index_cast %swap3A_189 : i32 to index
    %swap3A_191 = memref.load %arg10[%swap3A_190] : memref<128xi32, #tpu.memory_space<smem>>
    memref.store %squeeze3A_188, %arg10[%swap3A_190] : memref<128xi32, #tpu.memory_space<smem>>
    %slice3A_192 = vector.extract_strided_slice %get3A_116 {offsets = [15], sizes = [1], strides = [1]} : vector<16xi32> to vector<1xi32>
    %squeeze3A_193 = vector.extract %slice3A_192[0] : i32 from vector<1xi32>
    %swap3A_194 = arith.constant 31 : i32
    %swap3A_195 = arith.index_cast %swap3A_194 : i32 to index
    %swap3A_196 = memref.load %arg10[%swap3A_195] : memref<128xi32, #tpu.memory_space<smem>>
    memref.store %squeeze3A_193, %arg10[%swap3A_195] : memref<128xi32, #tpu.memory_space<smem>>
    %get3A_197 = arith.constant 32 : index
    %get3A_198 = tpu.vector_load %arg9[%get3A_197] {strides = array<i32>} : memref<128xi32, #tpu.memory_space<vmem>>, vector<16xi32>,
    %get3A_199 = vector.shape_cast %get3A_198 : vector<16xi32> to vector<16xi32>
    %slice3A_200 = vector.extract_strided_slice %get3A_199 {offsets = [0], sizes = [1], strides = [1]} : vector<16xi32> to vector<1xi32>
    %squeeze3A_201 = vector.extract %slice3A_200[0] : i32 from vector<1xi32>
    %swap3A_202 = arith.constant 32 : i32
    %swap3A_203 = arith.index_cast %swap3A_202 : i32 to index
    %swap3A_204 = memref.load %arg10[%swap3A_203] : memref<128xi32, #tpu.memory_space<smem>>
    memref.store %squeeze3A_201, %arg10[%swap3A_203] : memref<128xi32, #tpu.memory_space<smem>>
    %slice3A_205 = vector.extract_strided_slice %get3A_199 {offsets = [1], sizes = [1], strides = [1]} : vector<16xi32> to vector<1xi32>
    %squeeze3A_206 = vector.extract %slice3A_205[0] : i32 from vector<1xi32>
    %swap3A_207 = arith.constant 33 : i32
    %swap3A_208 = arith.index_cast %swap3A_207 : i32 to index
    %swap3A_209 = memref.load %arg10[%swap3A_208] : memref<128xi32, #tpu.memory_space<smem>>
    memref.store %squeeze3A_206, %arg10[%swap3A_208] : memref<128xi32, #tpu.memory_space<smem>>
    %slice3A_210 = vector.extract_strided_slice %get3A_199 {offsets = [2], sizes = [1], strides = [1]} : vector<16xi32> to vector<1xi32>
    %squeeze3A_211 = vector.extract %slice3A_210[0] : i32 from vector<1xi32>
    %swap3A_212 = arith.constant 34 : i32
    %swap3A_213 = arith.index_cast %swap3A_212 : i32 to index
    %swap3A_214 = memref.load %arg10[%swap3A_213] : memref<128xi32, #tpu.memory_space<smem>>
    memref.store %squeeze3A_211, %arg10[%swap3A_213] : memref<128xi32, #tpu.memory_space<smem>>
    %slice3A_215 = vector.extract_strided_slice %get3A_199 {offsets = [3], sizes = [1], strides = [1]} : vector<16xi32> to vector<1xi32>
    %squeeze3A_216 = vector.extract %slice3A_215[0] : i32 from vector<1xi32>
    %swap3A_217 = arith.constant 35 : i32
    %swap3A_218 = arith.index_cast %swap3A_217 : i32 to index
    %swap3A_219 = memref.load %arg10[%swap3A_218] : memref<128xi32, #tpu.memory_space<smem>>
    memref.store %squeeze3A_216, %arg10[%swap3A_218] : memref<128xi32, #tpu.memory_space<smem>>
    %slice3A_220 = vector.extract_strided_slice %get3A_199 {offsets = [4], sizes = [1], strides = [1]} : vector<16xi32> to vector<1xi32>
    %squeeze3A_221 = vector.extract %slice3A_220[0] : i32 from vector<1xi32>
    %swap3A_222 = arith.constant 36 : i32
    %swap3A_223 = arith.index_cast %swap3A_222 : i32 to index
    %swap3A_224 = memref.load %arg10[%swap3A_223] : memref<128xi32, #tpu.memory_space<smem>>
    memref.store %squeeze3A_221, %arg10[%swap3A_223] : memref<128xi32, #tpu.memory_space<smem>>
    %slice3A_225 = vector.extract_strided_slice %get3A_199 {offsets = [5], sizes = [1], strides = [1]} : vector<16xi32> to vector<1xi32>
    %squeeze3A_226 = vector.extract %slice3A_225[0] : i32 from vector<1xi32>
    %swap3A_227 = arith.constant 37 : i32
    %swap3A_228 = arith.index_cast %swap3A_227 : i32 to index
    %swap3A_229 = memref.load %arg10[%swap3A_228] : memref<128xi32, #tpu.memory_space<smem>>
    memref.store %squeeze3A_226, %arg10[%swap3A_228] : memref<128xi32, #tpu.memory_space<smem>>
    %slice3A_230 = vector.extract_strided_slice %get3A_199 {offsets = [6], sizes = [1], strides = [1]} : vector<16xi32> to vector<1xi32>
    %squeeze3A_231 = vector.extract %slice3A_230[0] : i32 from vector<1xi32>
    %swap3A_232 = arith.constant 38 : i32
    %swap3A_233 = arith.index_cast %swap3A_232 : i32 to index
    %swap3A_234 = memref.load %arg10[%swap3A_233] : memref<128xi32, #tpu.memory_space<smem>>
    memref.store %squeeze3A_231, %arg10[%swap3A_233] : memref<128xi32, #tpu.memory_space<smem>>
    %slice3A_235 = vector.extract_strided_slice %get3A_199 {offsets = [7], sizes = [1], strides = [1]} : vector<16xi32> to vector<1xi32>
    %squeeze3A_236 = vector.extract %slice3A_235[0] : i32 from vector<1xi32>
    %swap3A_237 = arith.constant 39 : i32
    %swap3A_238 = arith.index_cast %swap3A_237 : i32 to index
    %swap3A_239 = memref.load %arg10[%swap3A_238] : memref<128xi32, #tpu.memory_space<smem>>
    memref.store %squeeze3A_236, %arg10[%swap3A_238] : memref<128xi32, #tpu.memory_space<smem>>
    %slice3A_240 = vector.extract_strided_slice %get3A_199 {offsets = [8], sizes = [1], strides = [1]} : vector<16xi32> to vector<1xi32>
    %squeeze3A_241 = vector.extract %slice3A_240[0] : i32 from vector<1xi32>
    %swap3A_242 = arith.constant 40 : i32
    %swap3A_243 = arith.index_cast %swap3A_242 : i32 to index
    %swap3A_244 = memref.load %arg10[%swap3A_243] : memref<128xi32, #tpu.memory_space<smem>>
    memref.store %squeeze3A_241, %arg10[%swap3A_243] : memref<128xi32, #tpu.memory_space<smem>>
    %slice3A_245 = vector.extract_strided_slice %get3A_199 {offsets = [9], sizes = [1], strides = [1]} : vector<16xi32> to vector<1xi32>
    %squeeze3A_246 = vector.extract %slice3A_245[0] : i32 from vector<1xi32>
    %swap3A_247 = arith.constant 41 : i32
    %swap3A_248 = arith.index_cast %swap3A_247 : i32 to index
    %swap3A_249 = memref.load %arg10[%swap3A_248] : memref<128xi32, #tpu.memory_space<smem>>
    memref.store %squeeze3A_246, %arg10[%swap3A_248] : memref<128xi32, #tpu.memory_space<smem>>
    %slice3A_250 = vector.extract_strided_slice %get3A_199 {offsets = [10], sizes = [1], strides = [1]} : vector<16xi32> to vector<1xi32>
    %squeeze3A_251 = vector.extract %slice3A_250[0] : i32 from vector<1xi32>
    %swap3A_252 = arith.constant 42 : i32
    %swap3A_253 = arith.index_cast %swap3A_252 : i32 to index
    %swap3A_254 = memref.load %arg10[%swap3A_253] : memref<128xi32, #tpu.memory_space<smem>>
    memref.store %squeeze3A_251, %arg10[%swap3A_253] : memref<128xi32, #tpu.memory_space<smem>>
    %slice3A_255 = vector.extract_strided_slice %get3A_199 {offsets = [11], sizes = [1], strides = [1]} : vector<16xi32> to vector<1xi32>
    %squeeze3A_256 = vector.extract %slice3A_255[0] : i32 from vector<1xi32>
    %swap3A_257 = arith.constant 43 : i32
    %swap3A_258 = arith.index_cast %swap3A_257 : i32 to index
    %swap3A_259 = memref.load %arg10[%swap3A_258] : memref<128xi32, #tpu.memory_space<smem>>
    memref.store %squeeze3A_256, %arg10[%swap3A_258] : memref<128xi32, #tpu.memory_space<smem>>
    %slice3A_260 = vector.extract_strided_slice %get3A_199 {offsets = [12], sizes = [1], strides = [1]} : vector<16xi32> to vector<1xi32>
    %squeeze3A_261 = vector.extract %slice3A_260[0] : i32 from vector<1xi32>
    %swap3A_262 = arith.constant 44 : i32
    %swap3A_263 = arith.index_cast %swap3A_262 : i32 to index
    %swap3A_264 = memref.load %arg10[%swap3A_263] : memref<128xi32, #tpu.memory_space<smem>>
    memref.store %squeeze3A_261, %arg10[%swap3A_263] : memref<128xi32, #tpu.memory_space<smem>>
    %slice3A_265 = vector.extract_strided_slice %get3A_199 {offsets = [13], sizes = [1], strides = [1]} : vector<16xi32> to vector<1xi32>
    %squeeze3A_266 = vector.extract %slice3A_265[0] : i32 from vector<1xi32>
    %swap3A_267 = arith.constant 45 : i32
    %swap3A_268 = arith.index_cast %swap3A_267 : i32 to index
    %swap3A_269 = memref.load %arg10[%swap3A_268] : memref<128xi32, #tpu.memory_space<smem>>
    memref.store %squeeze3A_266, %arg10[%swap3A_268] : memref<128xi32, #tpu.memory_space<smem>>
    %slice3A_270 = vector.extract_strided_slice %get3A_199 {offsets = [14], sizes = [1], strides = [1]} : vector<16xi32> to vector<1xi32>
    %squeeze3A_271 = vector.extract %slice3A_270[0] : i32 from vector<1xi32>
    %swap3A_272 = arith.constant 46 : i32
    %swap3A_273 = arith.index_cast %swap3A_272 : i32 to index
    %swap3A_274 = memref.load %arg10[%swap3A_273] : memref<128xi32, #tpu.memory_space<smem>>
    memref.store %squeeze3A_271, %arg10[%swap3A_273] : memref<128xi32, #tpu.memory_space<smem>>
    %slice3A_275 = vector.extract_strided_slice %get3A_199 {offsets = [15], sizes = [1], strides = [1]} : vector<16xi32> to vector<1xi32>
    %squeeze3A_276 = vector.extract %slice3A_275[0] : i32 from vector<1xi32>
    %swap3A_277 = arith.constant 47 : i32
    %swap3A_278 = arith.index_cast %swap3A_277 : i32 to index
    %swap3A_279 = memref.load %arg10[%swap3A_278] : memref<128xi32, #tpu.memory_space<smem>>
    memref.store %squeeze3A_276, %arg10[%swap3A_278] : memref<128xi32, #tpu.memory_space<smem>>
    %get3A_280 = arith.constant 48 : index
    %get3A_281 = tpu.vector_load %arg9[%get3A_280] {strides = array<i32>} : memref<128xi32, #tpu.memory_space<vmem>>, vector<16xi32>,
    %get3A_282 = vector.shape_cast %get3A_281 : vector<16xi32> to vector<16xi32>
    %slice3A_283 = vector.extract_strided_slice %get3A_282 {offsets = [0], sizes = [1], strides = [1]} : vector<16xi32> to vector<1xi32>
    %squeeze3A_284 = vector.extract %slice3A_283[0] : i32 from vector<1xi32>
    %swap3A_285 = arith.constant 48 : i32
    %swap3A_286 = arith.index_cast %swap3A_285 : i32 to index
    %swap3A_287 = memref.load %arg10[%swap3A_286] : memref<128xi32, #tpu.memory_space<smem>>
    memref.store %squeeze3A_284, %arg10[%swap3A_286] : memref<128xi32, #tpu.memory_space<smem>>
    %slice3A_288 = vector.extract_strided_slice %get3A_282 {offsets = [1], sizes = [1], strides = [1]} : vector<16xi32> to vector<1xi32>
    %squeeze3A_289 = vector.extract %slice3A_288[0] : i32 from vector<1xi32>
    %swap3A_290 = arith.constant 49 : i32
    %swap3A_291 = arith.index_cast %swap3A_290 : i32 to index
    %swap3A_292 = memref.load %arg10[%swap3A_291] : memref<128xi32, #tpu.memory_space<smem>>
    memref.store %squeeze3A_289, %arg10[%swap3A_291] : memref<128xi32, #tpu.memory_space<smem>>
    %slice3A_293 = vector.extract_strided_slice %get3A_282 {offsets = [2], sizes = [1], strides = [1]} : vector<16xi32> to vector<1xi32>
    %squeeze3A_294 = vector.extract %slice3A_293[0] : i32 from vector<1xi32>
    %swap3A_295 = arith.constant 50 : i32
    %swap3A_296 = arith.index_cast %swap3A_295 : i32 to index
    %swap3A_297 = memref.load %arg10[%swap3A_296] : memref<128xi32, #tpu.memory_space<smem>>
    memref.store %squeeze3A_294, %arg10[%swap3A_296] : memref<128xi32, #tpu.memory_space<smem>>
    %slice3A_298 = vector.extract_strided_slice %get3A_282 {offsets = [3], sizes = [1], strides = [1]} : vector<16xi32> to vector<1xi32>
    %squeeze3A_299 = vector.extract %slice3A_298[0] : i32 from vector<1xi32>
    %swap3A_300 = arith.constant 51 : i32
    %swap3A_301 = arith.index_cast %swap3A_300 : i32 to index
    %swap3A_302 = memref.load %arg10[%swap3A_301] : memref<128xi32, #tpu.memory_space<smem>>
    memref.store %squeeze3A_299, %arg10[%swap3A_301] : memref<128xi32, #tpu.memory_space<smem>>
    %slice3A_303 = vector.extract_strided_slice %get3A_282 {offsets = [4], sizes = [1], strides = [1]} : vector<16xi32> to vector<1xi32>
    %squeeze3A_304 = vector.extract %slice3A_303[0] : i32 from vector<1xi32>
    %swap3A_305 = arith.constant 52 : i32
    %swap3A_306 = arith.index_cast %swap3A_305 : i32 to index
    %swap3A_307 = memref.load %arg10[%swap3A_306] : memref<128xi32, #tpu.memory_space<smem>>
    memref.store %squeeze3A_304, %arg10[%swap3A_306] : memref<128xi32, #tpu.memory_space<smem>>
    %slice3A_308 = vector.extract_strided_slice %get3A_282 {offsets = [5], sizes = [1], strides = [1]} : vector<16xi32> to vector<1xi32>
    %squeeze3A_309 = vector.extract %slice3A_308[0] : i32 from vector<1xi32>
    %swap3A_310 = arith.constant 53 : i32
    %swap3A_311 = arith.index_cast %swap3A_310 : i32 to index
    %swap3A_312 = memref.load %arg10[%swap3A_311] : memref<128xi32, #tpu.memory_space<smem>>
    memref.store %squeeze3A_309, %arg10[%swap3A_311] : memref<128xi32, #tpu.memory_space<smem>>
    %slice3A_313 = vector.extract_strided_slice %get3A_282 {offsets = [6], sizes = [1], strides = [1]} : vector<16xi32> to vector<1xi32>
    %squeeze3A_314 = vector.extract %slice3A_313[0] : i32 from vector<1xi32>
    %swap3A_315 = arith.constant 54 : i32
    %swap3A_316 = arith.index_cast %swap3A_315 : i32 to index
    %swap3A_317 = memref.load %arg10[%swap3A_316] : memref<128xi32, #tpu.memory_space<smem>>
    memref.store %squeeze3A_314, %arg10[%swap3A_316] : memref<128xi32, #tpu.memory_space<smem>>
    %slice3A_318 = vector.extract_strided_slice %get3A_282 {offsets = [7], sizes = [1], strides = [1]} : vector<16xi32> to vector<1xi32>
    %squeeze3A_319 = vector.extract %slice3A_318[0] : i32 from vector<1xi32>
    %swap3A_320 = arith.constant 55 : i32
    %swap3A_321 = arith.index_cast %swap3A_320 : i32 to index
    %swap3A_322 = memref.load %arg10[%swap3A_321] : memref<128xi32, #tpu.memory_space<smem>>
    memref.store %squeeze3A_319, %arg10[%swap3A_321] : memref<128xi32, #tpu.memory_space<smem>>
    %slice3A_323 = vector.extract_strided_slice %get3A_282 {offsets = [8], sizes = [1], strides = [1]} : vector<16xi32> to vector<1xi32>
    %squeeze3A_324 = vector.extract %slice3A_323[0] : i32 from vector<1xi32>
    %swap3A_325 = arith.constant 56 : i32
    %swap3A_326 = arith.index_cast %swap3A_325 : i32 to index
    %swap3A_327 = memref.load %arg10[%swap3A_326] : memref<128xi32, #tpu.memory_space<smem>>
    memref.store %squeeze3A_324, %arg10[%swap3A_326] : memref<128xi32, #tpu.memory_space<smem>>
    %slice3A_328 = vector.extract_strided_slice %get3A_282 {offsets = [9], sizes = [1], strides = [1]} : vector<16xi32> to vector<1xi32>
    %squeeze3A_329 = vector.extract %slice3A_328[0] : i32 from vector<1xi32>
    %swap3A_330 = arith.constant 57 : i32
    %swap3A_331 = arith.index_cast %swap3A_330 : i32 to index
    %swap3A_332 = memref.load %arg10[%swap3A_331] : memref<128xi32, #tpu.memory_space<smem>>
    memref.store %squeeze3A_329, %arg10[%swap3A_331] : memref<128xi32, #tpu.memory_space<smem>>
    %slice3A_333 = vector.extract_strided_slice %get3A_282 {offsets = [10], sizes = [1], strides = [1]} : vector<16xi32> to vector<1xi32>
    %squeeze3A_334 = vector.extract %slice3A_333[0] : i32 from vector<1xi32>
    %swap3A_335 = arith.constant 58 : i32
    %swap3A_336 = arith.index_cast %swap3A_335 : i32 to index
    %swap3A_337 = memref.load %arg10[%swap3A_336] : memref<128xi32, #tpu.memory_space<smem>>
    memref.store %squeeze3A_334, %arg10[%swap3A_336] : memref<128xi32, #tpu.memory_space<smem>>
    %slice3A_338 = vector.extract_strided_slice %get3A_282 {offsets = [11], sizes = [1], strides = [1]} : vector<16xi32> to vector<1xi32>
    %squeeze3A_339 = vector.extract %slice3A_338[0] : i32 from vector<1xi32>
    %swap3A_340 = arith.constant 59 : i32
    %swap3A_341 = arith.index_cast %swap3A_340 : i32 to index
    %swap3A_342 = memref.load %arg10[%swap3A_341] : memref<128xi32, #tpu.memory_space<smem>>
    memref.store %squeeze3A_339, %arg10[%swap3A_341] : memref<128xi32, #tpu.memory_space<smem>>
    %slice3A_343 = vector.extract_strided_slice %get3A_282 {offsets = [12], sizes = [1], strides = [1]} : vector<16xi32> to vector<1xi32>
    %squeeze3A_344 = vector.extract %slice3A_343[0] : i32 from vector<1xi32>
    %swap3A_345 = arith.constant 60 : i32
    %swap3A_346 = arith.index_cast %swap3A_345 : i32 to index
    %swap3A_347 = memref.load %arg10[%swap3A_346] : memref<128xi32, #tpu.memory_space<smem>>
    memref.store %squeeze3A_344, %arg10[%swap3A_346] : memref<128xi32, #tpu.memory_space<smem>>
    %slice3A_348 = vector.extract_strided_slice %get3A_282 {offsets = [13], sizes = [1], strides = [1]} : vector<16xi32> to vector<1xi32>
    %squeeze3A_349 = vector.extract %slice3A_348[0] : i32 from vector<1xi32>
    %swap3A_350 = arith.constant 61 : i32
    %swap3A_351 = arith.index_cast %swap3A_350 : i32 to index
    %swap3A_352 = memref.load %arg10[%swap3A_351] : memref<128xi32, #tpu.memory_space<smem>>
    memref.store %squeeze3A_349, %arg10[%swap3A_351] : memref<128xi32, #tpu.memory_space<smem>>
    %slice3A_353 = vector.extract_strided_slice %get3A_282 {offsets = [14], sizes = [1], strides = [1]} : vector<16xi32> to vector<1xi32>
    %squeeze3A_354 = vector.extract %slice3A_353[0] : i32 from vector<1xi32>
    %swap3A_355 = arith.constant 62 : i32
    %swap3A_356 = arith.index_cast %swap3A_355 : i32 to index
    %swap3A_357 = memref.load %arg10[%swap3A_356] : memref<128xi32, #tpu.memory_space<smem>>
    memref.store %squeeze3A_354, %arg10[%swap3A_356] : memref<128xi32, #tpu.memory_space<smem>>
    %slice3A_358 = vector.extract_strided_slice %get3A_282 {offsets = [15], sizes = [1], strides = [1]} : vector<16xi32> to vector<1xi32>
    %squeeze3A_359 = vector.extract %slice3A_358[0] : i32 from vector<1xi32>
    %swap3A_360 = arith.constant 63 : i32
    %swap3A_361 = arith.index_cast %swap3A_360 : i32 to index
    %swap3A_362 = memref.load %arg10[%swap3A_361] : memref<128xi32, #tpu.memory_space<smem>>
    memref.store %squeeze3A_359, %arg10[%swap3A_361] : memref<128xi32, #tpu.memory_space<smem>>
    %get3A_363 = arith.constant 64 : index
    %get3A_364 = tpu.vector_load %arg9[%get3A_363] {strides = array<i32>} : memref<128xi32, #tpu.memory_space<vmem>>, vector<16xi32>,
    %get3A_365 = vector.shape_cast %get3A_364 : vector<16xi32> to vector<16xi32>
    %slice3A_366 = vector.extract_strided_slice %get3A_365 {offsets = [0], sizes = [1], strides = [1]} : vector<16xi32> to vector<1xi32>
    %squeeze3A_367 = vector.extract %slice3A_366[0] : i32 from vector<1xi32>
    %swap3A_368 = arith.constant 64 : i32
    %swap3A_369 = arith.index_cast %swap3A_368 : i32 to index
    %swap3A_370 = memref.load %arg10[%swap3A_369] : memref<128xi32, #tpu.memory_space<smem>>
    memref.store %squeeze3A_367, %arg10[%swap3A_369] : memref<128xi32, #tpu.memory_space<smem>>
    %slice3A_371 = vector.extract_strided_slice %get3A_365 {offsets = [1], sizes = [1], strides = [1]} : vector<16xi32> to vector<1xi32>
    %squeeze3A_372 = vector.extract %slice3A_371[0] : i32 from vector<1xi32>
    %swap3A_373 = arith.constant 65 : i32
    %swap3A_374 = arith.index_cast %swap3A_373 : i32 to index
    %swap3A_375 = memref.load %arg10[%swap3A_374] : memref<128xi32, #tpu.memory_space<smem>>
    memref.store %squeeze3A_372, %arg10[%swap3A_374] : memref<128xi32, #tpu.memory_space<smem>>
    %slice3A_376 = vector.extract_strided_slice %get3A_365 {offsets = [2], sizes = [1], strides = [1]} : vector<16xi32> to vector<1xi32>
    %squeeze3A_377 = vector.extract %slice3A_376[0] : i32 from vector<1xi32>
    %swap3A_378 = arith.constant 66 : i32
    %swap3A_379 = arith.index_cast %swap3A_378 : i32 to index
    %swap3A_380 = memref.load %arg10[%swap3A_379] : memref<128xi32, #tpu.memory_space<smem>>
    memref.store %squeeze3A_377, %arg10[%swap3A_379] : memref<128xi32, #tpu.memory_space<smem>>
    %slice3A_381 = vector.extract_strided_slice %get3A_365 {offsets = [3], sizes = [1], strides = [1]} : vector<16xi32> to vector<1xi32>
    %squeeze3A_382 = vector.extract %slice3A_381[0] : i32 from vector<1xi32>
    %swap3A_383 = arith.constant 67 : i32
    %swap3A_384 = arith.index_cast %swap3A_383 : i32 to index
    %swap3A_385 = memref.load %arg10[%swap3A_384] : memref<128xi32, #tpu.memory_space<smem>>
    memref.store %squeeze3A_382, %arg10[%swap3A_384] : memref<128xi32, #tpu.memory_space<smem>>
    %slice3A_386 = vector.extract_strided_slice %get3A_365 {offsets = [4], sizes = [1], strides = [1]} : vector<16xi32> to vector<1xi32>
    %squeeze3A_387 = vector.extract %slice3A_386[0] : i32 from vector<1xi32>
    %swap3A_388 = arith.constant 68 : i32
    %swap3A_389 = arith.index_cast %swap3A_388 : i32 to index
    %swap3A_390 = memref.load %arg10[%swap3A_389] : memref<128xi32, #tpu.memory_space<smem>>
    memref.store %squeeze3A_387, %arg10[%swap3A_389] : memref<128xi32, #tpu.memory_space<smem>>
    %slice3A_391 = vector.extract_strided_slice %get3A_365 {offsets = [5], sizes = [1], strides = [1]} : vector<16xi32> to vector<1xi32>
    %squeeze3A_392 = vector.extract %slice3A_391[0] : i32 from vector<1xi32>
    %swap3A_393 = arith.constant 69 : i32
    %swap3A_394 = arith.index_cast %swap3A_393 : i32 to index
    %swap3A_395 = memref.load %arg10[%swap3A_394] : memref<128xi32, #tpu.memory_space<smem>>
    memref.store %squeeze3A_392, %arg10[%swap3A_394] : memref<128xi32, #tpu.memory_space<smem>>
    %slice3A_396 = vector.extract_strided_slice %get3A_365 {offsets = [6], sizes = [1], strides = [1]} : vector<16xi32> to vector<1xi32>
    %squeeze3A_397 = vector.extract %slice3A_396[0] : i32 from vector<1xi32>
    %swap3A_398 = arith.constant 70 : i32
    %swap3A_399 = arith.index_cast %swap3A_398 : i32 to index
    %swap3A_400 = memref.load %arg10[%swap3A_399] : memref<128xi32, #tpu.memory_space<smem>>
    memref.store %squeeze3A_397, %arg10[%swap3A_399] : memref<128xi32, #tpu.memory_space<smem>>
    %slice3A_401 = vector.extract_strided_slice %get3A_365 {offsets = [7], sizes = [1], strides = [1]} : vector<16xi32> to vector<1xi32>
    %squeeze3A_402 = vector.extract %slice3A_401[0] : i32 from vector<1xi32>
    %swap3A_403 = arith.constant 71 : i32
    %swap3A_404 = arith.index_cast %swap3A_403 : i32 to index
    %swap3A_405 = memref.load %arg10[%swap3A_404] : memref<128xi32, #tpu.memory_space<smem>>
    memref.store %squeeze3A_402, %arg10[%swap3A_404] : memref<128xi32, #tpu.memory_space<smem>>
    %slice3A_406 = vector.extract_strided_slice %get3A_365 {offsets = [8], sizes = [1], strides = [1]} : vector<16xi32> to vector<1xi32>
    %squeeze3A_407 = vector.extract %slice3A_406[0] : i32 from vector<1xi32>
    %swap3A_408 = arith.constant 72 : i32
    %swap3A_409 = arith.index_cast %swap3A_408 : i32 to index
    %swap3A_410 = memref.load %arg10[%swap3A_409] : memref<128xi32, #tpu.memory_space<smem>>
    memref.store %squeeze3A_407, %arg10[%swap3A_409] : memref<128xi32, #tpu.memory_space<smem>>
    %slice3A_411 = vector.extract_strided_slice %get3A_365 {offsets = [9], sizes = [1], strides = [1]} : vector<16xi32> to vector<1xi32>
    %squeeze3A_412 = vector.extract %slice3A_411[0] : i32 from vector<1xi32>
    %swap3A_413 = arith.constant 73 : i32
    %swap3A_414 = arith.index_cast %swap3A_413 : i32 to index
    %swap3A_415 = memref.load %arg10[%swap3A_414] : memref<128xi32, #tpu.memory_space<smem>>
    memref.store %squeeze3A_412, %arg10[%swap3A_414] : memref<128xi32, #tpu.memory_space<smem>>
    %slice3A_416 = vector.extract_strided_slice %get3A_365 {offsets = [10], sizes = [1], strides = [1]} : vector<16xi32> to vector<1xi32>
    %squeeze3A_417 = vector.extract %slice3A_416[0] : i32 from vector<1xi32>
    %swap3A_418 = arith.constant 74 : i32
    %swap3A_419 = arith.index_cast %swap3A_418 : i32 to index
    %swap3A_420 = memref.load %arg10[%swap3A_419] : memref<128xi32, #tpu.memory_space<smem>>
    memref.store %squeeze3A_417, %arg10[%swap3A_419] : memref<128xi32, #tpu.memory_space<smem>>
    %slice3A_421 = vector.extract_strided_slice %get3A_365 {offsets = [11], sizes = [1], strides = [1]} : vector<16xi32> to vector<1xi32>
    %squeeze3A_422 = vector.extract %slice3A_421[0] : i32 from vector<1xi32>
    %swap3A_423 = arith.constant 75 : i32
    %swap3A_424 = arith.index_cast %swap3A_423 : i32 to index
    %swap3A_425 = memref.load %arg10[%swap3A_424] : memref<128xi32, #tpu.memory_space<smem>>
    memref.store %squeeze3A_422, %arg10[%swap3A_424] : memref<128xi32, #tpu.memory_space<smem>>
    %slice3A_426 = vector.extract_strided_slice %get3A_365 {offsets = [12], sizes = [1], strides = [1]} : vector<16xi32> to vector<1xi32>
    %squeeze3A_427 = vector.extract %slice3A_426[0] : i32 from vector<1xi32>
    %swap3A_428 = arith.constant 76 : i32
    %swap3A_429 = arith.index_cast %swap3A_428 : i32 to index
    %swap3A_430 = memref.load %arg10[%swap3A_429] : memref<128xi32, #tpu.memory_space<smem>>
    memref.store %squeeze3A_427, %arg10[%swap3A_429] : memref<128xi32, #tpu.memory_space<smem>>
    %slice3A_431 = vector.extract_strided_slice %get3A_365 {offsets = [13], sizes = [1], strides = [1]} : vector<16xi32> to vector<1xi32>
    %squeeze3A_432 = vector.extract %slice3A_431[0] : i32 from vector<1xi32>
    %swap3A_433 = arith.constant 77 : i32
    %swap3A_434 = arith.index_cast %swap3A_433 : i32 to index
    %swap3A_435 = memref.load %arg10[%swap3A_434] : memref<128xi32, #tpu.memory_space<smem>>
    memref.store %squeeze3A_432, %arg10[%swap3A_434] : memref<128xi32, #tpu.memory_space<smem>>
    %slice3A_436 = vector.extract_strided_slice %get3A_365 {offsets = [14], sizes = [1], strides = [1]} : vector<16xi32> to vector<1xi32>
    %squeeze3A_437 = vector.extract %slice3A_436[0] : i32 from vector<1xi32>
    %swap3A_438 = arith.constant 78 : i32
    %swap3A_439 = arith.index_cast %swap3A_438 : i32 to index
    %swap3A_440 = memref.load %arg10[%swap3A_439] : memref<128xi32, #tpu.memory_space<smem>>
    memref.store %squeeze3A_437, %arg10[%swap3A_439] : memref<128xi32, #tpu.memory_space<smem>>
    %slice3A_441 = vector.extract_strided_slice %get3A_365 {offsets = [15], sizes = [1], strides = [1]} : vector<16xi32> to vector<1xi32>
    %squeeze3A_442 = vector.extract %slice3A_441[0] : i32 from vector<1xi32>
    %swap3A_443 = arith.constant 79 : i32
    %swap3A_444 = arith.index_cast %swap3A_443 : i32 to index
    %swap3A_445 = memref.load %arg10[%swap3A_444] : memref<128xi32, #tpu.memory_space<smem>>
    memref.store %squeeze3A_442, %arg10[%swap3A_444] : memref<128xi32, #tpu.memory_space<smem>>
    %get3A_446 = arith.constant 80 : index
    %get3A_447 = tpu.vector_load %arg9[%get3A_446] {strides = array<i32>} : memref<128xi32, #tpu.memory_space<vmem>>, vector<16xi32>,
    %get3A_448 = vector.shape_cast %get3A_447 : vector<16xi32> to vector<16xi32>
    %slice3A_449 = vector.extract_strided_slice %get3A_448 {offsets = [0], sizes = [1], strides = [1]} : vector<16xi32> to vector<1xi32>
    %squeeze3A_450 = vector.extract %slice3A_449[0] : i32 from vector<1xi32>
    %swap3A_451 = arith.constant 80 : i32
    %swap3A_452 = arith.index_cast %swap3A_451 : i32 to index
    %swap3A_453 = memref.load %arg10[%swap3A_452] : memref<128xi32, #tpu.memory_space<smem>>
    memref.store %squeeze3A_450, %arg10[%swap3A_452] : memref<128xi32, #tpu.memory_space<smem>>
    %slice3A_454 = vector.extract_strided_slice %get3A_448 {offsets = [1], sizes = [1], strides = [1]} : vector<16xi32> to vector<1xi32>
    %squeeze3A_455 = vector.extract %slice3A_454[0] : i32 from vector<1xi32>
    %swap3A_456 = arith.constant 81 : i32
    %swap3A_457 = arith.index_cast %swap3A_456 : i32 to index
    %swap3A_458 = memref.load %arg10[%swap3A_457] : memref<128xi32, #tpu.memory_space<smem>>
    memref.store %squeeze3A_455, %arg10[%swap3A_457] : memref<128xi32, #tpu.memory_space<smem>>
    %slice3A_459 = vector.extract_strided_slice %get3A_448 {offsets = [2], sizes = [1], strides = [1]} : vector<16xi32> to vector<1xi32>
    %squeeze3A_460 = vector.extract %slice3A_459[0] : i32 from vector<1xi32>
    %swap3A_461 = arith.constant 82 : i32
    %swap3A_462 = arith.index_cast %swap3A_461 : i32 to index
    %swap3A_463 = memref.load %arg10[%swap3A_462] : memref<128xi32, #tpu.memory_space<smem>>
    memref.store %squeeze3A_460, %arg10[%swap3A_462] : memref<128xi32, #tpu.memory_space<smem>>
    %slice3A_464 = vector.extract_strided_slice %get3A_448 {offsets = [3], sizes = [1], strides = [1]} : vector<16xi32> to vector<1xi32>
    %squeeze3A_465 = vector.extract %slice3A_464[0] : i32 from vector<1xi32>
    %swap3A_466 = arith.constant 83 : i32
    %swap3A_467 = arith.index_cast %swap3A_466 : i32 to index
    %swap3A_468 = memref.load %arg10[%swap3A_467] : memref<128xi32, #tpu.memory_space<smem>>
    memref.store %squeeze3A_465, %arg10[%swap3A_467] : memref<128xi32, #tpu.memory_space<smem>>
    %slice3A_469 = vector.extract_strided_slice %get3A_448 {offsets = [4], sizes = [1], strides = [1]} : vector<16xi32> to vector<1xi32>
    %squeeze3A_470 = vector.extract %slice3A_469[0] : i32 from vector<1xi32>
    %swap3A_471 = arith.constant 84 : i32
    %swap3A_472 = arith.index_cast %swap3A_471 : i32 to index
    %swap3A_473 = memref.load %arg10[%swap3A_472] : memref<128xi32, #tpu.memory_space<smem>>
    memref.store %squeeze3A_470, %arg10[%swap3A_472] : memref<128xi32, #tpu.memory_space<smem>>
    %slice3A_474 = vector.extract_strided_slice %get3A_448 {offsets = [5], sizes = [1], strides = [1]} : vector<16xi32> to vector<1xi32>
    %squeeze3A_475 = vector.extract %slice3A_474[0] : i32 from vector<1xi32>
    %swap3A_476 = arith.constant 85 : i32
    %swap3A_477 = arith.index_cast %swap3A_476 : i32 to index
    %swap3A_478 = memref.load %arg10[%swap3A_477] : memref<128xi32, #tpu.memory_space<smem>>
    memref.store %squeeze3A_475, %arg10[%swap3A_477] : memref<128xi32, #tpu.memory_space<smem>>
    %slice3A_479 = vector.extract_strided_slice %get3A_448 {offsets = [6], sizes = [1], strides = [1]} : vector<16xi32> to vector<1xi32>
    %squeeze3A_480 = vector.extract %slice3A_479[0] : i32 from vector<1xi32>
    %swap3A_481 = arith.constant 86 : i32
    %swap3A_482 = arith.index_cast %swap3A_481 : i32 to index
    %swap3A_483 = memref.load %arg10[%swap3A_482] : memref<128xi32, #tpu.memory_space<smem>>
    memref.store %squeeze3A_480, %arg10[%swap3A_482] : memref<128xi32, #tpu.memory_space<smem>>
    %slice3A_484 = vector.extract_strided_slice %get3A_448 {offsets = [7], sizes = [1], strides = [1]} : vector<16xi32> to vector<1xi32>
    %squeeze3A_485 = vector.extract %slice3A_484[0] : i32 from vector<1xi32>
    %swap3A_486 = arith.constant 87 : i32
    %swap3A_487 = arith.index_cast %swap3A_486 : i32 to index
    %swap3A_488 = memref.load %arg10[%swap3A_487] : memref<128xi32, #tpu.memory_space<smem>>
    memref.store %squeeze3A_485, %arg10[%swap3A_487] : memref<128xi32, #tpu.memory_space<smem>>
    %slice3A_489 = vector.extract_strided_slice %get3A_448 {offsets = [8], sizes = [1], strides = [1]} : vector<16xi32> to vector<1xi32>
    %squeeze3A_490 = vector.extract %slice3A_489[0] : i32 from vector<1xi32>
    %swap3A_491 = arith.constant 88 : i32
    %swap3A_492 = arith.index_cast %swap3A_491 : i32 to index
    %swap3A_493 = memref.load %arg10[%swap3A_492] : memref<128xi32, #tpu.memory_space<smem>>
    memref.store %squeeze3A_490, %arg10[%swap3A_492] : memref<128xi32, #tpu.memory_space<smem>>
    %slice3A_494 = vector.extract_strided_slice %get3A_448 {offsets = [9], sizes = [1], strides = [1]} : vector<16xi32> to vector<1xi32>
    %squeeze3A_495 = vector.extract %slice3A_494[0] : i32 from vector<1xi32>
    %swap3A_496 = arith.constant 89 : i32
    %swap3A_497 = arith.index_cast %swap3A_496 : i32 to index
    %swap3A_498 = memref.load %arg10[%swap3A_497] : memref<128xi32, #tpu.memory_space<smem>>
    memref.store %squeeze3A_495, %arg10[%swap3A_497] : memref<128xi32, #tpu.memory_space<smem>>
    %slice3A_499 = vector.extract_strided_slice %get3A_448 {offsets = [10], sizes = [1], strides = [1]} : vector<16xi32> to vector<1xi32>
    %squeeze3A_500 = vector.extract %slice3A_499[0] : i32 from vector<1xi32>
    %swap3A_501 = arith.constant 90 : i32
    %swap3A_502 = arith.index_cast %swap3A_501 : i32 to index
    %swap3A_503 = memref.load %arg10[%swap3A_502] : memref<128xi32, #tpu.memory_space<smem>>
    memref.store %squeeze3A_500, %arg10[%swap3A_502] : memref<128xi32, #tpu.memory_space<smem>>
    %slice3A_504 = vector.extract_strided_slice %get3A_448 {offsets = [11], sizes = [1], strides = [1]} : vector<16xi32> to vector<1xi32>
    %squeeze3A_505 = vector.extract %slice3A_504[0] : i32 from vector<1xi32>
    %swap3A_506 = arith.constant 91 : i32
    %swap3A_507 = arith.index_cast %swap3A_506 : i32 to index
    %swap3A_508 = memref.load %arg10[%swap3A_507] : memref<128xi32, #tpu.memory_space<smem>>
    memref.store %squeeze3A_505, %arg10[%swap3A_507] : memref<128xi32, #tpu.memory_space<smem>>
    %slice3A_509 = vector.extract_strided_slice %get3A_448 {offsets = [12], sizes = [1], strides = [1]} : vector<16xi32> to vector<1xi32>
    %squeeze3A_510 = vector.extract %slice3A_509[0] : i32 from vector<1xi32>
    %swap3A_511 = arith.constant 92 : i32
    %swap3A_512 = arith.index_cast %swap3A_511 : i32 to index
    %swap3A_513 = memref.load %arg10[%swap3A_512] : memref<128xi32, #tpu.memory_space<smem>>
    memref.store %squeeze3A_510, %arg10[%swap3A_512] : memref<128xi32, #tpu.memory_space<smem>>
    %slice3A_514 = vector.extract_strided_slice %get3A_448 {offsets = [13], sizes = [1], strides = [1]} : vector<16xi32> to vector<1xi32>
    %squeeze3A_515 = vector.extract %slice3A_514[0] : i32 from vector<1xi32>
    %swap3A_516 = arith.constant 93 : i32
    %swap3A_517 = arith.index_cast %swap3A_516 : i32 to index
    %swap3A_518 = memref.load %arg10[%swap3A_517] : memref<128xi32, #tpu.memory_space<smem>>
    memref.store %squeeze3A_515, %arg10[%swap3A_517] : memref<128xi32, #tpu.memory_space<smem>>
    %slice3A_519 = vector.extract_strided_slice %get3A_448 {offsets = [14], sizes = [1], strides = [1]} : vector<16xi32> to vector<1xi32>
    %squeeze3A_520 = vector.extract %slice3A_519[0] : i32 from vector<1xi32>
    %swap3A_521 = arith.constant 94 : i32
    %swap3A_522 = arith.index_cast %swap3A_521 : i32 to index
    %swap3A_523 = memref.load %arg10[%swap3A_522] : memref<128xi32, #tpu.memory_space<smem>>
    memref.store %squeeze3A_520, %arg10[%swap3A_522] : memref<128xi32, #tpu.memory_space<smem>>
    %slice3A_524 = vector.extract_strided_slice %get3A_448 {offsets = [15], sizes = [1], strides = [1]} : vector<16xi32> to vector<1xi32>
    %squeeze3A_525 = vector.extract %slice3A_524[0] : i32 from vector<1xi32>
    %swap3A_526 = arith.constant 95 : i32
    %swap3A_527 = arith.index_cast %swap3A_526 : i32 to index
    %swap3A_528 = memref.load %arg10[%swap3A_527] : memref<128xi32, #tpu.memory_space<smem>>
    memref.store %squeeze3A_525, %arg10[%swap3A_527] : memref<128xi32, #tpu.memory_space<smem>>
    %get3A_529 = arith.constant 96 : index
    %get3A_530 = tpu.vector_load %arg9[%get3A_529] {strides = array<i32>} : memref<128xi32, #tpu.memory_space<vmem>>, vector<16xi32>,
    %get3A_531 = vector.shape_cast %get3A_530 : vector<16xi32> to vector<16xi32>
    %slice3A_532 = vector.extract_strided_slice %get3A_531 {offsets = [0], sizes = [1], strides = [1]} : vector<16xi32> to vector<1xi32>
    %squeeze3A_533 = vector.extract %slice3A_532[0] : i32 from vector<1xi32>
    %swap3A_534 = arith.constant 96 : i32
    %swap3A_535 = arith.index_cast %swap3A_534 : i32 to index
    %swap3A_536 = memref.load %arg10[%swap3A_535] : memref<128xi32, #tpu.memory_space<smem>>
    memref.store %squeeze3A_533, %arg10[%swap3A_535] : memref<128xi32, #tpu.memory_space<smem>>
    %slice3A_537 = vector.extract_strided_slice %get3A_531 {offsets = [1], sizes = [1], strides = [1]} : vector<16xi32> to vector<1xi32>
    %squeeze3A_538 = vector.extract %slice3A_537[0] : i32 from vector<1xi32>
    %swap3A_539 = arith.constant 97 : i32
    %swap3A_540 = arith.index_cast %swap3A_539 : i32 to index
    %swap3A_541 = memref.load %arg10[%swap3A_540] : memref<128xi32, #tpu.memory_space<smem>>
    memref.store %squeeze3A_538, %arg10[%swap3A_540] : memref<128xi32, #tpu.memory_space<smem>>
    %slice3A_542 = vector.extract_strided_slice %get3A_531 {offsets = [2], sizes = [1], strides = [1]} : vector<16xi32> to vector<1xi32>
    %squeeze3A_543 = vector.extract %slice3A_542[0] : i32 from vector<1xi32>
    %swap3A_544 = arith.constant 98 : i32
    %swap3A_545 = arith.index_cast %swap3A_544 : i32 to index
    %swap3A_546 = memref.load %arg10[%swap3A_545] : memref<128xi32, #tpu.memory_space<smem>>
    memref.store %squeeze3A_543, %arg10[%swap3A_545] : memref<128xi32, #tpu.memory_space<smem>>
    %slice3A_547 = vector.extract_strided_slice %get3A_531 {offsets = [3], sizes = [1], strides = [1]} : vector<16xi32> to vector<1xi32>
    %squeeze3A_548 = vector.extract %slice3A_547[0] : i32 from vector<1xi32>
    %swap3A_549 = arith.constant 99 : i32
    %swap3A_550 = arith.index_cast %swap3A_549 : i32 to index
    %swap3A_551 = memref.load %arg10[%swap3A_550] : memref<128xi32, #tpu.memory_space<smem>>
    memref.store %squeeze3A_548, %arg10[%swap3A_550] : memref<128xi32, #tpu.memory_space<smem>>
    %slice3A_552 = vector.extract_strided_slice %get3A_531 {offsets = [4], sizes = [1], strides = [1]} : vector<16xi32> to vector<1xi32>
    %squeeze3A_553 = vector.extract %slice3A_552[0] : i32 from vector<1xi32>
    %swap3A_554 = arith.constant 100 : i32
    %swap3A_555 = arith.index_cast %swap3A_554 : i32 to index
    %swap3A_556 = memref.load %arg10[%swap3A_555] : memref<128xi32, #tpu.memory_space<smem>>
    memref.store %squeeze3A_553, %arg10[%swap3A_555] : memref<128xi32, #tpu.memory_space<smem>>
    %slice3A_557 = vector.extract_strided_slice %get3A_531 {offsets = [5], sizes = [1], strides = [1]} : vector<16xi32> to vector<1xi32>
    %squeeze3A_558 = vector.extract %slice3A_557[0] : i32 from vector<1xi32>
    %swap3A_559 = arith.constant 101 : i32
    %swap3A_560 = arith.index_cast %swap3A_559 : i32 to index
    %swap3A_561 = memref.load %arg10[%swap3A_560] : memref<128xi32, #tpu.memory_space<smem>>
    memref.store %squeeze3A_558, %arg10[%swap3A_560] : memref<128xi32, #tpu.memory_space<smem>>
    %slice3A_562 = vector.extract_strided_slice %get3A_531 {offsets = [6], sizes = [1], strides = [1]} : vector<16xi32> to vector<1xi32>
    %squeeze3A_563 = vector.extract %slice3A_562[0] : i32 from vector<1xi32>
    %swap3A_564 = arith.constant 102 : i32
    %swap3A_565 = arith.index_cast %swap3A_564 : i32 to index
    %swap3A_566 = memref.load %arg10[%swap3A_565] : memref<128xi32, #tpu.memory_space<smem>>
    memref.store %squeeze3A_563, %arg10[%swap3A_565] : memref<128xi32, #tpu.memory_space<smem>>
    %slice3A_567 = vector.extract_strided_slice %get3A_531 {offsets = [7], sizes = [1], strides = [1]} : vector<16xi32> to vector<1xi32>
    %squeeze3A_568 = vector.extract %slice3A_567[0] : i32 from vector<1xi32>
    %swap3A_569 = arith.constant 103 : i32
    %swap3A_570 = arith.index_cast %swap3A_569 : i32 to index
    %swap3A_571 = memref.load %arg10[%swap3A_570] : memref<128xi32, #tpu.memory_space<smem>>
    memref.store %squeeze3A_568, %arg10[%swap3A_570] : memref<128xi32, #tpu.memory_space<smem>>
    %slice3A_572 = vector.extract_strided_slice %get3A_531 {offsets = [8], sizes = [1], strides = [1]} : vector<16xi32> to vector<1xi32>
    %squeeze3A_573 = vector.extract %slice3A_572[0] : i32 from vector<1xi32>
    %swap3A_574 = arith.constant 104 : i32
    %swap3A_575 = arith.index_cast %swap3A_574 : i32 to index
    %swap3A_576 = memref.load %arg10[%swap3A_575] : memref<128xi32, #tpu.memory_space<smem>>
    memref.store %squeeze3A_573, %arg10[%swap3A_575] : memref<128xi32, #tpu.memory_space<smem>>
    %slice3A_577 = vector.extract_strided_slice %get3A_531 {offsets = [9], sizes = [1], strides = [1]} : vector<16xi32> to vector<1xi32>
    %squeeze3A_578 = vector.extract %slice3A_577[0] : i32 from vector<1xi32>
    %swap3A_579 = arith.constant 105 : i32
    %swap3A_580 = arith.index_cast %swap3A_579 : i32 to index
    %swap3A_581 = memref.load %arg10[%swap3A_580] : memref<128xi32, #tpu.memory_space<smem>>
    memref.store %squeeze3A_578, %arg10[%swap3A_580] : memref<128xi32, #tpu.memory_space<smem>>
    %slice3A_582 = vector.extract_strided_slice %get3A_531 {offsets = [10], sizes = [1], strides = [1]} : vector<16xi32> to vector<1xi32>
    %squeeze3A_583 = vector.extract %slice3A_582[0] : i32 from vector<1xi32>
    %swap3A_584 = arith.constant 106 : i32
    %swap3A_585 = arith.index_cast %swap3A_584 : i32 to index
    %swap3A_586 = memref.load %arg10[%swap3A_585] : memref<128xi32, #tpu.memory_space<smem>>
    memref.store %squeeze3A_583, %arg10[%swap3A_585] : memref<128xi32, #tpu.memory_space<smem>>
    %slice3A_587 = vector.extract_strided_slice %get3A_531 {offsets = [11], sizes = [1], strides = [1]} : vector<16xi32> to vector<1xi32>
    %squeeze3A_588 = vector.extract %slice3A_587[0] : i32 from vector<1xi32>
    %swap3A_589 = arith.constant 107 : i32
    %swap3A_590 = arith.index_cast %swap3A_589 : i32 to index
    %swap3A_591 = memref.load %arg10[%swap3A_590] : memref<128xi32, #tpu.memory_space<smem>>
    memref.store %squeeze3A_588, %arg10[%swap3A_590] : memref<128xi32, #tpu.memory_space<smem>>
    %slice3A_592 = vector.extract_strided_slice %get3A_531 {offsets = [12], sizes = [1], strides = [1]} : vector<16xi32> to vector<1xi32>
    %squeeze3A_593 = vector.extract %slice3A_592[0] : i32 from vector<1xi32>
    %swap3A_594 = arith.constant 108 : i32
    %swap3A_595 = arith.index_cast %swap3A_594 : i32 to index
    %swap3A_596 = memref.load %arg10[%swap3A_595] : memref<128xi32, #tpu.memory_space<smem>>
    memref.store %squeeze3A_593, %arg10[%swap3A_595] : memref<128xi32, #tpu.memory_space<smem>>
    %slice3A_597 = vector.extract_strided_slice %get3A_531 {offsets = [13], sizes = [1], strides = [1]} : vector<16xi32> to vector<1xi32>
    %squeeze3A_598 = vector.extract %slice3A_597[0] : i32 from vector<1xi32>
    %swap3A_599 = arith.constant 109 : i32
    %swap3A_600 = arith.index_cast %swap3A_599 : i32 to index
    %swap3A_601 = memref.load %arg10[%swap3A_600] : memref<128xi32, #tpu.memory_space<smem>>
    memref.store %squeeze3A_598, %arg10[%swap3A_600] : memref<128xi32, #tpu.memory_space<smem>>
    %slice3A_602 = vector.extract_strided_slice %get3A_531 {offsets = [14], sizes = [1], strides = [1]} : vector<16xi32> to vector<1xi32>
    %squeeze3A_603 = vector.extract %slice3A_602[0] : i32 from vector<1xi32>
    %swap3A_604 = arith.constant 110 : i32
    %swap3A_605 = arith.index_cast %swap3A_604 : i32 to index
    %swap3A_606 = memref.load %arg10[%swap3A_605] : memref<128xi32, #tpu.memory_space<smem>>
    memref.store %squeeze3A_603, %arg10[%swap3A_605] : memref<128xi32, #tpu.memory_space<smem>>
    %slice3A_607 = vector.extract_strided_slice %get3A_531 {offsets = [15], sizes = [1], strides = [1]} : vector<16xi32> to vector<1xi32>
    %squeeze3A_608 = vector.extract %slice3A_607[0] : i32 from vector<1xi32>
    %swap3A_609 = arith.constant 111 : i32
    %swap3A_610 = arith.index_cast %swap3A_609 : i32 to index
    %swap3A_611 = memref.load %arg10[%swap3A_610] : memref<128xi32, #tpu.memory_space<smem>>
    memref.store %squeeze3A_608, %arg10[%swap3A_610] : memref<128xi32, #tpu.memory_space<smem>>
    %get3A_612 = arith.constant 112 : index
    %get3A_613 = tpu.vector_load %arg9[%get3A_612] {strides = array<i32>} : memref<128xi32, #tpu.memory_space<vmem>>, vector<16xi32>,
    %get3A_614 = vector.shape_cast %get3A_613 : vector<16xi32> to vector<16xi32>
    %slice3A_615 = vector.extract_strided_slice %get3A_614 {offsets = [0], sizes = [1], strides = [1]} : vector<16xi32> to vector<1xi32>
    %squeeze3A_616 = vector.extract %slice3A_615[0] : i32 from vector<1xi32>
    %swap3A_617 = arith.constant 112 : i32
    %swap3A_618 = arith.index_cast %swap3A_617 : i32 to index
    %swap3A_619 = memref.load %arg10[%swap3A_618] : memref<128xi32, #tpu.memory_space<smem>>
    memref.store %squeeze3A_616, %arg10[%swap3A_618] : memref<128xi32, #tpu.memory_space<smem>>
    %slice3A_620 = vector.extract_strided_slice %get3A_614 {offsets = [1], sizes = [1], strides = [1]} : vector<16xi32> to vector<1xi32>
    %squeeze3A_621 = vector.extract %slice3A_620[0] : i32 from vector<1xi32>
    %swap3A_622 = arith.constant 113 : i32
    %swap3A_623 = arith.index_cast %swap3A_622 : i32 to index
    %swap3A_624 = memref.load %arg10[%swap3A_623] : memref<128xi32, #tpu.memory_space<smem>>
    memref.store %squeeze3A_621, %arg10[%swap3A_623] : memref<128xi32, #tpu.memory_space<smem>>
    %slice3A_625 = vector.extract_strided_slice %get3A_614 {offsets = [2], sizes = [1], strides = [1]} : vector<16xi32> to vector<1xi32>
    %squeeze3A_626 = vector.extract %slice3A_625[0] : i32 from vector<1xi32>
    %swap3A_627 = arith.constant 114 : i32
    %swap3A_628 = arith.index_cast %swap3A_627 : i32 to index
    %swap3A_629 = memref.load %arg10[%swap3A_628] : memref<128xi32, #tpu.memory_space<smem>>
    memref.store %squeeze3A_626, %arg10[%swap3A_628] : memref<128xi32, #tpu.memory_space<smem>>
    %slice3A_630 = vector.extract_strided_slice %get3A_614 {offsets = [3], sizes = [1], strides = [1]} : vector<16xi32> to vector<1xi32>
    %squeeze3A_631 = vector.extract %slice3A_630[0] : i32 from vector<1xi32>
    %swap3A_632 = arith.constant 115 : i32
    %swap3A_633 = arith.index_cast %swap3A_632 : i32 to index
    %swap3A_634 = memref.load %arg10[%swap3A_633] : memref<128xi32, #tpu.memory_space<smem>>
    memref.store %squeeze3A_631, %arg10[%swap3A_633] : memref<128xi32, #tpu.memory_space<smem>>
    %slice3A_635 = vector.extract_strided_slice %get3A_614 {offsets = [4], sizes = [1], strides = [1]} : vector<16xi32> to vector<1xi32>
    %squeeze3A_636 = vector.extract %slice3A_635[0] : i32 from vector<1xi32>
    %swap3A_637 = arith.constant 116 : i32
    %swap3A_638 = arith.index_cast %swap3A_637 : i32 to index
    %swap3A_639 = memref.load %arg10[%swap3A_638] : memref<128xi32, #tpu.memory_space<smem>>
    memref.store %squeeze3A_636, %arg10[%swap3A_638] : memref<128xi32, #tpu.memory_space<smem>>
    %slice3A_640 = vector.extract_strided_slice %get3A_614 {offsets = [5], sizes = [1], strides = [1]} : vector<16xi32> to vector<1xi32>
    %squeeze3A_641 = vector.extract %slice3A_640[0] : i32 from vector<1xi32>
    %swap3A_642 = arith.constant 117 : i32
    %swap3A_643 = arith.index_cast %swap3A_642 : i32 to index
    %swap3A_644 = memref.load %arg10[%swap3A_643] : memref<128xi32, #tpu.memory_space<smem>>
    memref.store %squeeze3A_641, %arg10[%swap3A_643] : memref<128xi32, #tpu.memory_space<smem>>
    %slice3A_645 = vector.extract_strided_slice %get3A_614 {offsets = [6], sizes = [1], strides = [1]} : vector<16xi32> to vector<1xi32>
    %squeeze3A_646 = vector.extract %slice3A_645[0] : i32 from vector<1xi32>
    %swap3A_647 = arith.constant 118 : i32
    %swap3A_648 = arith.index_cast %swap3A_647 : i32 to index
    %swap3A_649 = memref.load %arg10[%swap3A_648] : memref<128xi32, #tpu.memory_space<smem>>
    memref.store %squeeze3A_646, %arg10[%swap3A_648] : memref<128xi32, #tpu.memory_space<smem>>
    %slice3A_650 = vector.extract_strided_slice %get3A_614 {offsets = [7], sizes = [1], strides = [1]} : vector<16xi32> to vector<1xi32>
    %squeeze3A_651 = vector.extract %slice3A_650[0] : i32 from vector<1xi32>
    %swap3A_652 = arith.constant 119 : i32
    %swap3A_653 = arith.index_cast %swap3A_652 : i32 to index
    %swap3A_654 = memref.load %arg10[%swap3A_653] : memref<128xi32, #tpu.memory_space<smem>>
    memref.store %squeeze3A_651, %arg10[%swap3A_653] : memref<128xi32, #tpu.memory_space<smem>>
    %slice3A_655 = vector.extract_strided_slice %get3A_614 {offsets = [8], sizes = [1], strides = [1]} : vector<16xi32> to vector<1xi32>
    %squeeze3A_656 = vector.extract %slice3A_655[0] : i32 from vector<1xi32>
    %swap3A_657 = arith.constant 120 : i32
    %swap3A_658 = arith.index_cast %swap3A_657 : i32 to index
    %swap3A_659 = memref.load %arg10[%swap3A_658] : memref<128xi32, #tpu.memory_space<smem>>
    memref.store %squeeze3A_656, %arg10[%swap3A_658] : memref<128xi32, #tpu.memory_space<smem>>
    %slice3A_660 = vector.extract_strided_slice %get3A_614 {offsets = [9], sizes = [1], strides = [1]} : vector<16xi32> to vector<1xi32>
    %squeeze3A_661 = vector.extract %slice3A_660[0] : i32 from vector<1xi32>
    %swap3A_662 = arith.constant 121 : i32
    %swap3A_663 = arith.index_cast %swap3A_662 : i32 to index
    %swap3A_664 = memref.load %arg10[%swap3A_663] : memref<128xi32, #tpu.memory_space<smem>>
    memref.store %squeeze3A_661, %arg10[%swap3A_663] : memref<128xi32, #tpu.memory_space<smem>>
    %slice3A_665 = vector.extract_strided_slice %get3A_614 {offsets = [10], sizes = [1], strides = [1]} : vector<16xi32> to vector<1xi32>
    %squeeze3A_666 = vector.extract %slice3A_665[0] : i32 from vector<1xi32>
    %swap3A_667 = arith.constant 122 : i32
    %swap3A_668 = arith.index_cast %swap3A_667 : i32 to index
    %swap3A_669 = memref.load %arg10[%swap3A_668] : memref<128xi32, #tpu.memory_space<smem>>
    memref.store %squeeze3A_666, %arg10[%swap3A_668] : memref<128xi32, #tpu.memory_space<smem>>
    %slice3A_670 = vector.extract_strided_slice %get3A_614 {offsets = [11], sizes = [1], strides = [1]} : vector<16xi32> to vector<1xi32>
    %squeeze3A_671 = vector.extract %slice3A_670[0] : i32 from vector<1xi32>
    %swap3A_672 = arith.constant 123 : i32
    %swap3A_673 = arith.index_cast %swap3A_672 : i32 to index
    %swap3A_674 = memref.load %arg10[%swap3A_673] : memref<128xi32, #tpu.memory_space<smem>>
    memref.store %squeeze3A_671, %arg10[%swap3A_673] : memref<128xi32, #tpu.memory_space<smem>>
    %slice3A_675 = vector.extract_strided_slice %get3A_614 {offsets = [12], sizes = [1], strides = [1]} : vector<16xi32> to vector<1xi32>
    %squeeze3A_676 = vector.extract %slice3A_675[0] : i32 from vector<1xi32>
    %swap3A_677 = arith.constant 124 : i32
    %swap3A_678 = arith.index_cast %swap3A_677 : i32 to index
    %swap3A_679 = memref.load %arg10[%swap3A_678] : memref<128xi32, #tpu.memory_space<smem>>
    memref.store %squeeze3A_676, %arg10[%swap3A_678] : memref<128xi32, #tpu.memory_space<smem>>
    %slice3A_680 = vector.extract_strided_slice %get3A_614 {offsets = [13], sizes = [1], strides = [1]} : vector<16xi32> to vector<1xi32>
    %squeeze3A_681 = vector.extract %slice3A_680[0] : i32 from vector<1xi32>
    %swap3A_682 = arith.constant 125 : i32
    %swap3A_683 = arith.index_cast %swap3A_682 : i32 to index
    %swap3A_684 = memref.load %arg10[%swap3A_683] : memref<128xi32, #tpu.memory_space<smem>>
    memref.store %squeeze3A_681, %arg10[%swap3A_683] : memref<128xi32, #tpu.memory_space<smem>>
    %slice3A_685 = vector.extract_strided_slice %get3A_614 {offsets = [14], sizes = [1], strides = [1]} : vector<16xi32> to vector<1xi32>
    %squeeze3A_686 = vector.extract %slice3A_685[0] : i32 from vector<1xi32>
    %swap3A_687 = arith.constant 126 : i32
    %swap3A_688 = arith.index_cast %swap3A_687 : i32 to index
    %swap3A_689 = memref.load %arg10[%swap3A_688] : memref<128xi32, #tpu.memory_space<smem>>
    memref.store %squeeze3A_686, %arg10[%swap3A_688] : memref<128xi32, #tpu.memory_space<smem>>
    %slice3A_690 = vector.extract_strided_slice %get3A_614 {offsets = [15], sizes = [1], strides = [1]} : vector<16xi32> to vector<1xi32>
    %squeeze3A_691 = vector.extract %slice3A_690[0] : i32 from vector<1xi32>
    %swap3A_692 = arith.constant 127 : i32
    %swap3A_693 = arith.index_cast %swap3A_692 : i32 to index
    %swap3A_694 = memref.load %arg10[%swap3A_693] : memref<128xi32, #tpu.memory_space<smem>>
    memref.store %squeeze3A_691, %arg10[%swap3A_693] : memref<128xi32, #tpu.memory_space<smem>>
    %iota3A = tpu.iota {dimensions = array<i32: 0>} : vector<16xi32>
    %add3A_695 = arith.constant 0 : i32
    %add3A_696 = arith.addi %mul3A_34, %add3A_695 : i32
    %dma_start3A = tpu.memref_slice %arg2[%add3A_696, %mul3A_32] : memref<100000x1024xf32, #tpu.memory_space<hbm>> -> memref<200x128xf32, #tpu.memory_space<hbm>>
    %dma_start3A_697 = tpu.memref_slice %arg2[%add3A_696, %mul3A_32] : memref<100000x1024xf32, #tpu.memory_space<hbm>> -> memref<200x128xf32, #tpu.memory_space<hbm>>
    tpu.enqueue_dma source(%dma_start3A_697 : memref<200x128xf32, #tpu.memory_space<hbm>>) target(%arg5 : memref<200x128xf32, #tpu.memory_space<vmem>>) target_semaphore(%arg11 : memref<!tpu.dma_semaphore, #tpu.memory_space<semaphore_mem>>)
    %add3A_698 = arith.constant 200 : i32
    %add3A_699 = arith.addi %mul3A_34, %add3A_698 : i32
    %dma_start3A_700 = tpu.memref_slice %arg2[%add3A_699, %mul3A_32] : memref<100000x1024xf32, #tpu.memory_space<hbm>> -> memref<200x128xf32, #tpu.memory_space<hbm>>
    %dma_start3A_701 = tpu.memref_slice %arg2[%add3A_699, %mul3A_32] : memref<100000x1024xf32, #tpu.memory_space<hbm>> -> memref<200x128xf32, #tpu.memory_space<hbm>>
    tpu.enqueue_dma source(%dma_start3A_701 : memref<200x128xf32, #tpu.memory_space<hbm>>) target(%arg6 : memref<200x128xf32, #tpu.memory_space<vmem>>) target_semaphore(%arg12 : memref<!tpu.dma_semaphore, #tpu.memory_space<semaphore_mem>>)
    %dma_wait3A = tpu.memref_slice %arg2[%mul3A_34, %mul3A_32] : memref<100000x1024xf32, #tpu.memory_space<hbm>> -> memref<200x128xf32, #tpu.memory_space<hbm>>
    %dma_wait3A_702 = tpu.memref_slice %arg2[%mul3A_34, %mul3A_32] : memref<100000x1024xf32, #tpu.memory_space<hbm>> -> memref<200x128xf32, #tpu.memory_space<hbm>>
    tpu.wait_dma2 semaphore(%arg11 : memref<!tpu.dma_semaphore, #tpu.memory_space<semaphore_mem>>) src(%dma_wait3A_702 : memref<200x128xf32, #tpu.memory_space<hbm>>) dst(%arg5 : memref<200x128xf32, #tpu.memory_space<vmem>>)
    %parallel_loop3A = arith.constant 0 : i32
    %parallel_loop3A_703 = arith.constant 200 : i32
    %parallel_loop3A_704 = arith.constant 1 : i32
    scf.for %parallel_loop3A_765 = %parallel_loop3A to %parallel_loop3A_703 step %parallel_loop3A_704  : i32 {
      %parallel_loop3A_766 = arith.index_cast %parallel_loop3A_765 : i32 to index
      %parallel_loop3A_767 = arith.constant 0 : index
      %parallel_loop3A_768 = tpu.vector_load %arg5[%parallel_loop3A_766, %parallel_loop3A_767] {strides = array<i32>} : memref<200x128xf32, #tpu.memory_space<vmem>>, vector<1x16xf32>,
      %parallel_loop3A_769 = vector.shape_cast %parallel_loop3A_768 : vector<1x16xf32> to vector<16xf32>
      %parallel_loop3A_770 = arith.constant 6.400000e+01 : f32
      %parallel_loop3A_771 = vector.broadcast %parallel_loop3A_770 : f32 to vector<16xf32>
      %parallel_loop3A_772 = arith.mulf %parallel_loop3A_769, %parallel_loop3A_771 : vector<16xf32>
      %parallel_loop3A_773 = arith.index_cast %parallel_loop3A_765 : i32 to index
      %parallel_loop3A_774 = arith.constant 0 : index
      %parallel_loop3A_775 = tpu.vector_load %arg7[%parallel_loop3A_773, %parallel_loop3A_774] {strides = array<i32>} : memref<200x128xf32, #tpu.memory_space<vmem>>, vector<1x16xf32>,
      %parallel_loop3A_776 = vector.shape_cast %parallel_loop3A_775 : vector<1x16xf32> to vector<16xf32>
      %parallel_loop3A_777 = vector.shape_cast %parallel_loop3A_772 : vector<16xf32> to vector<1x16xf32>
      tpu.vector_store %arg7[%parallel_loop3A_773, %parallel_loop3A_774], %parallel_loop3A_777 {strides = array<i32>} : memref<200x128xf32, #tpu.memory_space<vmem>>, vector<1x16xf32>,
      %parallel_loop3A_778 = arith.index_cast %parallel_loop3A_765 : i32 to index
      %parallel_loop3A_779 = arith.constant 16 : index
      %parallel_loop3A_780 = tpu.vector_load %arg5[%parallel_loop3A_778, %parallel_loop3A_779] {strides = array<i32>} : memref<200x128xf32, #tpu.memory_space<vmem>>, vector<1x16xf32>,
      %parallel_loop3A_781 = vector.shape_cast %parallel_loop3A_780 : vector<1x16xf32> to vector<16xf32>
      %parallel_loop3A_782 = arith.constant 6.400000e+01 : f32
      %parallel_loop3A_783 = vector.broadcast %parallel_loop3A_782 : f32 to vector<16xf32>
      %parallel_loop3A_784 = arith.mulf %parallel_loop3A_781, %parallel_loop3A_783 : vector<16xf32>
      %parallel_loop3A_785 = arith.index_cast %parallel_loop3A_765 : i32 to index
      %parallel_loop3A_786 = arith.constant 16 : index
      %parallel_loop3A_787 = tpu.vector_load %arg7[%parallel_loop3A_785, %parallel_loop3A_786] {strides = array<i32>} : memref<200x128xf32, #tpu.memory_space<vmem>>, vector<1x16xf32>,
      %parallel_loop3A_788 = vector.shape_cast %parallel_loop3A_787 : vector<1x16xf32> to vector<16xf32>
      %parallel_loop3A_789 = vector.shape_cast %parallel_loop3A_784 : vector<16xf32> to vector<1x16xf32>
      tpu.vector_store %arg7[%parallel_loop3A_785, %parallel_loop3A_786], %parallel_loop3A_789 {strides = array<i32>} : memref<200x128xf32, #tpu.memory_space<vmem>>, vector<1x16xf32>,
      %parallel_loop3A_790 = arith.index_cast %parallel_loop3A_765 : i32 to index
      %parallel_loop3A_791 = arith.constant 32 : index
      %parallel_loop3A_792 = tpu.vector_load %arg5[%parallel_loop3A_790, %parallel_loop3A_791] {strides = array<i32>} : memref<200x128xf32, #tpu.memory_space<vmem>>, vector<1x16xf32>,
      %parallel_loop3A_793 = vector.shape_cast %parallel_loop3A_792 : vector<1x16xf32> to vector<16xf32>
      %parallel_loop3A_794 = arith.constant 6.400000e+01 : f32
      %parallel_loop3A_795 = vector.broadcast %parallel_loop3A_794 : f32 to vector<16xf32>
      %parallel_loop3A_796 = arith.mulf %parallel_loop3A_793, %parallel_loop3A_795 : vector<16xf32>
      %parallel_loop3A_797 = arith.index_cast %parallel_loop3A_765 : i32 to index
      %parallel_loop3A_798 = arith.constant 32 : index
      %parallel_loop3A_799 = tpu.vector_load %arg7[%parallel_loop3A_797, %parallel_loop3A_798] {strides = array<i32>} : memref<200x128xf32, #tpu.memory_space<vmem>>, vector<1x16xf32>,
      %parallel_loop3A_800 = vector.shape_cast %parallel_loop3A_799 : vector<1x16xf32> to vector<16xf32>
      %parallel_loop3A_801 = vector.shape_cast %parallel_loop3A_796 : vector<16xf32> to vector<1x16xf32>
      tpu.vector_store %arg7[%parallel_loop3A_797, %parallel_loop3A_798], %parallel_loop3A_801 {strides = array<i32>} : memref<200x128xf32, #tpu.memory_space<vmem>>, vector<1x16xf32>,
      %parallel_loop3A_802 = arith.index_cast %parallel_loop3A_765 : i32 to index
      %parallel_loop3A_803 = arith.constant 48 : index
      %parallel_loop3A_804 = tpu.vector_load %arg5[%parallel_loop3A_802, %parallel_loop3A_803] {strides = array<i32>} : memref<200x128xf32, #tpu.memory_space<vmem>>, vector<1x16xf32>,
      %parallel_loop3A_805 = vector.shape_cast %parallel_loop3A_804 : vector<1x16xf32> to vector<16xf32>
      %parallel_loop3A_806 = arith.constant 6.400000e+01 : f32
      %parallel_loop3A_807 = vector.broadcast %parallel_loop3A_806 : f32 to vector<16xf32>
      %parallel_loop3A_808 = arith.mulf %parallel_loop3A_805, %parallel_loop3A_807 : vector<16xf32>
      %parallel_loop3A_809 = arith.index_cast %parallel_loop3A_765 : i32 to index
      %parallel_loop3A_810 = arith.constant 48 : index
      %parallel_loop3A_811 = tpu.vector_load %arg7[%parallel_loop3A_809, %parallel_loop3A_810] {strides = array<i32>} : memref<200x128xf32, #tpu.memory_space<vmem>>, vector<1x16xf32>,
      %parallel_loop3A_812 = vector.shape_cast %parallel_loop3A_811 : vector<1x16xf32> to vector<16xf32>
      %parallel_loop3A_813 = vector.shape_cast %parallel_loop3A_808 : vector<16xf32> to vector<1x16xf32>
      tpu.vector_store %arg7[%parallel_loop3A_809, %parallel_loop3A_810], %parallel_loop3A_813 {strides = array<i32>} : memref<200x128xf32, #tpu.memory_space<vmem>>, vector<1x16xf32>,
      %parallel_loop3A_814 = arith.index_cast %parallel_loop3A_765 : i32 to index
      %parallel_loop3A_815 = arith.constant 64 : index
      %parallel_loop3A_816 = tpu.vector_load %arg5[%parallel_loop3A_814, %parallel_loop3A_815] {strides = array<i32>} : memref<200x128xf32, #tpu.memory_space<vmem>>, vector<1x16xf32>,
      %parallel_loop3A_817 = vector.shape_cast %parallel_loop3A_816 : vector<1x16xf32> to vector<16xf32>
      %parallel_loop3A_818 = arith.constant 6.400000e+01 : f32
      %parallel_loop3A_819 = vector.broadcast %parallel_loop3A_818 : f32 to vector<16xf32>
      %parallel_loop3A_820 = arith.mulf %parallel_loop3A_817, %parallel_loop3A_819 : vector<16xf32>
      %parallel_loop3A_821 = arith.index_cast %parallel_loop3A_765 : i32 to index
      %parallel_loop3A_822 = arith.constant 64 : index
      %parallel_loop3A_823 = tpu.vector_load %arg7[%parallel_loop3A_821, %parallel_loop3A_822] {strides = array<i32>} : memref<200x128xf32, #tpu.memory_space<vmem>>, vector<1x16xf32>,
      %parallel_loop3A_824 = vector.shape_cast %parallel_loop3A_823 : vector<1x16xf32> to vector<16xf32>
      %parallel_loop3A_825 = vector.shape_cast %parallel_loop3A_820 : vector<16xf32> to vector<1x16xf32>
      tpu.vector_store %arg7[%parallel_loop3A_821, %parallel_loop3A_822], %parallel_loop3A_825 {strides = array<i32>} : memref<200x128xf32, #tpu.memory_space<vmem>>, vector<1x16xf32>,
      %parallel_loop3A_826 = arith.index_cast %parallel_loop3A_765 : i32 to index
      %parallel_loop3A_827 = arith.constant 80 : index
      %parallel_loop3A_828 = tpu.vector_load %arg5[%parallel_loop3A_826, %parallel_loop3A_827] {strides = array<i32>} : memref<200x128xf32, #tpu.memory_space<vmem>>, vector<1x16xf32>,
      %parallel_loop3A_829 = vector.shape_cast %parallel_loop3A_828 : vector<1x16xf32> to vector<16xf32>
      %parallel_loop3A_830 = arith.constant 6.400000e+01 : f32
      %parallel_loop3A_831 = vector.broadcast %parallel_loop3A_830 : f32 to vector<16xf32>
      %parallel_loop3A_832 = arith.mulf %parallel_loop3A_829, %parallel_loop3A_831 : vector<16xf32>
      %parallel_loop3A_833 = arith.index_cast %parallel_loop3A_765 : i32 to index
      %parallel_loop3A_834 = arith.constant 80 : index
      %parallel_loop3A_835 = tpu.vector_load %arg7[%parallel_loop3A_833, %parallel_loop3A_834] {strides = array<i32>} : memref<200x128xf32, #tpu.memory_space<vmem>>, vector<1x16xf32>,
      %parallel_loop3A_836 = vector.shape_cast %parallel_loop3A_835 : vector<1x16xf32> to vector<16xf32>
      %parallel_loop3A_837 = vector.shape_cast %parallel_loop3A_832 : vector<16xf32> to vector<1x16xf32>
      tpu.vector_store %arg7[%parallel_loop3A_833, %parallel_loop3A_834], %parallel_loop3A_837 {strides = array<i32>} : memref<200x128xf32, #tpu.memory_space<vmem>>, vector<1x16xf32>,
      %parallel_loop3A_838 = arith.index_cast %parallel_loop3A_765 : i32 to index
      %parallel_loop3A_839 = arith.constant 96 : index
      %parallel_loop3A_840 = tpu.vector_load %arg5[%parallel_loop3A_838, %parallel_loop3A_839] {strides = array<i32>} : memref<200x128xf32, #tpu.memory_space<vmem>>, vector<1x16xf32>,
      %parallel_loop3A_841 = vector.shape_cast %parallel_loop3A_840 : vector<1x16xf32> to vector<16xf32>
      %parallel_loop3A_842 = arith.constant 6.400000e+01 : f32
      %parallel_loop3A_843 = vector.broadcast %parallel_loop3A_842 : f32 to vector<16xf32>
      %parallel_loop3A_844 = arith.mulf %parallel_loop3A_841, %parallel_loop3A_843 : vector<16xf32>
      %parallel_loop3A_845 = arith.index_cast %parallel_loop3A_765 : i32 to index
      %parallel_loop3A_846 = arith.constant 96 : index
      %parallel_loop3A_847 = tpu.vector_load %arg7[%parallel_loop3A_845, %parallel_loop3A_846] {strides = array<i32>} : memref<200x128xf32, #tpu.memory_space<vmem>>, vector<1x16xf32>,
      %parallel_loop3A_848 = vector.shape_cast %parallel_loop3A_847 : vector<1x16xf32> to vector<16xf32>
      %parallel_loop3A_849 = vector.shape_cast %parallel_loop3A_844 : vector<16xf32> to vector<1x16xf32>
      tpu.vector_store %arg7[%parallel_loop3A_845, %parallel_loop3A_846], %parallel_loop3A_849 {strides = array<i32>} : memref<200x128xf32, #tpu.memory_space<vmem>>, vector<1x16xf32>,
      %parallel_loop3A_850 = arith.index_cast %parallel_loop3A_765 : i32 to index
      %parallel_loop3A_851 = arith.constant 112 : index
      %parallel_loop3A_852 = tpu.vector_load %arg5[%parallel_loop3A_850, %parallel_loop3A_851] {strides = array<i32>} : memref<200x128xf32, #tpu.memory_space<vmem>>, vector<1x16xf32>,
      %parallel_loop3A_853 = vector.shape_cast %parallel_loop3A_852 : vector<1x16xf32> to vector<16xf32>
      %parallel_loop3A_854 = arith.constant 6.400000e+01 : f32
      %parallel_loop3A_855 = vector.broadcast %parallel_loop3A_854 : f32 to vector<16xf32>
      %parallel_loop3A_856 = arith.mulf %parallel_loop3A_853, %parallel_loop3A_855 : vector<16xf32>
      %parallel_loop3A_857 = arith.index_cast %parallel_loop3A_765 : i32 to index
      %parallel_loop3A_858 = arith.constant 112 : index
      %parallel_loop3A_859 = tpu.vector_load %arg7[%parallel_loop3A_857, %parallel_loop3A_858] {strides = array<i32>} : memref<200x128xf32, #tpu.memory_space<vmem>>, vector<1x16xf32>,
      %parallel_loop3A_860 = vector.shape_cast %parallel_loop3A_859 : vector<1x16xf32> to vector<16xf32>
      %parallel_loop3A_861 = vector.shape_cast %parallel_loop3A_856 : vector<16xf32> to vector<1x16xf32>
      tpu.vector_store %arg7[%parallel_loop3A_857, %parallel_loop3A_858], %parallel_loop3A_861 {strides = array<i32>} : memref<200x128xf32, #tpu.memory_space<vmem>>, vector<1x16xf32>,
    } {sc.loop_unroll_factor = 4 : i64, sc.parallel_access}
    %scan3A = arith.constant 0 : i32
    %scan3A_705 = arith.constant 0 : i32
    %scan3A_706 = arith.constant 128 : i32
    %scan3A_707 = arith.addi %scan3A_705, %scan3A_706 : i32
    %scan3A_708 = arith.constant 1 : i32
    scf.for %scan3A_765 = %scan3A_705 to %scan3A_707 step %scan3A_708  : i32 {
      %get3A_766 = arith.index_cast %scan3A_765 : i32 to index
      %get3A_767 = memref.load %arg10[%get3A_766] : memref<128xi32, #tpu.memory_space<smem>>
      %add3A_768 = arith.constant 0 : i32
      %add3A_769 = arith.addi %mul3A_34, %add3A_768 : i32
      %sub3A_770 = arith.subi %get3A_767, %add3A_769 : i32
      %ge3A = arith.constant 0 : i32
      %ge3A_771 = arith.cmpi sge, %sub3A_770, %ge3A : i32
      %lt3A_772 = arith.constant 200 : i32
      %lt3A_773 = arith.cmpi slt, %sub3A_770, %lt3A_772 : i32
      %and3A_774 = arith.andi %ge3A_771, %lt3A_773 : i1
      %convert_element_type3A = arith.extui %and3A_774 : i1 to i32
      %cond3A = arith.constant 0 : i32
      %cond3A_775 = arith.cmpi ne, %convert_element_type3A, %cond3A : i32
      scf.if %cond3A_775 {
        %jit3A_776 = arith.constant 0 : i32
        %jit3A_777 = arith.constant 199 : i32
        %max3A = arith.maxsi %jit3A_776, %sub3A_770 : i32
        %min3A = arith.minsi %jit3A_777, %max3A : i32
        %shift_right_arithmetic3A = arith.constant 4 : i32
        %shift_right_arithmetic3A_778 = arith.shrsi %scan3A_765, %shift_right_arithmetic3A : i32
        %shift_left3A = arith.constant 4 : i32
        %shift_left3A_779 = arith.shli %shift_right_arithmetic3A_778, %shift_left3A : i32
        %multiple_of3A = tpu.assume_multiple %shift_left3A_779, 16 : i32
        %and3A_780 = arith.constant 15 : i32
        %and3A_781 = arith.andi %scan3A_765, %and3A_780 : i32
        %get3A_782 = arith.index_cast %min3A : i32 to index
        %get3A_783 = arith.index_cast %multiple_of3A : i32 to index
        %get3A_784 = tpu.vector_load %arg5[%get3A_782, %get3A_783] {strides = array<i32>} : memref<200x128xf32, #tpu.memory_space<vmem>>, vector<1x16xf32>,
        %get3A_785 = vector.shape_cast %get3A_784 : vector<1x16xf32> to vector<16xf32>
        %mul3A_786 = arith.mulf %get3A_785, %get3A_785 : vector<16xf32>
        %sub3A_787 = arith.constant 1.000000e+00 : f32
        %sub3A_788 = vector.broadcast %sub3A_787 : f32 to vector<16xf32>
        %sub3A_789 = arith.subf %sub3A_788, %mul3A_786 : vector<16xf32>
        %max3A_790 = arith.constant 0.000000e+00 : f32
        %max3A_791 = vector.broadcast %max3A_790 : f32 to vector<16xf32>
        %max3A_792 = arith.maximumf %sub3A_789, %max3A_791 : vector<16xf32>
        %add3A_793 = arith.constant 1.000000e+00 : f32
        %add3A_794 = vector.broadcast %add3A_793 : f32 to vector<16xf32>
        %add3A_795 = arith.addf %add3A_794, %max3A_792 : vector<16xf32>
        %mul3A_796 = arith.constant 5.000000e-01 : f32
        %mul3A_797 = vector.broadcast %mul3A_796 : f32 to vector<16xf32>
        %mul3A_798 = arith.mulf %mul3A_797, %add3A_795 : vector<16xf32>
        %div3A_799 = arith.divf %max3A_792, %mul3A_798 : vector<16xf32>
        %add3A_800 = arith.addf %mul3A_798, %div3A_799 : vector<16xf32>
        %mul3A_801 = arith.constant 5.000000e-01 : f32
        %mul3A_802 = vector.broadcast %mul3A_801 : f32 to vector<16xf32>
        %mul3A_803 = arith.mulf %mul3A_802, %add3A_800 : vector<16xf32>
        %div3A_804 = arith.divf %max3A_792, %mul3A_803 : vector<16xf32>
        %add3A_805 = arith.addf %mul3A_803, %div3A_804 : vector<16xf32>
        %mul3A_806 = arith.constant 5.000000e-01 : f32
        %mul3A_807 = vector.broadcast %mul3A_806 : f32 to vector<16xf32>
        %mul3A_808 = arith.mulf %mul3A_807, %add3A_805 : vector<16xf32>
        %div3A_809 = arith.divf %max3A_792, %mul3A_808 : vector<16xf32>
        %add3A_810 = arith.addf %mul3A_808, %div3A_809 : vector<16xf32>
        %mul3A_811 = arith.constant 5.000000e-01 : f32
        %mul3A_812 = vector.broadcast %mul3A_811 : f32 to vector<16xf32>
        %mul3A_813 = arith.mulf %mul3A_812, %add3A_810 : vector<16xf32>
        %div3A_814 = arith.divf %max3A_792, %mul3A_813 : vector<16xf32>
        %add3A_815 = arith.addf %mul3A_813, %div3A_814 : vector<16xf32>
        %mul3A_816 = arith.constant 5.000000e-01 : f32
        %mul3A_817 = vector.broadcast %mul3A_816 : f32 to vector<16xf32>
        %mul3A_818 = arith.mulf %mul3A_817, %add3A_815 : vector<16xf32>
        %div3A_819 = arith.divf %max3A_792, %mul3A_818 : vector<16xf32>
        %add3A_820 = arith.addf %mul3A_818, %div3A_819 : vector<16xf32>
        %mul3A_821 = arith.constant 5.000000e-01 : f32
        %mul3A_822 = vector.broadcast %mul3A_821 : f32 to vector<16xf32>
        %mul3A_823 = arith.mulf %mul3A_822, %add3A_820 : vector<16xf32>
        %div3A_824 = arith.divf %max3A_792, %mul3A_823 : vector<16xf32>
        %add3A_825 = arith.addf %mul3A_823, %div3A_824 : vector<16xf32>
        %mul3A_826 = arith.constant 5.000000e-01 : f32
        %mul3A_827 = vector.broadcast %mul3A_826 : f32 to vector<16xf32>
        %mul3A_828 = arith.mulf %mul3A_827, %add3A_825 : vector<16xf32>
        %div3A_829 = arith.divf %max3A_792, %mul3A_828 : vector<16xf32>
        %add3A_830 = arith.addf %mul3A_828, %div3A_829 : vector<16xf32>
        %mul3A_831 = arith.constant 5.000000e-01 : f32
        %mul3A_832 = vector.broadcast %mul3A_831 : f32 to vector<16xf32>
        %mul3A_833 = arith.mulf %mul3A_832, %add3A_830 : vector<16xf32>
        %div3A_834 = arith.divf %max3A_792, %mul3A_833 : vector<16xf32>
        %add3A_835 = arith.addf %mul3A_833, %div3A_834 : vector<16xf32>
        %mul3A_836 = arith.constant 5.000000e-01 : f32
        %mul3A_837 = vector.broadcast %mul3A_836 : f32 to vector<16xf32>
        %mul3A_838 = arith.mulf %mul3A_837, %add3A_835 : vector<16xf32>
        %div3A_839 = arith.divf %max3A_792, %mul3A_838 : vector<16xf32>
        %add3A_840 = arith.addf %mul3A_838, %div3A_839 : vector<16xf32>
        %mul3A_841 = arith.constant 5.000000e-01 : f32
        %mul3A_842 = vector.broadcast %mul3A_841 : f32 to vector<16xf32>
        %mul3A_843 = arith.mulf %mul3A_842, %add3A_840 : vector<16xf32>
        %div3A_844 = arith.divf %max3A_792, %mul3A_843 : vector<16xf32>
        %add3A_845 = arith.addf %mul3A_843, %div3A_844 : vector<16xf32>
        %mul3A_846 = arith.constant 5.000000e-01 : f32
        %mul3A_847 = vector.broadcast %mul3A_846 : f32 to vector<16xf32>
        %mul3A_848 = arith.mulf %mul3A_847, %add3A_845 : vector<16xf32>
        %div3A_849 = arith.divf %max3A_792, %mul3A_848 : vector<16xf32>
        %add3A_850 = arith.addf %mul3A_848, %div3A_849 : vector<16xf32>
        %mul3A_851 = arith.constant 5.000000e-01 : f32
        %mul3A_852 = vector.broadcast %mul3A_851 : f32 to vector<16xf32>
        %mul3A_853 = arith.mulf %mul3A_852, %add3A_850 : vector<16xf32>
        %div3A_854 = arith.divf %max3A_792, %mul3A_853 : vector<16xf32>
        %add3A_855 = arith.addf %mul3A_853, %div3A_854 : vector<16xf32>
        %mul3A_856 = arith.constant 5.000000e-01 : f32
        %mul3A_857 = vector.broadcast %mul3A_856 : f32 to vector<16xf32>
        %mul3A_858 = arith.mulf %mul3A_857, %add3A_855 : vector<16xf32>
        %div3A_859 = arith.divf %max3A_792, %mul3A_858 : vector<16xf32>
        %add3A_860 = arith.addf %mul3A_858, %div3A_859 : vector<16xf32>
        %mul3A_861 = arith.constant 5.000000e-01 : f32
        %mul3A_862 = vector.broadcast %mul3A_861 : f32 to vector<16xf32>
        %mul3A_863 = arith.mulf %mul3A_862, %add3A_860 : vector<16xf32>
        %div3A_864 = arith.divf %max3A_792, %mul3A_863 : vector<16xf32>
        %add3A_865 = arith.addf %mul3A_863, %div3A_864 : vector<16xf32>
        %mul3A_866 = arith.constant 5.000000e-01 : f32
        %mul3A_867 = vector.broadcast %mul3A_866 : f32 to vector<16xf32>
        %mul3A_868 = arith.mulf %mul3A_867, %add3A_865 : vector<16xf32>
        %div3A_869 = arith.divf %max3A_792, %mul3A_868 : vector<16xf32>
        %add3A_870 = arith.addf %mul3A_868, %div3A_869 : vector<16xf32>
        %mul3A_871 = arith.constant 5.000000e-01 : f32
        %mul3A_872 = vector.broadcast %mul3A_871 : f32 to vector<16xf32>
        %mul3A_873 = arith.mulf %mul3A_872, %add3A_870 : vector<16xf32>
        %div3A_874 = arith.divf %max3A_792, %mul3A_873 : vector<16xf32>
        %add3A_875 = arith.addf %mul3A_873, %div3A_874 : vector<16xf32>
        %mul3A_876 = arith.constant 5.000000e-01 : f32
        %mul3A_877 = vector.broadcast %mul3A_876 : f32 to vector<16xf32>
        %mul3A_878 = arith.mulf %mul3A_877, %add3A_875 : vector<16xf32>
        %div3A_879 = arith.divf %max3A_792, %mul3A_878 : vector<16xf32>
        %add3A_880 = arith.addf %mul3A_878, %div3A_879 : vector<16xf32>
        %mul3A_881 = arith.constant 5.000000e-01 : f32
        %mul3A_882 = vector.broadcast %mul3A_881 : f32 to vector<16xf32>
        %mul3A_883 = arith.mulf %mul3A_882, %add3A_880 : vector<16xf32>
        %div3A_884 = arith.divf %max3A_792, %mul3A_883 : vector<16xf32>
        %add3A_885 = arith.addf %mul3A_883, %div3A_884 : vector<16xf32>
        %mul3A_886 = arith.constant 5.000000e-01 : f32
        %mul3A_887 = vector.broadcast %mul3A_886 : f32 to vector<16xf32>
        %mul3A_888 = arith.mulf %mul3A_887, %add3A_885 : vector<16xf32>
        %mul3A_889 = arith.constant 56.1652832 : f32
        %mul3A_890 = vector.broadcast %mul3A_889 : f32 to vector<16xf32>
        %mul3A_891 = arith.mulf %mul3A_890, %get3A_785 : vector<16xf32>
        %mul3A_892 = arith.constant 30.6832352 : f32
        %mul3A_893 = vector.broadcast %mul3A_892 : f32 to vector<16xf32>
        %mul3A_894 = arith.mulf %mul3A_893, %mul3A_888 : vector<16xf32>
        %sub3A_895 = arith.subf %mul3A_891, %mul3A_894 : vector<16xf32>
        %get3A_896 = arith.index_cast %min3A : i32 to index
        %get3A_897 = arith.index_cast %multiple_of3A : i32 to index
        %get3A_898 = tpu.vector_load %arg7[%get3A_896, %get3A_897] {strides = array<i32>} : memref<200x128xf32, #tpu.memory_space<vmem>>, vector<1x16xf32>,
        %get3A_899 = vector.shape_cast %get3A_898 : vector<1x16xf32> to vector<16xf32>
        %eq3A_900 = vector.broadcast %and3A_781 : i32 to vector<16xi32>
        %eq3A_901 = arith.cmpi eq, %iota3A, %eq3A_900 : vector<16xi32>
        %select_n3A_902 = arith.select %eq3A_901, %sub3A_895, %get3A_899 : vector<16xi1>, vector<16xf32>
        %swap3A_903 = arith.index_cast %min3A : i32 to index
        %swap3A_904 = arith.index_cast %multiple_of3A : i32 to index
        %swap3A_905 = tpu.vector_load %arg7[%swap3A_903, %swap3A_904] {strides = array<i32>} : memref<200x128xf32, #tpu.memory_space<vmem>>, vector<1x16xf32>,
        %swap3A_906 = vector.shape_cast %swap3A_905 : vector<1x16xf32> to vector<16xf32>
        %swap3A_907 = vector.shape_cast %select_n3A_902 : vector<16xf32> to vector<1x16xf32>
        tpu.vector_store %arg7[%swap3A_903, %swap3A_904], %swap3A_907 {strides = array<i32>} : memref<200x128xf32, #tpu.memory_space<vmem>>, vector<1x16xf32>,
      } else {
      }
    }
    %scan3A_709 = arith.constant 128 : i32
    %add3A_710 = arith.constant 0 : i32
    %add3A_711 = arith.addi %mul3A_34, %add3A_710 : i32
    %dma_start3A_712 = tpu.memref_slice %arg4[%add3A_711, %mul3A_32] : memref<100000x1024xf32, #tpu.memory_space<hbm>> -> memref<200x128xf32, #tpu.memory_space<hbm>>
    %dma_start3A_713 = tpu.memref_slice %arg4[%add3A_711, %mul3A_32] : memref<100000x1024xf32, #tpu.memory_space<hbm>> -> memref<200x128xf32, #tpu.memory_space<hbm>>
    tpu.enqueue_dma source(%arg7 : memref<200x128xf32, #tpu.memory_space<vmem>>) target(%dma_start3A_713 : memref<200x128xf32, #tpu.memory_space<hbm>>) target_semaphore(%arg13 : memref<!tpu.dma_semaphore, #tpu.memory_space<semaphore_mem>>)
    %add3A_714 = arith.constant 400 : i32
    %add3A_715 = arith.addi %mul3A_34, %add3A_714 : i32
    %dma_start3A_716 = tpu.memref_slice %arg2[%add3A_715, %mul3A_32] : memref<100000x1024xf32, #tpu.memory_space<hbm>> -> memref<200x128xf32, #tpu.memory_space<hbm>>
    %dma_start3A_717 = tpu.memref_slice %arg2[%add3A_715, %mul3A_32] : memref<100000x1024xf32, #tpu.memory_space<hbm>> -> memref<200x128xf32, #tpu.memory_space<hbm>>
    tpu.enqueue_dma source(%dma_start3A_717 : memref<200x128xf32, #tpu.memory_space<hbm>>) target(%arg5 : memref<200x128xf32, #tpu.memory_space<vmem>>) target_semaphore(%arg11 : memref<!tpu.dma_semaphore, #tpu.memory_space<semaphore_mem>>)
    %dma_wait3A_718 = tpu.memref_slice %arg2[%mul3A_34, %mul3A_32] : memref<100000x1024xf32, #tpu.memory_space<hbm>> -> memref<200x128xf32, #tpu.memory_space<hbm>>
    %dma_wait3A_719 = tpu.memref_slice %arg2[%mul3A_34, %mul3A_32] : memref<100000x1024xf32, #tpu.memory_space<hbm>> -> memref<200x128xf32, #tpu.memory_space<hbm>>
    tpu.wait_dma2 semaphore(%arg12 : memref<!tpu.dma_semaphore, #tpu.memory_space<semaphore_mem>>) src(%dma_wait3A_719 : memref<200x128xf32, #tpu.memory_space<hbm>>) dst(%arg6 : memref<200x128xf32, #tpu.memory_space<vmem>>)
    %parallel_loop3A_720 = arith.constant 0 : i32
    %parallel_loop3A_721 = arith.constant 200 : i32
    %parallel_loop3A_722 = arith.constant 1 : i32
    scf.for %parallel_loop3A_765 = %parallel_loop3A_720 to %parallel_loop3A_721 step %parallel_loop3A_722  : i32 {
      %parallel_loop3A_766 = arith.index_cast %parallel_loop3A_765 : i32 to index
      %parallel_loop3A_767 = arith.constant 0 : index
      %parallel_loop3A_768 = tpu.vector_load %arg6[%parallel_loop3A_766, %parallel_loop3A_767] {strides = array<i32>} : memref<200x128xf32, #tpu.memory_space<vmem>>, vector<1x16xf32>,
      %parallel_loop3A_769 = vector.shape_cast %parallel_loop3A_768 : vector<1x16xf32> to vector<16xf32>
      %parallel_loop3A_770 = arith.constant 6.400000e+01 : f32
      %parallel_loop3A_771 = vector.broadcast %parallel_loop3A_770 : f32 to vector<16xf32>
      %parallel_loop3A_772 = arith.mulf %parallel_loop3A_769, %parallel_loop3A_771 : vector<16xf32>
      %parallel_loop3A_773 = arith.index_cast %parallel_loop3A_765 : i32 to index
      %parallel_loop3A_774 = arith.constant 0 : index
      %parallel_loop3A_775 = tpu.vector_load %arg8[%parallel_loop3A_773, %parallel_loop3A_774] {strides = array<i32>} : memref<200x128xf32, #tpu.memory_space<vmem>>, vector<1x16xf32>,
      %parallel_loop3A_776 = vector.shape_cast %parallel_loop3A_775 : vector<1x16xf32> to vector<16xf32>
      %parallel_loop3A_777 = vector.shape_cast %parallel_loop3A_772 : vector<16xf32> to vector<1x16xf32>
      tpu.vector_store %arg8[%parallel_loop3A_773, %parallel_loop3A_774], %parallel_loop3A_777 {strides = array<i32>} : memref<200x128xf32, #tpu.memory_space<vmem>>, vector<1x16xf32>,
      %parallel_loop3A_778 = arith.index_cast %parallel_loop3A_765 : i32 to index
      %parallel_loop3A_779 = arith.constant 16 : index
      %parallel_loop3A_780 = tpu.vector_load %arg6[%parallel_loop3A_778, %parallel_loop3A_779] {strides = array<i32>} : memref<200x128xf32, #tpu.memory_space<vmem>>, vector<1x16xf32>,
      %parallel_loop3A_781 = vector.shape_cast %parallel_loop3A_780 : vector<1x16xf32> to vector<16xf32>
      %parallel_loop3A_782 = arith.constant 6.400000e+01 : f32
      %parallel_loop3A_783 = vector.broadcast %parallel_loop3A_782 : f32 to vector<16xf32>
      %parallel_loop3A_784 = arith.mulf %parallel_loop3A_781, %parallel_loop3A_783 : vector<16xf32>
      %parallel_loop3A_785 = arith.index_cast %parallel_loop3A_765 : i32 to index
      %parallel_loop3A_786 = arith.constant 16 : index
      %parallel_loop3A_787 = tpu.vector_load %arg8[%parallel_loop3A_785, %parallel_loop3A_786] {strides = array<i32>} : memref<200x128xf32, #tpu.memory_space<vmem>>, vector<1x16xf32>,
      %parallel_loop3A_788 = vector.shape_cast %parallel_loop3A_787 : vector<1x16xf32> to vector<16xf32>
      %parallel_loop3A_789 = vector.shape_cast %parallel_loop3A_784 : vector<16xf32> to vector<1x16xf32>
      tpu.vector_store %arg8[%parallel_loop3A_785, %parallel_loop3A_786], %parallel_loop3A_789 {strides = array<i32>} : memref<200x128xf32, #tpu.memory_space<vmem>>, vector<1x16xf32>,
      %parallel_loop3A_790 = arith.index_cast %parallel_loop3A_765 : i32 to index
      %parallel_loop3A_791 = arith.constant 32 : index
      %parallel_loop3A_792 = tpu.vector_load %arg6[%parallel_loop3A_790, %parallel_loop3A_791] {strides = array<i32>} : memref<200x128xf32, #tpu.memory_space<vmem>>, vector<1x16xf32>,
      %parallel_loop3A_793 = vector.shape_cast %parallel_loop3A_792 : vector<1x16xf32> to vector<16xf32>
      %parallel_loop3A_794 = arith.constant 6.400000e+01 : f32
      %parallel_loop3A_795 = vector.broadcast %parallel_loop3A_794 : f32 to vector<16xf32>
      %parallel_loop3A_796 = arith.mulf %parallel_loop3A_793, %parallel_loop3A_795 : vector<16xf32>
      %parallel_loop3A_797 = arith.index_cast %parallel_loop3A_765 : i32 to index
      %parallel_loop3A_798 = arith.constant 32 : index
      %parallel_loop3A_799 = tpu.vector_load %arg8[%parallel_loop3A_797, %parallel_loop3A_798] {strides = array<i32>} : memref<200x128xf32, #tpu.memory_space<vmem>>, vector<1x16xf32>,
      %parallel_loop3A_800 = vector.shape_cast %parallel_loop3A_799 : vector<1x16xf32> to vector<16xf32>
      %parallel_loop3A_801 = vector.shape_cast %parallel_loop3A_796 : vector<16xf32> to vector<1x16xf32>
      tpu.vector_store %arg8[%parallel_loop3A_797, %parallel_loop3A_798], %parallel_loop3A_801 {strides = array<i32>} : memref<200x128xf32, #tpu.memory_space<vmem>>, vector<1x16xf32>,
      %parallel_loop3A_802 = arith.index_cast %parallel_loop3A_765 : i32 to index
      %parallel_loop3A_803 = arith.constant 48 : index
      %parallel_loop3A_804 = tpu.vector_load %arg6[%parallel_loop3A_802, %parallel_loop3A_803] {strides = array<i32>} : memref<200x128xf32, #tpu.memory_space<vmem>>, vector<1x16xf32>,
      %parallel_loop3A_805 = vector.shape_cast %parallel_loop3A_804 : vector<1x16xf32> to vector<16xf32>
      %parallel_loop3A_806 = arith.constant 6.400000e+01 : f32
      %parallel_loop3A_807 = vector.broadcast %parallel_loop3A_806 : f32 to vector<16xf32>
      %parallel_loop3A_808 = arith.mulf %parallel_loop3A_805, %parallel_loop3A_807 : vector<16xf32>
      %parallel_loop3A_809 = arith.index_cast %parallel_loop3A_765 : i32 to index
      %parallel_loop3A_810 = arith.constant 48 : index
      %parallel_loop3A_811 = tpu.vector_load %arg8[%parallel_loop3A_809, %parallel_loop3A_810] {strides = array<i32>} : memref<200x128xf32, #tpu.memory_space<vmem>>, vector<1x16xf32>,
      %parallel_loop3A_812 = vector.shape_cast %parallel_loop3A_811 : vector<1x16xf32> to vector<16xf32>
      %parallel_loop3A_813 = vector.shape_cast %parallel_loop3A_808 : vector<16xf32> to vector<1x16xf32>
      tpu.vector_store %arg8[%parallel_loop3A_809, %parallel_loop3A_810], %parallel_loop3A_813 {strides = array<i32>} : memref<200x128xf32, #tpu.memory_space<vmem>>, vector<1x16xf32>,
      %parallel_loop3A_814 = arith.index_cast %parallel_loop3A_765 : i32 to index
      %parallel_loop3A_815 = arith.constant 64 : index
      %parallel_loop3A_816 = tpu.vector_load %arg6[%parallel_loop3A_814, %parallel_loop3A_815] {strides = array<i32>} : memref<200x128xf32, #tpu.memory_space<vmem>>, vector<1x16xf32>,
      %parallel_loop3A_817 = vector.shape_cast %parallel_loop3A_816 : vector<1x16xf32> to vector<16xf32>
      %parallel_loop3A_818 = arith.constant 6.400000e+01 : f32
      %parallel_loop3A_819 = vector.broadcast %parallel_loop3A_818 : f32 to vector<16xf32>
      %parallel_loop3A_820 = arith.mulf %parallel_loop3A_817, %parallel_loop3A_819 : vector<16xf32>
      %parallel_loop3A_821 = arith.index_cast %parallel_loop3A_765 : i32 to index
      %parallel_loop3A_822 = arith.constant 64 : index
      %parallel_loop3A_823 = tpu.vector_load %arg8[%parallel_loop3A_821, %parallel_loop3A_822] {strides = array<i32>} : memref<200x128xf32, #tpu.memory_space<vmem>>, vector<1x16xf32>,
      %parallel_loop3A_824 = vector.shape_cast %parallel_loop3A_823 : vector<1x16xf32> to vector<16xf32>
      %parallel_loop3A_825 = vector.shape_cast %parallel_loop3A_820 : vector<16xf32> to vector<1x16xf32>
      tpu.vector_store %arg8[%parallel_loop3A_821, %parallel_loop3A_822], %parallel_loop3A_825 {strides = array<i32>} : memref<200x128xf32, #tpu.memory_space<vmem>>, vector<1x16xf32>,
      %parallel_loop3A_826 = arith.index_cast %parallel_loop3A_765 : i32 to index
      %parallel_loop3A_827 = arith.constant 80 : index
      %parallel_loop3A_828 = tpu.vector_load %arg6[%parallel_loop3A_826, %parallel_loop3A_827] {strides = array<i32>} : memref<200x128xf32, #tpu.memory_space<vmem>>, vector<1x16xf32>,
      %parallel_loop3A_829 = vector.shape_cast %parallel_loop3A_828 : vector<1x16xf32> to vector<16xf32>
      %parallel_loop3A_830 = arith.constant 6.400000e+01 : f32
      %parallel_loop3A_831 = vector.broadcast %parallel_loop3A_830 : f32 to vector<16xf32>
      %parallel_loop3A_832 = arith.mulf %parallel_loop3A_829, %parallel_loop3A_831 : vector<16xf32>
      %parallel_loop3A_833 = arith.index_cast %parallel_loop3A_765 : i32 to index
      %parallel_loop3A_834 = arith.constant 80 : index
      %parallel_loop3A_835 = tpu.vector_load %arg8[%parallel_loop3A_833, %parallel_loop3A_834] {strides = array<i32>} : memref<200x128xf32, #tpu.memory_space<vmem>>, vector<1x16xf32>,
      %parallel_loop3A_836 = vector.shape_cast %parallel_loop3A_835 : vector<1x16xf32> to vector<16xf32>
      %parallel_loop3A_837 = vector.shape_cast %parallel_loop3A_832 : vector<16xf32> to vector<1x16xf32>
      tpu.vector_store %arg8[%parallel_loop3A_833, %parallel_loop3A_834], %parallel_loop3A_837 {strides = array<i32>} : memref<200x128xf32, #tpu.memory_space<vmem>>, vector<1x16xf32>,
      %parallel_loop3A_838 = arith.index_cast %parallel_loop3A_765 : i32 to index
      %parallel_loop3A_839 = arith.constant 96 : index
      %parallel_loop3A_840 = tpu.vector_load %arg6[%parallel_loop3A_838, %parallel_loop3A_839] {strides = array<i32>} : memref<200x128xf32, #tpu.memory_space<vmem>>, vector<1x16xf32>,
      %parallel_loop3A_841 = vector.shape_cast %parallel_loop3A_840 : vector<1x16xf32> to vector<16xf32>
      %parallel_loop3A_842 = arith.constant 6.400000e+01 : f32
      %parallel_loop3A_843 = vector.broadcast %parallel_loop3A_842 : f32 to vector<16xf32>
      %parallel_loop3A_844 = arith.mulf %parallel_loop3A_841, %parallel_loop3A_843 : vector<16xf32>
      %parallel_loop3A_845 = arith.index_cast %parallel_loop3A_765 : i32 to index
      %parallel_loop3A_846 = arith.constant 96 : index
      %parallel_loop3A_847 = tpu.vector_load %arg8[%parallel_loop3A_845, %parallel_loop3A_846] {strides = array<i32>} : memref<200x128xf32, #tpu.memory_space<vmem>>, vector<1x16xf32>,
      %parallel_loop3A_848 = vector.shape_cast %parallel_loop3A_847 : vector<1x16xf32> to vector<16xf32>
      %parallel_loop3A_849 = vector.shape_cast %parallel_loop3A_844 : vector<16xf32> to vector<1x16xf32>
      tpu.vector_store %arg8[%parallel_loop3A_845, %parallel_loop3A_846], %parallel_loop3A_849 {strides = array<i32>} : memref<200x128xf32, #tpu.memory_space<vmem>>, vector<1x16xf32>,
      %parallel_loop3A_850 = arith.index_cast %parallel_loop3A_765 : i32 to index
      %parallel_loop3A_851 = arith.constant 112 : index
      %parallel_loop3A_852 = tpu.vector_load %arg6[%parallel_loop3A_850, %parallel_loop3A_851] {strides = array<i32>} : memref<200x128xf32, #tpu.memory_space<vmem>>, vector<1x16xf32>,
      %parallel_loop3A_853 = vector.shape_cast %parallel_loop3A_852 : vector<1x16xf32> to vector<16xf32>
      %parallel_loop3A_854 = arith.constant 6.400000e+01 : f32
      %parallel_loop3A_855 = vector.broadcast %parallel_loop3A_854 : f32 to vector<16xf32>
      %parallel_loop3A_856 = arith.mulf %parallel_loop3A_853, %parallel_loop3A_855 : vector<16xf32>
      %parallel_loop3A_857 = arith.index_cast %parallel_loop3A_765 : i32 to index
      %parallel_loop3A_858 = arith.constant 112 : index
      %parallel_loop3A_859 = tpu.vector_load %arg8[%parallel_loop3A_857, %parallel_loop3A_858] {strides = array<i32>} : memref<200x128xf32, #tpu.memory_space<vmem>>, vector<1x16xf32>,
      %parallel_loop3A_860 = vector.shape_cast %parallel_loop3A_859 : vector<1x16xf32> to vector<16xf32>
      %parallel_loop3A_861 = vector.shape_cast %parallel_loop3A_856 : vector<16xf32> to vector<1x16xf32>
      tpu.vector_store %arg8[%parallel_loop3A_857, %parallel_loop3A_858], %parallel_loop3A_861 {strides = array<i32>} : memref<200x128xf32, #tpu.memory_space<vmem>>, vector<1x16xf32>,
    } {sc.loop_unroll_factor = 4 : i64, sc.parallel_access}
    %scan3A_723 = arith.constant 0 : i32
    %scan3A_724 = arith.constant 0 : i32
    %scan3A_725 = arith.constant 128 : i32
    %scan3A_726 = arith.addi %scan3A_724, %scan3A_725 : i32
    %scan3A_727 = arith.constant 1 : i32
    scf.for %scan3A_765 = %scan3A_724 to %scan3A_726 step %scan3A_727  : i32 {
      %get3A_766 = arith.index_cast %scan3A_765 : i32 to index
      %get3A_767 = memref.load %arg10[%get3A_766] : memref<128xi32, #tpu.memory_space<smem>>
      %add3A_768 = arith.constant 200 : i32
      %add3A_769 = arith.addi %mul3A_34, %add3A_768 : i32
      %sub3A_770 = arith.subi %get3A_767, %add3A_769 : i32
      %ge3A = arith.constant 0 : i32
      %ge3A_771 = arith.cmpi sge, %sub3A_770, %ge3A : i32
      %lt3A_772 = arith.constant 200 : i32
      %lt3A_773 = arith.cmpi slt, %sub3A_770, %lt3A_772 : i32
      %and3A_774 = arith.andi %ge3A_771, %lt3A_773 : i1
      %convert_element_type3A = arith.extui %and3A_774 : i1 to i32
      %cond3A = arith.constant 0 : i32
      %cond3A_775 = arith.cmpi ne, %convert_element_type3A, %cond3A : i32
      scf.if %cond3A_775 {
        %jit3A_776 = arith.constant 0 : i32
        %jit3A_777 = arith.constant 199 : i32
        %max3A = arith.maxsi %jit3A_776, %sub3A_770 : i32
        %min3A = arith.minsi %jit3A_777, %max3A : i32
        %shift_right_arithmetic3A = arith.constant 4 : i32
        %shift_right_arithmetic3A_778 = arith.shrsi %scan3A_765, %shift_right_arithmetic3A : i32
        %shift_left3A = arith.constant 4 : i32
        %shift_left3A_779 = arith.shli %shift_right_arithmetic3A_778, %shift_left3A : i32
        %multiple_of3A = tpu.assume_multiple %shift_left3A_779, 16 : i32
        %and3A_780 = arith.constant 15 : i32
        %and3A_781 = arith.andi %scan3A_765, %and3A_780 : i32
        %get3A_782 = arith.index_cast %min3A : i32 to index
        %get3A_783 = arith.index_cast %multiple_of3A : i32 to index
        %get3A_784 = tpu.vector_load %arg6[%get3A_782, %get3A_783] {strides = array<i32>} : memref<200x128xf32, #tpu.memory_space<vmem>>, vector<1x16xf32>,
        %get3A_785 = vector.shape_cast %get3A_784 : vector<1x16xf32> to vector<16xf32>
        %mul3A_786 = arith.mulf %get3A_785, %get3A_785 : vector<16xf32>
        %sub3A_787 = arith.constant 1.000000e+00 : f32
        %sub3A_788 = vector.broadcast %sub3A_787 : f32 to vector<16xf32>
        %sub3A_789 = arith.subf %sub3A_788, %mul3A_786 : vector<16xf32>
        %max3A_790 = arith.constant 0.000000e+00 : f32
        %max3A_791 = vector.broadcast %max3A_790 : f32 to vector<16xf32>
        %max3A_792 = arith.maximumf %sub3A_789, %max3A_791 : vector<16xf32>
        %add3A_793 = arith.constant 1.000000e+00 : f32
        %add3A_794 = vector.broadcast %add3A_793 : f32 to vector<16xf32>
        %add3A_795 = arith.addf %add3A_794, %max3A_792 : vector<16xf32>
        %mul3A_796 = arith.constant 5.000000e-01 : f32
        %mul3A_797 = vector.broadcast %mul3A_796 : f32 to vector<16xf32>
        %mul3A_798 = arith.mulf %mul3A_797, %add3A_795 : vector<16xf32>
        %div3A_799 = arith.divf %max3A_792, %mul3A_798 : vector<16xf32>
        %add3A_800 = arith.addf %mul3A_798, %div3A_799 : vector<16xf32>
        %mul3A_801 = arith.constant 5.000000e-01 : f32
        %mul3A_802 = vector.broadcast %mul3A_801 : f32 to vector<16xf32>
        %mul3A_803 = arith.mulf %mul3A_802, %add3A_800 : vector<16xf32>
        %div3A_804 = arith.divf %max3A_792, %mul3A_803 : vector<16xf32>
        %add3A_805 = arith.addf %mul3A_803, %div3A_804 : vector<16xf32>
        %mul3A_806 = arith.constant 5.000000e-01 : f32
        %mul3A_807 = vector.broadcast %mul3A_806 : f32 to vector<16xf32>
        %mul3A_808 = arith.mulf %mul3A_807, %add3A_805 : vector<16xf32>
        %div3A_809 = arith.divf %max3A_792, %mul3A_808 : vector<16xf32>
        %add3A_810 = arith.addf %mul3A_808, %div3A_809 : vector<16xf32>
        %mul3A_811 = arith.constant 5.000000e-01 : f32
        %mul3A_812 = vector.broadcast %mul3A_811 : f32 to vector<16xf32>
        %mul3A_813 = arith.mulf %mul3A_812, %add3A_810 : vector<16xf32>
        %div3A_814 = arith.divf %max3A_792, %mul3A_813 : vector<16xf32>
        %add3A_815 = arith.addf %mul3A_813, %div3A_814 : vector<16xf32>
        %mul3A_816 = arith.constant 5.000000e-01 : f32
        %mul3A_817 = vector.broadcast %mul3A_816 : f32 to vector<16xf32>
        %mul3A_818 = arith.mulf %mul3A_817, %add3A_815 : vector<16xf32>
        %div3A_819 = arith.divf %max3A_792, %mul3A_818 : vector<16xf32>
        %add3A_820 = arith.addf %mul3A_818, %div3A_819 : vector<16xf32>
        %mul3A_821 = arith.constant 5.000000e-01 : f32
        %mul3A_822 = vector.broadcast %mul3A_821 : f32 to vector<16xf32>
        %mul3A_823 = arith.mulf %mul3A_822, %add3A_820 : vector<16xf32>
        %div3A_824 = arith.divf %max3A_792, %mul3A_823 : vector<16xf32>
        %add3A_825 = arith.addf %mul3A_823, %div3A_824 : vector<16xf32>
        %mul3A_826 = arith.constant 5.000000e-01 : f32
        %mul3A_827 = vector.broadcast %mul3A_826 : f32 to vector<16xf32>
        %mul3A_828 = arith.mulf %mul3A_827, %add3A_825 : vector<16xf32>
        %div3A_829 = arith.divf %max3A_792, %mul3A_828 : vector<16xf32>
        %add3A_830 = arith.addf %mul3A_828, %div3A_829 : vector<16xf32>
        %mul3A_831 = arith.constant 5.000000e-01 : f32
        %mul3A_832 = vector.broadcast %mul3A_831 : f32 to vector<16xf32>
        %mul3A_833 = arith.mulf %mul3A_832, %add3A_830 : vector<16xf32>
        %div3A_834 = arith.divf %max3A_792, %mul3A_833 : vector<16xf32>
        %add3A_835 = arith.addf %mul3A_833, %div3A_834 : vector<16xf32>
        %mul3A_836 = arith.constant 5.000000e-01 : f32
        %mul3A_837 = vector.broadcast %mul3A_836 : f32 to vector<16xf32>
        %mul3A_838 = arith.mulf %mul3A_837, %add3A_835 : vector<16xf32>
        %div3A_839 = arith.divf %max3A_792, %mul3A_838 : vector<16xf32>
        %add3A_840 = arith.addf %mul3A_838, %div3A_839 : vector<16xf32>
        %mul3A_841 = arith.constant 5.000000e-01 : f32
        %mul3A_842 = vector.broadcast %mul3A_841 : f32 to vector<16xf32>
        %mul3A_843 = arith.mulf %mul3A_842, %add3A_840 : vector<16xf32>
        %div3A_844 = arith.divf %max3A_792, %mul3A_843 : vector<16xf32>
        %add3A_845 = arith.addf %mul3A_843, %div3A_844 : vector<16xf32>
        %mul3A_846 = arith.constant 5.000000e-01 : f32
        %mul3A_847 = vector.broadcast %mul3A_846 : f32 to vector<16xf32>
        %mul3A_848 = arith.mulf %mul3A_847, %add3A_845 : vector<16xf32>
        %div3A_849 = arith.divf %max3A_792, %mul3A_848 : vector<16xf32>
        %add3A_850 = arith.addf %mul3A_848, %div3A_849 : vector<16xf32>
        %mul3A_851 = arith.constant 5.000000e-01 : f32
        %mul3A_852 = vector.broadcast %mul3A_851 : f32 to vector<16xf32>
        %mul3A_853 = arith.mulf %mul3A_852, %add3A_850 : vector<16xf32>
        %div3A_854 = arith.divf %max3A_792, %mul3A_853 : vector<16xf32>
        %add3A_855 = arith.addf %mul3A_853, %div3A_854 : vector<16xf32>
        %mul3A_856 = arith.constant 5.000000e-01 : f32
        %mul3A_857 = vector.broadcast %mul3A_856 : f32 to vector<16xf32>
        %mul3A_858 = arith.mulf %mul3A_857, %add3A_855 : vector<16xf32>
        %div3A_859 = arith.divf %max3A_792, %mul3A_858 : vector<16xf32>
        %add3A_860 = arith.addf %mul3A_858, %div3A_859 : vector<16xf32>
        %mul3A_861 = arith.constant 5.000000e-01 : f32
        %mul3A_862 = vector.broadcast %mul3A_861 : f32 to vector<16xf32>
        %mul3A_863 = arith.mulf %mul3A_862, %add3A_860 : vector<16xf32>
        %div3A_864 = arith.divf %max3A_792, %mul3A_863 : vector<16xf32>
        %add3A_865 = arith.addf %mul3A_863, %div3A_864 : vector<16xf32>
        %mul3A_866 = arith.constant 5.000000e-01 : f32
        %mul3A_867 = vector.broadcast %mul3A_866 : f32 to vector<16xf32>
        %mul3A_868 = arith.mulf %mul3A_867, %add3A_865 : vector<16xf32>
        %div3A_869 = arith.divf %max3A_792, %mul3A_868 : vector<16xf32>
        %add3A_870 = arith.addf %mul3A_868, %div3A_869 : vector<16xf32>
        %mul3A_871 = arith.constant 5.000000e-01 : f32
        %mul3A_872 = vector.broadcast %mul3A_871 : f32 to vector<16xf32>
        %mul3A_873 = arith.mulf %mul3A_872, %add3A_870 : vector<16xf32>
        %div3A_874 = arith.divf %max3A_792, %mul3A_873 : vector<16xf32>
        %add3A_875 = arith.addf %mul3A_873, %div3A_874 : vector<16xf32>
        %mul3A_876 = arith.constant 5.000000e-01 : f32
        %mul3A_877 = vector.broadcast %mul3A_876 : f32 to vector<16xf32>
        %mul3A_878 = arith.mulf %mul3A_877, %add3A_875 : vector<16xf32>
        %div3A_879 = arith.divf %max3A_792, %mul3A_878 : vector<16xf32>
        %add3A_880 = arith.addf %mul3A_878, %div3A_879 : vector<16xf32>
        %mul3A_881 = arith.constant 5.000000e-01 : f32
        %mul3A_882 = vector.broadcast %mul3A_881 : f32 to vector<16xf32>
        %mul3A_883 = arith.mulf %mul3A_882, %add3A_880 : vector<16xf32>
        %div3A_884 = arith.divf %max3A_792, %mul3A_883 : vector<16xf32>
        %add3A_885 = arith.addf %mul3A_883, %div3A_884 : vector<16xf32>
        %mul3A_886 = arith.constant 5.000000e-01 : f32
        %mul3A_887 = vector.broadcast %mul3A_886 : f32 to vector<16xf32>
        %mul3A_888 = arith.mulf %mul3A_887, %add3A_885 : vector<16xf32>
        %mul3A_889 = arith.constant 56.1652832 : f32
        %mul3A_890 = vector.broadcast %mul3A_889 : f32 to vector<16xf32>
        %mul3A_891 = arith.mulf %mul3A_890, %get3A_785 : vector<16xf32>
        %mul3A_892 = arith.constant 30.6832352 : f32
        %mul3A_893 = vector.broadcast %mul3A_892 : f32 to vector<16xf32>
        %mul3A_894 = arith.mulf %mul3A_893, %mul3A_888 : vector<16xf32>
        %sub3A_895 = arith.subf %mul3A_891, %mul3A_894 : vector<16xf32>
        %get3A_896 = arith.index_cast %min3A : i32 to index
        %get3A_897 = arith.index_cast %multiple_of3A : i32 to index
        %get3A_898 = tpu.vector_load %arg8[%get3A_896, %get3A_897] {strides = array<i32>} : memref<200x128xf32, #tpu.memory_space<vmem>>, vector<1x16xf32>,
        %get3A_899 = vector.shape_cast %get3A_898 : vector<1x16xf32> to vector<16xf32>
        %eq3A_900 = vector.broadcast %and3A_781 : i32 to vector<16xi32>
        %eq3A_901 = arith.cmpi eq, %iota3A, %eq3A_900 : vector<16xi32>
        %select_n3A_902 = arith.select %eq3A_901, %sub3A_895, %get3A_899 : vector<16xi1>, vector<16xf32>
        %swap3A_903 = arith.index_cast %min3A : i32 to index
        %swap3A_904 = arith.index_cast %multiple_of3A : i32 to index
        %swap3A_905 = tpu.vector_load %arg8[%swap3A_903, %swap3A_904] {strides = array<i32>} : memref<200x128xf32, #tpu.memory_space<vmem>>, vector<1x16xf32>,
        %swap3A_906 = vector.shape_cast %swap3A_905 : vector<1x16xf32> to vector<16xf32>
        %swap3A_907 = vector.shape_cast %select_n3A_902 : vector<16xf32> to vector<1x16xf32>
        tpu.vector_store %arg8[%swap3A_903, %swap3A_904], %swap3A_907 {strides = array<i32>} : memref<200x128xf32, #tpu.memory_space<vmem>>, vector<1x16xf32>,
      } else {
      }
    }
    %scan3A_728 = arith.constant 128 : i32
    %add3A_729 = arith.constant 200 : i32
    %add3A_730 = arith.addi %mul3A_34, %add3A_729 : i32
    %dma_start3A_731 = tpu.memref_slice %arg4[%add3A_730, %mul3A_32] : memref<100000x1024xf32, #tpu.memory_space<hbm>> -> memref<200x128xf32, #tpu.memory_space<hbm>>
    %dma_start3A_732 = tpu.memref_slice %arg4[%add3A_730, %mul3A_32] : memref<100000x1024xf32, #tpu.memory_space<hbm>> -> memref<200x128xf32, #tpu.memory_space<hbm>>
    tpu.enqueue_dma source(%arg8 : memref<200x128xf32, #tpu.memory_space<vmem>>) target(%dma_start3A_732 : memref<200x128xf32, #tpu.memory_space<hbm>>) target_semaphore(%arg14 : memref<!tpu.dma_semaphore, #tpu.memory_space<semaphore_mem>>)
    %add3A_733 = arith.constant 600 : i32
    %add3A_734 = arith.addi %mul3A_34, %add3A_733 : i32
    %dma_start3A_735 = tpu.memref_slice %arg2[%add3A_734, %mul3A_32] : memref<100000x1024xf32, #tpu.memory_space<hbm>> -> memref<200x128xf32, #tpu.memory_space<hbm>>
    %dma_start3A_736 = tpu.memref_slice %arg2[%add3A_734, %mul3A_32] : memref<100000x1024xf32, #tpu.memory_space<hbm>> -> memref<200x128xf32, #tpu.memory_space<hbm>>
    tpu.enqueue_dma source(%dma_start3A_736 : memref<200x128xf32, #tpu.memory_space<hbm>>) target(%arg6 : memref<200x128xf32, #tpu.memory_space<vmem>>) target_semaphore(%arg12 : memref<!tpu.dma_semaphore, #tpu.memory_space<semaphore_mem>>)
    %scan3A_737 = arith.constant 0 : i32
    %scan3A_738 = arith.constant 0 : i32
    %scan3A_739 = arith.constant 61 : i32
    %scan3A_740 = arith.addi %scan3A_738, %scan3A_739 : i32
    %scan3A_741 = arith.constant 1 : i32
    %scan3A_742 = scf.for %scan3A_765 = %scan3A_738 to %scan3A_740 step %scan3A_741 iter_args(%scan3A_766 = %scan3A_737) -> (i32)  : i32 {
      %mul3A_767 = arith.constant 2 : i32
      %mul3A_768 = arith.muli %scan3A_765, %mul3A_767 : i32
      %add3A_769 = arith.constant 2 : i32
      %add3A_770 = arith.addi %add3A_769, %mul3A_768 : i32
      %add3A_771 = arith.constant 0 : i32
      %add3A_772 = arith.addi %add3A_770, %add3A_771 : i32
      %mul3A_773 = arith.constant 200 : i32
      %mul3A_774 = arith.muli %add3A_772, %mul3A_773 : i32
      %dma_wait3A_775 = tpu.memref_slice %arg4[%mul3A_34, %mul3A_32] : memref<100000x1024xf32, #tpu.memory_space<hbm>> -> memref<200x128xf32, #tpu.memory_space<hbm>>
      %dma_wait3A_776 = tpu.memref_slice %arg4[%mul3A_34, %mul3A_32] : memref<100000x1024xf32, #tpu.memory_space<hbm>> -> memref<200x128xf32, #tpu.memory_space<hbm>>
      tpu.wait_dma2 semaphore(%arg13 : memref<!tpu.dma_semaphore, #tpu.memory_space<semaphore_mem>>) src(%arg7 : memref<200x128xf32, #tpu.memory_space<vmem>>) dst(%dma_wait3A_776 : memref<200x128xf32, #tpu.memory_space<hbm>>)
      %dma_wait3A_777 = tpu.memref_slice %arg2[%mul3A_34, %mul3A_32] : memref<100000x1024xf32, #tpu.memory_space<hbm>> -> memref<200x128xf32, #tpu.memory_space<hbm>>
      %dma_wait3A_778 = tpu.memref_slice %arg2[%mul3A_34, %mul3A_32] : memref<100000x1024xf32, #tpu.memory_space<hbm>> -> memref<200x128xf32, #tpu.memory_space<hbm>>
      tpu.wait_dma2 semaphore(%arg11 : memref<!tpu.dma_semaphore, #tpu.memory_space<semaphore_mem>>) src(%dma_wait3A_778 : memref<200x128xf32, #tpu.memory_space<hbm>>) dst(%arg5 : memref<200x128xf32, #tpu.memory_space<vmem>>)
      %parallel_loop3A_779 = arith.constant 0 : i32
      %parallel_loop3A_780 = arith.constant 200 : i32
      %parallel_loop3A_781 = arith.constant 1 : i32
      scf.for %parallel_loop3A_831 = %parallel_loop3A_779 to %parallel_loop3A_780 step %parallel_loop3A_781  : i32 {
        %parallel_loop3A_832 = arith.index_cast %parallel_loop3A_831 : i32 to index
        %parallel_loop3A_833 = arith.constant 0 : index
        %parallel_loop3A_834 = tpu.vector_load %arg5[%parallel_loop3A_832, %parallel_loop3A_833] {strides = array<i32>} : memref<200x128xf32, #tpu.memory_space<vmem>>, vector<1x16xf32>,
        %parallel_loop3A_835 = vector.shape_cast %parallel_loop3A_834 : vector<1x16xf32> to vector<16xf32>
        %parallel_loop3A_836 = arith.constant 6.400000e+01 : f32
        %parallel_loop3A_837 = vector.broadcast %parallel_loop3A_836 : f32 to vector<16xf32>
        %parallel_loop3A_838 = arith.mulf %parallel_loop3A_835, %parallel_loop3A_837 : vector<16xf32>
        %parallel_loop3A_839 = arith.index_cast %parallel_loop3A_831 : i32 to index
        %parallel_loop3A_840 = arith.constant 0 : index
        %parallel_loop3A_841 = tpu.vector_load %arg7[%parallel_loop3A_839, %parallel_loop3A_840] {strides = array<i32>} : memref<200x128xf32, #tpu.memory_space<vmem>>, vector<1x16xf32>,
        %parallel_loop3A_842 = vector.shape_cast %parallel_loop3A_841 : vector<1x16xf32> to vector<16xf32>
        %parallel_loop3A_843 = vector.shape_cast %parallel_loop3A_838 : vector<16xf32> to vector<1x16xf32>
        tpu.vector_store %arg7[%parallel_loop3A_839, %parallel_loop3A_840], %parallel_loop3A_843 {strides = array<i32>} : memref<200x128xf32, #tpu.memory_space<vmem>>, vector<1x16xf32>,
        %parallel_loop3A_844 = arith.index_cast %parallel_loop3A_831 : i32 to index
        %parallel_loop3A_845 = arith.constant 16 : index
        %parallel_loop3A_846 = tpu.vector_load %arg5[%parallel_loop3A_844, %parallel_loop3A_845] {strides = array<i32>} : memref<200x128xf32, #tpu.memory_space<vmem>>, vector<1x16xf32>,
        %parallel_loop3A_847 = vector.shape_cast %parallel_loop3A_846 : vector<1x16xf32> to vector<16xf32>
        %parallel_loop3A_848 = arith.constant 6.400000e+01 : f32
        %parallel_loop3A_849 = vector.broadcast %parallel_loop3A_848 : f32 to vector<16xf32>
        %parallel_loop3A_850 = arith.mulf %parallel_loop3A_847, %parallel_loop3A_849 : vector<16xf32>
        %parallel_loop3A_851 = arith.index_cast %parallel_loop3A_831 : i32 to index
        %parallel_loop3A_852 = arith.constant 16 : index
        %parallel_loop3A_853 = tpu.vector_load %arg7[%parallel_loop3A_851, %parallel_loop3A_852] {strides = array<i32>} : memref<200x128xf32, #tpu.memory_space<vmem>>, vector<1x16xf32>,
        %parallel_loop3A_854 = vector.shape_cast %parallel_loop3A_853 : vector<1x16xf32> to vector<16xf32>
        %parallel_loop3A_855 = vector.shape_cast %parallel_loop3A_850 : vector<16xf32> to vector<1x16xf32>
        tpu.vector_store %arg7[%parallel_loop3A_851, %parallel_loop3A_852], %parallel_loop3A_855 {strides = array<i32>} : memref<200x128xf32, #tpu.memory_space<vmem>>, vector<1x16xf32>,
        %parallel_loop3A_856 = arith.index_cast %parallel_loop3A_831 : i32 to index
        %parallel_loop3A_857 = arith.constant 32 : index
        %parallel_loop3A_858 = tpu.vector_load %arg5[%parallel_loop3A_856, %parallel_loop3A_857] {strides = array<i32>} : memref<200x128xf32, #tpu.memory_space<vmem>>, vector<1x16xf32>,
        %parallel_loop3A_859 = vector.shape_cast %parallel_loop3A_858 : vector<1x16xf32> to vector<16xf32>
        %parallel_loop3A_860 = arith.constant 6.400000e+01 : f32
        %parallel_loop3A_861 = vector.broadcast %parallel_loop3A_860 : f32 to vector<16xf32>
        %parallel_loop3A_862 = arith.mulf %parallel_loop3A_859, %parallel_loop3A_861 : vector<16xf32>
        %parallel_loop3A_863 = arith.index_cast %parallel_loop3A_831 : i32 to index
        %parallel_loop3A_864 = arith.constant 32 : index
        %parallel_loop3A_865 = tpu.vector_load %arg7[%parallel_loop3A_863, %parallel_loop3A_864] {strides = array<i32>} : memref<200x128xf32, #tpu.memory_space<vmem>>, vector<1x16xf32>,
        %parallel_loop3A_866 = vector.shape_cast %parallel_loop3A_865 : vector<1x16xf32> to vector<16xf32>
        %parallel_loop3A_867 = vector.shape_cast %parallel_loop3A_862 : vector<16xf32> to vector<1x16xf32>
        tpu.vector_store %arg7[%parallel_loop3A_863, %parallel_loop3A_864], %parallel_loop3A_867 {strides = array<i32>} : memref<200x128xf32, #tpu.memory_space<vmem>>, vector<1x16xf32>,
        %parallel_loop3A_868 = arith.index_cast %parallel_loop3A_831 : i32 to index
        %parallel_loop3A_869 = arith.constant 48 : index
        %parallel_loop3A_870 = tpu.vector_load %arg5[%parallel_loop3A_868, %parallel_loop3A_869] {strides = array<i32>} : memref<200x128xf32, #tpu.memory_space<vmem>>, vector<1x16xf32>,
        %parallel_loop3A_871 = vector.shape_cast %parallel_loop3A_870 : vector<1x16xf32> to vector<16xf32>
        %parallel_loop3A_872 = arith.constant 6.400000e+01 : f32
        %parallel_loop3A_873 = vector.broadcast %parallel_loop3A_872 : f32 to vector<16xf32>
        %parallel_loop3A_874 = arith.mulf %parallel_loop3A_871, %parallel_loop3A_873 : vector<16xf32>
        %parallel_loop3A_875 = arith.index_cast %parallel_loop3A_831 : i32 to index
        %parallel_loop3A_876 = arith.constant 48 : index
        %parallel_loop3A_877 = tpu.vector_load %arg7[%parallel_loop3A_875, %parallel_loop3A_876] {strides = array<i32>} : memref<200x128xf32, #tpu.memory_space<vmem>>, vector<1x16xf32>,
        %parallel_loop3A_878 = vector.shape_cast %parallel_loop3A_877 : vector<1x16xf32> to vector<16xf32>
        %parallel_loop3A_879 = vector.shape_cast %parallel_loop3A_874 : vector<16xf32> to vector<1x16xf32>
        tpu.vector_store %arg7[%parallel_loop3A_875, %parallel_loop3A_876], %parallel_loop3A_879 {strides = array<i32>} : memref<200x128xf32, #tpu.memory_space<vmem>>, vector<1x16xf32>,
        %parallel_loop3A_880 = arith.index_cast %parallel_loop3A_831 : i32 to index
        %parallel_loop3A_881 = arith.constant 64 : index
        %parallel_loop3A_882 = tpu.vector_load %arg5[%parallel_loop3A_880, %parallel_loop3A_881] {strides = array<i32>} : memref<200x128xf32, #tpu.memory_space<vmem>>, vector<1x16xf32>,
        %parallel_loop3A_883 = vector.shape_cast %parallel_loop3A_882 : vector<1x16xf32> to vector<16xf32>
        %parallel_loop3A_884 = arith.constant 6.400000e+01 : f32
        %parallel_loop3A_885 = vector.broadcast %parallel_loop3A_884 : f32 to vector<16xf32>
        %parallel_loop3A_886 = arith.mulf %parallel_loop3A_883, %parallel_loop3A_885 : vector<16xf32>
        %parallel_loop3A_887 = arith.index_cast %parallel_loop3A_831 : i32 to index
        %parallel_loop3A_888 = arith.constant 64 : index
        %parallel_loop3A_889 = tpu.vector_load %arg7[%parallel_loop3A_887, %parallel_loop3A_888] {strides = array<i32>} : memref<200x128xf32, #tpu.memory_space<vmem>>, vector<1x16xf32>,
        %parallel_loop3A_890 = vector.shape_cast %parallel_loop3A_889 : vector<1x16xf32> to vector<16xf32>
        %parallel_loop3A_891 = vector.shape_cast %parallel_loop3A_886 : vector<16xf32> to vector<1x16xf32>
        tpu.vector_store %arg7[%parallel_loop3A_887, %parallel_loop3A_888], %parallel_loop3A_891 {strides = array<i32>} : memref<200x128xf32, #tpu.memory_space<vmem>>, vector<1x16xf32>,
        %parallel_loop3A_892 = arith.index_cast %parallel_loop3A_831 : i32 to index
        %parallel_loop3A_893 = arith.constant 80 : index
        %parallel_loop3A_894 = tpu.vector_load %arg5[%parallel_loop3A_892, %parallel_loop3A_893] {strides = array<i32>} : memref<200x128xf32, #tpu.memory_space<vmem>>, vector<1x16xf32>,
        %parallel_loop3A_895 = vector.shape_cast %parallel_loop3A_894 : vector<1x16xf32> to vector<16xf32>
        %parallel_loop3A_896 = arith.constant 6.400000e+01 : f32
        %parallel_loop3A_897 = vector.broadcast %parallel_loop3A_896 : f32 to vector<16xf32>
        %parallel_loop3A_898 = arith.mulf %parallel_loop3A_895, %parallel_loop3A_897 : vector<16xf32>
        %parallel_loop3A_899 = arith.index_cast %parallel_loop3A_831 : i32 to index
        %parallel_loop3A_900 = arith.constant 80 : index
        %parallel_loop3A_901 = tpu.vector_load %arg7[%parallel_loop3A_899, %parallel_loop3A_900] {strides = array<i32>} : memref<200x128xf32, #tpu.memory_space<vmem>>, vector<1x16xf32>,
        %parallel_loop3A_902 = vector.shape_cast %parallel_loop3A_901 : vector<1x16xf32> to vector<16xf32>
        %parallel_loop3A_903 = vector.shape_cast %parallel_loop3A_898 : vector<16xf32> to vector<1x16xf32>
        tpu.vector_store %arg7[%parallel_loop3A_899, %parallel_loop3A_900], %parallel_loop3A_903 {strides = array<i32>} : memref<200x128xf32, #tpu.memory_space<vmem>>, vector<1x16xf32>,
        %parallel_loop3A_904 = arith.index_cast %parallel_loop3A_831 : i32 to index
        %parallel_loop3A_905 = arith.constant 96 : index
        %parallel_loop3A_906 = tpu.vector_load %arg5[%parallel_loop3A_904, %parallel_loop3A_905] {strides = array<i32>} : memref<200x128xf32, #tpu.memory_space<vmem>>, vector<1x16xf32>,
        %parallel_loop3A_907 = vector.shape_cast %parallel_loop3A_906 : vector<1x16xf32> to vector<16xf32>
        %parallel_loop3A_908 = arith.constant 6.400000e+01 : f32
        %parallel_loop3A_909 = vector.broadcast %parallel_loop3A_908 : f32 to vector<16xf32>
        %parallel_loop3A_910 = arith.mulf %parallel_loop3A_907, %parallel_loop3A_909 : vector<16xf32>
        %parallel_loop3A_911 = arith.index_cast %parallel_loop3A_831 : i32 to index
        %parallel_loop3A_912 = arith.constant 96 : index
        %parallel_loop3A_913 = tpu.vector_load %arg7[%parallel_loop3A_911, %parallel_loop3A_912] {strides = array<i32>} : memref<200x128xf32, #tpu.memory_space<vmem>>, vector<1x16xf32>,
        %parallel_loop3A_914 = vector.shape_cast %parallel_loop3A_913 : vector<1x16xf32> to vector<16xf32>
        %parallel_loop3A_915 = vector.shape_cast %parallel_loop3A_910 : vector<16xf32> to vector<1x16xf32>
        tpu.vector_store %arg7[%parallel_loop3A_911, %parallel_loop3A_912], %parallel_loop3A_915 {strides = array<i32>} : memref<200x128xf32, #tpu.memory_space<vmem>>, vector<1x16xf32>,
        %parallel_loop3A_916 = arith.index_cast %parallel_loop3A_831 : i32 to index
        %parallel_loop3A_917 = arith.constant 112 : index
        %parallel_loop3A_918 = tpu.vector_load %arg5[%parallel_loop3A_916, %parallel_loop3A_917] {strides = array<i32>} : memref<200x128xf32, #tpu.memory_space<vmem>>, vector<1x16xf32>,
        %parallel_loop3A_919 = vector.shape_cast %parallel_loop3A_918 : vector<1x16xf32> to vector<16xf32>
        %parallel_loop3A_920 = arith.constant 6.400000e+01 : f32
        %parallel_loop3A_921 = vector.broadcast %parallel_loop3A_920 : f32 to vector<16xf32>
        %parallel_loop3A_922 = arith.mulf %parallel_loop3A_919, %parallel_loop3A_921 : vector<16xf32>
        %parallel_loop3A_923 = arith.index_cast %parallel_loop3A_831 : i32 to index
        %parallel_loop3A_924 = arith.constant 112 : index
        %parallel_loop3A_925 = tpu.vector_load %arg7[%parallel_loop3A_923, %parallel_loop3A_924] {strides = array<i32>} : memref<200x128xf32, #tpu.memory_space<vmem>>, vector<1x16xf32>,
        %parallel_loop3A_926 = vector.shape_cast %parallel_loop3A_925 : vector<1x16xf32> to vector<16xf32>
        %parallel_loop3A_927 = vector.shape_cast %parallel_loop3A_922 : vector<16xf32> to vector<1x16xf32>
        tpu.vector_store %arg7[%parallel_loop3A_923, %parallel_loop3A_924], %parallel_loop3A_927 {strides = array<i32>} : memref<200x128xf32, #tpu.memory_space<vmem>>, vector<1x16xf32>,
      } {sc.loop_unroll_factor = 4 : i64, sc.parallel_access}
      %scan3A_782 = arith.constant 0 : i32
      %scan3A_783 = arith.constant 0 : i32
      %scan3A_784 = arith.constant 128 : i32
      %scan3A_785 = arith.addi %scan3A_783, %scan3A_784 : i32
      %scan3A_786 = arith.constant 1 : i32
      scf.for %scan3A_831 = %scan3A_783 to %scan3A_785 step %scan3A_786  : i32 {
        %get3A_832 = arith.index_cast %scan3A_831 : i32 to index
        %get3A_833 = memref.load %arg10[%get3A_832] : memref<128xi32, #tpu.memory_space<smem>>
        %add3A_834 = arith.addi %mul3A_34, %mul3A_774 : i32
        %sub3A_835 = arith.subi %get3A_833, %add3A_834 : i32
        %ge3A = arith.constant 0 : i32
        %ge3A_836 = arith.cmpi sge, %sub3A_835, %ge3A : i32
        %lt3A_837 = arith.constant 200 : i32
        %lt3A_838 = arith.cmpi slt, %sub3A_835, %lt3A_837 : i32
        %and3A_839 = arith.andi %ge3A_836, %lt3A_838 : i1
        %convert_element_type3A_840 = arith.extui %and3A_839 : i1 to i32
        %cond3A_841 = arith.constant 0 : i32
        %cond3A_842 = arith.cmpi ne, %convert_element_type3A_840, %cond3A_841 : i32
        scf.if %cond3A_842 {
          %jit3A_843 = arith.constant 0 : i32
          %jit3A_844 = arith.constant 199 : i32
          %max3A = arith.maxsi %jit3A_843, %sub3A_835 : i32
          %min3A = arith.minsi %jit3A_844, %max3A : i32
          %shift_right_arithmetic3A = arith.constant 4 : i32
          %shift_right_arithmetic3A_845 = arith.shrsi %scan3A_831, %shift_right_arithmetic3A : i32
          %shift_left3A = arith.constant 4 : i32
          %shift_left3A_846 = arith.shli %shift_right_arithmetic3A_845, %shift_left3A : i32
          %multiple_of3A = tpu.assume_multiple %shift_left3A_846, 16 : i32
          %and3A_847 = arith.constant 15 : i32
          %and3A_848 = arith.andi %scan3A_831, %and3A_847 : i32
          %get3A_849 = arith.index_cast %min3A : i32 to index
          %get3A_850 = arith.index_cast %multiple_of3A : i32 to index
          %get3A_851 = tpu.vector_load %arg5[%get3A_849, %get3A_850] {strides = array<i32>} : memref<200x128xf32, #tpu.memory_space<vmem>>, vector<1x16xf32>,
          %get3A_852 = vector.shape_cast %get3A_851 : vector<1x16xf32> to vector<16xf32>
          %mul3A_853 = arith.mulf %get3A_852, %get3A_852 : vector<16xf32>
          %sub3A_854 = arith.constant 1.000000e+00 : f32
          %sub3A_855 = vector.broadcast %sub3A_854 : f32 to vector<16xf32>
          %sub3A_856 = arith.subf %sub3A_855, %mul3A_853 : vector<16xf32>
          %max3A_857 = arith.constant 0.000000e+00 : f32
          %max3A_858 = vector.broadcast %max3A_857 : f32 to vector<16xf32>
          %max3A_859 = arith.maximumf %sub3A_856, %max3A_858 : vector<16xf32>
          %add3A_860 = arith.constant 1.000000e+00 : f32
          %add3A_861 = vector.broadcast %add3A_860 : f32 to vector<16xf32>
          %add3A_862 = arith.addf %add3A_861, %max3A_859 : vector<16xf32>
          %mul3A_863 = arith.constant 5.000000e-01 : f32
          %mul3A_864 = vector.broadcast %mul3A_863 : f32 to vector<16xf32>
          %mul3A_865 = arith.mulf %mul3A_864, %add3A_862 : vector<16xf32>
          %div3A_866 = arith.divf %max3A_859, %mul3A_865 : vector<16xf32>
          %add3A_867 = arith.addf %mul3A_865, %div3A_866 : vector<16xf32>
          %mul3A_868 = arith.constant 5.000000e-01 : f32
          %mul3A_869 = vector.broadcast %mul3A_868 : f32 to vector<16xf32>
          %mul3A_870 = arith.mulf %mul3A_869, %add3A_867 : vector<16xf32>
          %div3A_871 = arith.divf %max3A_859, %mul3A_870 : vector<16xf32>
          %add3A_872 = arith.addf %mul3A_870, %div3A_871 : vector<16xf32>
          %mul3A_873 = arith.constant 5.000000e-01 : f32
          %mul3A_874 = vector.broadcast %mul3A_873 : f32 to vector<16xf32>
          %mul3A_875 = arith.mulf %mul3A_874, %add3A_872 : vector<16xf32>
          %div3A_876 = arith.divf %max3A_859, %mul3A_875 : vector<16xf32>
          %add3A_877 = arith.addf %mul3A_875, %div3A_876 : vector<16xf32>
          %mul3A_878 = arith.constant 5.000000e-01 : f32
          %mul3A_879 = vector.broadcast %mul3A_878 : f32 to vector<16xf32>
          %mul3A_880 = arith.mulf %mul3A_879, %add3A_877 : vector<16xf32>
          %div3A_881 = arith.divf %max3A_859, %mul3A_880 : vector<16xf32>
          %add3A_882 = arith.addf %mul3A_880, %div3A_881 : vector<16xf32>
          %mul3A_883 = arith.constant 5.000000e-01 : f32
          %mul3A_884 = vector.broadcast %mul3A_883 : f32 to vector<16xf32>
          %mul3A_885 = arith.mulf %mul3A_884, %add3A_882 : vector<16xf32>
          %div3A_886 = arith.divf %max3A_859, %mul3A_885 : vector<16xf32>
          %add3A_887 = arith.addf %mul3A_885, %div3A_886 : vector<16xf32>
          %mul3A_888 = arith.constant 5.000000e-01 : f32
          %mul3A_889 = vector.broadcast %mul3A_888 : f32 to vector<16xf32>
          %mul3A_890 = arith.mulf %mul3A_889, %add3A_887 : vector<16xf32>
          %div3A_891 = arith.divf %max3A_859, %mul3A_890 : vector<16xf32>
          %add3A_892 = arith.addf %mul3A_890, %div3A_891 : vector<16xf32>
          %mul3A_893 = arith.constant 5.000000e-01 : f32
          %mul3A_894 = vector.broadcast %mul3A_893 : f32 to vector<16xf32>
          %mul3A_895 = arith.mulf %mul3A_894, %add3A_892 : vector<16xf32>
          %div3A_896 = arith.divf %max3A_859, %mul3A_895 : vector<16xf32>
          %add3A_897 = arith.addf %mul3A_895, %div3A_896 : vector<16xf32>
          %mul3A_898 = arith.constant 5.000000e-01 : f32
          %mul3A_899 = vector.broadcast %mul3A_898 : f32 to vector<16xf32>
          %mul3A_900 = arith.mulf %mul3A_899, %add3A_897 : vector<16xf32>
          %div3A_901 = arith.divf %max3A_859, %mul3A_900 : vector<16xf32>
          %add3A_902 = arith.addf %mul3A_900, %div3A_901 : vector<16xf32>
          %mul3A_903 = arith.constant 5.000000e-01 : f32
          %mul3A_904 = vector.broadcast %mul3A_903 : f32 to vector<16xf32>
          %mul3A_905 = arith.mulf %mul3A_904, %add3A_902 : vector<16xf32>
          %div3A_906 = arith.divf %max3A_859, %mul3A_905 : vector<16xf32>
          %add3A_907 = arith.addf %mul3A_905, %div3A_906 : vector<16xf32>
          %mul3A_908 = arith.constant 5.000000e-01 : f32
          %mul3A_909 = vector.broadcast %mul3A_908 : f32 to vector<16xf32>
          %mul3A_910 = arith.mulf %mul3A_909, %add3A_907 : vector<16xf32>
          %div3A_911 = arith.divf %max3A_859, %mul3A_910 : vector<16xf32>
          %add3A_912 = arith.addf %mul3A_910, %div3A_911 : vector<16xf32>
          %mul3A_913 = arith.constant 5.000000e-01 : f32
          %mul3A_914 = vector.broadcast %mul3A_913 : f32 to vector<16xf32>
          %mul3A_915 = arith.mulf %mul3A_914, %add3A_912 : vector<16xf32>
          %div3A_916 = arith.divf %max3A_859, %mul3A_915 : vector<16xf32>
          %add3A_917 = arith.addf %mul3A_915, %div3A_916 : vector<16xf32>
          %mul3A_918 = arith.constant 5.000000e-01 : f32
          %mul3A_919 = vector.broadcast %mul3A_918 : f32 to vector<16xf32>
          %mul3A_920 = arith.mulf %mul3A_919, %add3A_917 : vector<16xf32>
          %div3A_921 = arith.divf %max3A_859, %mul3A_920 : vector<16xf32>
          %add3A_922 = arith.addf %mul3A_920, %div3A_921 : vector<16xf32>
          %mul3A_923 = arith.constant 5.000000e-01 : f32
          %mul3A_924 = vector.broadcast %mul3A_923 : f32 to vector<16xf32>
          %mul3A_925 = arith.mulf %mul3A_924, %add3A_922 : vector<16xf32>
          %div3A_926 = arith.divf %max3A_859, %mul3A_925 : vector<16xf32>
          %add3A_927 = arith.addf %mul3A_925, %div3A_926 : vector<16xf32>
          %mul3A_928 = arith.constant 5.000000e-01 : f32
          %mul3A_929 = vector.broadcast %mul3A_928 : f32 to vector<16xf32>
          %mul3A_930 = arith.mulf %mul3A_929, %add3A_927 : vector<16xf32>
          %div3A_931 = arith.divf %max3A_859, %mul3A_930 : vector<16xf32>
          %add3A_932 = arith.addf %mul3A_930, %div3A_931 : vector<16xf32>
          %mul3A_933 = arith.constant 5.000000e-01 : f32
          %mul3A_934 = vector.broadcast %mul3A_933 : f32 to vector<16xf32>
          %mul3A_935 = arith.mulf %mul3A_934, %add3A_932 : vector<16xf32>
          %div3A_936 = arith.divf %max3A_859, %mul3A_935 : vector<16xf32>
          %add3A_937 = arith.addf %mul3A_935, %div3A_936 : vector<16xf32>
          %mul3A_938 = arith.constant 5.000000e-01 : f32
          %mul3A_939 = vector.broadcast %mul3A_938 : f32 to vector<16xf32>
          %mul3A_940 = arith.mulf %mul3A_939, %add3A_937 : vector<16xf32>
          %div3A_941 = arith.divf %max3A_859, %mul3A_940 : vector<16xf32>
          %add3A_942 = arith.addf %mul3A_940, %div3A_941 : vector<16xf32>
          %mul3A_943 = arith.constant 5.000000e-01 : f32
          %mul3A_944 = vector.broadcast %mul3A_943 : f32 to vector<16xf32>
          %mul3A_945 = arith.mulf %mul3A_944, %add3A_942 : vector<16xf32>
          %div3A_946 = arith.divf %max3A_859, %mul3A_945 : vector<16xf32>
          %add3A_947 = arith.addf %mul3A_945, %div3A_946 : vector<16xf32>
          %mul3A_948 = arith.constant 5.000000e-01 : f32
          %mul3A_949 = vector.broadcast %mul3A_948 : f32 to vector<16xf32>
          %mul3A_950 = arith.mulf %mul3A_949, %add3A_947 : vector<16xf32>
          %div3A_951 = arith.divf %max3A_859, %mul3A_950 : vector<16xf32>
          %add3A_952 = arith.addf %mul3A_950, %div3A_951 : vector<16xf32>
          %mul3A_953 = arith.constant 5.000000e-01 : f32
          %mul3A_954 = vector.broadcast %mul3A_953 : f32 to vector<16xf32>
          %mul3A_955 = arith.mulf %mul3A_954, %add3A_952 : vector<16xf32>
          %mul3A_956 = arith.constant 56.1652832 : f32
          %mul3A_957 = vector.broadcast %mul3A_956 : f32 to vector<16xf32>
          %mul3A_958 = arith.mulf %mul3A_957, %get3A_852 : vector<16xf32>
          %mul3A_959 = arith.constant 30.6832352 : f32
          %mul3A_960 = vector.broadcast %mul3A_959 : f32 to vector<16xf32>
          %mul3A_961 = arith.mulf %mul3A_960, %mul3A_955 : vector<16xf32>
          %sub3A_962 = arith.subf %mul3A_958, %mul3A_961 : vector<16xf32>
          %get3A_963 = arith.index_cast %min3A : i32 to index
          %get3A_964 = arith.index_cast %multiple_of3A : i32 to index
          %get3A_965 = tpu.vector_load %arg7[%get3A_963, %get3A_964] {strides = array<i32>} : memref<200x128xf32, #tpu.memory_space<vmem>>, vector<1x16xf32>,
          %get3A_966 = vector.shape_cast %get3A_965 : vector<1x16xf32> to vector<16xf32>
          %eq3A_967 = vector.broadcast %and3A_848 : i32 to vector<16xi32>
          %eq3A_968 = arith.cmpi eq, %iota3A, %eq3A_967 : vector<16xi32>
          %select_n3A_969 = arith.select %eq3A_968, %sub3A_962, %get3A_966 : vector<16xi1>, vector<16xf32>
          %swap3A_970 = arith.index_cast %min3A : i32 to index
          %swap3A_971 = arith.index_cast %multiple_of3A : i32 to index
          %swap3A_972 = tpu.vector_load %arg7[%swap3A_970, %swap3A_971] {strides = array<i32>} : memref<200x128xf32, #tpu.memory_space<vmem>>, vector<1x16xf32>,
          %swap3A_973 = vector.shape_cast %swap3A_972 : vector<1x16xf32> to vector<16xf32>
          %swap3A_974 = vector.shape_cast %select_n3A_969 : vector<16xf32> to vector<1x16xf32>
          tpu.vector_store %arg7[%swap3A_970, %swap3A_971], %swap3A_974 {strides = array<i32>} : memref<200x128xf32, #tpu.memory_space<vmem>>, vector<1x16xf32>,
        } else {
        }
      }
      %scan3A_787 = arith.constant 128 : i32
      %mul3A_788 = arith.constant 200 : i32
      %mul3A_789 = arith.muli %add3A_772, %mul3A_788 : i32
      %add3A_790 = arith.addi %mul3A_34, %mul3A_789 : i32
      %dma_start3A_791 = tpu.memref_slice %arg4[%add3A_790, %mul3A_32] : memref<100000x1024xf32, #tpu.memory_space<hbm>> -> memref<200x128xf32, #tpu.memory_space<hbm>>
      %dma_start3A_792 = tpu.memref_slice %arg4[%add3A_790, %mul3A_32] : memref<100000x1024xf32, #tpu.memory_space<hbm>> -> memref<200x128xf32, #tpu.memory_space<hbm>>
      tpu.enqueue_dma source(%arg7 : memref<200x128xf32, #tpu.memory_space<vmem>>) target(%dma_start3A_792 : memref<200x128xf32, #tpu.memory_space<hbm>>) target_semaphore(%arg13 : memref<!tpu.dma_semaphore, #tpu.memory_space<semaphore_mem>>)
      %add3A_793 = arith.constant 2 : i32
      %add3A_794 = arith.addi %add3A_772, %add3A_793 : i32
      %le3A = arith.constant 124 : i32
      %le3A_795 = arith.cmpi sle, %add3A_794, %le3A : i32
      %convert_element_type3A = arith.extui %le3A_795 : i1 to i32
      %cond3A = arith.constant 0 : i32
      %cond3A_796 = arith.cmpi ne, %convert_element_type3A, %cond3A : i32
      scf.if %cond3A_796 {
        %add3A_831 = arith.constant 2 : i32
        %add3A_832 = arith.addi %add3A_772, %add3A_831 : i32
        %mul3A_833 = arith.constant 200 : i32
        %mul3A_834 = arith.muli %add3A_832, %mul3A_833 : i32
        %add3A_835 = arith.addi %mul3A_34, %mul3A_834 : i32
        %dma_start3A_836 = tpu.memref_slice %arg2[%add3A_835, %mul3A_32] : memref<100000x1024xf32, #tpu.memory_space<hbm>> -> memref<200x128xf32, #tpu.memory_space<hbm>>
        %dma_start3A_837 = tpu.memref_slice %arg2[%add3A_835, %mul3A_32] : memref<100000x1024xf32, #tpu.memory_space<hbm>> -> memref<200x128xf32, #tpu.memory_space<hbm>>
        tpu.enqueue_dma source(%dma_start3A_837 : memref<200x128xf32, #tpu.memory_space<hbm>>) target(%arg5 : memref<200x128xf32, #tpu.memory_space<vmem>>) target_semaphore(%arg11 : memref<!tpu.dma_semaphore, #tpu.memory_space<semaphore_mem>>)
      } else {
      }
      %mul3A_797 = arith.constant 2 : i32
      %mul3A_798 = arith.muli %scan3A_765, %mul3A_797 : i32
      %add3A_799 = arith.constant 2 : i32
      %add3A_800 = arith.addi %add3A_799, %mul3A_798 : i32
      %add3A_801 = arith.constant 1 : i32
      %add3A_802 = arith.addi %add3A_800, %add3A_801 : i32
      %mul3A_803 = arith.constant 200 : i32
      %mul3A_804 = arith.muli %add3A_802, %mul3A_803 : i32
      %dma_wait3A_805 = tpu.memref_slice %arg4[%mul3A_34, %mul3A_32] : memref<100000x1024xf32, #tpu.memory_space<hbm>> -> memref<200x128xf32, #tpu.memory_space<hbm>>
      %dma_wait3A_806 = tpu.memref_slice %arg4[%mul3A_34, %mul3A_32] : memref<100000x1024xf32, #tpu.memory_space<hbm>> -> memref<200x128xf32, #tpu.memory_space<hbm>>
      tpu.wait_dma2 semaphore(%arg14 : memref<!tpu.dma_semaphore, #tpu.memory_space<semaphore_mem>>) src(%arg8 : memref<200x128xf32, #tpu.memory_space<vmem>>) dst(%dma_wait3A_806 : memref<200x128xf32, #tpu.memory_space<hbm>>)
      %dma_wait3A_807 = tpu.memref_slice %arg2[%mul3A_34, %mul3A_32] : memref<100000x1024xf32, #tpu.memory_space<hbm>> -> memref<200x128xf32, #tpu.memory_space<hbm>>
      %dma_wait3A_808 = tpu.memref_slice %arg2[%mul3A_34, %mul3A_32] : memref<100000x1024xf32, #tpu.memory_space<hbm>> -> memref<200x128xf32, #tpu.memory_space<hbm>>
      tpu.wait_dma2 semaphore(%arg12 : memref<!tpu.dma_semaphore, #tpu.memory_space<semaphore_mem>>) src(%dma_wait3A_808 : memref<200x128xf32, #tpu.memory_space<hbm>>) dst(%arg6 : memref<200x128xf32, #tpu.memory_space<vmem>>)
      %parallel_loop3A_809 = arith.constant 0 : i32
      %parallel_loop3A_810 = arith.constant 200 : i32
      %parallel_loop3A_811 = arith.constant 1 : i32
      scf.for %parallel_loop3A_831 = %parallel_loop3A_809 to %parallel_loop3A_810 step %parallel_loop3A_811  : i32 {
        %parallel_loop3A_832 = arith.index_cast %parallel_loop3A_831 : i32 to index
        %parallel_loop3A_833 = arith.constant 0 : index
        %parallel_loop3A_834 = tpu.vector_load %arg6[%parallel_loop3A_832, %parallel_loop3A_833] {strides = array<i32>} : memref<200x128xf32, #tpu.memory_space<vmem>>, vector<1x16xf32>,
        %parallel_loop3A_835 = vector.shape_cast %parallel_loop3A_834 : vector<1x16xf32> to vector<16xf32>
        %parallel_loop3A_836 = arith.constant 6.400000e+01 : f32
        %parallel_loop3A_837 = vector.broadcast %parallel_loop3A_836 : f32 to vector<16xf32>
        %parallel_loop3A_838 = arith.mulf %parallel_loop3A_835, %parallel_loop3A_837 : vector<16xf32>
        %parallel_loop3A_839 = arith.index_cast %parallel_loop3A_831 : i32 to index
        %parallel_loop3A_840 = arith.constant 0 : index
        %parallel_loop3A_841 = tpu.vector_load %arg8[%parallel_loop3A_839, %parallel_loop3A_840] {strides = array<i32>} : memref<200x128xf32, #tpu.memory_space<vmem>>, vector<1x16xf32>,
        %parallel_loop3A_842 = vector.shape_cast %parallel_loop3A_841 : vector<1x16xf32> to vector<16xf32>
        %parallel_loop3A_843 = vector.shape_cast %parallel_loop3A_838 : vector<16xf32> to vector<1x16xf32>
        tpu.vector_store %arg8[%parallel_loop3A_839, %parallel_loop3A_840], %parallel_loop3A_843 {strides = array<i32>} : memref<200x128xf32, #tpu.memory_space<vmem>>, vector<1x16xf32>,
        %parallel_loop3A_844 = arith.index_cast %parallel_loop3A_831 : i32 to index
        %parallel_loop3A_845 = arith.constant 16 : index
        %parallel_loop3A_846 = tpu.vector_load %arg6[%parallel_loop3A_844, %parallel_loop3A_845] {strides = array<i32>} : memref<200x128xf32, #tpu.memory_space<vmem>>, vector<1x16xf32>,
        %parallel_loop3A_847 = vector.shape_cast %parallel_loop3A_846 : vector<1x16xf32> to vector<16xf32>
        %parallel_loop3A_848 = arith.constant 6.400000e+01 : f32
        %parallel_loop3A_849 = vector.broadcast %parallel_loop3A_848 : f32 to vector<16xf32>
        %parallel_loop3A_850 = arith.mulf %parallel_loop3A_847, %parallel_loop3A_849 : vector<16xf32>
        %parallel_loop3A_851 = arith.index_cast %parallel_loop3A_831 : i32 to index
        %parallel_loop3A_852 = arith.constant 16 : index
        %parallel_loop3A_853 = tpu.vector_load %arg8[%parallel_loop3A_851, %parallel_loop3A_852] {strides = array<i32>} : memref<200x128xf32, #tpu.memory_space<vmem>>, vector<1x16xf32>,
        %parallel_loop3A_854 = vector.shape_cast %parallel_loop3A_853 : vector<1x16xf32> to vector<16xf32>
        %parallel_loop3A_855 = vector.shape_cast %parallel_loop3A_850 : vector<16xf32> to vector<1x16xf32>
        tpu.vector_store %arg8[%parallel_loop3A_851, %parallel_loop3A_852], %parallel_loop3A_855 {strides = array<i32>} : memref<200x128xf32, #tpu.memory_space<vmem>>, vector<1x16xf32>,
        %parallel_loop3A_856 = arith.index_cast %parallel_loop3A_831 : i32 to index
        %parallel_loop3A_857 = arith.constant 32 : index
        %parallel_loop3A_858 = tpu.vector_load %arg6[%parallel_loop3A_856, %parallel_loop3A_857] {strides = array<i32>} : memref<200x128xf32, #tpu.memory_space<vmem>>, vector<1x16xf32>,
        %parallel_loop3A_859 = vector.shape_cast %parallel_loop3A_858 : vector<1x16xf32> to vector<16xf32>
        %parallel_loop3A_860 = arith.constant 6.400000e+01 : f32
        %parallel_loop3A_861 = vector.broadcast %parallel_loop3A_860 : f32 to vector<16xf32>
        %parallel_loop3A_862 = arith.mulf %parallel_loop3A_859, %parallel_loop3A_861 : vector<16xf32>
        %parallel_loop3A_863 = arith.index_cast %parallel_loop3A_831 : i32 to index
        %parallel_loop3A_864 = arith.constant 32 : index
        %parallel_loop3A_865 = tpu.vector_load %arg8[%parallel_loop3A_863, %parallel_loop3A_864] {strides = array<i32>} : memref<200x128xf32, #tpu.memory_space<vmem>>, vector<1x16xf32>,
        %parallel_loop3A_866 = vector.shape_cast %parallel_loop3A_865 : vector<1x16xf32> to vector<16xf32>
        %parallel_loop3A_867 = vector.shape_cast %parallel_loop3A_862 : vector<16xf32> to vector<1x16xf32>
        tpu.vector_store %arg8[%parallel_loop3A_863, %parallel_loop3A_864], %parallel_loop3A_867 {strides = array<i32>} : memref<200x128xf32, #tpu.memory_space<vmem>>, vector<1x16xf32>,
        %parallel_loop3A_868 = arith.index_cast %parallel_loop3A_831 : i32 to index
        %parallel_loop3A_869 = arith.constant 48 : index
        %parallel_loop3A_870 = tpu.vector_load %arg6[%parallel_loop3A_868, %parallel_loop3A_869] {strides = array<i32>} : memref<200x128xf32, #tpu.memory_space<vmem>>, vector<1x16xf32>,
        %parallel_loop3A_871 = vector.shape_cast %parallel_loop3A_870 : vector<1x16xf32> to vector<16xf32>
        %parallel_loop3A_872 = arith.constant 6.400000e+01 : f32
        %parallel_loop3A_873 = vector.broadcast %parallel_loop3A_872 : f32 to vector<16xf32>
        %parallel_loop3A_874 = arith.mulf %parallel_loop3A_871, %parallel_loop3A_873 : vector<16xf32>
        %parallel_loop3A_875 = arith.index_cast %parallel_loop3A_831 : i32 to index
        %parallel_loop3A_876 = arith.constant 48 : index
        %parallel_loop3A_877 = tpu.vector_load %arg8[%parallel_loop3A_875, %parallel_loop3A_876] {strides = array<i32>} : memref<200x128xf32, #tpu.memory_space<vmem>>, vector<1x16xf32>,
        %parallel_loop3A_878 = vector.shape_cast %parallel_loop3A_877 : vector<1x16xf32> to vector<16xf32>
        %parallel_loop3A_879 = vector.shape_cast %parallel_loop3A_874 : vector<16xf32> to vector<1x16xf32>
        tpu.vector_store %arg8[%parallel_loop3A_875, %parallel_loop3A_876], %parallel_loop3A_879 {strides = array<i32>} : memref<200x128xf32, #tpu.memory_space<vmem>>, vector<1x16xf32>,
        %parallel_loop3A_880 = arith.index_cast %parallel_loop3A_831 : i32 to index
        %parallel_loop3A_881 = arith.constant 64 : index
        %parallel_loop3A_882 = tpu.vector_load %arg6[%parallel_loop3A_880, %parallel_loop3A_881] {strides = array<i32>} : memref<200x128xf32, #tpu.memory_space<vmem>>, vector<1x16xf32>,
        %parallel_loop3A_883 = vector.shape_cast %parallel_loop3A_882 : vector<1x16xf32> to vector<16xf32>
        %parallel_loop3A_884 = arith.constant 6.400000e+01 : f32
        %parallel_loop3A_885 = vector.broadcast %parallel_loop3A_884 : f32 to vector<16xf32>
        %parallel_loop3A_886 = arith.mulf %parallel_loop3A_883, %parallel_loop3A_885 : vector<16xf32>
        %parallel_loop3A_887 = arith.index_cast %parallel_loop3A_831 : i32 to index
        %parallel_loop3A_888 = arith.constant 64 : index
        %parallel_loop3A_889 = tpu.vector_load %arg8[%parallel_loop3A_887, %parallel_loop3A_888] {strides = array<i32>} : memref<200x128xf32, #tpu.memory_space<vmem>>, vector<1x16xf32>,
        %parallel_loop3A_890 = vector.shape_cast %parallel_loop3A_889 : vector<1x16xf32> to vector<16xf32>
        %parallel_loop3A_891 = vector.shape_cast %parallel_loop3A_886 : vector<16xf32> to vector<1x16xf32>
        tpu.vector_store %arg8[%parallel_loop3A_887, %parallel_loop3A_888], %parallel_loop3A_891 {strides = array<i32>} : memref<200x128xf32, #tpu.memory_space<vmem>>, vector<1x16xf32>,
        %parallel_loop3A_892 = arith.index_cast %parallel_loop3A_831 : i32 to index
        %parallel_loop3A_893 = arith.constant 80 : index
        %parallel_loop3A_894 = tpu.vector_load %arg6[%parallel_loop3A_892, %parallel_loop3A_893] {strides = array<i32>} : memref<200x128xf32, #tpu.memory_space<vmem>>, vector<1x16xf32>,
        %parallel_loop3A_895 = vector.shape_cast %parallel_loop3A_894 : vector<1x16xf32> to vector<16xf32>
        %parallel_loop3A_896 = arith.constant 6.400000e+01 : f32
        %parallel_loop3A_897 = vector.broadcast %parallel_loop3A_896 : f32 to vector<16xf32>
        %parallel_loop3A_898 = arith.mulf %parallel_loop3A_895, %parallel_loop3A_897 : vector<16xf32>
        %parallel_loop3A_899 = arith.index_cast %parallel_loop3A_831 : i32 to index
        %parallel_loop3A_900 = arith.constant 80 : index
        %parallel_loop3A_901 = tpu.vector_load %arg8[%parallel_loop3A_899, %parallel_loop3A_900] {strides = array<i32>} : memref<200x128xf32, #tpu.memory_space<vmem>>, vector<1x16xf32>,
        %parallel_loop3A_902 = vector.shape_cast %parallel_loop3A_901 : vector<1x16xf32> to vector<16xf32>
        %parallel_loop3A_903 = vector.shape_cast %parallel_loop3A_898 : vector<16xf32> to vector<1x16xf32>
        tpu.vector_store %arg8[%parallel_loop3A_899, %parallel_loop3A_900], %parallel_loop3A_903 {strides = array<i32>} : memref<200x128xf32, #tpu.memory_space<vmem>>, vector<1x16xf32>,
        %parallel_loop3A_904 = arith.index_cast %parallel_loop3A_831 : i32 to index
        %parallel_loop3A_905 = arith.constant 96 : index
        %parallel_loop3A_906 = tpu.vector_load %arg6[%parallel_loop3A_904, %parallel_loop3A_905] {strides = array<i32>} : memref<200x128xf32, #tpu.memory_space<vmem>>, vector<1x16xf32>,
        %parallel_loop3A_907 = vector.shape_cast %parallel_loop3A_906 : vector<1x16xf32> to vector<16xf32>
        %parallel_loop3A_908 = arith.constant 6.400000e+01 : f32
        %parallel_loop3A_909 = vector.broadcast %parallel_loop3A_908 : f32 to vector<16xf32>
        %parallel_loop3A_910 = arith.mulf %parallel_loop3A_907, %parallel_loop3A_909 : vector<16xf32>
        %parallel_loop3A_911 = arith.index_cast %parallel_loop3A_831 : i32 to index
        %parallel_loop3A_912 = arith.constant 96 : index
        %parallel_loop3A_913 = tpu.vector_load %arg8[%parallel_loop3A_911, %parallel_loop3A_912] {strides = array<i32>} : memref<200x128xf32, #tpu.memory_space<vmem>>, vector<1x16xf32>,
        %parallel_loop3A_914 = vector.shape_cast %parallel_loop3A_913 : vector<1x16xf32> to vector<16xf32>
        %parallel_loop3A_915 = vector.shape_cast %parallel_loop3A_910 : vector<16xf32> to vector<1x16xf32>
        tpu.vector_store %arg8[%parallel_loop3A_911, %parallel_loop3A_912], %parallel_loop3A_915 {strides = array<i32>} : memref<200x128xf32, #tpu.memory_space<vmem>>, vector<1x16xf32>,
        %parallel_loop3A_916 = arith.index_cast %parallel_loop3A_831 : i32 to index
        %parallel_loop3A_917 = arith.constant 112 : index
        %parallel_loop3A_918 = tpu.vector_load %arg6[%parallel_loop3A_916, %parallel_loop3A_917] {strides = array<i32>} : memref<200x128xf32, #tpu.memory_space<vmem>>, vector<1x16xf32>,
        %parallel_loop3A_919 = vector.shape_cast %parallel_loop3A_918 : vector<1x16xf32> to vector<16xf32>
        %parallel_loop3A_920 = arith.constant 6.400000e+01 : f32
        %parallel_loop3A_921 = vector.broadcast %parallel_loop3A_920 : f32 to vector<16xf32>
        %parallel_loop3A_922 = arith.mulf %parallel_loop3A_919, %parallel_loop3A_921 : vector<16xf32>
        %parallel_loop3A_923 = arith.index_cast %parallel_loop3A_831 : i32 to index
        %parallel_loop3A_924 = arith.constant 112 : index
        %parallel_loop3A_925 = tpu.vector_load %arg8[%parallel_loop3A_923, %parallel_loop3A_924] {strides = array<i32>} : memref<200x128xf32, #tpu.memory_space<vmem>>, vector<1x16xf32>,
        %parallel_loop3A_926 = vector.shape_cast %parallel_loop3A_925 : vector<1x16xf32> to vector<16xf32>
        %parallel_loop3A_927 = vector.shape_cast %parallel_loop3A_922 : vector<16xf32> to vector<1x16xf32>
        tpu.vector_store %arg8[%parallel_loop3A_923, %parallel_loop3A_924], %parallel_loop3A_927 {strides = array<i32>} : memref<200x128xf32, #tpu.memory_space<vmem>>, vector<1x16xf32>,
      } {sc.loop_unroll_factor = 4 : i64, sc.parallel_access}
      %scan3A_812 = arith.constant 0 : i32
      %scan3A_813 = arith.constant 0 : i32
      %scan3A_814 = arith.constant 128 : i32
      %scan3A_815 = arith.addi %scan3A_813, %scan3A_814 : i32
      %scan3A_816 = arith.constant 1 : i32
      scf.for %scan3A_831 = %scan3A_813 to %scan3A_815 step %scan3A_816  : i32 {
        %get3A_832 = arith.index_cast %scan3A_831 : i32 to index
        %get3A_833 = memref.load %arg10[%get3A_832] : memref<128xi32, #tpu.memory_space<smem>>
        %add3A_834 = arith.addi %mul3A_34, %mul3A_804 : i32
        %sub3A_835 = arith.subi %get3A_833, %add3A_834 : i32
        %ge3A = arith.constant 0 : i32
        %ge3A_836 = arith.cmpi sge, %sub3A_835, %ge3A : i32
        %lt3A_837 = arith.constant 200 : i32
        %lt3A_838 = arith.cmpi slt, %sub3A_835, %lt3A_837 : i32
        %and3A_839 = arith.andi %ge3A_836, %lt3A_838 : i1
        %convert_element_type3A_840 = arith.extui %and3A_839 : i1 to i32
        %cond3A_841 = arith.constant 0 : i32
        %cond3A_842 = arith.cmpi ne, %convert_element_type3A_840, %cond3A_841 : i32
        scf.if %cond3A_842 {
          %jit3A_843 = arith.constant 0 : i32
          %jit3A_844 = arith.constant 199 : i32
          %max3A = arith.maxsi %jit3A_843, %sub3A_835 : i32
          %min3A = arith.minsi %jit3A_844, %max3A : i32
          %shift_right_arithmetic3A = arith.constant 4 : i32
          %shift_right_arithmetic3A_845 = arith.shrsi %scan3A_831, %shift_right_arithmetic3A : i32
          %shift_left3A = arith.constant 4 : i32
          %shift_left3A_846 = arith.shli %shift_right_arithmetic3A_845, %shift_left3A : i32
          %multiple_of3A = tpu.assume_multiple %shift_left3A_846, 16 : i32
          %and3A_847 = arith.constant 15 : i32
          %and3A_848 = arith.andi %scan3A_831, %and3A_847 : i32
          %get3A_849 = arith.index_cast %min3A : i32 to index
          %get3A_850 = arith.index_cast %multiple_of3A : i32 to index
          %get3A_851 = tpu.vector_load %arg6[%get3A_849, %get3A_850] {strides = array<i32>} : memref<200x128xf32, #tpu.memory_space<vmem>>, vector<1x16xf32>,
          %get3A_852 = vector.shape_cast %get3A_851 : vector<1x16xf32> to vector<16xf32>
          %mul3A_853 = arith.mulf %get3A_852, %get3A_852 : vector<16xf32>
          %sub3A_854 = arith.constant 1.000000e+00 : f32
          %sub3A_855 = vector.broadcast %sub3A_854 : f32 to vector<16xf32>
          %sub3A_856 = arith.subf %sub3A_855, %mul3A_853 : vector<16xf32>
          %max3A_857 = arith.constant 0.000000e+00 : f32
          %max3A_858 = vector.broadcast %max3A_857 : f32 to vector<16xf32>
          %max3A_859 = arith.maximumf %sub3A_856, %max3A_858 : vector<16xf32>
          %add3A_860 = arith.constant 1.000000e+00 : f32
          %add3A_861 = vector.broadcast %add3A_860 : f32 to vector<16xf32>
          %add3A_862 = arith.addf %add3A_861, %max3A_859 : vector<16xf32>
          %mul3A_863 = arith.constant 5.000000e-01 : f32
          %mul3A_864 = vector.broadcast %mul3A_863 : f32 to vector<16xf32>
          %mul3A_865 = arith.mulf %mul3A_864, %add3A_862 : vector<16xf32>
          %div3A_866 = arith.divf %max3A_859, %mul3A_865 : vector<16xf32>
          %add3A_867 = arith.addf %mul3A_865, %div3A_866 : vector<16xf32>
          %mul3A_868 = arith.constant 5.000000e-01 : f32
          %mul3A_869 = vector.broadcast %mul3A_868 : f32 to vector<16xf32>
          %mul3A_870 = arith.mulf %mul3A_869, %add3A_867 : vector<16xf32>
          %div3A_871 = arith.divf %max3A_859, %mul3A_870 : vector<16xf32>
          %add3A_872 = arith.addf %mul3A_870, %div3A_871 : vector<16xf32>
          %mul3A_873 = arith.constant 5.000000e-01 : f32
          %mul3A_874 = vector.broadcast %mul3A_873 : f32 to vector<16xf32>
          %mul3A_875 = arith.mulf %mul3A_874, %add3A_872 : vector<16xf32>
          %div3A_876 = arith.divf %max3A_859, %mul3A_875 : vector<16xf32>
          %add3A_877 = arith.addf %mul3A_875, %div3A_876 : vector<16xf32>
          %mul3A_878 = arith.constant 5.000000e-01 : f32
          %mul3A_879 = vector.broadcast %mul3A_878 : f32 to vector<16xf32>
          %mul3A_880 = arith.mulf %mul3A_879, %add3A_877 : vector<16xf32>
          %div3A_881 = arith.divf %max3A_859, %mul3A_880 : vector<16xf32>
          %add3A_882 = arith.addf %mul3A_880, %div3A_881 : vector<16xf32>
          %mul3A_883 = arith.constant 5.000000e-01 : f32
          %mul3A_884 = vector.broadcast %mul3A_883 : f32 to vector<16xf32>
          %mul3A_885 = arith.mulf %mul3A_884, %add3A_882 : vector<16xf32>
          %div3A_886 = arith.divf %max3A_859, %mul3A_885 : vector<16xf32>
          %add3A_887 = arith.addf %mul3A_885, %div3A_886 : vector<16xf32>
          %mul3A_888 = arith.constant 5.000000e-01 : f32
          %mul3A_889 = vector.broadcast %mul3A_888 : f32 to vector<16xf32>
          %mul3A_890 = arith.mulf %mul3A_889, %add3A_887 : vector<16xf32>
          %div3A_891 = arith.divf %max3A_859, %mul3A_890 : vector<16xf32>
          %add3A_892 = arith.addf %mul3A_890, %div3A_891 : vector<16xf32>
          %mul3A_893 = arith.constant 5.000000e-01 : f32
          %mul3A_894 = vector.broadcast %mul3A_893 : f32 to vector<16xf32>
          %mul3A_895 = arith.mulf %mul3A_894, %add3A_892 : vector<16xf32>
          %div3A_896 = arith.divf %max3A_859, %mul3A_895 : vector<16xf32>
          %add3A_897 = arith.addf %mul3A_895, %div3A_896 : vector<16xf32>
          %mul3A_898 = arith.constant 5.000000e-01 : f32
          %mul3A_899 = vector.broadcast %mul3A_898 : f32 to vector<16xf32>
          %mul3A_900 = arith.mulf %mul3A_899, %add3A_897 : vector<16xf32>
          %div3A_901 = arith.divf %max3A_859, %mul3A_900 : vector<16xf32>
          %add3A_902 = arith.addf %mul3A_900, %div3A_901 : vector<16xf32>
          %mul3A_903 = arith.constant 5.000000e-01 : f32
          %mul3A_904 = vector.broadcast %mul3A_903 : f32 to vector<16xf32>
          %mul3A_905 = arith.mulf %mul3A_904, %add3A_902 : vector<16xf32>
          %div3A_906 = arith.divf %max3A_859, %mul3A_905 : vector<16xf32>
          %add3A_907 = arith.addf %mul3A_905, %div3A_906 : vector<16xf32>
          %mul3A_908 = arith.constant 5.000000e-01 : f32
          %mul3A_909 = vector.broadcast %mul3A_908 : f32 to vector<16xf32>
          %mul3A_910 = arith.mulf %mul3A_909, %add3A_907 : vector<16xf32>
          %div3A_911 = arith.divf %max3A_859, %mul3A_910 : vector<16xf32>
          %add3A_912 = arith.addf %mul3A_910, %div3A_911 : vector<16xf32>
          %mul3A_913 = arith.constant 5.000000e-01 : f32
          %mul3A_914 = vector.broadcast %mul3A_913 : f32 to vector<16xf32>
          %mul3A_915 = arith.mulf %mul3A_914, %add3A_912 : vector<16xf32>
          %div3A_916 = arith.divf %max3A_859, %mul3A_915 : vector<16xf32>
          %add3A_917 = arith.addf %mul3A_915, %div3A_916 : vector<16xf32>
          %mul3A_918 = arith.constant 5.000000e-01 : f32
          %mul3A_919 = vector.broadcast %mul3A_918 : f32 to vector<16xf32>
          %mul3A_920 = arith.mulf %mul3A_919, %add3A_917 : vector<16xf32>
          %div3A_921 = arith.divf %max3A_859, %mul3A_920 : vector<16xf32>
          %add3A_922 = arith.addf %mul3A_920, %div3A_921 : vector<16xf32>
          %mul3A_923 = arith.constant 5.000000e-01 : f32
          %mul3A_924 = vector.broadcast %mul3A_923 : f32 to vector<16xf32>
          %mul3A_925 = arith.mulf %mul3A_924, %add3A_922 : vector<16xf32>
          %div3A_926 = arith.divf %max3A_859, %mul3A_925 : vector<16xf32>
          %add3A_927 = arith.addf %mul3A_925, %div3A_926 : vector<16xf32>
          %mul3A_928 = arith.constant 5.000000e-01 : f32
          %mul3A_929 = vector.broadcast %mul3A_928 : f32 to vector<16xf32>
          %mul3A_930 = arith.mulf %mul3A_929, %add3A_927 : vector<16xf32>
          %div3A_931 = arith.divf %max3A_859, %mul3A_930 : vector<16xf32>
          %add3A_932 = arith.addf %mul3A_930, %div3A_931 : vector<16xf32>
          %mul3A_933 = arith.constant 5.000000e-01 : f32
          %mul3A_934 = vector.broadcast %mul3A_933 : f32 to vector<16xf32>
          %mul3A_935 = arith.mulf %mul3A_934, %add3A_932 : vector<16xf32>
          %div3A_936 = arith.divf %max3A_859, %mul3A_935 : vector<16xf32>
          %add3A_937 = arith.addf %mul3A_935, %div3A_936 : vector<16xf32>
          %mul3A_938 = arith.constant 5.000000e-01 : f32
          %mul3A_939 = vector.broadcast %mul3A_938 : f32 to vector<16xf32>
          %mul3A_940 = arith.mulf %mul3A_939, %add3A_937 : vector<16xf32>
          %div3A_941 = arith.divf %max3A_859, %mul3A_940 : vector<16xf32>
          %add3A_942 = arith.addf %mul3A_940, %div3A_941 : vector<16xf32>
          %mul3A_943 = arith.constant 5.000000e-01 : f32
          %mul3A_944 = vector.broadcast %mul3A_943 : f32 to vector<16xf32>
          %mul3A_945 = arith.mulf %mul3A_944, %add3A_942 : vector<16xf32>
          %div3A_946 = arith.divf %max3A_859, %mul3A_945 : vector<16xf32>
          %add3A_947 = arith.addf %mul3A_945, %div3A_946 : vector<16xf32>
          %mul3A_948 = arith.constant 5.000000e-01 : f32
          %mul3A_949 = vector.broadcast %mul3A_948 : f32 to vector<16xf32>
          %mul3A_950 = arith.mulf %mul3A_949, %add3A_947 : vector<16xf32>
          %div3A_951 = arith.divf %max3A_859, %mul3A_950 : vector<16xf32>
          %add3A_952 = arith.addf %mul3A_950, %div3A_951 : vector<16xf32>
          %mul3A_953 = arith.constant 5.000000e-01 : f32
          %mul3A_954 = vector.broadcast %mul3A_953 : f32 to vector<16xf32>
          %mul3A_955 = arith.mulf %mul3A_954, %add3A_952 : vector<16xf32>
          %mul3A_956 = arith.constant 56.1652832 : f32
          %mul3A_957 = vector.broadcast %mul3A_956 : f32 to vector<16xf32>
          %mul3A_958 = arith.mulf %mul3A_957, %get3A_852 : vector<16xf32>
          %mul3A_959 = arith.constant 30.6832352 : f32
          %mul3A_960 = vector.broadcast %mul3A_959 : f32 to vector<16xf32>
          %mul3A_961 = arith.mulf %mul3A_960, %mul3A_955 : vector<16xf32>
          %sub3A_962 = arith.subf %mul3A_958, %mul3A_961 : vector<16xf32>
          %get3A_963 = arith.index_cast %min3A : i32 to index
          %get3A_964 = arith.index_cast %multiple_of3A : i32 to index
          %get3A_965 = tpu.vector_load %arg8[%get3A_963, %get3A_964] {strides = array<i32>} : memref<200x128xf32, #tpu.memory_space<vmem>>, vector<1x16xf32>,
          %get3A_966 = vector.shape_cast %get3A_965 : vector<1x16xf32> to vector<16xf32>
          %eq3A_967 = vector.broadcast %and3A_848 : i32 to vector<16xi32>
          %eq3A_968 = arith.cmpi eq, %iota3A, %eq3A_967 : vector<16xi32>
          %select_n3A_969 = arith.select %eq3A_968, %sub3A_962, %get3A_966 : vector<16xi1>, vector<16xf32>
          %swap3A_970 = arith.index_cast %min3A : i32 to index
          %swap3A_971 = arith.index_cast %multiple_of3A : i32 to index
          %swap3A_972 = tpu.vector_load %arg8[%swap3A_970, %swap3A_971] {strides = array<i32>} : memref<200x128xf32, #tpu.memory_space<vmem>>, vector<1x16xf32>,
          %swap3A_973 = vector.shape_cast %swap3A_972 : vector<1x16xf32> to vector<16xf32>
          %swap3A_974 = vector.shape_cast %select_n3A_969 : vector<16xf32> to vector<1x16xf32>
          tpu.vector_store %arg8[%swap3A_970, %swap3A_971], %swap3A_974 {strides = array<i32>} : memref<200x128xf32, #tpu.memory_space<vmem>>, vector<1x16xf32>,
        } else {
        }
      }
      %scan3A_817 = arith.constant 128 : i32
      %mul3A_818 = arith.constant 200 : i32
      %mul3A_819 = arith.muli %add3A_802, %mul3A_818 : i32
      %add3A_820 = arith.addi %mul3A_34, %mul3A_819 : i32
      %dma_start3A_821 = tpu.memref_slice %arg4[%add3A_820, %mul3A_32] : memref<100000x1024xf32, #tpu.memory_space<hbm>> -> memref<200x128xf32, #tpu.memory_space<hbm>>
      %dma_start3A_822 = tpu.memref_slice %arg4[%add3A_820, %mul3A_32] : memref<100000x1024xf32, #tpu.memory_space<hbm>> -> memref<200x128xf32, #tpu.memory_space<hbm>>
      tpu.enqueue_dma source(%arg8 : memref<200x128xf32, #tpu.memory_space<vmem>>) target(%dma_start3A_822 : memref<200x128xf32, #tpu.memory_space<hbm>>) target_semaphore(%arg14 : memref<!tpu.dma_semaphore, #tpu.memory_space<semaphore_mem>>)
      %add3A_823 = arith.constant 2 : i32
      %add3A_824 = arith.addi %add3A_802, %add3A_823 : i32
      %le3A_825 = arith.constant 124 : i32
      %le3A_826 = arith.cmpi sle, %add3A_824, %le3A_825 : i32
      %convert_element_type3A_827 = arith.extui %le3A_826 : i1 to i32
      %cond3A_828 = arith.constant 0 : i32
      %cond3A_829 = arith.cmpi ne, %convert_element_type3A_827, %cond3A_828 : i32
      scf.if %cond3A_829 {
        %add3A_831 = arith.constant 2 : i32
        %add3A_832 = arith.addi %add3A_802, %add3A_831 : i32
        %mul3A_833 = arith.constant 200 : i32
        %mul3A_834 = arith.muli %add3A_832, %mul3A_833 : i32
        %add3A_835 = arith.addi %mul3A_34, %mul3A_834 : i32
        %dma_start3A_836 = tpu.memref_slice %arg2[%add3A_835, %mul3A_32] : memref<100000x1024xf32, #tpu.memory_space<hbm>> -> memref<200x128xf32, #tpu.memory_space<hbm>>
        %dma_start3A_837 = tpu.memref_slice %arg2[%add3A_835, %mul3A_32] : memref<100000x1024xf32, #tpu.memory_space<hbm>> -> memref<200x128xf32, #tpu.memory_space<hbm>>
        tpu.enqueue_dma source(%dma_start3A_837 : memref<200x128xf32, #tpu.memory_space<hbm>>) target(%arg6 : memref<200x128xf32, #tpu.memory_space<vmem>>) target_semaphore(%arg12 : memref<!tpu.dma_semaphore, #tpu.memory_space<semaphore_mem>>)
      } else {
      }
      %scan3A_830 = arith.constant 0 : i32
      scf.yield %scan3A_830 : i32
    }
    %scan3A_743 = arith.constant 61 : i32
    %dma_wait3A_744 = tpu.memref_slice %arg4[%mul3A_34, %mul3A_32] : memref<100000x1024xf32, #tpu.memory_space<hbm>> -> memref<200x128xf32, #tpu.memory_space<hbm>>
    %dma_wait3A_745 = tpu.memref_slice %arg4[%mul3A_34, %mul3A_32] : memref<100000x1024xf32, #tpu.memory_space<hbm>> -> memref<200x128xf32, #tpu.memory_space<hbm>>
    tpu.wait_dma2 semaphore(%arg13 : memref<!tpu.dma_semaphore, #tpu.memory_space<semaphore_mem>>) src(%arg7 : memref<200x128xf32, #tpu.memory_space<vmem>>) dst(%dma_wait3A_745 : memref<200x128xf32, #tpu.memory_space<hbm>>)
    %dma_wait3A_746 = tpu.memref_slice %arg2[%mul3A_34, %mul3A_32] : memref<100000x1024xf32, #tpu.memory_space<hbm>> -> memref<200x128xf32, #tpu.memory_space<hbm>>
    %dma_wait3A_747 = tpu.memref_slice %arg2[%mul3A_34, %mul3A_32] : memref<100000x1024xf32, #tpu.memory_space<hbm>> -> memref<200x128xf32, #tpu.memory_space<hbm>>
    tpu.wait_dma2 semaphore(%arg11 : memref<!tpu.dma_semaphore, #tpu.memory_space<semaphore_mem>>) src(%dma_wait3A_747 : memref<200x128xf32, #tpu.memory_space<hbm>>) dst(%arg5 : memref<200x128xf32, #tpu.memory_space<vmem>>)
    %parallel_loop3A_748 = arith.constant 0 : i32
    %parallel_loop3A_749 = arith.constant 200 : i32
    %parallel_loop3A_750 = arith.constant 1 : i32
    scf.for %parallel_loop3A_765 = %parallel_loop3A_748 to %parallel_loop3A_749 step %parallel_loop3A_750  : i32 {
      %parallel_loop3A_766 = arith.index_cast %parallel_loop3A_765 : i32 to index
      %parallel_loop3A_767 = arith.constant 0 : index
      %parallel_loop3A_768 = tpu.vector_load %arg5[%parallel_loop3A_766, %parallel_loop3A_767] {strides = array<i32>} : memref<200x128xf32, #tpu.memory_space<vmem>>, vector<1x16xf32>,
      %parallel_loop3A_769 = vector.shape_cast %parallel_loop3A_768 : vector<1x16xf32> to vector<16xf32>
      %parallel_loop3A_770 = arith.constant 6.400000e+01 : f32
      %parallel_loop3A_771 = vector.broadcast %parallel_loop3A_770 : f32 to vector<16xf32>
      %parallel_loop3A_772 = arith.mulf %parallel_loop3A_769, %parallel_loop3A_771 : vector<16xf32>
      %parallel_loop3A_773 = arith.index_cast %parallel_loop3A_765 : i32 to index
      %parallel_loop3A_774 = arith.constant 0 : index
      %parallel_loop3A_775 = tpu.vector_load %arg7[%parallel_loop3A_773, %parallel_loop3A_774] {strides = array<i32>} : memref<200x128xf32, #tpu.memory_space<vmem>>, vector<1x16xf32>,
      %parallel_loop3A_776 = vector.shape_cast %parallel_loop3A_775 : vector<1x16xf32> to vector<16xf32>
      %parallel_loop3A_777 = vector.shape_cast %parallel_loop3A_772 : vector<16xf32> to vector<1x16xf32>
      tpu.vector_store %arg7[%parallel_loop3A_773, %parallel_loop3A_774], %parallel_loop3A_777 {strides = array<i32>} : memref<200x128xf32, #tpu.memory_space<vmem>>, vector<1x16xf32>,
      %parallel_loop3A_778 = arith.index_cast %parallel_loop3A_765 : i32 to index
      %parallel_loop3A_779 = arith.constant 16 : index
      %parallel_loop3A_780 = tpu.vector_load %arg5[%parallel_loop3A_778, %parallel_loop3A_779] {strides = array<i32>} : memref<200x128xf32, #tpu.memory_space<vmem>>, vector<1x16xf32>,
      %parallel_loop3A_781 = vector.shape_cast %parallel_loop3A_780 : vector<1x16xf32> to vector<16xf32>
      %parallel_loop3A_782 = arith.constant 6.400000e+01 : f32
      %parallel_loop3A_783 = vector.broadcast %parallel_loop3A_782 : f32 to vector<16xf32>
      %parallel_loop3A_784 = arith.mulf %parallel_loop3A_781, %parallel_loop3A_783 : vector<16xf32>
      %parallel_loop3A_785 = arith.index_cast %parallel_loop3A_765 : i32 to index
      %parallel_loop3A_786 = arith.constant 16 : index
      %parallel_loop3A_787 = tpu.vector_load %arg7[%parallel_loop3A_785, %parallel_loop3A_786] {strides = array<i32>} : memref<200x128xf32, #tpu.memory_space<vmem>>, vector<1x16xf32>,
      %parallel_loop3A_788 = vector.shape_cast %parallel_loop3A_787 : vector<1x16xf32> to vector<16xf32>
      %parallel_loop3A_789 = vector.shape_cast %parallel_loop3A_784 : vector<16xf32> to vector<1x16xf32>
      tpu.vector_store %arg7[%parallel_loop3A_785, %parallel_loop3A_786], %parallel_loop3A_789 {strides = array<i32>} : memref<200x128xf32, #tpu.memory_space<vmem>>, vector<1x16xf32>,
      %parallel_loop3A_790 = arith.index_cast %parallel_loop3A_765 : i32 to index
      %parallel_loop3A_791 = arith.constant 32 : index
      %parallel_loop3A_792 = tpu.vector_load %arg5[%parallel_loop3A_790, %parallel_loop3A_791] {strides = array<i32>} : memref<200x128xf32, #tpu.memory_space<vmem>>, vector<1x16xf32>,
      %parallel_loop3A_793 = vector.shape_cast %parallel_loop3A_792 : vector<1x16xf32> to vector<16xf32>
      %parallel_loop3A_794 = arith.constant 6.400000e+01 : f32
      %parallel_loop3A_795 = vector.broadcast %parallel_loop3A_794 : f32 to vector<16xf32>
      %parallel_loop3A_796 = arith.mulf %parallel_loop3A_793, %parallel_loop3A_795 : vector<16xf32>
      %parallel_loop3A_797 = arith.index_cast %parallel_loop3A_765 : i32 to index
      %parallel_loop3A_798 = arith.constant 32 : index
      %parallel_loop3A_799 = tpu.vector_load %arg7[%parallel_loop3A_797, %parallel_loop3A_798] {strides = array<i32>} : memref<200x128xf32, #tpu.memory_space<vmem>>, vector<1x16xf32>,
      %parallel_loop3A_800 = vector.shape_cast %parallel_loop3A_799 : vector<1x16xf32> to vector<16xf32>
      %parallel_loop3A_801 = vector.shape_cast %parallel_loop3A_796 : vector<16xf32> to vector<1x16xf32>
      tpu.vector_store %arg7[%parallel_loop3A_797, %parallel_loop3A_798], %parallel_loop3A_801 {strides = array<i32>} : memref<200x128xf32, #tpu.memory_space<vmem>>, vector<1x16xf32>,
      %parallel_loop3A_802 = arith.index_cast %parallel_loop3A_765 : i32 to index
      %parallel_loop3A_803 = arith.constant 48 : index
      %parallel_loop3A_804 = tpu.vector_load %arg5[%parallel_loop3A_802, %parallel_loop3A_803] {strides = array<i32>} : memref<200x128xf32, #tpu.memory_space<vmem>>, vector<1x16xf32>,
      %parallel_loop3A_805 = vector.shape_cast %parallel_loop3A_804 : vector<1x16xf32> to vector<16xf32>
      %parallel_loop3A_806 = arith.constant 6.400000e+01 : f32
      %parallel_loop3A_807 = vector.broadcast %parallel_loop3A_806 : f32 to vector<16xf32>
      %parallel_loop3A_808 = arith.mulf %parallel_loop3A_805, %parallel_loop3A_807 : vector<16xf32>
      %parallel_loop3A_809 = arith.index_cast %parallel_loop3A_765 : i32 to index
      %parallel_loop3A_810 = arith.constant 48 : index
      %parallel_loop3A_811 = tpu.vector_load %arg7[%parallel_loop3A_809, %parallel_loop3A_810] {strides = array<i32>} : memref<200x128xf32, #tpu.memory_space<vmem>>, vector<1x16xf32>,
      %parallel_loop3A_812 = vector.shape_cast %parallel_loop3A_811 : vector<1x16xf32> to vector<16xf32>
      %parallel_loop3A_813 = vector.shape_cast %parallel_loop3A_808 : vector<16xf32> to vector<1x16xf32>
      tpu.vector_store %arg7[%parallel_loop3A_809, %parallel_loop3A_810], %parallel_loop3A_813 {strides = array<i32>} : memref<200x128xf32, #tpu.memory_space<vmem>>, vector<1x16xf32>,
      %parallel_loop3A_814 = arith.index_cast %parallel_loop3A_765 : i32 to index
      %parallel_loop3A_815 = arith.constant 64 : index
      %parallel_loop3A_816 = tpu.vector_load %arg5[%parallel_loop3A_814, %parallel_loop3A_815] {strides = array<i32>} : memref<200x128xf32, #tpu.memory_space<vmem>>, vector<1x16xf32>,
      %parallel_loop3A_817 = vector.shape_cast %parallel_loop3A_816 : vector<1x16xf32> to vector<16xf32>
      %parallel_loop3A_818 = arith.constant 6.400000e+01 : f32
      %parallel_loop3A_819 = vector.broadcast %parallel_loop3A_818 : f32 to vector<16xf32>
      %parallel_loop3A_820 = arith.mulf %parallel_loop3A_817, %parallel_loop3A_819 : vector<16xf32>
      %parallel_loop3A_821 = arith.index_cast %parallel_loop3A_765 : i32 to index
      %parallel_loop3A_822 = arith.constant 64 : index
      %parallel_loop3A_823 = tpu.vector_load %arg7[%parallel_loop3A_821, %parallel_loop3A_822] {strides = array<i32>} : memref<200x128xf32, #tpu.memory_space<vmem>>, vector<1x16xf32>,
      %parallel_loop3A_824 = vector.shape_cast %parallel_loop3A_823 : vector<1x16xf32> to vector<16xf32>
      %parallel_loop3A_825 = vector.shape_cast %parallel_loop3A_820 : vector<16xf32> to vector<1x16xf32>
      tpu.vector_store %arg7[%parallel_loop3A_821, %parallel_loop3A_822], %parallel_loop3A_825 {strides = array<i32>} : memref<200x128xf32, #tpu.memory_space<vmem>>, vector<1x16xf32>,
      %parallel_loop3A_826 = arith.index_cast %parallel_loop3A_765 : i32 to index
      %parallel_loop3A_827 = arith.constant 80 : index
      %parallel_loop3A_828 = tpu.vector_load %arg5[%parallel_loop3A_826, %parallel_loop3A_827] {strides = array<i32>} : memref<200x128xf32, #tpu.memory_space<vmem>>, vector<1x16xf32>,
      %parallel_loop3A_829 = vector.shape_cast %parallel_loop3A_828 : vector<1x16xf32> to vector<16xf32>
      %parallel_loop3A_830 = arith.constant 6.400000e+01 : f32
      %parallel_loop3A_831 = vector.broadcast %parallel_loop3A_830 : f32 to vector<16xf32>
      %parallel_loop3A_832 = arith.mulf %parallel_loop3A_829, %parallel_loop3A_831 : vector<16xf32>
      %parallel_loop3A_833 = arith.index_cast %parallel_loop3A_765 : i32 to index
      %parallel_loop3A_834 = arith.constant 80 : index
      %parallel_loop3A_835 = tpu.vector_load %arg7[%parallel_loop3A_833, %parallel_loop3A_834] {strides = array<i32>} : memref<200x128xf32, #tpu.memory_space<vmem>>, vector<1x16xf32>,
      %parallel_loop3A_836 = vector.shape_cast %parallel_loop3A_835 : vector<1x16xf32> to vector<16xf32>
      %parallel_loop3A_837 = vector.shape_cast %parallel_loop3A_832 : vector<16xf32> to vector<1x16xf32>
      tpu.vector_store %arg7[%parallel_loop3A_833, %parallel_loop3A_834], %parallel_loop3A_837 {strides = array<i32>} : memref<200x128xf32, #tpu.memory_space<vmem>>, vector<1x16xf32>,
      %parallel_loop3A_838 = arith.index_cast %parallel_loop3A_765 : i32 to index
      %parallel_loop3A_839 = arith.constant 96 : index
      %parallel_loop3A_840 = tpu.vector_load %arg5[%parallel_loop3A_838, %parallel_loop3A_839] {strides = array<i32>} : memref<200x128xf32, #tpu.memory_space<vmem>>, vector<1x16xf32>,
      %parallel_loop3A_841 = vector.shape_cast %parallel_loop3A_840 : vector<1x16xf32> to vector<16xf32>
      %parallel_loop3A_842 = arith.constant 6.400000e+01 : f32
      %parallel_loop3A_843 = vector.broadcast %parallel_loop3A_842 : f32 to vector<16xf32>
      %parallel_loop3A_844 = arith.mulf %parallel_loop3A_841, %parallel_loop3A_843 : vector<16xf32>
      %parallel_loop3A_845 = arith.index_cast %parallel_loop3A_765 : i32 to index
      %parallel_loop3A_846 = arith.constant 96 : index
      %parallel_loop3A_847 = tpu.vector_load %arg7[%parallel_loop3A_845, %parallel_loop3A_846] {strides = array<i32>} : memref<200x128xf32, #tpu.memory_space<vmem>>, vector<1x16xf32>,
      %parallel_loop3A_848 = vector.shape_cast %parallel_loop3A_847 : vector<1x16xf32> to vector<16xf32>
      %parallel_loop3A_849 = vector.shape_cast %parallel_loop3A_844 : vector<16xf32> to vector<1x16xf32>
      tpu.vector_store %arg7[%parallel_loop3A_845, %parallel_loop3A_846], %parallel_loop3A_849 {strides = array<i32>} : memref<200x128xf32, #tpu.memory_space<vmem>>, vector<1x16xf32>,
      %parallel_loop3A_850 = arith.index_cast %parallel_loop3A_765 : i32 to index
      %parallel_loop3A_851 = arith.constant 112 : index
      %parallel_loop3A_852 = tpu.vector_load %arg5[%parallel_loop3A_850, %parallel_loop3A_851] {strides = array<i32>} : memref<200x128xf32, #tpu.memory_space<vmem>>, vector<1x16xf32>,
      %parallel_loop3A_853 = vector.shape_cast %parallel_loop3A_852 : vector<1x16xf32> to vector<16xf32>
      %parallel_loop3A_854 = arith.constant 6.400000e+01 : f32
      %parallel_loop3A_855 = vector.broadcast %parallel_loop3A_854 : f32 to vector<16xf32>
      %parallel_loop3A_856 = arith.mulf %parallel_loop3A_853, %parallel_loop3A_855 : vector<16xf32>
      %parallel_loop3A_857 = arith.index_cast %parallel_loop3A_765 : i32 to index
      %parallel_loop3A_858 = arith.constant 112 : index
      %parallel_loop3A_859 = tpu.vector_load %arg7[%parallel_loop3A_857, %parallel_loop3A_858] {strides = array<i32>} : memref<200x128xf32, #tpu.memory_space<vmem>>, vector<1x16xf32>,
      %parallel_loop3A_860 = vector.shape_cast %parallel_loop3A_859 : vector<1x16xf32> to vector<16xf32>
      %parallel_loop3A_861 = vector.shape_cast %parallel_loop3A_856 : vector<16xf32> to vector<1x16xf32>
      tpu.vector_store %arg7[%parallel_loop3A_857, %parallel_loop3A_858], %parallel_loop3A_861 {strides = array<i32>} : memref<200x128xf32, #tpu.memory_space<vmem>>, vector<1x16xf32>,
    } {sc.loop_unroll_factor = 4 : i64, sc.parallel_access}
    %scan3A_751 = arith.constant 0 : i32
    %scan3A_752 = arith.constant 0 : i32
    %scan3A_753 = arith.constant 128 : i32
    %scan3A_754 = arith.addi %scan3A_752, %scan3A_753 : i32
    %scan3A_755 = arith.constant 1 : i32
    scf.for %scan3A_765 = %scan3A_752 to %scan3A_754 step %scan3A_755  : i32 {
      %get3A_766 = arith.index_cast %scan3A_765 : i32 to index
      %get3A_767 = memref.load %arg10[%get3A_766] : memref<128xi32, #tpu.memory_space<smem>>
      %add3A_768 = arith.constant 24800 : i32
      %add3A_769 = arith.addi %mul3A_34, %add3A_768 : i32
      %sub3A_770 = arith.subi %get3A_767, %add3A_769 : i32
      %ge3A = arith.constant 0 : i32
      %ge3A_771 = arith.cmpi sge, %sub3A_770, %ge3A : i32
      %lt3A_772 = arith.constant 200 : i32
      %lt3A_773 = arith.cmpi slt, %sub3A_770, %lt3A_772 : i32
      %and3A_774 = arith.andi %ge3A_771, %lt3A_773 : i1
      %convert_element_type3A = arith.extui %and3A_774 : i1 to i32
      %cond3A = arith.constant 0 : i32
      %cond3A_775 = arith.cmpi ne, %convert_element_type3A, %cond3A : i32
      scf.if %cond3A_775 {
        %jit3A_776 = arith.constant 0 : i32
        %jit3A_777 = arith.constant 199 : i32
        %max3A = arith.maxsi %jit3A_776, %sub3A_770 : i32
        %min3A = arith.minsi %jit3A_777, %max3A : i32
        %shift_right_arithmetic3A = arith.constant 4 : i32
        %shift_right_arithmetic3A_778 = arith.shrsi %scan3A_765, %shift_right_arithmetic3A : i32
        %shift_left3A = arith.constant 4 : i32
        %shift_left3A_779 = arith.shli %shift_right_arithmetic3A_778, %shift_left3A : i32
        %multiple_of3A = tpu.assume_multiple %shift_left3A_779, 16 : i32
        %and3A_780 = arith.constant 15 : i32
        %and3A_781 = arith.andi %scan3A_765, %and3A_780 : i32
        %get3A_782 = arith.index_cast %min3A : i32 to index
        %get3A_783 = arith.index_cast %multiple_of3A : i32 to index
        %get3A_784 = tpu.vector_load %arg5[%get3A_782, %get3A_783] {strides = array<i32>} : memref<200x128xf32, #tpu.memory_space<vmem>>, vector<1x16xf32>,
        %get3A_785 = vector.shape_cast %get3A_784 : vector<1x16xf32> to vector<16xf32>
        %mul3A_786 = arith.mulf %get3A_785, %get3A_785 : vector<16xf32>
        %sub3A_787 = arith.constant 1.000000e+00 : f32
        %sub3A_788 = vector.broadcast %sub3A_787 : f32 to vector<16xf32>
        %sub3A_789 = arith.subf %sub3A_788, %mul3A_786 : vector<16xf32>
        %max3A_790 = arith.constant 0.000000e+00 : f32
        %max3A_791 = vector.broadcast %max3A_790 : f32 to vector<16xf32>
        %max3A_792 = arith.maximumf %sub3A_789, %max3A_791 : vector<16xf32>
        %add3A_793 = arith.constant 1.000000e+00 : f32
        %add3A_794 = vector.broadcast %add3A_793 : f32 to vector<16xf32>
        %add3A_795 = arith.addf %add3A_794, %max3A_792 : vector<16xf32>
        %mul3A_796 = arith.constant 5.000000e-01 : f32
        %mul3A_797 = vector.broadcast %mul3A_796 : f32 to vector<16xf32>
        %mul3A_798 = arith.mulf %mul3A_797, %add3A_795 : vector<16xf32>
        %div3A_799 = arith.divf %max3A_792, %mul3A_798 : vector<16xf32>
        %add3A_800 = arith.addf %mul3A_798, %div3A_799 : vector<16xf32>
        %mul3A_801 = arith.constant 5.000000e-01 : f32
        %mul3A_802 = vector.broadcast %mul3A_801 : f32 to vector<16xf32>
        %mul3A_803 = arith.mulf %mul3A_802, %add3A_800 : vector<16xf32>
        %div3A_804 = arith.divf %max3A_792, %mul3A_803 : vector<16xf32>
        %add3A_805 = arith.addf %mul3A_803, %div3A_804 : vector<16xf32>
        %mul3A_806 = arith.constant 5.000000e-01 : f32
        %mul3A_807 = vector.broadcast %mul3A_806 : f32 to vector<16xf32>
        %mul3A_808 = arith.mulf %mul3A_807, %add3A_805 : vector<16xf32>
        %div3A_809 = arith.divf %max3A_792, %mul3A_808 : vector<16xf32>
        %add3A_810 = arith.addf %mul3A_808, %div3A_809 : vector<16xf32>
        %mul3A_811 = arith.constant 5.000000e-01 : f32
        %mul3A_812 = vector.broadcast %mul3A_811 : f32 to vector<16xf32>
        %mul3A_813 = arith.mulf %mul3A_812, %add3A_810 : vector<16xf32>
        %div3A_814 = arith.divf %max3A_792, %mul3A_813 : vector<16xf32>
        %add3A_815 = arith.addf %mul3A_813, %div3A_814 : vector<16xf32>
        %mul3A_816 = arith.constant 5.000000e-01 : f32
        %mul3A_817 = vector.broadcast %mul3A_816 : f32 to vector<16xf32>
        %mul3A_818 = arith.mulf %mul3A_817, %add3A_815 : vector<16xf32>
        %div3A_819 = arith.divf %max3A_792, %mul3A_818 : vector<16xf32>
        %add3A_820 = arith.addf %mul3A_818, %div3A_819 : vector<16xf32>
        %mul3A_821 = arith.constant 5.000000e-01 : f32
        %mul3A_822 = vector.broadcast %mul3A_821 : f32 to vector<16xf32>
        %mul3A_823 = arith.mulf %mul3A_822, %add3A_820 : vector<16xf32>
        %div3A_824 = arith.divf %max3A_792, %mul3A_823 : vector<16xf32>
        %add3A_825 = arith.addf %mul3A_823, %div3A_824 : vector<16xf32>
        %mul3A_826 = arith.constant 5.000000e-01 : f32
        %mul3A_827 = vector.broadcast %mul3A_826 : f32 to vector<16xf32>
        %mul3A_828 = arith.mulf %mul3A_827, %add3A_825 : vector<16xf32>
        %div3A_829 = arith.divf %max3A_792, %mul3A_828 : vector<16xf32>
        %add3A_830 = arith.addf %mul3A_828, %div3A_829 : vector<16xf32>
        %mul3A_831 = arith.constant 5.000000e-01 : f32
        %mul3A_832 = vector.broadcast %mul3A_831 : f32 to vector<16xf32>
        %mul3A_833 = arith.mulf %mul3A_832, %add3A_830 : vector<16xf32>
        %div3A_834 = arith.divf %max3A_792, %mul3A_833 : vector<16xf32>
        %add3A_835 = arith.addf %mul3A_833, %div3A_834 : vector<16xf32>
        %mul3A_836 = arith.constant 5.000000e-01 : f32
        %mul3A_837 = vector.broadcast %mul3A_836 : f32 to vector<16xf32>
        %mul3A_838 = arith.mulf %mul3A_837, %add3A_835 : vector<16xf32>
        %div3A_839 = arith.divf %max3A_792, %mul3A_838 : vector<16xf32>
        %add3A_840 = arith.addf %mul3A_838, %div3A_839 : vector<16xf32>
        %mul3A_841 = arith.constant 5.000000e-01 : f32
        %mul3A_842 = vector.broadcast %mul3A_841 : f32 to vector<16xf32>
        %mul3A_843 = arith.mulf %mul3A_842, %add3A_840 : vector<16xf32>
        %div3A_844 = arith.divf %max3A_792, %mul3A_843 : vector<16xf32>
        %add3A_845 = arith.addf %mul3A_843, %div3A_844 : vector<16xf32>
        %mul3A_846 = arith.constant 5.000000e-01 : f32
        %mul3A_847 = vector.broadcast %mul3A_846 : f32 to vector<16xf32>
        %mul3A_848 = arith.mulf %mul3A_847, %add3A_845 : vector<16xf32>
        %div3A_849 = arith.divf %max3A_792, %mul3A_848 : vector<16xf32>
        %add3A_850 = arith.addf %mul3A_848, %div3A_849 : vector<16xf32>
        %mul3A_851 = arith.constant 5.000000e-01 : f32
        %mul3A_852 = vector.broadcast %mul3A_851 : f32 to vector<16xf32>
        %mul3A_853 = arith.mulf %mul3A_852, %add3A_850 : vector<16xf32>
        %div3A_854 = arith.divf %max3A_792, %mul3A_853 : vector<16xf32>
        %add3A_855 = arith.addf %mul3A_853, %div3A_854 : vector<16xf32>
        %mul3A_856 = arith.constant 5.000000e-01 : f32
        %mul3A_857 = vector.broadcast %mul3A_856 : f32 to vector<16xf32>
        %mul3A_858 = arith.mulf %mul3A_857, %add3A_855 : vector<16xf32>
        %div3A_859 = arith.divf %max3A_792, %mul3A_858 : vector<16xf32>
        %add3A_860 = arith.addf %mul3A_858, %div3A_859 : vector<16xf32>
        %mul3A_861 = arith.constant 5.000000e-01 : f32
        %mul3A_862 = vector.broadcast %mul3A_861 : f32 to vector<16xf32>
        %mul3A_863 = arith.mulf %mul3A_862, %add3A_860 : vector<16xf32>
        %div3A_864 = arith.divf %max3A_792, %mul3A_863 : vector<16xf32>
        %add3A_865 = arith.addf %mul3A_863, %div3A_864 : vector<16xf32>
        %mul3A_866 = arith.constant 5.000000e-01 : f32
        %mul3A_867 = vector.broadcast %mul3A_866 : f32 to vector<16xf32>
        %mul3A_868 = arith.mulf %mul3A_867, %add3A_865 : vector<16xf32>
        %div3A_869 = arith.divf %max3A_792, %mul3A_868 : vector<16xf32>
        %add3A_870 = arith.addf %mul3A_868, %div3A_869 : vector<16xf32>
        %mul3A_871 = arith.constant 5.000000e-01 : f32
        %mul3A_872 = vector.broadcast %mul3A_871 : f32 to vector<16xf32>
        %mul3A_873 = arith.mulf %mul3A_872, %add3A_870 : vector<16xf32>
        %div3A_874 = arith.divf %max3A_792, %mul3A_873 : vector<16xf32>
        %add3A_875 = arith.addf %mul3A_873, %div3A_874 : vector<16xf32>
        %mul3A_876 = arith.constant 5.000000e-01 : f32
        %mul3A_877 = vector.broadcast %mul3A_876 : f32 to vector<16xf32>
        %mul3A_878 = arith.mulf %mul3A_877, %add3A_875 : vector<16xf32>
        %div3A_879 = arith.divf %max3A_792, %mul3A_878 : vector<16xf32>
        %add3A_880 = arith.addf %mul3A_878, %div3A_879 : vector<16xf32>
        %mul3A_881 = arith.constant 5.000000e-01 : f32
        %mul3A_882 = vector.broadcast %mul3A_881 : f32 to vector<16xf32>
        %mul3A_883 = arith.mulf %mul3A_882, %add3A_880 : vector<16xf32>
        %div3A_884 = arith.divf %max3A_792, %mul3A_883 : vector<16xf32>
        %add3A_885 = arith.addf %mul3A_883, %div3A_884 : vector<16xf32>
        %mul3A_886 = arith.constant 5.000000e-01 : f32
        %mul3A_887 = vector.broadcast %mul3A_886 : f32 to vector<16xf32>
        %mul3A_888 = arith.mulf %mul3A_887, %add3A_885 : vector<16xf32>
        %mul3A_889 = arith.constant 56.1652832 : f32
        %mul3A_890 = vector.broadcast %mul3A_889 : f32 to vector<16xf32>
        %mul3A_891 = arith.mulf %mul3A_890, %get3A_785 : vector<16xf32>
        %mul3A_892 = arith.constant 30.6832352 : f32
        %mul3A_893 = vector.broadcast %mul3A_892 : f32 to vector<16xf32>
        %mul3A_894 = arith.mulf %mul3A_893, %mul3A_888 : vector<16xf32>
        %sub3A_895 = arith.subf %mul3A_891, %mul3A_894 : vector<16xf32>
        %get3A_896 = arith.index_cast %min3A : i32 to index
        %get3A_897 = arith.index_cast %multiple_of3A : i32 to index
        %get3A_898 = tpu.vector_load %arg7[%get3A_896, %get3A_897] {strides = array<i32>} : memref<200x128xf32, #tpu.memory_space<vmem>>, vector<1x16xf32>,
        %get3A_899 = vector.shape_cast %get3A_898 : vector<1x16xf32> to vector<16xf32>
        %eq3A_900 = vector.broadcast %and3A_781 : i32 to vector<16xi32>
        %eq3A_901 = arith.cmpi eq, %iota3A, %eq3A_900 : vector<16xi32>
        %select_n3A_902 = arith.select %eq3A_901, %sub3A_895, %get3A_899 : vector<16xi1>, vector<16xf32>
        %swap3A_903 = arith.index_cast %min3A : i32 to index
        %swap3A_904 = arith.index_cast %multiple_of3A : i32 to index
        %swap3A_905 = tpu.vector_load %arg7[%swap3A_903, %swap3A_904] {strides = array<i32>} : memref<200x128xf32, #tpu.memory_space<vmem>>, vector<1x16xf32>,
        %swap3A_906 = vector.shape_cast %swap3A_905 : vector<1x16xf32> to vector<16xf32>
        %swap3A_907 = vector.shape_cast %select_n3A_902 : vector<16xf32> to vector<1x16xf32>
        tpu.vector_store %arg7[%swap3A_903, %swap3A_904], %swap3A_907 {strides = array<i32>} : memref<200x128xf32, #tpu.memory_space<vmem>>, vector<1x16xf32>,
      } else {
      }
    }
    %scan3A_756 = arith.constant 128 : i32
    %add3A_757 = arith.constant 24800 : i32
    %add3A_758 = arith.addi %mul3A_34, %add3A_757 : i32
    %dma_start3A_759 = tpu.memref_slice %arg4[%add3A_758, %mul3A_32] : memref<100000x1024xf32, #tpu.memory_space<hbm>> -> memref<200x128xf32, #tpu.memory_space<hbm>>
    %dma_start3A_760 = tpu.memref_slice %arg4[%add3A_758, %mul3A_32] : memref<100000x1024xf32, #tpu.memory_space<hbm>> -> memref<200x128xf32, #tpu.memory_space<hbm>>
    tpu.enqueue_dma source(%arg7 : memref<200x128xf32, #tpu.memory_space<vmem>>) target(%dma_start3A_760 : memref<200x128xf32, #tpu.memory_space<hbm>>) target_semaphore(%arg13 : memref<!tpu.dma_semaphore, #tpu.memory_space<semaphore_mem>>)
    %dma_wait3A_761 = tpu.memref_slice %arg4[%mul3A_34, %mul3A_32] : memref<100000x1024xf32, #tpu.memory_space<hbm>> -> memref<200x128xf32, #tpu.memory_space<hbm>>
    %dma_wait3A_762 = tpu.memref_slice %arg4[%mul3A_34, %mul3A_32] : memref<100000x1024xf32, #tpu.memory_space<hbm>> -> memref<200x128xf32, #tpu.memory_space<hbm>>
    tpu.wait_dma2 semaphore(%arg13 : memref<!tpu.dma_semaphore, #tpu.memory_space<semaphore_mem>>) src(%arg7 : memref<200x128xf32, #tpu.memory_space<vmem>>) dst(%dma_wait3A_762 : memref<200x128xf32, #tpu.memory_space<hbm>>)
    %dma_wait3A_763 = tpu.memref_slice %arg4[%mul3A_34, %mul3A_32] : memref<100000x1024xf32, #tpu.memory_space<hbm>> -> memref<200x128xf32, #tpu.memory_space<hbm>>
    %dma_wait3A_764 = tpu.memref_slice %arg4[%mul3A_34, %mul3A_32] : memref<100000x1024xf32, #tpu.memory_space<hbm>> -> memref<200x128xf32, #tpu.memory_space<hbm>>
    tpu.wait_dma2 semaphore(%arg14 : memref<!tpu.dma_semaphore, #tpu.memory_space<semaphore_mem>>) src(%arg8 : memref<200x128xf32, #tpu.memory_space<vmem>>) dst(%dma_wait3A_764 : memref<200x128xf32, #tpu.memory_space<hbm>>)
    return
  }
}

</mosaic_0001>

<sc_bundles>
// kernel: kernel.3.cloned.1.call-start
scs
__scs_entry_jumppad:
0x0: {  	(pc) =	sbr.rel $0x88, $3  }
0x1: {  	(tag) =	ssettag $0x0;
	lr =	simm.s32 $0x1  }
0x2: {  	[smem:$0x3F9F] =	sst lr;
	_ =	strace $0xD0000000  }
0x3: {  	_ = 	snop  }
0x4: {  	_ = 	snop  }
0x5: {  	_ = 	snop  }
0x6: {  	_ = 	snop  }
0x7: {  	_ = 	snop  }
__scs_overlays_trampoline_lowered:
0x8: {  	[smem:$0x3FAE] =	sst s0  }
0x9: {  	[smem:$0x3FAF] =	sst s1  }
0xa: {  	[smem:$0x3FB0] =	sst s2  }
0xb: {  	[smem:$0x3FB1] =	sst s3  }
0xc: {  	[smem:$0x3FB2] =	sst s4  }
0xd: {  	[smem:$0x3FB3] =	sst s5  }
0xe: {  	[smem:$0x3FB4] =	sst s6  }
0xf: {  	[smem:$0x3FB5] =	sst s7  }
0x10: {  	[smem:$0x3FB6] =	sst s8  }
0x11: {  	[smem:$0x3FB7] =	sst s9;
	s0 =	simm.s32 @!p0 $0x0  }
0x12: {  	s1 =	sld [smem:$0x3F9D];
	s0 =	simm.s32 @p0 $0x1  }
0x13: {  	[smem:$0x3FB8] =	sst s0;
	s0 =	simm.s32 @!p1 $0x0  }
0x14: {  	s2 =	sld [smem:$0x3F9C];
	s0 =	simm.s32 @p1 $0x1  }
0x15: {  	[smem:$0x3FB9] =	sst s0;
	s0 =	simm.s32 @!p2 $0x0  }
0x16: {  	s3 =	sld [smem:$0x3FDB];
	s0 =	simm.s32 @p2 $0x1  }
0x17: {  	s4 =	simm.s32 $0x1BF5;
	[smem:$0x3FBB] =	sst s0  }
0x18: {  	s0 =	sld [smem:$0x3F9E];
	_ =	swait.ge [sflag:s4], $0x0  }
0x19: {  	s7 =	sld [smem:$0x3F9F]  }
0x1a: {  	s8 =	sadd.s32 $0xFFFFE003, lr  }
0x1b: {  	s9 =	sadd.s32 $0xFFFFFEF7, lr;
	s5 =	simm.s32 $0xFFFFFFFF;
	p2 =	slt.u32 s8, $0xFFFFF086  }
0x1c: {  	p1 =	slt.u32 s9, $0xF7A;
	s5 =	simm.s32 @!p2 $0x0  }
0x1d: {  	s5 =	simm.s32 @p1 $0x1;
	p0 =	seq.s32 s7, s2  }
0x1e: {  	s7 =	smul.u32 @!p0 $0xF7A, s2;
	p2 =	seq.s32 @!p0 s5, $0x0  }
0x1f: {  	s9 =	smul.u32 $0xF7A, s1;
	s8 =	simm.s32 @!p0 $0x1BF5;
	p2 =	por !p2, p0  }
0x20: {  	[sflag:s8] =	ssyncset.s32 @!p0 $0xFFFFF086;
	s6 =	sadd.s32 @!p0 s3, s7;
	s7 =	simm.s32 @!p0 $0x108  }
0x21: {  	s3 =	sadd.s32 s3, s9;
	s6 =	sadd.s32 @!p0 $0x88, s6;
	s7 =	simm.s32 @p2 $0x1082  }
0x22: {  	[simem:s7], [sflag:s8] =	dma.local @!p0 [hbm:s6], $0xF7A  }
0x23: {  	s9 =	sor.u32 $0xD0000000, s2;
	s6 =	simm.s32 $0x108;
	_ =	swait.ge @!p0 [sflag:s8], $0x0  }
0x24: {  	s3 =	sadd.s32 $0x88, s3;
	s6 =	simm.s32 @!p1 $0x1082;
	[sflag:s4] =	ssyncset.s32 $0xFFFFF086  }
0x25: {  	[simem:s6], [sflag:s4] =	dma.local [hbm:s3], $0xF7A  }
0x26: {  	[smem:$0x3F9F] =	sst s1;
	(tag) =	ssettag s2;
	_ =	strace s9  }
0x27: {  	s1 =	sld [smem:$0x3FAF]  }
0x28: {  	s2 =	sld [smem:$0x3FB0]  }
0x29: {  	s4 =	sld [smem:$0x3FB2]  }
0x2a: {  	p0 =	seq.s32 s5, $0x0;
	s5 =	sld [smem:$0x3FB3]  }
0x2b: {  	s6 =	sld [smem:$0x3FB4]  }
0x2c: {  	s7 =	sld [smem:$0x3FB5]  }
0x2d: {  	s3 =	simm.s32 $0x108;
	s8 =	sld [smem:$0x3FB6]  }
0x2e: {  	s3 =	simm.s32 @!p0 $0x1082;
	s9 =	sld [smem:$0x3FB7]  }
0x2f: {  	lr =	sadd.s32 s0, s3;
	s0 =	sld [smem:$0x3FAE]  }
0x30: {  	s3 =	sld [smem:$0x3FB1]  }
0x31: {  	[smem:$0x3FBA] =	sst s10  }
0x32: {  	s10 =	sld [smem:$0x3FB8];
	_ =	sdelay $0x3  }
0x33: {  	p0 =	seq.s32 s10, $0x1;
	s10 =	sld [smem:$0x3FBA];
	_ =	sdelay $0x3  }
0x34: {  	[smem:$0x3FBA] =	sst s10  }
0x35: {  	s10 =	sld [smem:$0x3FB9];
	_ =	sdelay $0x3  }
0x36: {  	p1 =	seq.s32 s10, $0x1;
	s10 =	sld [smem:$0x3FBA];
	_ =	sdelay $0x3  }
0x37: {  	[smem:$0x3FBA] =	sst s10  }
0x38: {  	s10 =	sld [smem:$0x3FBB]  }
0x39: {  	_ = 	snop;
	(pc) =	sbr.ind lr, $3  }
0x3a: {  	_ = 	snop  }
0x3b: {  	_ = 	snop  }
0x3c: {  	p2 =	seq.s32 s10, $0x1;
	s10 =	sld [smem:$0x3FBA]  }
0x3d: {  	_ =	shalt  }
0x3e: {  	_ =	shalt  }
0x3f: {  	_ =	shalt  }
0x40: {  	_ =	shalt  }
0x41: {  	_ =	shalt  }
0x42: {  	_ =	shalt  }
0x43: {  	_ =	shalt  }
0x44: {  	_ =	shalt  }
0x45: {  	_ =	shalt  }
0x46: {  	_ =	shalt  }
0x47: {  	_ =	shalt  }
0x48: {  	_ =	shalt  }
0x49: {  	_ =	shalt  }
0x4a: {  	_ =	shalt  }
0x4b: {  	_ =	shalt  }
0x4c: {  	_ =	shalt  }
0x4d: {  	_ =	shalt  }
0x4e: {  	_ =	shalt  }
0x4f: {  	_ =	shalt  }
0x50: {  	_ =	shalt  }
0x51: {  	_ =	shalt  }
0x52: {  	_ =	shalt  }
0x53: {  	_ =	shalt  }
0x54: {  	_ =	shalt  }
0x55: {  	_ =	shalt  }
0x56: {  	_ =	shalt  }
0x57: {  	_ =	shalt  }
0x58: {  	_ =	shalt  }
0x59: {  	_ =	shalt  }
0x5a: {  	_ =	shalt  }
0x5b: {  	_ =	shalt  }
0x5c: {  	_ =	shalt  }
0x5d: {  	_ =	shalt  }
0x5e: {  	_ =	shalt  }
0x5f: {  	_ =	shalt  }
0x60: {  	_ =	shalt  }
0x61: {  	_ =	shalt  }
0x62: {  	_ =	shalt  }
0x63: {  	_ =	shalt  }
0x64: {  	_ =	shalt  }
0x65: {  	_ =	shalt  }
0x66: {  	_ =	shalt  }
0x67: {  	_ =	shalt  }
0x68: {  	_ =	shalt  }
0x69: {  	_ =	shalt  }
0x6a: {  	_ =	shalt  }
0x6b: {  	_ =	shalt  }
0x6c: {  	_ =	shalt  }
0x6d: {  	_ =	shalt  }
0x6e: {  	_ =	shalt  }
0x6f: {  	_ =	shalt  }
0x70: {  	_ =	shalt  }
0x71: {  	_ =	shalt  }
0x72: {  	_ =	shalt  }
0x73: {  	_ =	shalt  }
0x74: {  	_ =	shalt  }
0x75: {  	_ =	shalt  }
0x76: {  	_ =	shalt  }
0x77: {  	_ =	shalt  }
0x78: {  	_ =	shalt  }
0x79: {  	_ =	shalt  }
0x7a: {  	_ =	shalt  }
0x7b: {  	_ =	shalt  }
0x7c: {  	_ =	shalt  }
0x7d: {  	_ =	shalt  }
0x7e: {  	_ =	shalt  }
0x7f: {  	_ =	shalt  }
0x80: {  	_ =	shalt  }
0x81: {  	_ =	shalt  }
0x82: {  	_ =	shalt  }
0x83: {  	_ =	shalt  }
0x84: {  	_ =	shalt  }
0x85: {  	_ =	shalt  }
0x86: {  	_ =	shalt  }
0x87: {  	_ =	shalt  }
.Lfunc_end0:
.L_simem_size_0:
called_computation_lowered:
.L_overlay_start_0:
0x88: {  	s2 =	sld [smem:$0x3FD9]  }
0x89: {  	s3 =	sld [smem:$0x3FFE];
	_ =	sdelay $0x1  }
0x8a: {  	s1 =	srdreg.scid  }
0x8b: {  	s0 =	sand.u32 $0x1, s1  }
0x8c: {  	s18 =	sshll.u32 s0, $0xA;
	s2 =	sadd.s32 s3, s2  }
0x8d: {  	s2 =	sadd.s32 s2, s18  }
0x8e: {  	[smem:$0x3FC6] =	sst s2  }
0x8f: {  	_ = 	snop  }
0x90: {  	s2 =	sld [smem:$0x3FC9]  }
0x91: {  	s19 =	sld [smem:$0x3FC8]  }
0x92: {  	s4 =	sld [smem:$0x3FD0];
	(tm) =	ssettm $0x1  }
0x93: {  	s5 =	sld [smem:$0x3FFB];
	_ =	sdelay $0x3  }
0x94: {  	_ =	strace s5  }
0x95: {  	s5 =	sld [smem:$0x3FFC];
	_ =	sdelay $0x3  }
0x96: {  	_ =	strace s5  }
0x97: {  	s5 =	sld [smem:$0x3FFD];
	_ =	sdelay $0x3  }
0x98: {  	_ =	strace s5  }
0x99: {  	_ =	strace $0x8FFFFFFF  }
0x9a: {  	s20 =	sld [smem:$0x3FDB];
	_ =	sdelay $0x1  }
0x9b: {  	s6 =	simm.s32 $_scs_section_size  }
0x9c: {  	s7 =	simm.s32 $_size__tile_overlayer_lowered;
	s8 =	simm.s32 $_tile_overlayer_lowered  }
0x9d: {  	s23 =	simm.s32 $0x1BFF;
	s22 =	sshll.u32 s8, $0x1;
	s5 =	sadd.s32 s6, s20  }
0x9e: {  	s9 =	simm.s32 $0x0;
	s21 =	sshll.u32 s7, $0x1;
	s7 =	sadd.s32 s22, s5  }
0x9f: {  	[timem:s9], [sflag:s23] =	dma.local [hbm:s7], s21  }
0xa0: {  	_ =	swait.ge [sflag:s23], s21  }
0xa1: {  	s6 =	ssub.s32 $0x0, s21;
	[sflag:s23] =	ssyncset.done $0x0  }
0xa2: {  	[sflag:s23] =	ssyncadd.s32 s6;
	_ =	sdelay $0x1  }
0xa3: {  	s24 =	simm.s32 $0x1B8B  }
0xa4: {  	_ =	swait.ge [sflag:s24], $0x1  }
0xa5: {  	[sflag:s24] =	ssyncset.done $0x0  }
0xa6: {  	s25 =	simm.s32 $0x1B8E;
	[sflag:s24] =	ssyncadd.s32 $0xFFFFFFFF  }
0xa7: {  	s26 =	simm.s32 $execute0_lowered;
	[smem:$0x3FD2] =	sst s25  }
0xa8: {  	s6 =	sshll.u32 s26, $0x1;
	_ =	strace $0x80000046;
	[dreg:$0x1] =	wrdreg $0xFFFFFFFF  }
0xa9: {  	s28 =	simm.s32 $_size_execute0_lowered;
	s5 =	sadd.s32 s5, s6;
	[dreg:$0x0] =	wrdreg $0x0  }
0xaa: {  	s6 =	sshll.u32 s28, $0x1;
	[dreg:$0x2] =	wrdreg s5  }
0xab: {  	[dreg:$0x3] =	wrdreg s6  }
0xac: {  	[dreg:$0x4] =	wrdreg $0xC0  }
0xad: {  	_ =	task [dreg:s9], $0x5FFFF  }
0xae: {  	[dreg:$0x1] =	wrdreg $0xFFFFFFFF  }
0xaf: {  	[dreg:$0x0] =	wrdreg $0x60  }
0xb0: {  	[dreg:$0x2] =	wrdreg s2  }
0xb1: {  	[dreg:$0x3] =	wrdreg s19  }
0xb2: {  	[dreg:$0x4] =	wrdreg s4  }
0xb3: {  	[dreg:$0x5] =	wrdreg $0x9  }
0xb4: {  	_ =	task.clear_ibuf [dreg:s9], $0x6FFFF;
	_ =	strace $0x90000046  }
0xb5: {  	s29 =	simm.s32 $0x9;
	_ =	strace $0x80000048  }
0xb6: {  	_ =	swait.ge [sflag:s29], $0x1  }
0xb7: {  	[sflag:s29] =	ssyncadd.s32 $0xFFFFFFFF  }
0xb8: {  	_ =	strace $0x90000048  }
0xb9: {  	_ =	sfence  }
0xba: {  	s30 =	sld [smem:$0x0];
	_ =	sdelay $0x2  }
0xbb: {  	s31 =	sshll.u32 s1, $0xD;
	s1 =	sshrl.u32 s1, $0x2  }
0xbc: {  	s3 =	sand.u32 $0x4000, s31;
	s1 =	sadd.s32 s1, s30  }
0xbd: {  	s0 =	sor.u32 s3, s0;
	s1 =	sshll.u32 s1, $0x11  }
0xbe: {  	s0 =	sor.u32 s1, s0  }
0xbf: {  	s0 =	sadd.s32 $0x8F2B, s0  }
0xc0: {  	[sflag:s0] =	ssyncadd.remote.s32 $0x1  }
0xc1: {  	_ =	sfence.sel $0xFFFF  }
0xc2: {  	[dreg:$0x0] =	wrdreg $0xFFFFFFFF;
	(pc) =	sbr.abs _section_cstart, $3  }
0xc3: {  	[dreg:$0x1] =	wrdreg $0xFFFFFFFF  }
0xc4: {  	_ =	task.clear_ibuf [dreg:s9], $0x2FFFF;
	_ =	strace $0x9FFFFFFF  }
0xc5: {  	(tm) =	ssettm $0x7FFFFFFF  }
tec
execute0_lowered:
.L_overlay_start_1:
0x0: {  	(tag) =	ssettag $0x1  }
0x1: {  	s2 =	rddreg [dreg:$0x0]  }
0x2: {  	s0 =	rddreg [dreg:$0x1]  }
0x3: {  	s3 =	rddreg [dreg:$0x2]  }
0x4: {  	s8 =	stileid.u32;
	s1 =	srdreg.scid  }
0x5: {  	s4 =	simm.s32 $0x0;
	s28 =	simm.s32 $0x2;
	s29 =	simm.s32 $0x12C00  }
0x6: {  	s30 =	simm.s32 $0x3;
	s31 =	simm.s32 $0x4;
	s13 =	simm.s32 $0x6500  }
0x7: {  	s5 =	sshll.u32 s8, $0x1;
	s1 =	sand.u32 $0x1, s1;
	[smem:$0x7FF] =	sst s4  }
0x8: {  	s8 =	sshrl.u32 s8, $0x1;
	s5 =	sand.u32 $0x2, s5;
	s6 =	ssub.s32 $0x2, s1  }
0x9: {  	_ =	strace $0x80000047;
	s9 =	sshll.u32 s8, $0x4;
	s1 =	sor.u32 s1, s5  }
0xa: {  	s10 =	sshll.u32 s8, $0xA;
	s7 =	sshrl.u32 s6, $0x1;
	s5 =	smul.u32 $0x61A8, s1  }
0xb: {  	s0 =	sadd.s32 s0, s9;
	s7 =	ssub.s32 s6, s7;
	s1 =	smul.u32 $0x186A000, s1  }
0xc: {  	[dreg:$0x4] =	wrdreg s0;
	s17 =	smax.u32 s7, $0x1;
	s6 =	sadd.s32 $0xC8, s5  }
0xd: {  	s19 =	sor.u32 s10, s1;
	s26 =	sor.u32 s8, s5;
	s20 =	sor.u32 s8, s6  }
0xe: {  	s21 =	sshrl.u32 s19, $0x3;
	s10 =	sadd.s32 $0x64000, s19;
	s24 =	sadd.s32 $0x96000, s19  }
0xf: {  	s0 =	sadd.s32 $0x1838000, s19;
	s14 =	sadd.s32 $0x320, s26;
	s15 =	sadd.s32 $0x3E8, s26  }
0x10: {  	s18 =	sadd.s32 $0x190, s26;
	s19 =	sadd.s32 $0x258, s26;
	s26 =	simm.s32 $0xC800  }
0x11: {  	s1 =	sshll.u32 s20, $0x7;
	s11 =	sadd.s32 s2, s21;
	s10 =	sshrl.u32 s10, $0x3  }
0x12: {  	s9 =	sadd.s32 s3, s21;
	s25 =	sshrl.u32 s24, $0x3;
	s0 =	sshrl.u32 s0, $0x3  }
0x13: {  	s21 =	simm.s32 $0x5;
	s24 =	simm.s32 $0x6400;
	[dreg:$0x5] =	wrdreg s11  }
.Ltmp0:
0x14: {  	s22 =	sadd.s32 s2, s1;
	[dreg:$0x7] =	wrdreg s9;
	(pc) =	sbr.rel .LBB2_1-.Ltmp0, $4  }
0x15: {  	s23 =	sadd.s32 s2, s10;
	s1 =	sadd.s32 s3, s1;
	[dreg:$0x6] =	wrdreg s22  }
0x16: {  	s16 =	sadd.s32 s3, s0;
	s0 =	simm.s32 $0x0;
	[dreg:$0x8] =	wrdreg s23  }
0x17: {  	[dreg:$0x9] =	wrdreg s1;
	s1 =	sadd.s32 s2, s25;
	s22 =	simm.s32 $0x400  }
0x18: {  	v0 =	vlaneseq.u32;
	s23 =	simm.s32 $0x2000;
	s25 =	simm.s32 $0x1;
	[dreg:$0xa] =	wrdreg s1  }
.LBB2_34:
0x19: {  	[hbm4b:s16+s22] =	stream.strided.scatter [tilespmem:s26], [sflag:$0x3], $0x6400, s23, s22, $0x38;
	[tilespmem:$0x19080] =	vst v63  }
0x1a: {  	s0 =	sadd.s32 $0x1, s0  }
0x1b: {  	_ =	swait.ge [sflag:s30], $0x6400;
	p0 =	sne.s32 s0, s17  }
.Ltmp1:
0x1c: {  	[sflag:s30] =	ssyncset.done $0x0;
	(pc) =	sbr.rel @!p0 .LBB2_35-.Ltmp1, $4  }
0x1d: {  	[sflag:s30] =	ssyncadd.s32 $0xFFFF9C00  }
0x1e: {  	_ =	swait.ge [sflag:s31], $0x6400  }
0x1f: {  	[sflag:s31] =	ssyncset.done $0x0  }
0x20: {  	[sflag:s31] =	ssyncadd.s32 $0xFFFF9C00  }
.LBB2_1:
0x21: {  	s1 =	rddreg [dreg:$0x4];
	s7 =	simm.s32 $0x19000  }
0x22: {  	[tilespmem:s7], [sflag:$0x5] =	stream.linear.gather [hbm4b:s1+s4], $0x80, $0x38;
	[tilespmem:$0x19080] =	vst v63  }
0x23: {  	_ =	swait.ge [sflag:s21], $0x80  }
0x24: {  	[sflag:s21] =	ssyncset.done $0x0  }
0x25: {  	[sflag:s21] =	ssyncadd.s32 $0xFFFFFF80  }
0x26: {  	v1 =	vld [tilespmem:$0x19000];
	_ =	sdelay $0x4  }
0x27: {  	(v2sf) =	vpush v1, $0x0  }
0x28: {  	(v2sf) =	vpush v1, $0x1  }
0x29: {  	(v2sf) =	vpush v1, $0x2  }
0x2a: {  	(v2sf) =	vpush v1, $0x3  }
0x2b: {  	(v2sf) =	vpush v1, $0x4  }
0x2c: {  	(v2sf) =	vpush v1, $0x5  }
0x2d: {  	(v2sf) =	vpush v1, $0x6  }
0x2e: {  	(v2sf) =	vpush v1, $0x7  }
0x2f: {  	(v2sf) =	vpush v1, $0x8  }
0x30: {  	(v2sf) =	vpush v1, $0x9  }
0x31: {  	(v2sf) =	vpush v1, $0xA  }
0x32: {  	v2 =	vld [tilespmem:$0x19010];
	(v2sf) =	vpush v1, $0xB  }
0x33: {  	(v2sf) =	vpush v1, $0xC  }
0x34: {  	(v2sf) =	vpush v1, $0xD  }
0x35: {  	(v2sf) =	vpush v1, $0xE  }
0x36: {  	s8 =	spop (v2sf);
	(v2sf) =	vpush v1, $0xF  }
0x37: {  	[smem:$0x0] =	sst s8;
	s9 =	spop (v2sf);
	(v2sf) =	vpush v2, $0x0  }
0x38: {  	[smem:$0x1] =	sst s9;
	s10 =	spop (v2sf);
	(v2sf) =	vpush v2, $0x1  }
0x39: {  	[smem:$0x2] =	sst s10;
	s11 =	spop (v2sf);
	(v2sf) =	vpush v2, $0x2  }
0x3a: {  	[smem:$0x3] =	sst s11;
	s12 =	spop (v2sf);
	(v2sf) =	vpush v2, $0x3  }
0x3b: {  	[smem:$0x4] =	sst s12;
	s20 =	spop (v2sf);
	(v2sf) =	vpush v2, $0x4  }
0x3c: {  	[smem:$0x5] =	sst s20;
	s7 =	spop (v2sf);
	(v2sf) =	vpush v2, $0x5  }
0x3d: {  	[smem:$0x6] =	sst s7;
	s8 =	spop (v2sf);
	(v2sf) =	vpush v2, $0x6  }
0x3e: {  	[smem:$0x7] =	sst s8;
	s9 =	spop (v2sf);
	(v2sf) =	vpush v2, $0x7  }
0x3f: {  	[smem:$0x8] =	sst s9;
	s10 =	spop (v2sf);
	(v2sf) =	vpush v2, $0x8  }
0x40: {  	[smem:$0x9] =	sst s10;
	s11 =	spop (v2sf);
	(v2sf) =	vpush v2, $0x9  }
0x41: {  	[smem:$0xA] =	sst s11;
	s12 =	spop (v2sf);
	(v2sf) =	vpush v2, $0xA  }
0x42: {  	v1 =	vld [tilespmem:$0x19020];
	[smem:$0xB] =	sst s12;
	s20 =	spop (v2sf);
	(v2sf) =	vpush v2, $0xB  }
0x43: {  	[smem:$0xC] =	sst s20;
	s7 =	spop (v2sf);
	(v2sf) =	vpush v2, $0xC  }
0x44: {  	[smem:$0xD] =	sst s7;
	s8 =	spop (v2sf);
	(v2sf) =	vpush v2, $0xD  }
0x45: {  	[smem:$0xE] =	sst s8;
	s9 =	spop (v2sf);
	(v2sf) =	vpush v2, $0xE  }
0x46: {  	[smem:$0xF] =	sst s9;
	s10 =	spop (v2sf);
	(v2sf) =	vpush v2, $0xF  }
0x47: {  	[smem:$0x10] =	sst s10;
	s11 =	spop (v2sf);
	(v2sf) =	vpush v1, $0x0  }
0x48: {  	[smem:$0x11] =	sst s11;
	s12 =	spop (v2sf);
	(v2sf) =	vpush v1, $0x1  }
0x49: {  	[smem:$0x12] =	sst s12;
	s20 =	spop (v2sf);
	(v2sf) =	vpush v1, $0x2  }
0x4a: {  	[smem:$0x13] =	sst s20;
	s7 =	spop (v2sf);
	(v2sf) =	vpush v1, $0x3  }
0x4b: {  	[smem:$0x14] =	sst s7;
	s8 =	spop (v2sf);
	(v2sf) =	vpush v1, $0x4  }
0x4c: {  	[smem:$0x15] =	sst s8;
	s9 =	spop (v2sf);
	(v2sf) =	vpush v1, $0x5  }
0x4d: {  	[smem:$0x16] =	sst s9;
	s10 =	spop (v2sf);
	(v2sf) =	vpush v1, $0x6  }
0x4e: {  	[smem:$0x17] =	sst s10;
	s11 =	spop (v2sf);
	(v2sf) =	vpush v1, $0x7  }
0x4f: {  	[smem:$0x18] =	sst s11;
	s12 =	spop (v2sf);
	(v2sf) =	vpush v1, $0x8  }
0x50: {  	[smem:$0x19] =	sst s12;
	s20 =	spop (v2sf);
	(v2sf) =	vpush v1, $0x9  }
0x51: {  	[smem:$0x1A] =	sst s20;
	s7 =	spop (v2sf);
	(v2sf) =	vpush v1, $0xA  }
0x52: {  	v2 =	vld [tilespmem:$0x19030];
	[smem:$0x1B] =	sst s7;
	s8 =	spop (v2sf);
	(v2sf) =	vpush v1, $0xB  }
0x53: {  	[smem:$0x1C] =	sst s8;
	s9 =	spop (v2sf);
	(v2sf) =	vpush v1, $0xC  }
0x54: {  	[smem:$0x1D] =	sst s9;
	s10 =	spop (v2sf);
	(v2sf) =	vpush v1, $0xD  }
0x55: {  	[smem:$0x1E] =	sst s10;
	s11 =	spop (v2sf);
	(v2sf) =	vpush v1, $0xE  }
0x56: {  	[smem:$0x1F] =	sst s11;
	s12 =	spop (v2sf);
	(v2sf) =	vpush v1, $0xF  }
0x57: {  	[smem:$0x20] =	sst s12;
	s20 =	spop (v2sf);
	(v2sf) =	vpush v2, $0x0  }
0x58: {  	[smem:$0x21] =	sst s20;
	s7 =	spop (v2sf);
	(v2sf) =	vpush v2, $0x1  }
0x59: {  	[smem:$0x22] =	sst s7;
	s8 =	spop (v2sf);
	(v2sf) =	vpush v2, $0x2  }
0x5a: {  	[smem:$0x23] =	sst s8;
	s9 =	spop (v2sf);
	(v2sf) =	vpush v2, $0x3  }
0x5b: {  	[smem:$0x24] =	sst s9;
	s10 =	spop (v2sf);
	(v2sf) =	vpush v2, $0x4  }
0x5c: {  	[smem:$0x25] =	sst s10;
	s11 =	spop (v2sf);
	(v2sf) =	vpush v2, $0x5  }
0x5d: {  	[smem:$0x26] =	sst s11;
	s12 =	spop (v2sf);
	(v2sf) =	vpush v2, $0x6  }
0x5e: {  	[smem:$0x27] =	sst s12;
	s20 =	spop (v2sf);
	(v2sf) =	vpush v2, $0x7  }
0x5f: {  	[smem:$0x28] =	sst s20;
	s7 =	spop (v2sf);
	(v2sf) =	vpush v2, $0x8  }
0x60: {  	[smem:$0x29] =	sst s7;
	s8 =	spop (v2sf);
	(v2sf) =	vpush v2, $0x9  }
0x61: {  	[smem:$0x2A] =	sst s8;
	s9 =	spop (v2sf);
	(v2sf) =	vpush v2, $0xA  }
0x62: {  	v1 =	vld [tilespmem:$0x19040];
	[smem:$0x2B] =	sst s9;
	s10 =	spop (v2sf);
	(v2sf) =	vpush v2, $0xB  }
0x63: {  	[smem:$0x2C] =	sst s10;
	s11 =	spop (v2sf);
	(v2sf) =	vpush v2, $0xC  }
0x64: {  	[smem:$0x2D] =	sst s11;
	s12 =	spop (v2sf);
	(v2sf) =	vpush v2, $0xD  }
0x65: {  	[smem:$0x2E] =	sst s12;
	s20 =	spop (v2sf);
	(v2sf) =	vpush v2, $0xE  }
0x66: {  	[smem:$0x2F] =	sst s20;
	s7 =	spop (v2sf);
	(v2sf) =	vpush v2, $0xF  }
0x67: {  	[smem:$0x30] =	sst s7;
	s8 =	spop (v2sf);
	(v2sf) =	vpush v1, $0x0  }
0x68: {  	[smem:$0x31] =	sst s8;
	s9 =	spop (v2sf);
	(v2sf) =	vpush v1, $0x1  }
0x69: {  	[smem:$0x32] =	sst s9;
	s10 =	spop (v2sf);
	(v2sf) =	vpush v1, $0x2  }
0x6a: {  	[smem:$0x33] =	sst s10;
	s11 =	spop (v2sf);
	(v2sf) =	vpush v1, $0x3  }
0x6b: {  	[smem:$0x34] =	sst s11;
	s12 =	spop (v2sf);
	(v2sf) =	vpush v1, $0x4  }
0x6c: {  	[smem:$0x35] =	sst s12;
	s20 =	spop (v2sf);
	(v2sf) =	vpush v1, $0x5  }
0x6d: {  	[smem:$0x36] =	sst s20;
	s7 =	spop (v2sf);
	(v2sf) =	vpush v1, $0x6  }
0x6e: {  	[smem:$0x37] =	sst s7;
	s8 =	spop (v2sf);
	(v2sf) =	vpush v1, $0x7  }
0x6f: {  	[smem:$0x38] =	sst s8;
	s9 =	spop (v2sf);
	(v2sf) =	vpush v1, $0x8  }
0x70: {  	[smem:$0x39] =	sst s9;
	s10 =	spop (v2sf);
	(v2sf) =	vpush v1, $0x9  }
0x71: {  	[smem:$0x3A] =	sst s10;
	s11 =	spop (v2sf);
	(v2sf) =	vpush v1, $0xA  }
0x72: {  	v2 =	vld [tilespmem:$0x19050];
	[smem:$0x3B] =	sst s11;
	s12 =	spop (v2sf);
	(v2sf) =	vpush v1, $0xB  }
0x73: {  	[smem:$0x3C] =	sst s12;
	s20 =	spop (v2sf);
	(v2sf) =	vpush v1, $0xC  }
0x74: {  	[smem:$0x3D] =	sst s20;
	s7 =	spop (v2sf);
	(v2sf) =	vpush v1, $0xD  }
0x75: {  	[smem:$0x3E] =	sst s7;
	s8 =	spop (v2sf);
	(v2sf) =	vpush v1, $0xE  }
0x76: {  	[smem:$0x3F] =	sst s8;
	s9 =	spop (v2sf);
	(v2sf) =	vpush v1, $0xF  }
0x77: {  	[smem:$0x40] =	sst s9;
	s10 =	spop (v2sf);
	(v2sf) =	vpush v2, $0x0  }
0x78: {  	[smem:$0x41] =	sst s10;
	s11 =	spop (v2sf);
	(v2sf) =	vpush v2, $0x1  }
0x79: {  	[smem:$0x42] =	sst s11;
	s12 =	spop (v2sf);
	(v2sf) =	vpush v2, $0x2  }
0x7a: {  	[smem:$0x43] =	sst s12;
	s20 =	spop (v2sf);
	(v2sf) =	vpush v2, $0x3  }
0x7b: {  	[smem:$0x44] =	sst s20;
	s7 =	spop (v2sf);
	(v2sf) =	vpush v2, $0x4  }
0x7c: {  	[smem:$0x45] =	sst s7;
	s8 =	spop (v2sf);
	(v2sf) =	vpush v2, $0x5  }
0x7d: {  	[smem:$0x46] =	sst s8;
	s9 =	spop (v2sf);
	(v2sf) =	vpush v2, $0x6  }
0x7e: {  	[smem:$0x47] =	sst s9;
	s10 =	spop (v2sf);
	(v2sf) =	vpush v2, $0x7  }
0x7f: {  	[smem:$0x48] =	sst s10;
	s11 =	spop (v2sf);
	(v2sf) =	vpush v2, $0x8  }
0x80: {  	[smem:$0x49] =	sst s11;
	s12 =	spop (v2sf);
	(v2sf) =	vpush v2, $0x9  }
0x81: {  	[smem:$0x4A] =	sst s12;
	s20 =	spop (v2sf);
	(v2sf) =	vpush v2, $0xA  }
0x82: {  	v1 =	vld [tilespmem:$0x19060];
	[smem:$0x4B] =	sst s20;
	s7 =	spop (v2sf);
	(v2sf) =	vpush v2, $0xB  }
0x83: {  	[smem:$0x4C] =	sst s7;
	s8 =	spop (v2sf);
	(v2sf) =	vpush v2, $0xC  }
0x84: {  	[smem:$0x4D] =	sst s8;
	s9 =	spop (v2sf);
	(v2sf) =	vpush v2, $0xD  }
0x85: {  	[smem:$0x4E] =	sst s9;
	s10 =	spop (v2sf);
	(v2sf) =	vpush v2, $0xE  }
0x86: {  	[smem:$0x4F] =	sst s10;
	s11 =	spop (v2sf);
	(v2sf) =	vpush v2, $0xF  }
0x87: {  	[smem:$0x50] =	sst s11;
	s12 =	spop (v2sf);
	(v2sf) =	vpush v1, $0x0  }
0x88: {  	[smem:$0x51] =	sst s12;
	s20 =	spop (v2sf);
	(v2sf) =	vpush v1, $0x1  }
0x89: {  	[smem:$0x52] =	sst s20;
	s7 =	spop (v2sf);
	(v2sf) =	vpush v1, $0x2  }
0x8a: {  	[smem:$0x53] =	sst s7;
	s8 =	spop (v2sf);
	(v2sf) =	vpush v1, $0x3  }
0x8b: {  	[smem:$0x54] =	sst s8;
	s9 =	spop (v2sf);
	(v2sf) =	vpush v1, $0x4  }
0x8c: {  	[smem:$0x55] =	sst s9;
	s10 =	spop (v2sf);
	(v2sf) =	vpush v1, $0x5  }
0x8d: {  	[smem:$0x56] =	sst s10;
	s11 =	spop (v2sf);
	(v2sf) =	vpush v1, $0x6  }
0x8e: {  	[smem:$0x57] =	sst s11;
	s12 =	spop (v2sf);
	(v2sf) =	vpush v1, $0x7  }
0x8f: {  	[smem:$0x58] =	sst s12;
	s20 =	spop (v2sf);
	(v2sf) =	vpush v1, $0x8  }
0x90: {  	[smem:$0x59] =	sst s20;
	s7 =	spop (v2sf);
	(v2sf) =	vpush v1, $0x9  }
0x91: {  	[smem:$0x5A] =	sst s7;
	s8 =	spop (v2sf);
	(v2sf) =	vpush v1, $0xA  }
0x92: {  	v2 =	vld [tilespmem:$0x19070];
	[smem:$0x5B] =	sst s8;
	s9 =	spop (v2sf);
	(v2sf) =	vpush v1, $0xB  }
0x93: {  	[smem:$0x5C] =	sst s9;
	s10 =	spop (v2sf);
	(v2sf) =	vpush v1, $0xC  }
0x94: {  	[smem:$0x5D] =	sst s10;
	s11 =	spop (v2sf);
	(v2sf) =	vpush v1, $0xD  }
0x95: {  	[smem:$0x5E] =	sst s11;
	s12 =	spop (v2sf);
	(v2sf) =	vpush v1, $0xE  }
0x96: {  	[smem:$0x5F] =	sst s12;
	s20 =	spop (v2sf);
	(v2sf) =	vpush v1, $0xF  }
0x97: {  	[smem:$0x60] =	sst s20;
	s7 =	spop (v2sf);
	(v2sf) =	vpush v2, $0x0  }
0x98: {  	[smem:$0x61] =	sst s7;
	s8 =	spop (v2sf);
	(v2sf) =	vpush v2, $0x1  }
0x99: {  	[smem:$0x62] =	sst s8;
	s9 =	spop (v2sf);
	(v2sf) =	vpush v2, $0x2  }
0x9a: {  	[smem:$0x63] =	sst s9;
	s10 =	spop (v2sf);
	(v2sf) =	vpush v2, $0x3  }
0x9b: {  	[smem:$0x64] =	sst s10;
	s11 =	spop (v2sf);
	(v2sf) =	vpush v2, $0x4  }
0x9c: {  	[smem:$0x65] =	sst s11;
	s12 =	spop (v2sf);
	(v2sf) =	vpush v2, $0x5  }
0x9d: {  	[smem:$0x66] =	sst s12;
	s20 =	spop (v2sf);
	(v2sf) =	vpush v2, $0x6  }
0x9e: {  	[smem:$0x67] =	sst s20;
	s7 =	spop (v2sf);
	(v2sf) =	vpush v2, $0x7  }
0x9f: {  	[smem:$0x68] =	sst s7;
	s8 =	spop (v2sf);
	(v2sf) =	vpush v2, $0x8  }
0xa0: {  	[smem:$0x69] =	sst s8;
	s9 =	spop (v2sf);
	(v2sf) =	vpush v2, $0x9  }
0xa1: {  	[smem:$0x6A] =	sst s9;
	s10 =	spop (v2sf);
	(v2sf) =	vpush v2, $0xA  }
0xa2: {  	[smem:$0x6B] =	sst s10;
	s11 =	spop (v2sf)  }
0xa3: {  	(v2sf) =	vpush v2, $0xB;
	[smem:$0x6C] =	sst s11;
	s12 =	spop (v2sf)  }
0xa4: {  	[smem:$0x6D] =	sst s12;
	s20 =	spop (v2sf)  }
0xa5: {  	[smem:$0x6E] =	sst s20;
	s7 =	spop (v2sf)  }
0xa6: {  	(v2sf) =	vpush v2, $0xC;
	[smem:$0x6F] =	sst s7;
	s8 =	spop (v2sf)  }
0xa7: {  	(v2sf) =	vpush v2, $0xD;
	s9 =	spop (v2sf);
	[smem:$0x70] =	sst s8  }
0xa8: {  	(v2sf) =	vpush v2, $0xE;
	s10 =	spop (v2sf);
	[smem:$0x71] =	sst s9  }
0xa9: {  	s11 =	spop (v2sf);
	[smem:$0x72] =	sst s10  }
0xaa: {  	(v2sf) =	vpush v2, $0xF;
	s12 =	spop (v2sf);
	[smem:$0x73] =	sst s11  }
0xab: {  	s20 =	spop (v2sf);
	[smem:$0x74] =	sst s12  }
0xac: {  	s8 =	spop (v2sf);
	[smem:$0x75] =	sst s20  }
0xad: {  	s9 =	spop (v2sf);
	[smem:$0x76] =	sst s8  }
0xae: {  	s10 =	spop (v2sf);
	[smem:$0x77] =	sst s9  }
0xaf: {  	s11 =	spop (v2sf);
	[smem:$0x78] =	sst s10  }
0xb0: {  	s12 =	spop (v2sf);
	[smem:$0x79] =	sst s11  }
0xb1: {  	[smem:$0x7A] =	sst s12  }
0xb2: {  	s20 =	spop (v2sf);
	s12 =	rddreg [dreg:$0x5]  }
0xb3: {  	[smem:$0x7B] =	sst s20  }
0xb4: {  	[tilespmem:s4], [sflag:$0x1] =	stream.strided.gather [hbm4b:s12+s22], $0x6400, s23, s22, $0x38;
	[tilespmem:$0x19080] =	vst v63  }
0xb5: {  	s8 =	spop (v2sf);
	s20 =	rddreg [dreg:$0x6]  }
0xb6: {  	s9 =	spop (v2sf);
	[smem:$0x7C] =	sst s8  }
0xb7: {  	s10 =	spop (v2sf);
	[smem:$0x7D] =	sst s9  }
0xb8: {  	[tilespmem:s24], [sflag:$0x2] =	stream.strided.gather [hbm4b:s20+s22], $0x6400, s23, s22, $0x38;
	[tilespmem:$0x19080] =	vst v63  }
0xb9: {  	[smem:$0x7E] =	sst s10;
	s11 =	spop (v2sf)  }
0xba: {  	[smem:$0x7F] =	sst s11  }
0xbb: {  	_ =	swait.ge [sflag:s25], $0x6400  }
0xbc: {  	[sflag:s25] =	ssyncset.done $0x0  }
0xbd: {  	s11 =	simm.s32 $0x100;
	[sflag:s25] =	ssyncadd.s32 $0xFFFF9C00  }
0xbe: {  	v1 =	vld [tilespmem:s11+$0x80];
	_ =	sdelay $0x3  }
0xbf: {  	v2 =	vld [tilespmem:s11+$0xFFFFFF00]  }
0xc0: {  	v3 =	vld [tilespmem:s11+$0xFFFFFF80];
	v1 =	vmul.f32 $6.400000000e+01, v1  }
0xc1: {  	s1 =	simm.s32 $0xC900;
	v4 =	vld [tilespmem:s11+$0x0]  }
0xc2: {  	[tilespmem:s1+$0x80] =	vst v1  }
0xc3: {  	v1 =	vld [tilespmem:s11+$0x90]  }
0xc4: {  	v2 =	vmul.f32 $6.400000000e+01, v2  }
0xc5: {  	v3 =	vmul.f32 $6.400000000e+01, v3  }
0xc6: {  	v4 =	vmul.f32 $6.400000000e+01, v4;
	[tilespmem:s1+$0xFFFFFF00] =	vst v2  }
0xc7: {  	[tilespmem:s1+$0xFFFFFF80] =	vst v3;
	v2 =	vld [tilespmem:s11+$0xFFFFFF10]  }
0xc8: {  	[tilespmem:s1+$0x0] =	vst v4;
	v3 =	vld [tilespmem:s11+$0xFFFFFF90];
	v1 =	vmul.f32 $6.400000000e+01, v1  }
0xc9: {  	v4 =	vld [tilespmem:s11+$0x10]  }
0xca: {  	[tilespmem:s1+$0x90] =	vst v1  }
0xcb: {  	v1 =	vld [tilespmem:s11+$0xA0]  }
0xcc: {  	v2 =	vmul.f32 $6.400000000e+01, v2  }
0xcd: {  	v3 =	vmul.f32 $6.400000000e+01, v3  }
0xce: {  	v4 =	vmul.f32 $6.400000000e+01, v4;
	[tilespmem:s1+$0xFFFFFF10] =	vst v2  }
0xcf: {  	[tilespmem:s1+$0xFFFFFF90] =	vst v3;
	v2 =	vld [tilespmem:s11+$0xFFFFFF20]  }
0xd0: {  	[tilespmem:s1+$0x10] =	vst v4;
	v3 =	vld [tilespmem:s11+$0xFFFFFFA0];
	v1 =	vmul.f32 $6.400000000e+01, v1  }
0xd1: {  	v4 =	vld [tilespmem:s11+$0x20]  }
0xd2: {  	[tilespmem:s1+$0xA0] =	vst v1  }
0xd3: {  	v1 =	vld [tilespmem:s11+$0xB0]  }
0xd4: {  	v2 =	vmul.f32 $6.400000000e+01, v2  }
0xd5: {  	v3 =	vmul.f32 $6.400000000e+01, v3  }
0xd6: {  	v4 =	vmul.f32 $6.400000000e+01, v4;
	[tilespmem:s1+$0xFFFFFF20] =	vst v2  }
0xd7: {  	[tilespmem:s1+$0xFFFFFFA0] =	vst v3;
	v2 =	vld [tilespmem:s11+$0xFFFFFF30]  }
0xd8: {  	[tilespmem:s1+$0x20] =	vst v4;
	v3 =	vld [tilespmem:s11+$0xFFFFFFB0];
	v1 =	vmul.f32 $6.400000000e+01, v1  }
0xd9: {  	s7 =	simm.s32 $0x300;
	v4 =	vld [tilespmem:s11+$0x30]  }
0xda: {  	[tilespmem:s1+$0xB0] =	vst v1;
	v1 =	vld [tilespmem:s7+$0x80]  }
0xdb: {  	v5 =	vld [tilespmem:s11+$0xC0]  }
0xdc: {  	v6 =	vld [tilespmem:s7+$0xFFFFFF80];
	v2 =	vmul.f32 $6.400000000e+01, v2  }
0xdd: {  	v7 =	vld [tilespmem:s7+$0x0];
	v3 =	vmul.f32 $6.400000000e+01, v3  }
0xde: {  	v4 =	vmul.f32 $6.400000000e+01, v4;
	[tilespmem:s1+$0xFFFFFF30] =	vst v2;
	v2 =	vld [tilespmem:s7+$0xFFFFFF00]  }
0xdf: {  	[tilespmem:s1+$0xFFFFFFB0] =	vst v3;
	v3 =	vld [tilespmem:s11+$0xFFFFFF40];
	v1 =	vmul.f32 $6.400000000e+01, v1  }
0xe0: {  	s8 =	simm.s32 $0xCB00;
	[tilespmem:s1+$0x30] =	vst v4;
	v4 =	vld [tilespmem:s11+$0xFFFFFFC0];
	v5 =	vmul.f32 $6.400000000e+01, v5  }
0xe1: {  	v6 =	vmul.f32 $6.400000000e+01, v6;
	[tilespmem:s8+$0x80] =	vst v1;
	v1 =	vld [tilespmem:s11+$0x40]  }
0xe2: {  	v7 =	vmul.f32 $6.400000000e+01, v7;
	v8 =	vld [tilespmem:s7+$0x90];
	[tilespmem:s1+$0xC0] =	vst v5  }
0xe3: {  	[tilespmem:s8+$0xFFFFFF80] =	vst v6;
	v2 =	vmul.f32 $6.400000000e+01, v2;
	v5 =	vld [tilespmem:s11+$0xD0]  }
0xe4: {  	[tilespmem:s8+$0x0] =	vst v7;
	v6 =	vld [tilespmem:s7+$0xFFFFFF90];
	v3 =	vmul.f32 $6.400000000e+01, v3  }
0xe5: {  	v4 =	vmul.f32 $6.400000000e+01, v4;
	[tilespmem:s8+$0xFFFFFF00] =	vst v2;
	v2 =	vld [tilespmem:s7+$0x10]  }
0xe6: {  	v7 =	vld [tilespmem:s7+$0xFFFFFF10];
	[tilespmem:s1+$0xFFFFFF40] =	vst v3;
	v1 =	vmul.f32 $6.400000000e+01, v1  }
0xe7: {  	[tilespmem:s1+$0xFFFFFFC0] =	vst v4;
	v3 =	vmul.f32 $6.400000000e+01, v8;
	v8 =	vld [tilespmem:s11+$0xFFFFFF50]  }
0xe8: {  	v4 =	vld [tilespmem:s11+$0xFFFFFFD0];
	[tilespmem:s1+$0x40] =	vst v1;
	v1 =	vmul.f32 $6.400000000e+01, v5  }
0xe9: {  	v5 =	vmul.f32 $6.400000000e+01, v6;
	[tilespmem:s8+$0x90] =	vst v3;
	v3 =	vld [tilespmem:s11+$0x50]  }
0xea: {  	v2 =	vmul.f32 $6.400000000e+01, v2;
	v6 =	vld [tilespmem:s7+$0xA0];
	[tilespmem:s1+$0xD0] =	vst v1  }
0xeb: {  	v1 =	vmul.f32 $6.400000000e+01, v7;
	[tilespmem:s8+$0xFFFFFF90] =	vst v5;
	v5 =	vld [tilespmem:s11+$0xE0]  }
0xec: {  	[tilespmem:s8+$0x10] =	vst v2;
	v7 =	vld [tilespmem:s7+$0xFFFFFFA0];
	v2 =	vmul.f32 $6.400000000e+01, v8  }
0xed: {  	v4 =	vmul.f32 $6.400000000e+01, v4;
	[tilespmem:s8+$0xFFFFFF10] =	vst v1;
	v1 =	vld [tilespmem:s7+$0x20]  }
0xee: {  	v8 =	vld [tilespmem:s7+$0xFFFFFF20];
	[tilespmem:s1+$0xFFFFFF50] =	vst v2;
	v2 =	vmul.f32 $6.400000000e+01, v3  }
0xef: {  	[tilespmem:s1+$0xFFFFFFD0] =	vst v4;
	v3 =	vmul.f32 $6.400000000e+01, v6;
	v6 =	vld [tilespmem:s11+$0xFFFFFF60]  }
0xf0: {  	v4 =	vld [tilespmem:s11+$0xFFFFFFE0];
	[tilespmem:s1+$0x50] =	vst v2;
	v2 =	vmul.f32 $6.400000000e+01, v5  }
0xf1: {  	v5 =	vmul.f32 $6.400000000e+01, v7;
	[tilespmem:s8+$0xA0] =	vst v3;
	v3 =	vld [tilespmem:s11+$0x60]  }
0xf2: {  	v1 =	vmul.f32 $6.400000000e+01, v1;
	v7 =	vld [tilespmem:s7+$0xB0];
	[tilespmem:s1+$0xE0] =	vst v2  }
0xf3: {  	v2 =	vmul.f32 $6.400000000e+01, v8;
	[tilespmem:s8+$0xFFFFFFA0] =	vst v5;
	v8 =	vld [tilespmem:s11+$0xF0]  }
0xf4: {  	v9 =	vld [tilespmem:s7+$0xFFFFFFB0];
	[tilespmem:s8+$0x20] =	vst v1;
	v1 =	vmul.f32 $6.400000000e+01, v6  }
0xf5: {  	v4 =	vmul.f32 $6.400000000e+01, v4;
	[tilespmem:s8+$0xFFFFFF20] =	vst v2;
	v5 =	vld [tilespmem:s7+$0x30]  }
0xf6: {  	v6 =	vld [tilespmem:s7+$0xFFFFFF30];
	[tilespmem:s1+$0xFFFFFF60] =	vst v1;
	v3 =	vmul.f32 $6.400000000e+01, v3  }
0xf7: {  	[tilespmem:s1+$0xFFFFFFE0] =	vst v4;
	v10 =	vmul.f32 $6.400000000e+01, v7;
	v2 =	vld [tilespmem:s11+$0xFFFFFF70]  }
0xf8: {  	v1 =	vld [tilespmem:s11+$0xFFFFFFF0];
	[tilespmem:s1+$0x60] =	vst v3;
	v4 =	vmul.f32 $6.400000000e+01, v8  }
0xf9: {  	s9 =	simm.s32 $0x4;
	s10 =	simm.s32 $0x500;
	v7 =	vmul.f32 $6.400000000e+01, v9;
	[tilespmem:s8+$0xB0] =	vst v10;
	v3 =	vld [tilespmem:s11+$0x70]  }
.LBB2_2:
0xfa: {  	v8 =	vld [tilespmem:s10+$0x80];
	v5 =	vmul.f32 $6.400000000e+01, v5;
	[tilespmem:s1+$0xF0] =	vst v4  }
0xfb: {  	s9 =	sadd.s32 $0x4, s9;
	v4 =	vmul.f32 $6.400000000e+01, v6;
	[tilespmem:s8+$0xFFFFFFB0] =	vst v7;
	v6 =	vld [tilespmem:s7+$0xC0]  }
0xfc: {  	p0 =	slt.u32 s9, $0xC4;
	v7 =	vld [tilespmem:s10+$0xFFFFFF80];
	[tilespmem:s8+$0x30] =	vst v5;
	v2 =	vmul.f32 $6.400000000e+01, v2  }
0xfd: {  	v5 =	vld [tilespmem:s10+$0x0];
	[tilespmem:s8+$0xFFFFFF30] =	vst v4;
	v1 =	vmul.f32 $6.400000000e+01, v1  }
0xfe: {  	v4 =	vld [tilespmem:s10+$0xFFFFFF00];
	[tilespmem:s1+$0xFFFFFF70] =	vst v2;
	v2 =	vmul.f32 $6.400000000e+01, v3  }
0xff: {  	v3 =	vmul.f32 $6.400000000e+01, v8;
	v8 =	vld [tilespmem:s7+$0xFFFFFF40];
	[tilespmem:s1+$0xFFFFFFF0] =	vst v1  }
0x100: {  	v1 =	vld [tilespmem:s7+$0xFFFFFFC0];
	v6 =	vmul.f32 $6.400000000e+01, v6;
	[tilespmem:s1+$0x70] =	vst v2;
	s1 =	smov.u32 s8;
	s8 =	sadd.s32 $0x200, s8  }
0x101: {  	v2 =	vmul.f32 $6.400000000e+01, v7;
	[tilespmem:s8+$0x80] =	vst v3;
	v3 =	vld [tilespmem:s7+$0x40]  }
0x102: {  	v5 =	vmul.f32 $6.400000000e+01, v5;
	v7 =	vld [tilespmem:s10+$0x90];
	[tilespmem:s1+$0xC0] =	vst v6  }
0x103: {  	v4 =	vmul.f32 $6.400000000e+01, v4;
	[tilespmem:s8+$0xFFFFFF80] =	vst v2;
	v2 =	vld [tilespmem:s7+$0xD0]  }
0x104: {  	v6 =	vld [tilespmem:s10+$0xFFFFFF90];
	[tilespmem:s8+$0x0] =	vst v5;
	v5 =	vmul.f32 $6.400000000e+01, v8  }
0x105: {  	[tilespmem:s8+$0xFFFFFF00] =	vst v4;
	v4 =	vld [tilespmem:s10+$0x10];
	v1 =	vmul.f32 $6.400000000e+01, v1  }
0x106: {  	v8 =	vld [tilespmem:s10+$0xFFFFFF10];
	[tilespmem:s1+$0xFFFFFF40] =	vst v5;
	v3 =	vmul.f32 $6.400000000e+01, v3  }
0x107: {  	v5 =	vmul.f32 $6.400000000e+01, v7;
	v7 =	vld [tilespmem:s7+$0xFFFFFF50];
	[tilespmem:s1+$0xFFFFFFC0] =	vst v1  }
0x108: {  	v1 =	vld [tilespmem:s7+$0xFFFFFFD0];
	[tilespmem:s1+$0x40] =	vst v3;
	v2 =	vmul.f32 $6.400000000e+01, v2  }
0x109: {  	v3 =	vmul.f32 $6.400000000e+01, v6;
	[tilespmem:s8+$0x90] =	vst v5;
	v5 =	vld [tilespmem:s7+$0x50]  }
0x10a: {  	v4 =	vmul.f32 $6.400000000e+01, v4;
	v6 =	vld [tilespmem:s10+$0xA0];
	[tilespmem:s1+$0xD0] =	vst v2  }
0x10b: {  	v2 =	vmul.f32 $6.400000000e+01, v8;
	[tilespmem:s8+$0xFFFFFF90] =	vst v3;
	v3 =	vld [tilespmem:s7+$0xE0]  }
0x10c: {  	v8 =	vld [tilespmem:s10+$0xFFFFFFA0];
	[tilespmem:s8+$0x10] =	vst v4;
	v4 =	vmul.f32 $6.400000000e+01, v7  }
0x10d: {  	[tilespmem:s8+$0xFFFFFF10] =	vst v2;
	v2 =	vld [tilespmem:s10+$0x20];
	v1 =	vmul.f32 $6.400000000e+01, v1  }
0x10e: {  	v7 =	vld [tilespmem:s10+$0xFFFFFF20];
	[tilespmem:s1+$0xFFFFFF50] =	vst v4;
	v4 =	vmul.f32 $6.400000000e+01, v5  }
0x10f: {  	v5 =	vmul.f32 $6.400000000e+01, v6;
	v6 =	vld [tilespmem:s7+$0xFFFFFF60];
	[tilespmem:s1+$0xFFFFFFD0] =	vst v1  }
0x110: {  	v1 =	vld [tilespmem:s7+$0xFFFFFFE0];
	[tilespmem:s1+$0x50] =	vst v4;
	v3 =	vmul.f32 $6.400000000e+01, v3  }
0x111: {  	v4 =	vmul.f32 $6.400000000e+01, v8;
	[tilespmem:s8+$0xA0] =	vst v5;
	v8 =	vld [tilespmem:s7+$0x60]  }
0x112: {  	v2 =	vmul.f32 $6.400000000e+01, v2;
	v9 =	vld [tilespmem:s10+$0xB0];
	[tilespmem:s1+$0xE0] =	vst v3  }
0x113: {  	v3 =	vmul.f32 $6.400000000e+01, v7;
	[tilespmem:s8+$0xFFFFFFA0] =	vst v4;
	v4 =	vld [tilespmem:s7+$0xF0]  }
0x114: {  	v7 =	vld [tilespmem:s10+$0xFFFFFFB0];
	[tilespmem:s8+$0x20] =	vst v2;
	v2 =	vmul.f32 $6.400000000e+01, v6  }
.Ltmp2:
0x115: {  	[tilespmem:s8+$0xFFFFFF20] =	vst v3;
	v5 =	vld [tilespmem:s10+$0x30];
	v1 =	vmul.f32 $6.400000000e+01, v1;
	(pc) =	sbr.rel @p0 .LBB2_2-.Ltmp2, $4  }
0x116: {  	v6 =	vld [tilespmem:s10+$0xFFFFFF30];
	[tilespmem:s1+$0xFFFFFF60] =	vst v2;
	v3 =	vmul.f32 $6.400000000e+01, v8  }
0x117: {  	v8 =	vmul.f32 $6.400000000e+01, v9;
	v2 =	vld [tilespmem:s7+$0xFFFFFF70];
	[tilespmem:s1+$0xFFFFFFE0] =	vst v1  }
0x118: {  	v1 =	vld [tilespmem:s7+$0xFFFFFFF0];
	[tilespmem:s1+$0x60] =	vst v3;
	v4 =	vmul.f32 $6.400000000e+01, v4  }
0x119: {  	v7 =	vmul.f32 $6.400000000e+01, v7;
	[tilespmem:s8+$0xB0] =	vst v8;
	v3 =	vld [tilespmem:s7+$0x70];
	s7 =	smov.u32 s10;
	s10 =	sadd.s32 $0x200, s10  }
0x11a: {  	_ = 	snop  }
0x11b: {  	v6 =	vmul.f32 $6.400000000e+01, v6;
	_ =	sdelay $0x1  }
0x11c: {  	v5 =	vmul.f32 $6.400000000e+01, v5;
	v8 =	vld [tilespmem:s7+$0xC0];
	[tilespmem:s8+$0xFFFFFF30] =	vst v6  }
0x11d: {  	[tilespmem:s8+$0xFFFFFFB0] =	vst v7;
	v6 =	vld [tilespmem:s7+$0xFFFFFF40]  }
0x11e: {  	[tilespmem:s8+$0x30] =	vst v5;
	v56 =	vld [tilespmem:s7+$0xFFFFFFC0]  }
0x11f: {  	v57 =	vld [tilespmem:s7+$0x40];
	_ =	sdelay $0x1  }
0x120: {  	v8 =	vmul.f32 $6.400000000e+01, v8  }
0x121: {  	v6 =	vmul.f32 $6.400000000e+01, v6  }
0x122: {  	[tilespmem:s8+$0xC0] =	vst v8;
	v5 =	vmul.f32 $6.400000000e+01, v56  }
0x123: {  	v8 =	vld [tilespmem:s7+$0xD0];
	v58 =	vmul.f32 $6.400000000e+01, v57;
	[tilespmem:s8+$0xFFFFFF40] =	vst v6  }
0x124: {  	[tilespmem:s8+$0xFFFFFFC0] =	vst v5;
	v59 =	vld [tilespmem:s7+$0xFFFFFF50]  }
0x125: {  	v5 =	vld [tilespmem:s7+$0xFFFFFFD0];
	[tilespmem:s8+$0x40] =	vst v58  }
0x126: {  	v6 =	vld [tilespmem:s7+$0x50];
	_ =	sdelay $0x1  }
0x127: {  	v8 =	vmul.f32 $6.400000000e+01, v8  }
0x128: {  	v7 =	vmul.f32 $6.400000000e+01, v59  }
0x129: {  	[tilespmem:s8+$0xD0] =	vst v8;
	v5 =	vmul.f32 $6.400000000e+01, v5  }
0x12a: {  	v8 =	vld [tilespmem:s7+$0xE0];
	v6 =	vmul.f32 $6.400000000e+01, v6;
	[tilespmem:s8+$0xFFFFFF50] =	vst v7  }
0x12b: {  	[tilespmem:s8+$0xFFFFFFD0] =	vst v5;
	v7 =	vld [tilespmem:s7+$0xFFFFFF60]  }
0x12c: {  	v5 =	vld [tilespmem:s7+$0xFFFFFFE0];
	[tilespmem:s8+$0x50] =	vst v6  }
0x12d: {  	v6 =	vld [tilespmem:s7+$0x60];
	_ =	sdelay $0x1  }
0x12e: {  	v8 =	vmul.f32 $6.400000000e+01, v8  }
0x12f: {  	v7 =	vmul.f32 $6.400000000e+01, v7  }
0x130: {  	[tilespmem:s8+$0xE0] =	vst v8;
	v5 =	vmul.f32 $6.400000000e+01, v5  }
0x131: {  	v60 =	vld [tilespmem:s7+$0xF0];
	v6 =	vmul.f32 $6.400000000e+01, v6;
	[tilespmem:s8+$0xFFFFFF60] =	vst v7  }
0x132: {  	[tilespmem:s8+$0xFFFFFFE0] =	vst v5;
	v61 =	vld [tilespmem:s7+$0xFFFFFF70]  }
0x133: {  	v2 =	vmul.f32 $6.400000000e+01, v2;
	[tilespmem:s8+$0x60] =	vst v6;
	v62 =	vld [tilespmem:s7+$0xFFFFFFF0]  }
0x134: {  	[tilespmem:s1+$0xF0] =	vst v4;
	v1 =	vmul.f32 $6.400000000e+01, v1;
	v63 =	vld [tilespmem:s7+$0x70]  }
0x135: {  	[tilespmem:s1+$0xFFFFFF70] =	vst v2;
	v2 =	vmul.f32 $6.400000000e+01, v3  }
0x136: {  	[tilespmem:s1+$0xFFFFFFF0] =	vst v1;
	v1 =	vmul.f32 $6.400000000e+01, v60  }
.Ltmp3:
0x137: {  	[tilespmem:s1+$0x70] =	vst v2;
	v2 =	vmul.f32 $6.400000000e+01, v61;
	(pc) =	sbr.rel .LBB2_4-.Ltmp3, $4  }
0x138: {  	[tilespmem:s8+$0xF0] =	vst v1;
	v1 =	vmul.f32 $6.400000000e+01, v62  }
0x139: {  	[tilespmem:s8+$0xFFFFFF70] =	vst v2;
	v2 =	vmul.f32 $6.400000000e+01, v63  }
0x13a: {  	[tilespmem:s8+$0xFFFFFFF0] =	vst v1  }
0x13b: {  	s1 =	simm.s32 $0x0;
	s7 =	simm.s32 $0x0;
	[tilespmem:s8+$0x70] =	vst v2  }
.LBB2_6:
0x13c: {  	s7 =	sadd.s32 $0x1, s7  }
0x13d: {  	p0 =	sne.s32 s7, $0x80  }
.Ltmp4:
0x13e: {  	_ = 	snop;
	(pc) =	sbr.rel @!p0 .LBB2_7-.Ltmp4, $2  }
0x13f: {  	_ =	sdelay $0x2  }
0x140: {  	s1 =	sadd.s32 $0x1, s1  }
.LBB2_4:
0x141: {  	s8 =	sld [smem:s1+$0x0];
	_ =	sdelay $0x2  }
0x142: {  	s8 =	ssub.s32 s8, s5  }
0x143: {  	p0 =	sgt.u32 s8, $0xC7  }
.Ltmp5:
0x144: {  	_ = 	snop;
	(pc) =	sbr.rel @p0 .LBB2_6-.Ltmp5, $1  }
0x145: {  	_ =	sdelay $0x3  }
0x146: {  	s9 =	sand.u32 $0x70, s7;
	s8 =	sshll.u32 s8, $0x7  }
0x147: {  	s8 =	sor.u32 s9, s8  }
0x148: {  	v1 =	vld [tilespmem:s8+$0x0];
	_ =	sdelay $0x4  }
0x149: {  	v2 =	vmul.f32 v1, v1;
	_ =	sdelay $0x1  }
0x14a: {  	v2 =	vsub.f32 $1.000000000e+00, v2;
	_ =	sdelay $0x1  }
0x14b: {  	v2 =	vmax.f32 v2, $0.0e+00  }
0x14c: {  	v3 =	vadd.f32 $1.000000000e+00, v2;
	_ =	sdelay $0x1  }
0x14d: {  	v3 =	vmul.f32 $5.000000000e-01, v3;
	_ =	sdelay $0x1  }
0x14e: {  	(erf) = vrcp.f32 v3;
	_ =	sdelay $0x8  }
0x14f: {  	v4 =	vpop (erf)  }
0x150: {  	v4 =	vmul.f32 v4, v2;
	_ =	sdelay $0x1  }
0x151: {  	v3 =	vadd.f32 v4, v3;
	_ =	sdelay $0x1  }
0x152: {  	v3 =	vmul.f32 $5.000000000e-01, v3;
	_ =	sdelay $0x1  }
0x153: {  	(erf) = vrcp.f32 v3;
	_ =	sdelay $0x8  }
0x154: {  	v47 =	vpop (erf)  }
0x155: {  	v4 =	vmul.f32 v47, v2;
	_ =	sdelay $0x1  }
0x156: {  	v3 =	vadd.f32 v4, v3;
	_ =	sdelay $0x1  }
0x157: {  	v3 =	vmul.f32 $5.000000000e-01, v3;
	_ =	sdelay $0x1  }
0x158: {  	(erf) = vrcp.f32 v3;
	_ =	sdelay $0x8  }
0x159: {  	v48 =	vpop (erf)  }
0x15a: {  	v4 =	vmul.f32 v48, v2;
	_ =	sdelay $0x1  }
0x15b: {  	v3 =	vadd.f32 v4, v3;
	_ =	sdelay $0x1  }
0x15c: {  	v3 =	vmul.f32 $5.000000000e-01, v3;
	_ =	sdelay $0x1  }
0x15d: {  	(erf) = vrcp.f32 v3;
	_ =	sdelay $0x8  }
0x15e: {  	v49 =	vpop (erf)  }
0x15f: {  	v4 =	vmul.f32 v49, v2;
	_ =	sdelay $0x1  }
0x160: {  	v3 =	vadd.f32 v4, v3;
	_ =	sdelay $0x1  }
0x161: {  	v3 =	vmul.f32 $5.000000000e-01, v3;
	_ =	sdelay $0x1  }
0x162: {  	(erf) = vrcp.f32 v3;
	_ =	sdelay $0x8  }
0x163: {  	v50 =	vpop (erf)  }
0x164: {  	v4 =	vmul.f32 v50, v2;
	_ =	sdelay $0x1  }
0x165: {  	v3 =	vadd.f32 v4, v3;
	_ =	sdelay $0x1  }
0x166: {  	v3 =	vmul.f32 $5.000000000e-01, v3;
	_ =	sdelay $0x1  }
0x167: {  	(erf) = vrcp.f32 v3;
	_ =	sdelay $0x8  }
0x168: {  	v51 =	vpop (erf)  }
0x169: {  	v4 =	vmul.f32 v51, v2;
	_ =	sdelay $0x1  }
0x16a: {  	v3 =	vadd.f32 v4, v3;
	_ =	sdelay $0x1  }
0x16b: {  	v3 =	vmul.f32 $5.000000000e-01, v3;
	_ =	sdelay $0x1  }
0x16c: {  	(erf) = vrcp.f32 v3;
	_ =	sdelay $0x8  }
0x16d: {  	v52 =	vpop (erf)  }
0x16e: {  	v4 =	vmul.f32 v52, v2;
	_ =	sdelay $0x1  }
0x16f: {  	v3 =	vadd.f32 v4, v3;
	_ =	sdelay $0x1  }
0x170: {  	v3 =	vmul.f32 $5.000000000e-01, v3;
	_ =	sdelay $0x1  }
0x171: {  	(erf) = vrcp.f32 v3;
	_ =	sdelay $0x8  }
0x172: {  	v53 =	vpop (erf)  }
0x173: {  	v4 =	vmul.f32 v53, v2;
	_ =	sdelay $0x1  }
0x174: {  	v3 =	vadd.f32 v4, v3;
	_ =	sdelay $0x1  }
0x175: {  	v3 =	vmul.f32 $5.000000000e-01, v3;
	_ =	sdelay $0x1  }
0x176: {  	(erf) = vrcp.f32 v3;
	_ =	sdelay $0x8  }
0x177: {  	v54 =	vpop (erf)  }
0x178: {  	v4 =	vmul.f32 v54, v2;
	_ =	sdelay $0x1  }
0x179: {  	v3 =	vadd.f32 v4, v3;
	_ =	sdelay $0x1  }
0x17a: {  	v3 =	vmul.f32 $5.000000000e-01, v3;
	_ =	sdelay $0x1  }
0x17b: {  	(erf) = vrcp.f32 v3;
	_ =	sdelay $0x8  }
0x17c: {  	v55 =	vpop (erf)  }
0x17d: {  	v4 =	vmul.f32 v55, v2;
	_ =	sdelay $0x1  }
0x17e: {  	v3 =	vadd.f32 v4, v3;
	_ =	sdelay $0x1  }
0x17f: {  	v3 =	vmul.f32 $5.000000000e-01, v3;
	_ =	sdelay $0x1  }
0x180: {  	(erf) = vrcp.f32 v3;
	_ =	sdelay $0x8  }
0x181: {  	v56 =	vpop (erf)  }
0x182: {  	v4 =	vmul.f32 v56, v2;
	_ =	sdelay $0x1  }
0x183: {  	v3 =	vadd.f32 v4, v3;
	_ =	sdelay $0x1  }
0x184: {  	v3 =	vmul.f32 $5.000000000e-01, v3;
	_ =	sdelay $0x1  }
0x185: {  	(erf) = vrcp.f32 v3;
	_ =	sdelay $0x8  }
0x186: {  	v57 =	vpop (erf)  }
0x187: {  	v4 =	vmul.f32 v57, v2;
	_ =	sdelay $0x1  }
0x188: {  	v3 =	vadd.f32 v4, v3;
	_ =	sdelay $0x1  }
0x189: {  	v3 =	vmul.f32 $5.000000000e-01, v3;
	_ =	sdelay $0x1  }
0x18a: {  	(erf) = vrcp.f32 v3;
	_ =	sdelay $0x8  }
0x18b: {  	v58 =	vpop (erf)  }
0x18c: {  	v4 =	vmul.f32 v58, v2;
	_ =	sdelay $0x1  }
0x18d: {  	v3 =	vadd.f32 v4, v3;
	_ =	sdelay $0x1  }
0x18e: {  	v3 =	vmul.f32 $5.000000000e-01, v3;
	_ =	sdelay $0x1  }
0x18f: {  	(erf) = vrcp.f32 v3;
	_ =	sdelay $0x8  }
0x190: {  	v59 =	vpop (erf)  }
0x191: {  	v4 =	vmul.f32 v59, v2;
	_ =	sdelay $0x1  }
0x192: {  	v3 =	vadd.f32 v4, v3;
	_ =	sdelay $0x1  }
0x193: {  	v3 =	vmul.f32 $5.000000000e-01, v3;
	_ =	sdelay $0x1  }
0x194: {  	(erf) = vrcp.f32 v3;
	_ =	sdelay $0x8  }
0x195: {  	v60 =	vpop (erf)  }
0x196: {  	v4 =	vmul.f32 v60, v2;
	_ =	sdelay $0x1  }
0x197: {  	v3 =	vadd.f32 v4, v3;
	_ =	sdelay $0x1  }
0x198: {  	v3 =	vmul.f32 $5.000000000e-01, v3;
	_ =	sdelay $0x1  }
0x199: {  	(erf) = vrcp.f32 v3;
	_ =	sdelay $0x8  }
0x19a: {  	v61 =	vpop (erf)  }
0x19b: {  	v4 =	vmul.f32 v61, v2;
	_ =	sdelay $0x1  }
0x19c: {  	v3 =	vadd.f32 v4, v3;
	_ =	sdelay $0x1  }
0x19d: {  	v3 =	vmul.f32 $5.000000000e-01, v3;
	_ =	sdelay $0x1  }
0x19e: {  	(erf) = vrcp.f32 v3;
	_ =	sdelay $0x8  }
0x19f: {  	v62 =	vpop (erf)  }
0x1a0: {  	v4 =	vmul.f32 v62, v2;
	_ =	sdelay $0x1  }
0x1a1: {  	v3 =	vadd.f32 v4, v3;
	_ =	sdelay $0x1  }
0x1a2: {  	v3 =	vmul.f32 $5.000000000e-01, v3;
	_ =	sdelay $0x1  }
0x1a3: {  	(erf) = vrcp.f32 v3;
	_ =	sdelay $0x8  }
0x1a4: {  	v63 =	vpop (erf)  }
0x1a5: {  	v2 =	vmul.f32 v63, v2;
	_ =	sdelay $0x1  }
0x1a6: {  	v2 =	vadd.f32 v2, v3;
	_ =	sdelay $0x1  }
0x1a7: {  	v2 =	vmul.f32 $5.000000000e-01, v2  }
0x1a8: {  	v3 =	vld [tilespmem:s8+$0xC800]  }
0x1a9: {  	v1 =	vmul.f32 $5.616528320e+01, v1;
	v2 =	vmul.f32 $-3.068323520e+01, v2  }
.Ltmp6:
0x1aa: {  	s20 =	sand.u32 $0xF, s7;
	(pc) =	sbr.rel .LBB2_6-.Ltmp6, $4  }
0x1ab: {  	v1 =	vadd.f32 v2, v1;
	v2 =	vmov s20  }
0x1ac: {  	vm0 =	veq.s32 v2, v0  }
0x1ad: {  	v1 =	vsel vm0, v1, v3  }
0x1ae: {  	[tilespmem:s8+$0xC800] =	vst v1  }
.LBB2_7:
0x1af: {  	s1 =	rddreg [dreg:$0x7]  }
0x1b0: {  	[hbm4b:s1+s22] =	stream.strided.scatter [tilespmem:s26], [sflag:$0x3], $0x6400, s23, s22, $0x38;
	[tilespmem:$0x19080] =	vst v63  }
0x1b1: {  	s20 =	rddreg [dreg:$0x8]  }
0x1b2: {  	[tilespmem:s4], [sflag:$0x1] =	stream.strided.gather [hbm4b:s20+s22], $0x6400, s23, s22, $0x38;
	[tilespmem:$0x19080] =	vst v63  }
0x1b3: {  	_ =	swait.ge [sflag:s28], $0x6400  }
0x1b4: {  	[sflag:s28] =	ssyncset.done $0x0  }
0x1b5: {  	s11 =	simm.s32 $0x6500;
	[sflag:s28] =	ssyncadd.s32 $0xFFFF9C00  }
0x1b6: {  	v1 =	vld [tilespmem:s11+$0x80];
	_ =	sdelay $0x3  }
0x1b7: {  	v2 =	vld [tilespmem:s11+$0xFFFFFF00]  }
0x1b8: {  	v3 =	vld [tilespmem:s11+$0xFFFFFF80];
	v1 =	vmul.f32 $6.400000000e+01, v1  }
0x1b9: {  	s1 =	simm.s32 $0x12D00;
	v4 =	vld [tilespmem:s11+$0x0]  }
0x1ba: {  	[tilespmem:s1+$0x80] =	vst v1  }
0x1bb: {  	v1 =	vld [tilespmem:s11+$0x90]  }
0x1bc: {  	v2 =	vmul.f32 $6.400000000e+01, v2  }
0x1bd: {  	v3 =	vmul.f32 $6.400000000e+01, v3  }
0x1be: {  	v4 =	vmul.f32 $6.400000000e+01, v4;
	[tilespmem:s1+$0xFFFFFF00] =	vst v2  }
0x1bf: {  	[tilespmem:s1+$0xFFFFFF80] =	vst v3;
	v2 =	vld [tilespmem:s11+$0xFFFFFF10]  }
0x1c0: {  	[tilespmem:s1+$0x0] =	vst v4;
	v3 =	vld [tilespmem:s11+$0xFFFFFF90];
	v1 =	vmul.f32 $6.400000000e+01, v1  }
0x1c1: {  	v4 =	vld [tilespmem:s11+$0x10]  }
0x1c2: {  	[tilespmem:s1+$0x90] =	vst v1  }
0x1c3: {  	v1 =	vld [tilespmem:s11+$0xA0]  }
0x1c4: {  	v2 =	vmul.f32 $6.400000000e+01, v2  }
0x1c5: {  	v3 =	vmul.f32 $6.400000000e+01, v3  }
0x1c6: {  	v4 =	vmul.f32 $6.400000000e+01, v4;
	[tilespmem:s1+$0xFFFFFF10] =	vst v2  }
0x1c7: {  	[tilespmem:s1+$0xFFFFFF90] =	vst v3;
	v2 =	vld [tilespmem:s11+$0xFFFFFF20]  }
0x1c8: {  	[tilespmem:s1+$0x10] =	vst v4;
	v3 =	vld [tilespmem:s11+$0xFFFFFFA0];
	v1 =	vmul.f32 $6.400000000e+01, v1  }
0x1c9: {  	v4 =	vld [tilespmem:s11+$0x20]  }
0x1ca: {  	[tilespmem:s1+$0xA0] =	vst v1  }
0x1cb: {  	v1 =	vld [tilespmem:s11+$0xB0]  }
0x1cc: {  	v2 =	vmul.f32 $6.400000000e+01, v2  }
0x1cd: {  	v3 =	vmul.f32 $6.400000000e+01, v3  }
0x1ce: {  	v4 =	vmul.f32 $6.400000000e+01, v4;
	[tilespmem:s1+$0xFFFFFF20] =	vst v2  }
0x1cf: {  	[tilespmem:s1+$0xFFFFFFA0] =	vst v3;
	v2 =	vld [tilespmem:s11+$0xFFFFFF30]  }
0x1d0: {  	[tilespmem:s1+$0x20] =	vst v4;
	v3 =	vld [tilespmem:s11+$0xFFFFFFB0];
	v1 =	vmul.f32 $6.400000000e+01, v1  }
0x1d1: {  	s7 =	simm.s32 $0x6700;
	v4 =	vld [tilespmem:s11+$0x30]  }
0x1d2: {  	[tilespmem:s1+$0xB0] =	vst v1;
	v1 =	vld [tilespmem:s7+$0x80]  }
0x1d3: {  	v5 =	vld [tilespmem:s11+$0xC0]  }
0x1d4: {  	v6 =	vld [tilespmem:s7+$0xFFFFFF80];
	v2 =	vmul.f32 $6.400000000e+01, v2  }
0x1d5: {  	v7 =	vld [tilespmem:s7+$0x0];
	v3 =	vmul.f32 $6.400000000e+01, v3  }
0x1d6: {  	v4 =	vmul.f32 $6.400000000e+01, v4;
	[tilespmem:s1+$0xFFFFFF30] =	vst v2;
	v2 =	vld [tilespmem:s7+$0xFFFFFF00]  }
0x1d7: {  	[tilespmem:s1+$0xFFFFFFB0] =	vst v3;
	v3 =	vld [tilespmem:s11+$0xFFFFFF40];
	v1 =	vmul.f32 $6.400000000e+01, v1  }
0x1d8: {  	s8 =	simm.s32 $0x12F00;
	[tilespmem:s1+$0x30] =	vst v4;
	v4 =	vld [tilespmem:s11+$0xFFFFFFC0];
	v5 =	vmul.f32 $6.400000000e+01, v5  }
0x1d9: {  	v6 =	vmul.f32 $6.400000000e+01, v6;
	[tilespmem:s8+$0x80] =	vst v1;
	v1 =	vld [tilespmem:s11+$0x40]  }
0x1da: {  	v7 =	vmul.f32 $6.400000000e+01, v7;
	v8 =	vld [tilespmem:s7+$0x90];
	[tilespmem:s1+$0xC0] =	vst v5  }
0x1db: {  	[tilespmem:s8+$0xFFFFFF80] =	vst v6;
	v2 =	vmul.f32 $6.400000000e+01, v2;
	v5 =	vld [tilespmem:s11+$0xD0]  }
0x1dc: {  	[tilespmem:s8+$0x0] =	vst v7;
	v6 =	vld [tilespmem:s7+$0xFFFFFF90];
	v3 =	vmul.f32 $6.400000000e+01, v3  }
0x1dd: {  	v4 =	vmul.f32 $6.400000000e+01, v4;
	[tilespmem:s8+$0xFFFFFF00] =	vst v2;
	v2 =	vld [tilespmem:s7+$0x10]  }
0x1de: {  	v7 =	vld [tilespmem:s7+$0xFFFFFF10];
	[tilespmem:s1+$0xFFFFFF40] =	vst v3;
	v1 =	vmul.f32 $6.400000000e+01, v1  }
0x1df: {  	[tilespmem:s1+$0xFFFFFFC0] =	vst v4;
	v3 =	vmul.f32 $6.400000000e+01, v8;
	v8 =	vld [tilespmem:s11+$0xFFFFFF50]  }
0x1e0: {  	v4 =	vld [tilespmem:s11+$0xFFFFFFD0];
	[tilespmem:s1+$0x40] =	vst v1;
	v1 =	vmul.f32 $6.400000000e+01, v5  }
0x1e1: {  	v5 =	vmul.f32 $6.400000000e+01, v6;
	[tilespmem:s8+$0x90] =	vst v3;
	v3 =	vld [tilespmem:s11+$0x50]  }
0x1e2: {  	v2 =	vmul.f32 $6.400000000e+01, v2;
	v6 =	vld [tilespmem:s7+$0xA0];
	[tilespmem:s1+$0xD0] =	vst v1  }
0x1e3: {  	v1 =	vmul.f32 $6.400000000e+01, v7;
	[tilespmem:s8+$0xFFFFFF90] =	vst v5;
	v5 =	vld [tilespmem:s11+$0xE0]  }
0x1e4: {  	[tilespmem:s8+$0x10] =	vst v2;
	v7 =	vld [tilespmem:s7+$0xFFFFFFA0];
	v2 =	vmul.f32 $6.400000000e+01, v8  }
0x1e5: {  	v4 =	vmul.f32 $6.400000000e+01, v4;
	[tilespmem:s8+$0xFFFFFF10] =	vst v1;
	v1 =	vld [tilespmem:s7+$0x20]  }
0x1e6: {  	v8 =	vld [tilespmem:s7+$0xFFFFFF20];
	[tilespmem:s1+$0xFFFFFF50] =	vst v2;
	v2 =	vmul.f32 $6.400000000e+01, v3  }
0x1e7: {  	[tilespmem:s1+$0xFFFFFFD0] =	vst v4;
	v3 =	vmul.f32 $6.400000000e+01, v6;
	v6 =	vld [tilespmem:s11+$0xFFFFFF60]  }
0x1e8: {  	v4 =	vld [tilespmem:s11+$0xFFFFFFE0];
	[tilespmem:s1+$0x50] =	vst v2;
	v2 =	vmul.f32 $6.400000000e+01, v5  }
0x1e9: {  	v5 =	vmul.f32 $6.400000000e+01, v7;
	[tilespmem:s8+$0xA0] =	vst v3;
	v3 =	vld [tilespmem:s11+$0x60]  }
0x1ea: {  	v1 =	vmul.f32 $6.400000000e+01, v1;
	v7 =	vld [tilespmem:s7+$0xB0];
	[tilespmem:s1+$0xE0] =	vst v2  }
0x1eb: {  	v2 =	vmul.f32 $6.400000000e+01, v8;
	[tilespmem:s8+$0xFFFFFFA0] =	vst v5;
	v8 =	vld [tilespmem:s11+$0xF0]  }
0x1ec: {  	v9 =	vld [tilespmem:s7+$0xFFFFFFB0];
	[tilespmem:s8+$0x20] =	vst v1;
	v1 =	vmul.f32 $6.400000000e+01, v6  }
0x1ed: {  	v4 =	vmul.f32 $6.400000000e+01, v4;
	[tilespmem:s8+$0xFFFFFF20] =	vst v2;
	v5 =	vld [tilespmem:s7+$0x30]  }
0x1ee: {  	v6 =	vld [tilespmem:s7+$0xFFFFFF30];
	[tilespmem:s1+$0xFFFFFF60] =	vst v1;
	v3 =	vmul.f32 $6.400000000e+01, v3  }
0x1ef: {  	[tilespmem:s1+$0xFFFFFFE0] =	vst v4;
	v10 =	vmul.f32 $6.400000000e+01, v7;
	v2 =	vld [tilespmem:s11+$0xFFFFFF70]  }
0x1f0: {  	v1 =	vld [tilespmem:s11+$0xFFFFFFF0];
	[tilespmem:s1+$0x60] =	vst v3;
	v4 =	vmul.f32 $6.400000000e+01, v8  }
0x1f1: {  	s9 =	simm.s32 $0x4;
	s10 =	simm.s32 $0x6900;
	v7 =	vmul.f32 $6.400000000e+01, v9;
	[tilespmem:s8+$0xB0] =	vst v10;
	v3 =	vld [tilespmem:s11+$0x70]  }
.LBB2_8:
0x1f2: {  	v8 =	vld [tilespmem:s10+$0x80];
	v5 =	vmul.f32 $6.400000000e+01, v5;
	[tilespmem:s1+$0xF0] =	vst v4  }
0x1f3: {  	s9 =	sadd.s32 $0x4, s9;
	v4 =	vmul.f32 $6.400000000e+01, v6;
	[tilespmem:s8+$0xFFFFFFB0] =	vst v7;
	v6 =	vld [tilespmem:s7+$0xC0]  }
0x1f4: {  	p0 =	slt.u32 s9, $0xC4;
	v7 =	vld [tilespmem:s10+$0xFFFFFF80];
	[tilespmem:s8+$0x30] =	vst v5;
	v2 =	vmul.f32 $6.400000000e+01, v2  }
0x1f5: {  	v5 =	vld [tilespmem:s10+$0x0];
	[tilespmem:s8+$0xFFFFFF30] =	vst v4;
	v1 =	vmul.f32 $6.400000000e+01, v1  }
0x1f6: {  	v4 =	vld [tilespmem:s10+$0xFFFFFF00];
	[tilespmem:s1+$0xFFFFFF70] =	vst v2;
	v2 =	vmul.f32 $6.400000000e+01, v3  }
0x1f7: {  	v3 =	vmul.f32 $6.400000000e+01, v8;
	v8 =	vld [tilespmem:s7+$0xFFFFFF40];
	[tilespmem:s1+$0xFFFFFFF0] =	vst v1  }
0x1f8: {  	v1 =	vld [tilespmem:s7+$0xFFFFFFC0];
	v6 =	vmul.f32 $6.400000000e+01, v6;
	[tilespmem:s1+$0x70] =	vst v2;
	s1 =	smov.u32 s8;
	s8 =	sadd.s32 $0x200, s8  }
0x1f9: {  	v2 =	vmul.f32 $6.400000000e+01, v7;
	[tilespmem:s8+$0x80] =	vst v3;
	v3 =	vld [tilespmem:s7+$0x40]  }
0x1fa: {  	v5 =	vmul.f32 $6.400000000e+01, v5;
	v7 =	vld [tilespmem:s10+$0x90];
	[tilespmem:s1+$0xC0] =	vst v6  }
0x1fb: {  	v4 =	vmul.f32 $6.400000000e+01, v4;
	[tilespmem:s8+$0xFFFFFF80] =	vst v2;
	v2 =	vld [tilespmem:s7+$0xD0]  }
0x1fc: {  	v6 =	vld [tilespmem:s10+$0xFFFFFF90];
	[tilespmem:s8+$0x0] =	vst v5;
	v5 =	vmul.f32 $6.400000000e+01, v8  }
0x1fd: {  	[tilespmem:s8+$0xFFFFFF00] =	vst v4;
	v4 =	vld [tilespmem:s10+$0x10];
	v1 =	vmul.f32 $6.400000000e+01, v1  }
0x1fe: {  	v8 =	vld [tilespmem:s10+$0xFFFFFF10];
	[tilespmem:s1+$0xFFFFFF40] =	vst v5;
	v3 =	vmul.f32 $6.400000000e+01, v3  }
0x1ff: {  	v5 =	vmul.f32 $6.400000000e+01, v7;
	v7 =	vld [tilespmem:s7+$0xFFFFFF50];
	[tilespmem:s1+$0xFFFFFFC0] =	vst v1  }
0x200: {  	v1 =	vld [tilespmem:s7+$0xFFFFFFD0];
	[tilespmem:s1+$0x40] =	vst v3;
	v2 =	vmul.f32 $6.400000000e+01, v2  }
0x201: {  	v3 =	vmul.f32 $6.400000000e+01, v6;
	[tilespmem:s8+$0x90] =	vst v5;
	v5 =	vld [tilespmem:s7+$0x50]  }
0x202: {  	v4 =	vmul.f32 $6.400000000e+01, v4;
	v6 =	vld [tilespmem:s10+$0xA0];
	[tilespmem:s1+$0xD0] =	vst v2  }
0x203: {  	v2 =	vmul.f32 $6.400000000e+01, v8;
	[tilespmem:s8+$0xFFFFFF90] =	vst v3;
	v3 =	vld [tilespmem:s7+$0xE0]  }
0x204: {  	v8 =	vld [tilespmem:s10+$0xFFFFFFA0];
	[tilespmem:s8+$0x10] =	vst v4;
	v4 =	vmul.f32 $6.400000000e+01, v7  }
0x205: {  	[tilespmem:s8+$0xFFFFFF10] =	vst v2;
	v2 =	vld [tilespmem:s10+$0x20];
	v1 =	vmul.f32 $6.400000000e+01, v1  }
0x206: {  	v7 =	vld [tilespmem:s10+$0xFFFFFF20];
	[tilespmem:s1+$0xFFFFFF50] =	vst v4;
	v4 =	vmul.f32 $6.400000000e+01, v5  }
0x207: {  	v5 =	vmul.f32 $6.400000000e+01, v6;
	v6 =	vld [tilespmem:s7+$0xFFFFFF60];
	[tilespmem:s1+$0xFFFFFFD0] =	vst v1  }
0x208: {  	v1 =	vld [tilespmem:s7+$0xFFFFFFE0];
	[tilespmem:s1+$0x50] =	vst v4;
	v3 =	vmul.f32 $6.400000000e+01, v3  }
0x209: {  	v4 =	vmul.f32 $6.400000000e+01, v8;
	[tilespmem:s8+$0xA0] =	vst v5;
	v8 =	vld [tilespmem:s7+$0x60]  }
0x20a: {  	v2 =	vmul.f32 $6.400000000e+01, v2;
	v9 =	vld [tilespmem:s10+$0xB0];
	[tilespmem:s1+$0xE0] =	vst v3  }
0x20b: {  	v3 =	vmul.f32 $6.400000000e+01, v7;
	[tilespmem:s8+$0xFFFFFFA0] =	vst v4;
	v4 =	vld [tilespmem:s7+$0xF0]  }
0x20c: {  	v7 =	vld [tilespmem:s10+$0xFFFFFFB0];
	[tilespmem:s8+$0x20] =	vst v2;
	v2 =	vmul.f32 $6.400000000e+01, v6  }
.Ltmp7:
0x20d: {  	[tilespmem:s8+$0xFFFFFF20] =	vst v3;
	v5 =	vld [tilespmem:s10+$0x30];
	v1 =	vmul.f32 $6.400000000e+01, v1;
	(pc) =	sbr.rel @p0 .LBB2_8-.Ltmp7, $4  }
0x20e: {  	v6 =	vld [tilespmem:s10+$0xFFFFFF30];
	[tilespmem:s1+$0xFFFFFF60] =	vst v2;
	v3 =	vmul.f32 $6.400000000e+01, v8  }
0x20f: {  	v8 =	vmul.f32 $6.400000000e+01, v9;
	v2 =	vld [tilespmem:s7+$0xFFFFFF70];
	[tilespmem:s1+$0xFFFFFFE0] =	vst v1  }
0x210: {  	v1 =	vld [tilespmem:s7+$0xFFFFFFF0];
	[tilespmem:s1+$0x60] =	vst v3;
	v4 =	vmul.f32 $6.400000000e+01, v4  }
0x211: {  	v7 =	vmul.f32 $6.400000000e+01, v7;
	[tilespmem:s8+$0xB0] =	vst v8;
	v3 =	vld [tilespmem:s7+$0x70];
	s7 =	smov.u32 s10;
	s10 =	sadd.s32 $0x200, s10  }
0x212: {  	_ = 	snop  }
0x213: {  	v6 =	vmul.f32 $6.400000000e+01, v6;
	_ =	sdelay $0x1  }
0x214: {  	v5 =	vmul.f32 $6.400000000e+01, v5;
	v8 =	vld [tilespmem:s7+$0xC0];
	[tilespmem:s8+$0xFFFFFF30] =	vst v6  }
0x215: {  	[tilespmem:s8+$0xFFFFFFB0] =	vst v7;
	v6 =	vld [tilespmem:s7+$0xFFFFFF40]  }
0x216: {  	[tilespmem:s8+$0x30] =	vst v5;
	v56 =	vld [tilespmem:s7+$0xFFFFFFC0]  }
0x217: {  	v57 =	vld [tilespmem:s7+$0x40];
	_ =	sdelay $0x1  }
0x218: {  	v8 =	vmul.f32 $6.400000000e+01, v8  }
0x219: {  	v6 =	vmul.f32 $6.400000000e+01, v6  }
0x21a: {  	[tilespmem:s8+$0xC0] =	vst v8;
	v5 =	vmul.f32 $6.400000000e+01, v56  }
0x21b: {  	v8 =	vld [tilespmem:s7+$0xD0];
	v58 =	vmul.f32 $6.400000000e+01, v57;
	[tilespmem:s8+$0xFFFFFF40] =	vst v6  }
0x21c: {  	[tilespmem:s8+$0xFFFFFFC0] =	vst v5;
	v59 =	vld [tilespmem:s7+$0xFFFFFF50]  }
0x21d: {  	v5 =	vld [tilespmem:s7+$0xFFFFFFD0];
	[tilespmem:s8+$0x40] =	vst v58  }
0x21e: {  	v6 =	vld [tilespmem:s7+$0x50];
	_ =	sdelay $0x1  }
0x21f: {  	v8 =	vmul.f32 $6.400000000e+01, v8  }
0x220: {  	v7 =	vmul.f32 $6.400000000e+01, v59  }
0x221: {  	[tilespmem:s8+$0xD0] =	vst v8;
	v5 =	vmul.f32 $6.400000000e+01, v5  }
0x222: {  	v8 =	vld [tilespmem:s7+$0xE0];
	v6 =	vmul.f32 $6.400000000e+01, v6;
	[tilespmem:s8+$0xFFFFFF50] =	vst v7  }
0x223: {  	[tilespmem:s8+$0xFFFFFFD0] =	vst v5;
	v7 =	vld [tilespmem:s7+$0xFFFFFF60]  }
0x224: {  	v5 =	vld [tilespmem:s7+$0xFFFFFFE0];
	[tilespmem:s8+$0x50] =	vst v6  }
0x225: {  	v6 =	vld [tilespmem:s7+$0x60];
	_ =	sdelay $0x1  }
0x226: {  	v8 =	vmul.f32 $6.400000000e+01, v8  }
0x227: {  	v7 =	vmul.f32 $6.400000000e+01, v7  }
0x228: {  	[tilespmem:s8+$0xE0] =	vst v8;
	v5 =	vmul.f32 $6.400000000e+01, v5  }
0x229: {  	v60 =	vld [tilespmem:s7+$0xF0];
	v6 =	vmul.f32 $6.400000000e+01, v6;
	[tilespmem:s8+$0xFFFFFF60] =	vst v7  }
0x22a: {  	[tilespmem:s8+$0xFFFFFFE0] =	vst v5;
	v61 =	vld [tilespmem:s7+$0xFFFFFF70]  }
0x22b: {  	v2 =	vmul.f32 $6.400000000e+01, v2;
	[tilespmem:s8+$0x60] =	vst v6;
	v62 =	vld [tilespmem:s7+$0xFFFFFFF0]  }
0x22c: {  	[tilespmem:s1+$0xF0] =	vst v4;
	v1 =	vmul.f32 $6.400000000e+01, v1;
	v63 =	vld [tilespmem:s7+$0x70]  }
0x22d: {  	[tilespmem:s1+$0xFFFFFF70] =	vst v2;
	v2 =	vmul.f32 $6.400000000e+01, v3  }
0x22e: {  	[tilespmem:s1+$0xFFFFFFF0] =	vst v1;
	v1 =	vmul.f32 $6.400000000e+01, v60  }
.Ltmp8:
0x22f: {  	[tilespmem:s1+$0x70] =	vst v2;
	v2 =	vmul.f32 $6.400000000e+01, v61;
	(pc) =	sbr.rel .LBB2_10-.Ltmp8, $4  }
0x230: {  	[tilespmem:s8+$0xF0] =	vst v1;
	v1 =	vmul.f32 $6.400000000e+01, v62  }
0x231: {  	[tilespmem:s8+$0xFFFFFF70] =	vst v2;
	v2 =	vmul.f32 $6.400000000e+01, v63  }
0x232: {  	[tilespmem:s8+$0xFFFFFFF0] =	vst v1  }
0x233: {  	s1 =	simm.s32 $0x0;
	s7 =	simm.s32 $0x0;
	[tilespmem:s8+$0x70] =	vst v2  }
.LBB2_12:
0x234: {  	s7 =	sadd.s32 $0x1, s7  }
0x235: {  	p0 =	sne.s32 s7, $0x80  }
.Ltmp9:
0x236: {  	_ = 	snop;
	(pc) =	sbr.rel @!p0 .LBB2_13-.Ltmp9, $2  }
0x237: {  	_ =	sdelay $0x2  }
0x238: {  	s1 =	sadd.s32 $0x1, s1  }
.LBB2_10:
0x239: {  	s8 =	sld [smem:s1+$0x0];
	_ =	sdelay $0x2  }
0x23a: {  	s8 =	ssub.s32 s8, s6  }
0x23b: {  	p0 =	sgt.u32 s8, $0xC7  }
.Ltmp10:
0x23c: {  	_ = 	snop;
	(pc) =	sbr.rel @p0 .LBB2_12-.Ltmp10, $1  }
0x23d: {  	_ =	sdelay $0x3  }
0x23e: {  	s9 =	sand.u32 $0x70, s7;
	s8 =	sshll.u32 s8, $0x7  }
0x23f: {  	s8 =	sor.u32 s9, s8  }
0x240: {  	v1 =	vld [tilespmem:s8+$0x6400];
	_ =	sdelay $0x4  }
0x241: {  	v2 =	vmul.f32 v1, v1;
	_ =	sdelay $0x1  }
0x242: {  	v2 =	vsub.f32 $1.000000000e+00, v2;
	_ =	sdelay $0x1  }
0x243: {  	v2 =	vmax.f32 v2, $0.0e+00  }
0x244: {  	v3 =	vadd.f32 $1.000000000e+00, v2;
	_ =	sdelay $0x1  }
0x245: {  	v3 =	vmul.f32 $5.000000000e-01, v3;
	_ =	sdelay $0x1  }
0x246: {  	(erf) = vrcp.f32 v3;
	_ =	sdelay $0x8  }
0x247: {  	v4 =	vpop (erf)  }
0x248: {  	v4 =	vmul.f32 v4, v2;
	_ =	sdelay $0x1  }
0x249: {  	v3 =	vadd.f32 v4, v3;
	_ =	sdelay $0x1  }
0x24a: {  	v3 =	vmul.f32 $5.000000000e-01, v3;
	_ =	sdelay $0x1  }
0x24b: {  	(erf) = vrcp.f32 v3;
	_ =	sdelay $0x8  }
0x24c: {  	v47 =	vpop (erf)  }
0x24d: {  	v4 =	vmul.f32 v47, v2;
	_ =	sdelay $0x1  }
0x24e: {  	v3 =	vadd.f32 v4, v3;
	_ =	sdelay $0x1  }
0x24f: {  	v3 =	vmul.f32 $5.000000000e-01, v3;
	_ =	sdelay $0x1  }
0x250: {  	(erf) = vrcp.f32 v3;
	_ =	sdelay $0x8  }
0x251: {  	v48 =	vpop (erf)  }
0x252: {  	v4 =	vmul.f32 v48, v2;
	_ =	sdelay $0x1  }
0x253: {  	v3 =	vadd.f32 v4, v3;
	_ =	sdelay $0x1  }
0x254: {  	v3 =	vmul.f32 $5.000000000e-01, v3;
	_ =	sdelay $0x1  }
0x255: {  	(erf) = vrcp.f32 v3;
	_ =	sdelay $0x8  }
0x256: {  	v49 =	vpop (erf)  }
0x257: {  	v4 =	vmul.f32 v49, v2;
	_ =	sdelay $0x1  }
0x258: {  	v3 =	vadd.f32 v4, v3;
	_ =	sdelay $0x1  }
0x259: {  	v3 =	vmul.f32 $5.000000000e-01, v3;
	_ =	sdelay $0x1  }
0x25a: {  	(erf) = vrcp.f32 v3;
	_ =	sdelay $0x8  }
0x25b: {  	v50 =	vpop (erf)  }
0x25c: {  	v4 =	vmul.f32 v50, v2;
	_ =	sdelay $0x1  }
0x25d: {  	v3 =	vadd.f32 v4, v3;
	_ =	sdelay $0x1  }
0x25e: {  	v3 =	vmul.f32 $5.000000000e-01, v3;
	_ =	sdelay $0x1  }
0x25f: {  	(erf) = vrcp.f32 v3;
	_ =	sdelay $0x8  }
0x260: {  	v51 =	vpop (erf)  }
0x261: {  	v4 =	vmul.f32 v51, v2;
	_ =	sdelay $0x1  }
0x262: {  	v3 =	vadd.f32 v4, v3;
	_ =	sdelay $0x1  }
0x263: {  	v3 =	vmul.f32 $5.000000000e-01, v3;
	_ =	sdelay $0x1  }
0x264: {  	(erf) = vrcp.f32 v3;
	_ =	sdelay $0x8  }
0x265: {  	v52 =	vpop (erf)  }
0x266: {  	v4 =	vmul.f32 v52, v2;
	_ =	sdelay $0x1  }
0x267: {  	v3 =	vadd.f32 v4, v3;
	_ =	sdelay $0x1  }
0x268: {  	v3 =	vmul.f32 $5.000000000e-01, v3;
	_ =	sdelay $0x1  }
0x269: {  	(erf) = vrcp.f32 v3;
	_ =	sdelay $0x8  }
0x26a: {  	v53 =	vpop (erf)  }
0x26b: {  	v4 =	vmul.f32 v53, v2;
	_ =	sdelay $0x1  }
0x26c: {  	v3 =	vadd.f32 v4, v3;
	_ =	sdelay $0x1  }
0x26d: {  	v3 =	vmul.f32 $5.000000000e-01, v3;
	_ =	sdelay $0x1  }
0x26e: {  	(erf) = vrcp.f32 v3;
	_ =	sdelay $0x8  }
0x26f: {  	v54 =	vpop (erf)  }
0x270: {  	v4 =	vmul.f32 v54, v2;
	_ =	sdelay $0x1  }
0x271: {  	v3 =	vadd.f32 v4, v3;
	_ =	sdelay $0x1  }
0x272: {  	v3 =	vmul.f32 $5.000000000e-01, v3;
	_ =	sdelay $0x1  }
0x273: {  	(erf) = vrcp.f32 v3;
	_ =	sdelay $0x8  }
0x274: {  	v55 =	vpop (erf)  }
0x275: {  	v4 =	vmul.f32 v55, v2;
	_ =	sdelay $0x1  }
0x276: {  	v3 =	vadd.f32 v4, v3;
	_ =	sdelay $0x1  }
0x277: {  	v3 =	vmul.f32 $5.000000000e-01, v3;
	_ =	sdelay $0x1  }
0x278: {  	(erf) = vrcp.f32 v3;
	_ =	sdelay $0x8  }
0x279: {  	v56 =	vpop (erf)  }
0x27a: {  	v4 =	vmul.f32 v56, v2;
	_ =	sdelay $0x1  }
0x27b: {  	v3 =	vadd.f32 v4, v3;
	_ =	sdelay $0x1  }
0x27c: {  	v3 =	vmul.f32 $5.000000000e-01, v3;
	_ =	sdelay $0x1  }
0x27d: {  	(erf) = vrcp.f32 v3;
	_ =	sdelay $0x8  }
0x27e: {  	v57 =	vpop (erf)  }
0x27f: {  	v4 =	vmul.f32 v57, v2;
	_ =	sdelay $0x1  }
0x280: {  	v3 =	vadd.f32 v4, v3;
	_ =	sdelay $0x1  }
0x281: {  	v3 =	vmul.f32 $5.000000000e-01, v3;
	_ =	sdelay $0x1  }
0x282: {  	(erf) = vrcp.f32 v3;
	_ =	sdelay $0x8  }
0x283: {  	v58 =	vpop (erf)  }
0x284: {  	v4 =	vmul.f32 v58, v2;
	_ =	sdelay $0x1  }
0x285: {  	v3 =	vadd.f32 v4, v3;
	_ =	sdelay $0x1  }
0x286: {  	v3 =	vmul.f32 $5.000000000e-01, v3;
	_ =	sdelay $0x1  }
0x287: {  	(erf) = vrcp.f32 v3;
	_ =	sdelay $0x8  }
0x288: {  	v59 =	vpop (erf)  }
0x289: {  	v4 =	vmul.f32 v59, v2;
	_ =	sdelay $0x1  }
0x28a: {  	v3 =	vadd.f32 v4, v3;
	_ =	sdelay $0x1  }
0x28b: {  	v3 =	vmul.f32 $5.000000000e-01, v3;
	_ =	sdelay $0x1  }
0x28c: {  	(erf) = vrcp.f32 v3;
	_ =	sdelay $0x8  }
0x28d: {  	v60 =	vpop (erf)  }
0x28e: {  	v4 =	vmul.f32 v60, v2;
	_ =	sdelay $0x1  }
0x28f: {  	v3 =	vadd.f32 v4, v3;
	_ =	sdelay $0x1  }
0x290: {  	v3 =	vmul.f32 $5.000000000e-01, v3;
	_ =	sdelay $0x1  }
0x291: {  	(erf) = vrcp.f32 v3;
	_ =	sdelay $0x8  }
0x292: {  	v61 =	vpop (erf)  }
0x293: {  	v4 =	vmul.f32 v61, v2;
	_ =	sdelay $0x1  }
0x294: {  	v3 =	vadd.f32 v4, v3;
	_ =	sdelay $0x1  }
0x295: {  	v3 =	vmul.f32 $5.000000000e-01, v3;
	_ =	sdelay $0x1  }
0x296: {  	(erf) = vrcp.f32 v3;
	_ =	sdelay $0x8  }
0x297: {  	v62 =	vpop (erf)  }
0x298: {  	v4 =	vmul.f32 v62, v2;
	_ =	sdelay $0x1  }
0x299: {  	v3 =	vadd.f32 v4, v3;
	_ =	sdelay $0x1  }
0x29a: {  	v3 =	vmul.f32 $5.000000000e-01, v3;
	_ =	sdelay $0x1  }
0x29b: {  	(erf) = vrcp.f32 v3;
	_ =	sdelay $0x8  }
0x29c: {  	v63 =	vpop (erf)  }
0x29d: {  	v2 =	vmul.f32 v63, v2;
	_ =	sdelay $0x1  }
0x29e: {  	v2 =	vadd.f32 v2, v3;
	_ =	sdelay $0x1  }
0x29f: {  	v2 =	vmul.f32 $5.000000000e-01, v2  }
0x2a0: {  	v3 =	vld [tilespmem:s8+$0x12C00]  }
0x2a1: {  	v1 =	vmul.f32 $5.616528320e+01, v1;
	v2 =	vmul.f32 $-3.068323520e+01, v2  }
.Ltmp11:
0x2a2: {  	s20 =	sand.u32 $0xF, s7;
	(pc) =	sbr.rel .LBB2_12-.Ltmp11, $4  }
0x2a3: {  	v1 =	vadd.f32 v2, v1;
	v2 =	vmov s20  }
0x2a4: {  	vm0 =	veq.s32 v2, v0  }
0x2a5: {  	v1 =	vsel vm0, v1, v3  }
0x2a6: {  	[tilespmem:s8+$0x12C00] =	vst v1  }
.LBB2_13:
0x2a7: {  	s1 =	rddreg [dreg:$0x9]  }
0x2a8: {  	[hbm4b:s1+s22] =	stream.strided.scatter [tilespmem:s29], [sflag:$0x4], $0x6400, s23, s22, $0x38;
	[tilespmem:$0x19080] =	vst v63  }
0x2a9: {  	s20 =	rddreg [dreg:$0xa];
	s1 =	simm.s32 $0x0  }
0x2aa: {  	[tilespmem:s24], [sflag:$0x2] =	stream.strided.gather [hbm4b:s20+s22], $0x6400, s23, s22, $0x38;
	[tilespmem:$0x19080] =	vst v63  }
.LBB2_14:
0x2ab: {  	_ =	swait.ge [sflag:s30], $0x6400  }
0x2ac: {  	[sflag:s30] =	ssyncset.done $0x0  }
0x2ad: {  	[sflag:s30] =	ssyncadd.s32 $0xFFFF9C00  }
0x2ae: {  	_ =	swait.ge [sflag:s25], $0x6400  }
0x2af: {  	[sflag:s25] =	ssyncset.done $0x0  }
0x2b0: {  	s11 =	simm.s32 $0x100;
	[sflag:s25] =	ssyncadd.s32 $0xFFFF9C00  }
0x2b1: {  	v1 =	vld [tilespmem:s11+$0x80];
	_ =	sdelay $0x3  }
0x2b2: {  	v2 =	vld [tilespmem:s11+$0xFFFFFF00]  }
0x2b3: {  	v3 =	vld [tilespmem:s11+$0xFFFFFF80];
	v1 =	vmul.f32 $6.400000000e+01, v1  }
0x2b4: {  	s7 =	simm.s32 $0xC900;
	v4 =	vld [tilespmem:s11+$0x0]  }
0x2b5: {  	[tilespmem:s7+$0x80] =	vst v1  }
0x2b6: {  	v1 =	vld [tilespmem:s11+$0x90]  }
0x2b7: {  	v2 =	vmul.f32 $6.400000000e+01, v2  }
0x2b8: {  	v3 =	vmul.f32 $6.400000000e+01, v3  }
0x2b9: {  	v4 =	vmul.f32 $6.400000000e+01, v4;
	[tilespmem:s7+$0xFFFFFF00] =	vst v2  }
0x2ba: {  	[tilespmem:s7+$0xFFFFFF80] =	vst v3;
	v2 =	vld [tilespmem:s11+$0xFFFFFF10]  }
0x2bb: {  	[tilespmem:s7+$0x0] =	vst v4;
	v3 =	vld [tilespmem:s11+$0xFFFFFF90];
	v1 =	vmul.f32 $6.400000000e+01, v1  }
0x2bc: {  	v4 =	vld [tilespmem:s11+$0x10]  }
0x2bd: {  	[tilespmem:s7+$0x90] =	vst v1  }
0x2be: {  	v1 =	vld [tilespmem:s11+$0xA0]  }
0x2bf: {  	v2 =	vmul.f32 $6.400000000e+01, v2  }
0x2c0: {  	v3 =	vmul.f32 $6.400000000e+01, v3  }
0x2c1: {  	v4 =	vmul.f32 $6.400000000e+01, v4;
	[tilespmem:s7+$0xFFFFFF10] =	vst v2  }
0x2c2: {  	[tilespmem:s7+$0xFFFFFF90] =	vst v3;
	v2 =	vld [tilespmem:s11+$0xFFFFFF20]  }
0x2c3: {  	[tilespmem:s7+$0x10] =	vst v4;
	v3 =	vld [tilespmem:s11+$0xFFFFFFA0];
	v1 =	vmul.f32 $6.400000000e+01, v1  }
0x2c4: {  	v4 =	vld [tilespmem:s11+$0x20]  }
0x2c5: {  	[tilespmem:s7+$0xA0] =	vst v1  }
0x2c6: {  	v1 =	vld [tilespmem:s11+$0xB0]  }
0x2c7: {  	v2 =	vmul.f32 $6.400000000e+01, v2  }
0x2c8: {  	v3 =	vmul.f32 $6.400000000e+01, v3  }
0x2c9: {  	v4 =	vmul.f32 $6.400000000e+01, v4;
	[tilespmem:s7+$0xFFFFFF20] =	vst v2  }
0x2ca: {  	[tilespmem:s7+$0xFFFFFFA0] =	vst v3;
	v2 =	vld [tilespmem:s11+$0xFFFFFF30]  }
0x2cb: {  	[tilespmem:s7+$0x20] =	vst v4;
	v3 =	vld [tilespmem:s11+$0xFFFFFFB0];
	v1 =	vmul.f32 $6.400000000e+01, v1  }
0x2cc: {  	s8 =	simm.s32 $0x300;
	v4 =	vld [tilespmem:s11+$0x30]  }
0x2cd: {  	[tilespmem:s7+$0xB0] =	vst v1;
	v1 =	vld [tilespmem:s8+$0x80]  }
0x2ce: {  	v5 =	vld [tilespmem:s11+$0xC0]  }
0x2cf: {  	v6 =	vld [tilespmem:s8+$0xFFFFFF80];
	v2 =	vmul.f32 $6.400000000e+01, v2  }
0x2d0: {  	v7 =	vld [tilespmem:s8+$0x0];
	v3 =	vmul.f32 $6.400000000e+01, v3  }
0x2d1: {  	v4 =	vmul.f32 $6.400000000e+01, v4;
	[tilespmem:s7+$0xFFFFFF30] =	vst v2;
	v2 =	vld [tilespmem:s8+$0xFFFFFF00]  }
0x2d2: {  	[tilespmem:s7+$0xFFFFFFB0] =	vst v3;
	v3 =	vld [tilespmem:s11+$0xFFFFFF40];
	v1 =	vmul.f32 $6.400000000e+01, v1  }
0x2d3: {  	s9 =	simm.s32 $0xCB00;
	[tilespmem:s7+$0x30] =	vst v4;
	v4 =	vld [tilespmem:s11+$0xFFFFFFC0];
	v5 =	vmul.f32 $6.400000000e+01, v5  }
0x2d4: {  	v6 =	vmul.f32 $6.400000000e+01, v6;
	[tilespmem:s9+$0x80] =	vst v1;
	v1 =	vld [tilespmem:s11+$0x40]  }
0x2d5: {  	v7 =	vmul.f32 $6.400000000e+01, v7;
	v8 =	vld [tilespmem:s8+$0x90];
	[tilespmem:s7+$0xC0] =	vst v5  }
0x2d6: {  	[tilespmem:s9+$0xFFFFFF80] =	vst v6;
	v2 =	vmul.f32 $6.400000000e+01, v2;
	v5 =	vld [tilespmem:s11+$0xD0]  }
0x2d7: {  	[tilespmem:s9+$0x0] =	vst v7;
	v6 =	vld [tilespmem:s8+$0xFFFFFF90];
	v3 =	vmul.f32 $6.400000000e+01, v3  }
0x2d8: {  	v4 =	vmul.f32 $6.400000000e+01, v4;
	[tilespmem:s9+$0xFFFFFF00] =	vst v2;
	v2 =	vld [tilespmem:s8+$0x10]  }
0x2d9: {  	v7 =	vld [tilespmem:s8+$0xFFFFFF10];
	[tilespmem:s7+$0xFFFFFF40] =	vst v3;
	v1 =	vmul.f32 $6.400000000e+01, v1  }
0x2da: {  	[tilespmem:s7+$0xFFFFFFC0] =	vst v4;
	v3 =	vmul.f32 $6.400000000e+01, v8;
	v8 =	vld [tilespmem:s11+$0xFFFFFF50]  }
0x2db: {  	v4 =	vld [tilespmem:s11+$0xFFFFFFD0];
	[tilespmem:s7+$0x40] =	vst v1;
	v1 =	vmul.f32 $6.400000000e+01, v5  }
0x2dc: {  	v5 =	vmul.f32 $6.400000000e+01, v6;
	[tilespmem:s9+$0x90] =	vst v3;
	v3 =	vld [tilespmem:s11+$0x50]  }
0x2dd: {  	v2 =	vmul.f32 $6.400000000e+01, v2;
	v6 =	vld [tilespmem:s8+$0xA0];
	[tilespmem:s7+$0xD0] =	vst v1  }
0x2de: {  	v1 =	vmul.f32 $6.400000000e+01, v7;
	[tilespmem:s9+$0xFFFFFF90] =	vst v5;
	v5 =	vld [tilespmem:s11+$0xE0]  }
0x2df: {  	[tilespmem:s9+$0x10] =	vst v2;
	v7 =	vld [tilespmem:s8+$0xFFFFFFA0];
	v2 =	vmul.f32 $6.400000000e+01, v8  }
0x2e0: {  	v4 =	vmul.f32 $6.400000000e+01, v4;
	[tilespmem:s9+$0xFFFFFF10] =	vst v1;
	v1 =	vld [tilespmem:s8+$0x20]  }
0x2e1: {  	v8 =	vld [tilespmem:s8+$0xFFFFFF20];
	[tilespmem:s7+$0xFFFFFF50] =	vst v2;
	v2 =	vmul.f32 $6.400000000e+01, v3  }
0x2e2: {  	[tilespmem:s7+$0xFFFFFFD0] =	vst v4;
	v3 =	vmul.f32 $6.400000000e+01, v6;
	v6 =	vld [tilespmem:s11+$0xFFFFFF60]  }
0x2e3: {  	v4 =	vld [tilespmem:s11+$0xFFFFFFE0];
	[tilespmem:s7+$0x50] =	vst v2;
	v2 =	vmul.f32 $6.400000000e+01, v5  }
0x2e4: {  	v5 =	vmul.f32 $6.400000000e+01, v7;
	[tilespmem:s9+$0xA0] =	vst v3;
	v3 =	vld [tilespmem:s11+$0x60]  }
0x2e5: {  	v1 =	vmul.f32 $6.400000000e+01, v1;
	v7 =	vld [tilespmem:s8+$0xB0];
	[tilespmem:s7+$0xE0] =	vst v2  }
0x2e6: {  	v2 =	vmul.f32 $6.400000000e+01, v8;
	[tilespmem:s9+$0xFFFFFFA0] =	vst v5;
	v8 =	vld [tilespmem:s11+$0xF0]  }
0x2e7: {  	v9 =	vld [tilespmem:s8+$0xFFFFFFB0];
	[tilespmem:s9+$0x20] =	vst v1;
	v1 =	vmul.f32 $6.400000000e+01, v6  }
0x2e8: {  	v4 =	vmul.f32 $6.400000000e+01, v4;
	[tilespmem:s9+$0xFFFFFF20] =	vst v2;
	v5 =	vld [tilespmem:s8+$0x30]  }
0x2e9: {  	v6 =	vld [tilespmem:s8+$0xFFFFFF30];
	[tilespmem:s7+$0xFFFFFF60] =	vst v1;
	v3 =	vmul.f32 $6.400000000e+01, v3  }
0x2ea: {  	[tilespmem:s7+$0xFFFFFFE0] =	vst v4;
	v10 =	vmul.f32 $6.400000000e+01, v7;
	v2 =	vld [tilespmem:s11+$0xFFFFFF70]  }
0x2eb: {  	v1 =	vld [tilespmem:s11+$0xFFFFFFF0];
	[tilespmem:s7+$0x60] =	vst v3;
	v4 =	vmul.f32 $6.400000000e+01, v8  }
0x2ec: {  	s10 =	simm.s32 $0x4;
	s20 =	simm.s32 $0x500;
	v7 =	vmul.f32 $6.400000000e+01, v9;
	[tilespmem:s9+$0xB0] =	vst v10;
	v3 =	vld [tilespmem:s11+$0x70]  }
.LBB2_15:
0x2ed: {  	v8 =	vld [tilespmem:s20+$0x80];
	v5 =	vmul.f32 $6.400000000e+01, v5;
	[tilespmem:s7+$0xF0] =	vst v4  }
0x2ee: {  	s10 =	sadd.s32 $0x4, s10;
	v4 =	vmul.f32 $6.400000000e+01, v6;
	[tilespmem:s9+$0xFFFFFFB0] =	vst v7;
	v6 =	vld [tilespmem:s8+$0xC0]  }
0x2ef: {  	p0 =	slt.u32 s10, $0xC4;
	v7 =	vld [tilespmem:s20+$0xFFFFFF80];
	[tilespmem:s9+$0x30] =	vst v5;
	v2 =	vmul.f32 $6.400000000e+01, v2  }
0x2f0: {  	v5 =	vld [tilespmem:s20+$0x0];
	[tilespmem:s9+$0xFFFFFF30] =	vst v4;
	v1 =	vmul.f32 $6.400000000e+01, v1  }
0x2f1: {  	v4 =	vld [tilespmem:s20+$0xFFFFFF00];
	[tilespmem:s7+$0xFFFFFF70] =	vst v2;
	v2 =	vmul.f32 $6.400000000e+01, v3  }
0x2f2: {  	v3 =	vmul.f32 $6.400000000e+01, v8;
	v8 =	vld [tilespmem:s8+$0xFFFFFF40];
	[tilespmem:s7+$0xFFFFFFF0] =	vst v1  }
0x2f3: {  	v1 =	vld [tilespmem:s8+$0xFFFFFFC0];
	v6 =	vmul.f32 $6.400000000e+01, v6;
	[tilespmem:s7+$0x70] =	vst v2;
	s7 =	smov.u32 s9;
	s9 =	sadd.s32 $0x200, s9  }
0x2f4: {  	v2 =	vmul.f32 $6.400000000e+01, v7;
	[tilespmem:s9+$0x80] =	vst v3;
	v3 =	vld [tilespmem:s8+$0x40]  }
0x2f5: {  	v5 =	vmul.f32 $6.400000000e+01, v5;
	v7 =	vld [tilespmem:s20+$0x90];
	[tilespmem:s7+$0xC0] =	vst v6  }
0x2f6: {  	v4 =	vmul.f32 $6.400000000e+01, v4;
	[tilespmem:s9+$0xFFFFFF80] =	vst v2;
	v2 =	vld [tilespmem:s8+$0xD0]  }
0x2f7: {  	v6 =	vld [tilespmem:s20+$0xFFFFFF90];
	[tilespmem:s9+$0x0] =	vst v5;
	v5 =	vmul.f32 $6.400000000e+01, v8  }
0x2f8: {  	[tilespmem:s9+$0xFFFFFF00] =	vst v4;
	v4 =	vld [tilespmem:s20+$0x10];
	v1 =	vmul.f32 $6.400000000e+01, v1  }
0x2f9: {  	v8 =	vld [tilespmem:s20+$0xFFFFFF10];
	[tilespmem:s7+$0xFFFFFF40] =	vst v5;
	v3 =	vmul.f32 $6.400000000e+01, v3  }
0x2fa: {  	v5 =	vmul.f32 $6.400000000e+01, v7;
	v7 =	vld [tilespmem:s8+$0xFFFFFF50];
	[tilespmem:s7+$0xFFFFFFC0] =	vst v1  }
0x2fb: {  	v1 =	vld [tilespmem:s8+$0xFFFFFFD0];
	[tilespmem:s7+$0x40] =	vst v3;
	v2 =	vmul.f32 $6.400000000e+01, v2  }
0x2fc: {  	v3 =	vmul.f32 $6.400000000e+01, v6;
	[tilespmem:s9+$0x90] =	vst v5;
	v5 =	vld [tilespmem:s8+$0x50]  }
0x2fd: {  	v4 =	vmul.f32 $6.400000000e+01, v4;
	v6 =	vld [tilespmem:s20+$0xA0];
	[tilespmem:s7+$0xD0] =	vst v2  }
0x2fe: {  	v2 =	vmul.f32 $6.400000000e+01, v8;
	[tilespmem:s9+$0xFFFFFF90] =	vst v3;
	v3 =	vld [tilespmem:s8+$0xE0]  }
0x2ff: {  	v8 =	vld [tilespmem:s20+$0xFFFFFFA0];
	[tilespmem:s9+$0x10] =	vst v4;
	v4 =	vmul.f32 $6.400000000e+01, v7  }
0x300: {  	[tilespmem:s9+$0xFFFFFF10] =	vst v2;
	v2 =	vld [tilespmem:s20+$0x20];
	v1 =	vmul.f32 $6.400000000e+01, v1  }
0x301: {  	v7 =	vld [tilespmem:s20+$0xFFFFFF20];
	[tilespmem:s7+$0xFFFFFF50] =	vst v4;
	v4 =	vmul.f32 $6.400000000e+01, v5  }
0x302: {  	v5 =	vmul.f32 $6.400000000e+01, v6;
	v6 =	vld [tilespmem:s8+$0xFFFFFF60];
	[tilespmem:s7+$0xFFFFFFD0] =	vst v1  }
0x303: {  	v1 =	vld [tilespmem:s8+$0xFFFFFFE0];
	[tilespmem:s7+$0x50] =	vst v4;
	v3 =	vmul.f32 $6.400000000e+01, v3  }
0x304: {  	v4 =	vmul.f32 $6.400000000e+01, v8;
	[tilespmem:s9+$0xA0] =	vst v5;
	v8 =	vld [tilespmem:s8+$0x60]  }
0x305: {  	v2 =	vmul.f32 $6.400000000e+01, v2;
	v9 =	vld [tilespmem:s20+$0xB0];
	[tilespmem:s7+$0xE0] =	vst v3  }
0x306: {  	v3 =	vmul.f32 $6.400000000e+01, v7;
	[tilespmem:s9+$0xFFFFFFA0] =	vst v4;
	v4 =	vld [tilespmem:s8+$0xF0]  }
0x307: {  	v7 =	vld [tilespmem:s20+$0xFFFFFFB0];
	[tilespmem:s9+$0x20] =	vst v2;
	v2 =	vmul.f32 $6.400000000e+01, v6  }
.Ltmp12:
0x308: {  	[tilespmem:s9+$0xFFFFFF20] =	vst v3;
	v5 =	vld [tilespmem:s20+$0x30];
	v1 =	vmul.f32 $6.400000000e+01, v1;
	(pc) =	sbr.rel @p0 .LBB2_15-.Ltmp12, $4  }
0x309: {  	v6 =	vld [tilespmem:s20+$0xFFFFFF30];
	[tilespmem:s7+$0xFFFFFF60] =	vst v2;
	v3 =	vmul.f32 $6.400000000e+01, v8  }
0x30a: {  	v8 =	vmul.f32 $6.400000000e+01, v9;
	v2 =	vld [tilespmem:s8+$0xFFFFFF70];
	[tilespmem:s7+$0xFFFFFFE0] =	vst v1  }
0x30b: {  	v1 =	vld [tilespmem:s8+$0xFFFFFFF0];
	[tilespmem:s7+$0x60] =	vst v3;
	v4 =	vmul.f32 $6.400000000e+01, v4  }
0x30c: {  	v7 =	vmul.f32 $6.400000000e+01, v7;
	[tilespmem:s9+$0xB0] =	vst v8;
	v3 =	vld [tilespmem:s8+$0x70];
	s8 =	smov.u32 s20;
	s20 =	sadd.s32 $0x200, s20  }
0x30d: {  	_ = 	snop  }
0x30e: {  	v6 =	vmul.f32 $6.400000000e+01, v6;
	_ =	sdelay $0x1  }
0x30f: {  	v5 =	vmul.f32 $6.400000000e+01, v5;
	v8 =	vld [tilespmem:s8+$0xC0];
	[tilespmem:s9+$0xFFFFFF30] =	vst v6  }
0x310: {  	[tilespmem:s9+$0xFFFFFFB0] =	vst v7;
	v6 =	vld [tilespmem:s8+$0xFFFFFF40]  }
0x311: {  	[tilespmem:s9+$0x30] =	vst v5;
	v56 =	vld [tilespmem:s8+$0xFFFFFFC0]  }
0x312: {  	v57 =	vld [tilespmem:s8+$0x40];
	_ =	sdelay $0x1  }
0x313: {  	v8 =	vmul.f32 $6.400000000e+01, v8  }
0x314: {  	v6 =	vmul.f32 $6.400000000e+01, v6  }
0x315: {  	[tilespmem:s9+$0xC0] =	vst v8;
	v5 =	vmul.f32 $6.400000000e+01, v56  }
0x316: {  	v8 =	vld [tilespmem:s8+$0xD0];
	v58 =	vmul.f32 $6.400000000e+01, v57;
	[tilespmem:s9+$0xFFFFFF40] =	vst v6  }
0x317: {  	[tilespmem:s9+$0xFFFFFFC0] =	vst v5;
	v59 =	vld [tilespmem:s8+$0xFFFFFF50]  }
0x318: {  	v5 =	vld [tilespmem:s8+$0xFFFFFFD0];
	[tilespmem:s9+$0x40] =	vst v58  }
0x319: {  	v6 =	vld [tilespmem:s8+$0x50];
	_ =	sdelay $0x1  }
0x31a: {  	v8 =	vmul.f32 $6.400000000e+01, v8  }
0x31b: {  	v7 =	vmul.f32 $6.400000000e+01, v59  }
0x31c: {  	[tilespmem:s9+$0xD0] =	vst v8;
	v5 =	vmul.f32 $6.400000000e+01, v5  }
0x31d: {  	v8 =	vld [tilespmem:s8+$0xE0];
	v6 =	vmul.f32 $6.400000000e+01, v6;
	[tilespmem:s9+$0xFFFFFF50] =	vst v7  }
0x31e: {  	[tilespmem:s9+$0xFFFFFFD0] =	vst v5;
	v7 =	vld [tilespmem:s8+$0xFFFFFF60]  }
0x31f: {  	v5 =	vld [tilespmem:s8+$0xFFFFFFE0];
	[tilespmem:s9+$0x50] =	vst v6  }
0x320: {  	v6 =	vld [tilespmem:s8+$0x60];
	_ =	sdelay $0x1  }
0x321: {  	v8 =	vmul.f32 $6.400000000e+01, v8  }
0x322: {  	v7 =	vmul.f32 $6.400000000e+01, v7  }
0x323: {  	[tilespmem:s9+$0xE0] =	vst v8;
	v5 =	vmul.f32 $6.400000000e+01, v5  }
0x324: {  	v60 =	vld [tilespmem:s8+$0xF0];
	v6 =	vmul.f32 $6.400000000e+01, v6;
	[tilespmem:s9+$0xFFFFFF60] =	vst v7  }
0x325: {  	[tilespmem:s9+$0xFFFFFFE0] =	vst v5;
	v61 =	vld [tilespmem:s8+$0xFFFFFF70]  }
0x326: {  	v2 =	vmul.f32 $6.400000000e+01, v2;
	[tilespmem:s9+$0x60] =	vst v6;
	v62 =	vld [tilespmem:s8+$0xFFFFFFF0]  }
0x327: {  	[tilespmem:s7+$0xF0] =	vst v4;
	v1 =	vmul.f32 $6.400000000e+01, v1;
	v63 =	vld [tilespmem:s8+$0x70]  }
0x328: {  	[tilespmem:s7+$0xFFFFFF70] =	vst v2;
	v2 =	vmul.f32 $6.400000000e+01, v3  }
0x329: {  	[tilespmem:s7+$0xFFFFFFF0] =	vst v1;
	v1 =	vmul.f32 $6.400000000e+01, v60  }
.Ltmp13:
0x32a: {  	[tilespmem:s7+$0x70] =	vst v2;
	v2 =	vmul.f32 $6.400000000e+01, v61;
	(pc) =	sbr.rel .LBB2_17-.Ltmp13, $4  }
0x32b: {  	[tilespmem:s9+$0xF0] =	vst v1;
	v1 =	vmul.f32 $6.400000000e+01, v62  }
0x32c: {  	s20 =	smul.u32 $0x190, s1;
	[tilespmem:s9+$0xFFFFFF70] =	vst v2;
	v2 =	vmul.f32 $6.400000000e+01, v63  }
0x32d: {  	[tilespmem:s9+$0xFFFFFFF0] =	vst v1  }
0x32e: {  	s7 =	sadd.s32 s5, s20;
	s8 =	simm.s32 $0x0;
	[tilespmem:s9+$0x70] =	vst v2;
	s9 =	simm.s32 $0x0  }
.LBB2_19:
0x32f: {  	s9 =	sadd.s32 $0x1, s9  }
0x330: {  	p0 =	sne.s32 s9, $0x80  }
.Ltmp14:
0x331: {  	_ = 	snop;
	(pc) =	sbr.rel @!p0 .LBB2_20-.Ltmp14, $2  }
0x332: {  	_ =	sdelay $0x2  }
0x333: {  	s8 =	sadd.s32 $0x1, s8  }
.LBB2_17:
0x334: {  	s10 =	sld [smem:s8+$0x0];
	_ =	sdelay $0x2  }
0x335: {  	s10 =	ssub.s32 s10, s7  }
0x336: {  	s10 =	sadd.s32 $0xFFFFFE70, s10  }
0x337: {  	p0 =	sgt.u32 s10, $0xC7  }
.Ltmp15:
0x338: {  	_ = 	snop;
	(pc) =	sbr.rel @p0 .LBB2_19-.Ltmp15, $1  }
0x339: {  	_ =	sdelay $0x3  }
0x33a: {  	s11 =	sand.u32 $0x70, s9;
	s10 =	sshll.u32 s10, $0x7  }
0x33b: {  	s10 =	sor.u32 s11, s10  }
0x33c: {  	v1 =	vld [tilespmem:s10+$0x0];
	_ =	sdelay $0x4  }
0x33d: {  	v2 =	vmul.f32 v1, v1;
	_ =	sdelay $0x1  }
0x33e: {  	v2 =	vsub.f32 $1.000000000e+00, v2;
	_ =	sdelay $0x1  }
0x33f: {  	v2 =	vmax.f32 v2, $0.0e+00  }
0x340: {  	v3 =	vadd.f32 $1.000000000e+00, v2;
	_ =	sdelay $0x1  }
0x341: {  	v3 =	vmul.f32 $5.000000000e-01, v3;
	_ =	sdelay $0x1  }
0x342: {  	(erf) = vrcp.f32 v3;
	_ =	sdelay $0x8  }
0x343: {  	v4 =	vpop (erf)  }
0x344: {  	v4 =	vmul.f32 v4, v2;
	_ =	sdelay $0x1  }
0x345: {  	v3 =	vadd.f32 v4, v3;
	_ =	sdelay $0x1  }
0x346: {  	v3 =	vmul.f32 $5.000000000e-01, v3;
	_ =	sdelay $0x1  }
0x347: {  	(erf) = vrcp.f32 v3;
	_ =	sdelay $0x8  }
0x348: {  	v47 =	vpop (erf)  }
0x349: {  	v4 =	vmul.f32 v47, v2;
	_ =	sdelay $0x1  }
0x34a: {  	v3 =	vadd.f32 v4, v3;
	_ =	sdelay $0x1  }
0x34b: {  	v3 =	vmul.f32 $5.000000000e-01, v3;
	_ =	sdelay $0x1  }
0x34c: {  	(erf) = vrcp.f32 v3;
	_ =	sdelay $0x8  }
0x34d: {  	v48 =	vpop (erf)  }
0x34e: {  	v4 =	vmul.f32 v48, v2;
	_ =	sdelay $0x1  }
0x34f: {  	v3 =	vadd.f32 v4, v3;
	_ =	sdelay $0x1  }
0x350: {  	v3 =	vmul.f32 $5.000000000e-01, v3;
	_ =	sdelay $0x1  }
0x351: {  	(erf) = vrcp.f32 v3;
	_ =	sdelay $0x8  }
0x352: {  	v49 =	vpop (erf)  }
0x353: {  	v4 =	vmul.f32 v49, v2;
	_ =	sdelay $0x1  }
0x354: {  	v3 =	vadd.f32 v4, v3;
	_ =	sdelay $0x1  }
0x355: {  	v3 =	vmul.f32 $5.000000000e-01, v3;
	_ =	sdelay $0x1  }
0x356: {  	(erf) = vrcp.f32 v3;
	_ =	sdelay $0x8  }
0x357: {  	v50 =	vpop (erf)  }
0x358: {  	v4 =	vmul.f32 v50, v2;
	_ =	sdelay $0x1  }
0x359: {  	v3 =	vadd.f32 v4, v3;
	_ =	sdelay $0x1  }
0x35a: {  	v3 =	vmul.f32 $5.000000000e-01, v3;
	_ =	sdelay $0x1  }
0x35b: {  	(erf) = vrcp.f32 v3;
	_ =	sdelay $0x8  }
0x35c: {  	v51 =	vpop (erf)  }
0x35d: {  	v4 =	vmul.f32 v51, v2;
	_ =	sdelay $0x1  }
0x35e: {  	v3 =	vadd.f32 v4, v3;
	_ =	sdelay $0x1  }
0x35f: {  	v3 =	vmul.f32 $5.000000000e-01, v3;
	_ =	sdelay $0x1  }
0x360: {  	(erf) = vrcp.f32 v3;
	_ =	sdelay $0x8  }
0x361: {  	v52 =	vpop (erf)  }
0x362: {  	v4 =	vmul.f32 v52, v2;
	_ =	sdelay $0x1  }
0x363: {  	v3 =	vadd.f32 v4, v3;
	_ =	sdelay $0x1  }
0x364: {  	v3 =	vmul.f32 $5.000000000e-01, v3;
	_ =	sdelay $0x1  }
0x365: {  	(erf) = vrcp.f32 v3;
	_ =	sdelay $0x8  }
0x366: {  	v53 =	vpop (erf)  }
0x367: {  	v4 =	vmul.f32 v53, v2;
	_ =	sdelay $0x1  }
0x368: {  	v3 =	vadd.f32 v4, v3;
	_ =	sdelay $0x1  }
0x369: {  	v3 =	vmul.f32 $5.000000000e-01, v3;
	_ =	sdelay $0x1  }
0x36a: {  	(erf) = vrcp.f32 v3;
	_ =	sdelay $0x8  }
0x36b: {  	v54 =	vpop (erf)  }
0x36c: {  	v4 =	vmul.f32 v54, v2;
	_ =	sdelay $0x1  }
0x36d: {  	v3 =	vadd.f32 v4, v3;
	_ =	sdelay $0x1  }
0x36e: {  	v3 =	vmul.f32 $5.000000000e-01, v3;
	_ =	sdelay $0x1  }
0x36f: {  	(erf) = vrcp.f32 v3;
	_ =	sdelay $0x8  }
0x370: {  	v55 =	vpop (erf)  }
0x371: {  	v4 =	vmul.f32 v55, v2;
	_ =	sdelay $0x1  }
0x372: {  	v3 =	vadd.f32 v4, v3;
	_ =	sdelay $0x1  }
0x373: {  	v3 =	vmul.f32 $5.000000000e-01, v3;
	_ =	sdelay $0x1  }
0x374: {  	(erf) = vrcp.f32 v3;
	_ =	sdelay $0x8  }
0x375: {  	v56 =	vpop (erf)  }
0x376: {  	v4 =	vmul.f32 v56, v2;
	_ =	sdelay $0x1  }
0x377: {  	v3 =	vadd.f32 v4, v3;
	_ =	sdelay $0x1  }
0x378: {  	v3 =	vmul.f32 $5.000000000e-01, v3;
	_ =	sdelay $0x1  }
0x379: {  	(erf) = vrcp.f32 v3;
	_ =	sdelay $0x8  }
0x37a: {  	v57 =	vpop (erf)  }
0x37b: {  	v4 =	vmul.f32 v57, v2;
	_ =	sdelay $0x1  }
0x37c: {  	v3 =	vadd.f32 v4, v3;
	_ =	sdelay $0x1  }
0x37d: {  	v3 =	vmul.f32 $5.000000000e-01, v3;
	_ =	sdelay $0x1  }
0x37e: {  	(erf) = vrcp.f32 v3;
	_ =	sdelay $0x8  }
0x37f: {  	v58 =	vpop (erf)  }
0x380: {  	v4 =	vmul.f32 v58, v2;
	_ =	sdelay $0x1  }
0x381: {  	v3 =	vadd.f32 v4, v3;
	_ =	sdelay $0x1  }
0x382: {  	v3 =	vmul.f32 $5.000000000e-01, v3;
	_ =	sdelay $0x1  }
0x383: {  	(erf) = vrcp.f32 v3;
	_ =	sdelay $0x8  }
0x384: {  	v59 =	vpop (erf)  }
0x385: {  	v4 =	vmul.f32 v59, v2;
	_ =	sdelay $0x1  }
0x386: {  	v3 =	vadd.f32 v4, v3;
	_ =	sdelay $0x1  }
0x387: {  	v3 =	vmul.f32 $5.000000000e-01, v3;
	_ =	sdelay $0x1  }
0x388: {  	(erf) = vrcp.f32 v3;
	_ =	sdelay $0x8  }
0x389: {  	v60 =	vpop (erf)  }
0x38a: {  	v4 =	vmul.f32 v60, v2;
	_ =	sdelay $0x1  }
0x38b: {  	v3 =	vadd.f32 v4, v3;
	_ =	sdelay $0x1  }
0x38c: {  	v3 =	vmul.f32 $5.000000000e-01, v3;
	_ =	sdelay $0x1  }
0x38d: {  	(erf) = vrcp.f32 v3;
	_ =	sdelay $0x8  }
0x38e: {  	v61 =	vpop (erf)  }
0x38f: {  	v4 =	vmul.f32 v61, v2;
	_ =	sdelay $0x1  }
0x390: {  	v3 =	vadd.f32 v4, v3;
	_ =	sdelay $0x1  }
0x391: {  	v3 =	vmul.f32 $5.000000000e-01, v3;
	_ =	sdelay $0x1  }
0x392: {  	(erf) = vrcp.f32 v3;
	_ =	sdelay $0x8  }
0x393: {  	v62 =	vpop (erf)  }
0x394: {  	v4 =	vmul.f32 v62, v2;
	_ =	sdelay $0x1  }
0x395: {  	v3 =	vadd.f32 v4, v3;
	_ =	sdelay $0x1  }
0x396: {  	v3 =	vmul.f32 $5.000000000e-01, v3;
	_ =	sdelay $0x1  }
0x397: {  	(erf) = vrcp.f32 v3;
	_ =	sdelay $0x8  }
0x398: {  	v63 =	vpop (erf)  }
0x399: {  	v2 =	vmul.f32 v63, v2;
	_ =	sdelay $0x1  }
0x39a: {  	v2 =	vadd.f32 v2, v3;
	_ =	sdelay $0x1  }
0x39b: {  	v2 =	vmul.f32 $5.000000000e-01, v2  }
0x39c: {  	v3 =	vld [tilespmem:s10+$0xC800]  }
0x39d: {  	v1 =	vmul.f32 $5.616528320e+01, v1;
	v2 =	vmul.f32 $-3.068323520e+01, v2  }
.Ltmp16:
0x39e: {  	s12 =	sand.u32 $0xF, s9;
	(pc) =	sbr.rel .LBB2_19-.Ltmp16, $4  }
0x39f: {  	v1 =	vadd.f32 v2, v1;
	v2 =	vmov s12  }
0x3a0: {  	vm0 =	veq.s32 v2, v0  }
0x3a1: {  	v1 =	vsel vm0, v1, v3  }
0x3a2: {  	[tilespmem:s10+$0xC800] =	vst v1  }
.LBB2_20:
0x3a3: {  	s8 =	sadd.s32 s18, s20  }
0x3a4: {  	s8 =	sshll.u32 s8, $0x7  }
0x3a5: {  	s8 =	sand.u32 $0x1FFFFF80, s8  }
0x3a6: {  	s12 =	sadd.s32 s20, s14;
	s8 =	sadd.s32 s3, s8  }
0x3a7: {  	[hbm4b:s8+s22] =	stream.strided.scatter [tilespmem:s26], [sflag:$0x3], $0x6400, s23, s22, $0x38;
	[tilespmem:$0x19080] =	vst v63  }
0x3a8: {  	s8 =	sshll.u32 s12, $0x7  }
0x3a9: {  	s8 =	sand.u32 $0x1FFFFF80, s8  }
0x3aa: {  	s8 =	sadd.s32 s2, s8  }
0x3ab: {  	[tilespmem:s4], [sflag:$0x1] =	stream.strided.gather [hbm4b:s8+s22], $0x6400, s23, s22, $0x38;
	[tilespmem:$0x19080] =	vst v63  }
0x3ac: {  	_ =	swait.ge [sflag:s31], $0x6400  }
0x3ad: {  	[sflag:s31] =	ssyncset.done $0x0  }
0x3ae: {  	[sflag:s31] =	ssyncadd.s32 $0xFFFF9C00  }
0x3af: {  	_ =	swait.ge [sflag:s28], $0x6400  }
0x3b0: {  	[sflag:s28] =	ssyncset.done $0x0  }
0x3b1: {  	[sflag:s28] =	ssyncadd.s32 $0xFFFF9C00  }
0x3b2: {  	v1 =	vld [tilespmem:s13+$0x80];
	_ =	sdelay $0x3  }
0x3b3: {  	v2 =	vld [tilespmem:s13+$0xFFFFFF00]  }
0x3b4: {  	v3 =	vld [tilespmem:s13+$0xFFFFFF80];
	v1 =	vmul.f32 $6.400000000e+01, v1  }
0x3b5: {  	s8 =	simm.s32 $0x12D00;
	v4 =	vld [tilespmem:s13+$0x0]  }
0x3b6: {  	[tilespmem:s8+$0x80] =	vst v1  }
0x3b7: {  	v1 =	vld [tilespmem:s13+$0x90]  }
0x3b8: {  	v2 =	vmul.f32 $6.400000000e+01, v2  }
0x3b9: {  	v3 =	vmul.f32 $6.400000000e+01, v3  }
0x3ba: {  	v4 =	vmul.f32 $6.400000000e+01, v4;
	[tilespmem:s8+$0xFFFFFF00] =	vst v2  }
0x3bb: {  	[tilespmem:s8+$0xFFFFFF80] =	vst v3;
	v2 =	vld [tilespmem:s13+$0xFFFFFF10]  }
0x3bc: {  	[tilespmem:s8+$0x0] =	vst v4;
	v3 =	vld [tilespmem:s13+$0xFFFFFF90];
	v1 =	vmul.f32 $6.400000000e+01, v1  }
0x3bd: {  	v4 =	vld [tilespmem:s13+$0x10]  }
0x3be: {  	[tilespmem:s8+$0x90] =	vst v1  }
0x3bf: {  	v1 =	vld [tilespmem:s13+$0xA0]  }
0x3c0: {  	v2 =	vmul.f32 $6.400000000e+01, v2  }
0x3c1: {  	v3 =	vmul.f32 $6.400000000e+01, v3  }
0x3c2: {  	v4 =	vmul.f32 $6.400000000e+01, v4;
	[tilespmem:s8+$0xFFFFFF10] =	vst v2  }
0x3c3: {  	[tilespmem:s8+$0xFFFFFF90] =	vst v3;
	v2 =	vld [tilespmem:s13+$0xFFFFFF20]  }
0x3c4: {  	[tilespmem:s8+$0x10] =	vst v4;
	v3 =	vld [tilespmem:s13+$0xFFFFFFA0];
	v1 =	vmul.f32 $6.400000000e+01, v1  }
0x3c5: {  	v4 =	vld [tilespmem:s13+$0x20]  }
0x3c6: {  	[tilespmem:s8+$0xA0] =	vst v1  }
0x3c7: {  	v1 =	vld [tilespmem:s13+$0xB0]  }
0x3c8: {  	v2 =	vmul.f32 $6.400000000e+01, v2  }
0x3c9: {  	v3 =	vmul.f32 $6.400000000e+01, v3  }
0x3ca: {  	v4 =	vmul.f32 $6.400000000e+01, v4;
	[tilespmem:s8+$0xFFFFFF20] =	vst v2  }
0x3cb: {  	[tilespmem:s8+$0xFFFFFFA0] =	vst v3;
	v2 =	vld [tilespmem:s13+$0xFFFFFF30]  }
0x3cc: {  	[tilespmem:s8+$0x20] =	vst v4;
	v3 =	vld [tilespmem:s13+$0xFFFFFFB0];
	v1 =	vmul.f32 $6.400000000e+01, v1  }
0x3cd: {  	s9 =	simm.s32 $0x6700;
	v4 =	vld [tilespmem:s13+$0x30]  }
0x3ce: {  	[tilespmem:s8+$0xB0] =	vst v1;
	v1 =	vld [tilespmem:s9+$0x80]  }
0x3cf: {  	v5 =	vld [tilespmem:s13+$0xC0]  }
0x3d0: {  	v6 =	vld [tilespmem:s9+$0xFFFFFF80];
	v2 =	vmul.f32 $6.400000000e+01, v2  }
0x3d1: {  	v7 =	vld [tilespmem:s9+$0x0];
	v3 =	vmul.f32 $6.400000000e+01, v3  }
0x3d2: {  	v4 =	vmul.f32 $6.400000000e+01, v4;
	[tilespmem:s8+$0xFFFFFF30] =	vst v2;
	v2 =	vld [tilespmem:s9+$0xFFFFFF00]  }
0x3d3: {  	[tilespmem:s8+$0xFFFFFFB0] =	vst v3;
	v3 =	vld [tilespmem:s13+$0xFFFFFF40];
	v1 =	vmul.f32 $6.400000000e+01, v1  }
0x3d4: {  	s10 =	simm.s32 $0x12F00;
	[tilespmem:s8+$0x30] =	vst v4;
	v4 =	vld [tilespmem:s13+$0xFFFFFFC0];
	v5 =	vmul.f32 $6.400000000e+01, v5  }
0x3d5: {  	v6 =	vmul.f32 $6.400000000e+01, v6;
	[tilespmem:s10+$0x80] =	vst v1;
	v1 =	vld [tilespmem:s13+$0x40]  }
0x3d6: {  	v7 =	vmul.f32 $6.400000000e+01, v7;
	v8 =	vld [tilespmem:s9+$0x90];
	[tilespmem:s8+$0xC0] =	vst v5  }
0x3d7: {  	[tilespmem:s10+$0xFFFFFF80] =	vst v6;
	v2 =	vmul.f32 $6.400000000e+01, v2;
	v5 =	vld [tilespmem:s13+$0xD0]  }
0x3d8: {  	[tilespmem:s10+$0x0] =	vst v7;
	v6 =	vld [tilespmem:s9+$0xFFFFFF90];
	v3 =	vmul.f32 $6.400000000e+01, v3  }
0x3d9: {  	v4 =	vmul.f32 $6.400000000e+01, v4;
	[tilespmem:s10+$0xFFFFFF00] =	vst v2;
	v2 =	vld [tilespmem:s9+$0x10]  }
0x3da: {  	v7 =	vld [tilespmem:s9+$0xFFFFFF10];
	[tilespmem:s8+$0xFFFFFF40] =	vst v3;
	v1 =	vmul.f32 $6.400000000e+01, v1  }
0x3db: {  	[tilespmem:s8+$0xFFFFFFC0] =	vst v4;
	v3 =	vmul.f32 $6.400000000e+01, v8;
	v8 =	vld [tilespmem:s13+$0xFFFFFF50]  }
0x3dc: {  	v4 =	vld [tilespmem:s13+$0xFFFFFFD0];
	[tilespmem:s8+$0x40] =	vst v1;
	v1 =	vmul.f32 $6.400000000e+01, v5  }
0x3dd: {  	v5 =	vmul.f32 $6.400000000e+01, v6;
	[tilespmem:s10+$0x90] =	vst v3;
	v3 =	vld [tilespmem:s13+$0x50]  }
0x3de: {  	v2 =	vmul.f32 $6.400000000e+01, v2;
	v6 =	vld [tilespmem:s9+$0xA0];
	[tilespmem:s8+$0xD0] =	vst v1  }
0x3df: {  	v1 =	vmul.f32 $6.400000000e+01, v7;
	[tilespmem:s10+$0xFFFFFF90] =	vst v5;
	v5 =	vld [tilespmem:s13+$0xE0]  }
0x3e0: {  	[tilespmem:s10+$0x10] =	vst v2;
	v7 =	vld [tilespmem:s9+$0xFFFFFFA0];
	v2 =	vmul.f32 $6.400000000e+01, v8  }
0x3e1: {  	v4 =	vmul.f32 $6.400000000e+01, v4;
	[tilespmem:s10+$0xFFFFFF10] =	vst v1;
	v1 =	vld [tilespmem:s9+$0x20]  }
0x3e2: {  	v8 =	vld [tilespmem:s9+$0xFFFFFF20];
	[tilespmem:s8+$0xFFFFFF50] =	vst v2;
	v2 =	vmul.f32 $6.400000000e+01, v3  }
0x3e3: {  	[tilespmem:s8+$0xFFFFFFD0] =	vst v4;
	v3 =	vmul.f32 $6.400000000e+01, v6;
	v6 =	vld [tilespmem:s13+$0xFFFFFF60]  }
0x3e4: {  	v4 =	vld [tilespmem:s13+$0xFFFFFFE0];
	[tilespmem:s8+$0x50] =	vst v2;
	v2 =	vmul.f32 $6.400000000e+01, v5  }
0x3e5: {  	v5 =	vmul.f32 $6.400000000e+01, v7;
	[tilespmem:s10+$0xA0] =	vst v3;
	v3 =	vld [tilespmem:s13+$0x60]  }
0x3e6: {  	v1 =	vmul.f32 $6.400000000e+01, v1;
	v7 =	vld [tilespmem:s9+$0xB0];
	[tilespmem:s8+$0xE0] =	vst v2  }
0x3e7: {  	v2 =	vmul.f32 $6.400000000e+01, v8;
	[tilespmem:s10+$0xFFFFFFA0] =	vst v5;
	v8 =	vld [tilespmem:s13+$0xF0]  }
0x3e8: {  	v9 =	vld [tilespmem:s9+$0xFFFFFFB0];
	[tilespmem:s10+$0x20] =	vst v1;
	v1 =	vmul.f32 $6.400000000e+01, v6  }
0x3e9: {  	v4 =	vmul.f32 $6.400000000e+01, v4;
	[tilespmem:s10+$0xFFFFFF20] =	vst v2;
	v5 =	vld [tilespmem:s9+$0x30]  }
0x3ea: {  	v6 =	vld [tilespmem:s9+$0xFFFFFF30];
	[tilespmem:s8+$0xFFFFFF60] =	vst v1;
	v3 =	vmul.f32 $6.400000000e+01, v3  }
0x3eb: {  	[tilespmem:s8+$0xFFFFFFE0] =	vst v4;
	v10 =	vmul.f32 $6.400000000e+01, v7;
	v2 =	vld [tilespmem:s13+$0xFFFFFF70]  }
0x3ec: {  	v1 =	vld [tilespmem:s13+$0xFFFFFFF0];
	[tilespmem:s8+$0x60] =	vst v3;
	v4 =	vmul.f32 $6.400000000e+01, v8  }
0x3ed: {  	s11 =	simm.s32 $0x4;
	s12 =	simm.s32 $0x6900;
	v7 =	vmul.f32 $6.400000000e+01, v9;
	[tilespmem:s10+$0xB0] =	vst v10;
	v3 =	vld [tilespmem:s13+$0x70]  }
.LBB2_21:
0x3ee: {  	v8 =	vld [tilespmem:s12+$0x80];
	v5 =	vmul.f32 $6.400000000e+01, v5;
	[tilespmem:s8+$0xF0] =	vst v4  }
0x3ef: {  	s11 =	sadd.s32 $0x4, s11;
	v4 =	vmul.f32 $6.400000000e+01, v6;
	[tilespmem:s10+$0xFFFFFFB0] =	vst v7;
	v6 =	vld [tilespmem:s9+$0xC0]  }
0x3f0: {  	p0 =	slt.u32 s11, $0xC4;
	v7 =	vld [tilespmem:s12+$0xFFFFFF80];
	[tilespmem:s10+$0x30] =	vst v5;
	v2 =	vmul.f32 $6.400000000e+01, v2  }
0x3f1: {  	v5 =	vld [tilespmem:s12+$0x0];
	[tilespmem:s10+$0xFFFFFF30] =	vst v4;
	v1 =	vmul.f32 $6.400000000e+01, v1  }
0x3f2: {  	v4 =	vld [tilespmem:s12+$0xFFFFFF00];
	[tilespmem:s8+$0xFFFFFF70] =	vst v2;
	v2 =	vmul.f32 $6.400000000e+01, v3  }
0x3f3: {  	v3 =	vmul.f32 $6.400000000e+01, v8;
	v8 =	vld [tilespmem:s9+$0xFFFFFF40];
	[tilespmem:s8+$0xFFFFFFF0] =	vst v1  }
0x3f4: {  	v1 =	vld [tilespmem:s9+$0xFFFFFFC0];
	v6 =	vmul.f32 $6.400000000e+01, v6;
	[tilespmem:s8+$0x70] =	vst v2;
	s8 =	smov.u32 s10;
	s10 =	sadd.s32 $0x200, s10  }
0x3f5: {  	v2 =	vmul.f32 $6.400000000e+01, v7;
	[tilespmem:s10+$0x80] =	vst v3;
	v3 =	vld [tilespmem:s9+$0x40]  }
0x3f6: {  	v5 =	vmul.f32 $6.400000000e+01, v5;
	v7 =	vld [tilespmem:s12+$0x90];
	[tilespmem:s8+$0xC0] =	vst v6  }
0x3f7: {  	v4 =	vmul.f32 $6.400000000e+01, v4;
	[tilespmem:s10+$0xFFFFFF80] =	vst v2;
	v2 =	vld [tilespmem:s9+$0xD0]  }
0x3f8: {  	v6 =	vld [tilespmem:s12+$0xFFFFFF90];
	[tilespmem:s10+$0x0] =	vst v5;
	v5 =	vmul.f32 $6.400000000e+01, v8  }
0x3f9: {  	[tilespmem:s10+$0xFFFFFF00] =	vst v4;
	v4 =	vld [tilespmem:s12+$0x10];
	v1 =	vmul.f32 $6.400000000e+01, v1  }
0x3fa: {  	v8 =	vld [tilespmem:s12+$0xFFFFFF10];
	[tilespmem:s8+$0xFFFFFF40] =	vst v5;
	v3 =	vmul.f32 $6.400000000e+01, v3  }
0x3fb: {  	v5 =	vmul.f32 $6.400000000e+01, v7;
	v7 =	vld [tilespmem:s9+$0xFFFFFF50];
	[tilespmem:s8+$0xFFFFFFC0] =	vst v1  }
0x3fc: {  	v1 =	vld [tilespmem:s9+$0xFFFFFFD0];
	[tilespmem:s8+$0x40] =	vst v3;
	v2 =	vmul.f32 $6.400000000e+01, v2  }
0x3fd: {  	v3 =	vmul.f32 $6.400000000e+01, v6;
	[tilespmem:s10+$0x90] =	vst v5;
	v5 =	vld [tilespmem:s9+$0x50]  }
0x3fe: {  	v4 =	vmul.f32 $6.400000000e+01, v4;
	v6 =	vld [tilespmem:s12+$0xA0];
	[tilespmem:s8+$0xD0] =	vst v2  }
0x3ff: {  	v2 =	vmul.f32 $6.400000000e+01, v8;
	[tilespmem:s10+$0xFFFFFF90] =	vst v3;
	v3 =	vld [tilespmem:s9+$0xE0]  }
0x400: {  	v8 =	vld [tilespmem:s12+$0xFFFFFFA0];
	[tilespmem:s10+$0x10] =	vst v4;
	v4 =	vmul.f32 $6.400000000e+01, v7  }
0x401: {  	[tilespmem:s10+$0xFFFFFF10] =	vst v2;
	v2 =	vld [tilespmem:s12+$0x20];
	v1 =	vmul.f32 $6.400000000e+01, v1  }
0x402: {  	v7 =	vld [tilespmem:s12+$0xFFFFFF20];
	[tilespmem:s8+$0xFFFFFF50] =	vst v4;
	v4 =	vmul.f32 $6.400000000e+01, v5  }
0x403: {  	v5 =	vmul.f32 $6.400000000e+01, v6;
	v6 =	vld [tilespmem:s9+$0xFFFFFF60];
	[tilespmem:s8+$0xFFFFFFD0] =	vst v1  }
0x404: {  	v1 =	vld [tilespmem:s9+$0xFFFFFFE0];
	[tilespmem:s8+$0x50] =	vst v4;
	v3 =	vmul.f32 $6.400000000e+01, v3  }
0x405: {  	v4 =	vmul.f32 $6.400000000e+01, v8;
	[tilespmem:s10+$0xA0] =	vst v5;
	v8 =	vld [tilespmem:s9+$0x60]  }
0x406: {  	v2 =	vmul.f32 $6.400000000e+01, v2;
	v9 =	vld [tilespmem:s12+$0xB0];
	[tilespmem:s8+$0xE0] =	vst v3  }
0x407: {  	v3 =	vmul.f32 $6.400000000e+01, v7;
	[tilespmem:s10+$0xFFFFFFA0] =	vst v4;
	v4 =	vld [tilespmem:s9+$0xF0]  }
0x408: {  	v7 =	vld [tilespmem:s12+$0xFFFFFFB0];
	[tilespmem:s10+$0x20] =	vst v2;
	v2 =	vmul.f32 $6.400000000e+01, v6  }
.Ltmp17:
0x409: {  	[tilespmem:s10+$0xFFFFFF20] =	vst v3;
	v5 =	vld [tilespmem:s12+$0x30];
	v1 =	vmul.f32 $6.400000000e+01, v1;
	(pc) =	sbr.rel @p0 .LBB2_21-.Ltmp17, $4  }
0x40a: {  	v6 =	vld [tilespmem:s12+$0xFFFFFF30];
	[tilespmem:s8+$0xFFFFFF60] =	vst v2;
	v3 =	vmul.f32 $6.400000000e+01, v8  }
0x40b: {  	v8 =	vmul.f32 $6.400000000e+01, v9;
	v2 =	vld [tilespmem:s9+$0xFFFFFF70];
	[tilespmem:s8+$0xFFFFFFE0] =	vst v1  }
0x40c: {  	v1 =	vld [tilespmem:s9+$0xFFFFFFF0];
	[tilespmem:s8+$0x60] =	vst v3;
	v4 =	vmul.f32 $6.400000000e+01, v4  }
0x40d: {  	v7 =	vmul.f32 $6.400000000e+01, v7;
	[tilespmem:s10+$0xB0] =	vst v8;
	v3 =	vld [tilespmem:s9+$0x70];
	s9 =	smov.u32 s12;
	s12 =	sadd.s32 $0x200, s12  }
0x40e: {  	_ = 	snop  }
0x40f: {  	v6 =	vmul.f32 $6.400000000e+01, v6;
	_ =	sdelay $0x1  }
0x410: {  	v5 =	vmul.f32 $6.400000000e+01, v5;
	v8 =	vld [tilespmem:s9+$0xC0];
	[tilespmem:s10+$0xFFFFFF30] =	vst v6  }
0x411: {  	[tilespmem:s10+$0xFFFFFFB0] =	vst v7;
	v6 =	vld [tilespmem:s9+$0xFFFFFF40]  }
0x412: {  	[tilespmem:s10+$0x30] =	vst v5;
	v56 =	vld [tilespmem:s9+$0xFFFFFFC0]  }
0x413: {  	v57 =	vld [tilespmem:s9+$0x40];
	_ =	sdelay $0x1  }
0x414: {  	v8 =	vmul.f32 $6.400000000e+01, v8  }
0x415: {  	v6 =	vmul.f32 $6.400000000e+01, v6  }
0x416: {  	[tilespmem:s10+$0xC0] =	vst v8;
	v5 =	vmul.f32 $6.400000000e+01, v56  }
0x417: {  	v8 =	vld [tilespmem:s9+$0xD0];
	v58 =	vmul.f32 $6.400000000e+01, v57;
	[tilespmem:s10+$0xFFFFFF40] =	vst v6  }
0x418: {  	[tilespmem:s10+$0xFFFFFFC0] =	vst v5;
	v59 =	vld [tilespmem:s9+$0xFFFFFF50]  }
0x419: {  	v5 =	vld [tilespmem:s9+$0xFFFFFFD0];
	[tilespmem:s10+$0x40] =	vst v58  }
0x41a: {  	v6 =	vld [tilespmem:s9+$0x50];
	_ =	sdelay $0x1  }
0x41b: {  	v8 =	vmul.f32 $6.400000000e+01, v8  }
0x41c: {  	v7 =	vmul.f32 $6.400000000e+01, v59  }
0x41d: {  	[tilespmem:s10+$0xD0] =	vst v8;
	v5 =	vmul.f32 $6.400000000e+01, v5  }
0x41e: {  	v8 =	vld [tilespmem:s9+$0xE0];
	v6 =	vmul.f32 $6.400000000e+01, v6;
	[tilespmem:s10+$0xFFFFFF50] =	vst v7  }
0x41f: {  	[tilespmem:s10+$0xFFFFFFD0] =	vst v5;
	v7 =	vld [tilespmem:s9+$0xFFFFFF60]  }
0x420: {  	v5 =	vld [tilespmem:s9+$0xFFFFFFE0];
	[tilespmem:s10+$0x50] =	vst v6  }
0x421: {  	v6 =	vld [tilespmem:s9+$0x60];
	_ =	sdelay $0x1  }
0x422: {  	v8 =	vmul.f32 $6.400000000e+01, v8  }
0x423: {  	v7 =	vmul.f32 $6.400000000e+01, v7  }
0x424: {  	[tilespmem:s10+$0xE0] =	vst v8;
	v5 =	vmul.f32 $6.400000000e+01, v5  }
0x425: {  	v60 =	vld [tilespmem:s9+$0xF0];
	v6 =	vmul.f32 $6.400000000e+01, v6;
	[tilespmem:s10+$0xFFFFFF60] =	vst v7  }
0x426: {  	[tilespmem:s10+$0xFFFFFFE0] =	vst v5;
	v61 =	vld [tilespmem:s9+$0xFFFFFF70]  }
0x427: {  	v2 =	vmul.f32 $6.400000000e+01, v2;
	[tilespmem:s10+$0x60] =	vst v6;
	v62 =	vld [tilespmem:s9+$0xFFFFFFF0]  }
0x428: {  	[tilespmem:s8+$0xF0] =	vst v4;
	v1 =	vmul.f32 $6.400000000e+01, v1;
	v63 =	vld [tilespmem:s9+$0x70]  }
0x429: {  	[tilespmem:s8+$0xFFFFFF70] =	vst v2;
	v2 =	vmul.f32 $6.400000000e+01, v3  }
0x42a: {  	[tilespmem:s8+$0xFFFFFFF0] =	vst v1;
	v1 =	vmul.f32 $6.400000000e+01, v60  }
.Ltmp18:
0x42b: {  	[tilespmem:s8+$0x70] =	vst v2;
	v2 =	vmul.f32 $6.400000000e+01, v61;
	(pc) =	sbr.rel .LBB2_23-.Ltmp18, $4  }
0x42c: {  	[tilespmem:s10+$0xF0] =	vst v1;
	v1 =	vmul.f32 $6.400000000e+01, v62  }
0x42d: {  	[tilespmem:s10+$0xFFFFFF70] =	vst v2;
	v2 =	vmul.f32 $6.400000000e+01, v63  }
0x42e: {  	[tilespmem:s10+$0xFFFFFFF0] =	vst v1  }
0x42f: {  	s8 =	simm.s32 $0x0;
	s9 =	simm.s32 $0x0;
	[tilespmem:s10+$0x70] =	vst v2  }
.LBB2_25:
0x430: {  	s9 =	sadd.s32 $0x1, s9  }
0x431: {  	p0 =	sne.s32 s9, $0x80  }
.Ltmp19:
0x432: {  	_ = 	snop;
	(pc) =	sbr.rel @!p0 .LBB2_26-.Ltmp19, $2  }
0x433: {  	_ =	sdelay $0x2  }
0x434: {  	s8 =	sadd.s32 $0x1, s8  }
.LBB2_23:
0x435: {  	s10 =	sld [smem:s8+$0x0];
	_ =	sdelay $0x2  }
0x436: {  	s10 =	ssub.s32 s10, s7  }
0x437: {  	s10 =	sadd.s32 $0xFFFFFDA8, s10  }
0x438: {  	p0 =	sgt.u32 s10, $0xC7  }
.Ltmp20:
0x439: {  	_ = 	snop;
	(pc) =	sbr.rel @p0 .LBB2_25-.Ltmp20, $1  }
0x43a: {  	_ =	sdelay $0x3  }
0x43b: {  	s11 =	sand.u32 $0x70, s9;
	s10 =	sshll.u32 s10, $0x7  }
0x43c: {  	s10 =	sor.u32 s11, s10  }
0x43d: {  	v1 =	vld [tilespmem:s10+$0x6400];
	_ =	sdelay $0x4  }
0x43e: {  	v2 =	vmul.f32 v1, v1;
	_ =	sdelay $0x1  }
0x43f: {  	v2 =	vsub.f32 $1.000000000e+00, v2;
	_ =	sdelay $0x1  }
0x440: {  	v2 =	vmax.f32 v2, $0.0e+00  }
0x441: {  	v3 =	vadd.f32 $1.000000000e+00, v2;
	_ =	sdelay $0x1  }
0x442: {  	v3 =	vmul.f32 $5.000000000e-01, v3;
	_ =	sdelay $0x1  }
0x443: {  	(erf) = vrcp.f32 v3;
	_ =	sdelay $0x8  }
0x444: {  	v4 =	vpop (erf)  }
0x445: {  	v4 =	vmul.f32 v4, v2;
	_ =	sdelay $0x1  }
0x446: {  	v3 =	vadd.f32 v4, v3;
	_ =	sdelay $0x1  }
0x447: {  	v3 =	vmul.f32 $5.000000000e-01, v3;
	_ =	sdelay $0x1  }
0x448: {  	(erf) = vrcp.f32 v3;
	_ =	sdelay $0x8  }
0x449: {  	v47 =	vpop (erf)  }
0x44a: {  	v4 =	vmul.f32 v47, v2;
	_ =	sdelay $0x1  }
0x44b: {  	v3 =	vadd.f32 v4, v3;
	_ =	sdelay $0x1  }
0x44c: {  	v3 =	vmul.f32 $5.000000000e-01, v3;
	_ =	sdelay $0x1  }
0x44d: {  	(erf) = vrcp.f32 v3;
	_ =	sdelay $0x8  }
0x44e: {  	v48 =	vpop (erf)  }
0x44f: {  	v4 =	vmul.f32 v48, v2;
	_ =	sdelay $0x1  }
0x450: {  	v3 =	vadd.f32 v4, v3;
	_ =	sdelay $0x1  }
0x451: {  	v3 =	vmul.f32 $5.000000000e-01, v3;
	_ =	sdelay $0x1  }
0x452: {  	(erf) = vrcp.f32 v3;
	_ =	sdelay $0x8  }
0x453: {  	v49 =	vpop (erf)  }
0x454: {  	v4 =	vmul.f32 v49, v2;
	_ =	sdelay $0x1  }
0x455: {  	v3 =	vadd.f32 v4, v3;
	_ =	sdelay $0x1  }
0x456: {  	v3 =	vmul.f32 $5.000000000e-01, v3;
	_ =	sdelay $0x1  }
0x457: {  	(erf) = vrcp.f32 v3;
	_ =	sdelay $0x8  }
0x458: {  	v50 =	vpop (erf)  }
0x459: {  	v4 =	vmul.f32 v50, v2;
	_ =	sdelay $0x1  }
0x45a: {  	v3 =	vadd.f32 v4, v3;
	_ =	sdelay $0x1  }
0x45b: {  	v3 =	vmul.f32 $5.000000000e-01, v3;
	_ =	sdelay $0x1  }
0x45c: {  	(erf) = vrcp.f32 v3;
	_ =	sdelay $0x8  }
0x45d: {  	v51 =	vpop (erf)  }
0x45e: {  	v4 =	vmul.f32 v51, v2;
	_ =	sdelay $0x1  }
0x45f: {  	v3 =	vadd.f32 v4, v3;
	_ =	sdelay $0x1  }
0x460: {  	v3 =	vmul.f32 $5.000000000e-01, v3;
	_ =	sdelay $0x1  }
0x461: {  	(erf) = vrcp.f32 v3;
	_ =	sdelay $0x8  }
0x462: {  	v52 =	vpop (erf)  }
0x463: {  	v4 =	vmul.f32 v52, v2;
	_ =	sdelay $0x1  }
0x464: {  	v3 =	vadd.f32 v4, v3;
	_ =	sdelay $0x1  }
0x465: {  	v3 =	vmul.f32 $5.000000000e-01, v3;
	_ =	sdelay $0x1  }
0x466: {  	(erf) = vrcp.f32 v3;
	_ =	sdelay $0x8  }
0x467: {  	v53 =	vpop (erf)  }
0x468: {  	v4 =	vmul.f32 v53, v2;
	_ =	sdelay $0x1  }
0x469: {  	v3 =	vadd.f32 v4, v3;
	_ =	sdelay $0x1  }
0x46a: {  	v3 =	vmul.f32 $5.000000000e-01, v3;
	_ =	sdelay $0x1  }
0x46b: {  	(erf) = vrcp.f32 v3;
	_ =	sdelay $0x8  }
0x46c: {  	v54 =	vpop (erf)  }
0x46d: {  	v4 =	vmul.f32 v54, v2;
	_ =	sdelay $0x1  }
0x46e: {  	v3 =	vadd.f32 v4, v3;
	_ =	sdelay $0x1  }
0x46f: {  	v3 =	vmul.f32 $5.000000000e-01, v3;
	_ =	sdelay $0x1  }
0x470: {  	(erf) = vrcp.f32 v3;
	_ =	sdelay $0x8  }
0x471: {  	v55 =	vpop (erf)  }
0x472: {  	v4 =	vmul.f32 v55, v2;
	_ =	sdelay $0x1  }
0x473: {  	v3 =	vadd.f32 v4, v3;
	_ =	sdelay $0x1  }
0x474: {  	v3 =	vmul.f32 $5.000000000e-01, v3;
	_ =	sdelay $0x1  }
0x475: {  	(erf) = vrcp.f32 v3;
	_ =	sdelay $0x8  }
0x476: {  	v56 =	vpop (erf)  }
0x477: {  	v4 =	vmul.f32 v56, v2;
	_ =	sdelay $0x1  }
0x478: {  	v3 =	vadd.f32 v4, v3;
	_ =	sdelay $0x1  }
0x479: {  	v3 =	vmul.f32 $5.000000000e-01, v3;
	_ =	sdelay $0x1  }
0x47a: {  	(erf) = vrcp.f32 v3;
	_ =	sdelay $0x8  }
0x47b: {  	v57 =	vpop (erf)  }
0x47c: {  	v4 =	vmul.f32 v57, v2;
	_ =	sdelay $0x1  }
0x47d: {  	v3 =	vadd.f32 v4, v3;
	_ =	sdelay $0x1  }
0x47e: {  	v3 =	vmul.f32 $5.000000000e-01, v3;
	_ =	sdelay $0x1  }
0x47f: {  	(erf) = vrcp.f32 v3;
	_ =	sdelay $0x8  }
0x480: {  	v58 =	vpop (erf)  }
0x481: {  	v4 =	vmul.f32 v58, v2;
	_ =	sdelay $0x1  }
0x482: {  	v3 =	vadd.f32 v4, v3;
	_ =	sdelay $0x1  }
0x483: {  	v3 =	vmul.f32 $5.000000000e-01, v3;
	_ =	sdelay $0x1  }
0x484: {  	(erf) = vrcp.f32 v3;
	_ =	sdelay $0x8  }
0x485: {  	v59 =	vpop (erf)  }
0x486: {  	v4 =	vmul.f32 v59, v2;
	_ =	sdelay $0x1  }
0x487: {  	v3 =	vadd.f32 v4, v3;
	_ =	sdelay $0x1  }
0x488: {  	v3 =	vmul.f32 $5.000000000e-01, v3;
	_ =	sdelay $0x1  }
0x489: {  	(erf) = vrcp.f32 v3;
	_ =	sdelay $0x8  }
0x48a: {  	v60 =	vpop (erf)  }
0x48b: {  	v4 =	vmul.f32 v60, v2;
	_ =	sdelay $0x1  }
0x48c: {  	v3 =	vadd.f32 v4, v3;
	_ =	sdelay $0x1  }
0x48d: {  	v3 =	vmul.f32 $5.000000000e-01, v3;
	_ =	sdelay $0x1  }
0x48e: {  	(erf) = vrcp.f32 v3;
	_ =	sdelay $0x8  }
0x48f: {  	v61 =	vpop (erf)  }
0x490: {  	v4 =	vmul.f32 v61, v2;
	_ =	sdelay $0x1  }
0x491: {  	v3 =	vadd.f32 v4, v3;
	_ =	sdelay $0x1  }
0x492: {  	v3 =	vmul.f32 $5.000000000e-01, v3;
	_ =	sdelay $0x1  }
0x493: {  	(erf) = vrcp.f32 v3;
	_ =	sdelay $0x8  }
0x494: {  	v62 =	vpop (erf)  }
0x495: {  	v4 =	vmul.f32 v62, v2;
	_ =	sdelay $0x1  }
0x496: {  	v3 =	vadd.f32 v4, v3;
	_ =	sdelay $0x1  }
0x497: {  	v3 =	vmul.f32 $5.000000000e-01, v3;
	_ =	sdelay $0x1  }
0x498: {  	(erf) = vrcp.f32 v3;
	_ =	sdelay $0x8  }
0x499: {  	v63 =	vpop (erf)  }
0x49a: {  	v2 =	vmul.f32 v63, v2;
	_ =	sdelay $0x1  }
0x49b: {  	v2 =	vadd.f32 v2, v3;
	_ =	sdelay $0x1  }
0x49c: {  	v2 =	vmul.f32 $5.000000000e-01, v2  }
0x49d: {  	v3 =	vld [tilespmem:s10+$0x12C00]  }
0x49e: {  	v1 =	vmul.f32 $5.616528320e+01, v1;
	v2 =	vmul.f32 $-3.068323520e+01, v2  }
.Ltmp21:
0x49f: {  	s12 =	sand.u32 $0xF, s9;
	(pc) =	sbr.rel .LBB2_25-.Ltmp21, $4  }
0x4a0: {  	v1 =	vadd.f32 v2, v1;
	v2 =	vmov s12  }
0x4a1: {  	vm0 =	veq.s32 v2, v0  }
0x4a2: {  	v1 =	vsel vm0, v1, v3  }
0x4a3: {  	[tilespmem:s10+$0x12C00] =	vst v1  }
.LBB2_26:
0x4a4: {  	p0 =	seq.s32 s1, $0x3C  }
.Ltmp22:
0x4a5: {  	s7 =	sadd.s32 s19, s20;
	(pc) =	sbr.rel @p0 .LBB2_28-.Ltmp22, $4  }
0x4a6: {  	s7 =	sshll.u32 s7, $0x7  }
0x4a7: {  	s7 =	sand.u32 $0x1FFFFF80, s7  }
0x4a8: {  	s7 =	sadd.s32 s3, s7  }
0x4a9: {  	[hbm4b:s7+s22] =	stream.strided.scatter [tilespmem:s29], [sflag:$0x4], $0x6400, s23, s22, $0x38;
	[tilespmem:$0x19080] =	vst v63  }
.Ltmp23:
0x4aa: {  	s7 =	sadd.s32 s20, s15;
	(pc) =	sbr.rel .LBB2_14-.Ltmp23, $4  }
0x4ab: {  	s7 =	sshll.u32 s7, $0x7  }
0x4ac: {  	s7 =	sand.u32 $0x1FFFFF80, s7  }
0x4ad: {  	s1 =	sadd.s32 $0x1, s1;
	s7 =	sadd.s32 s2, s7  }
0x4ae: {  	[tilespmem:s24], [sflag:$0x2] =	stream.strided.gather [hbm4b:s7+s22], $0x6400, s23, s22, $0x38;
	[tilespmem:$0x19080] =	vst v63  }
.LBB2_28:
0x4af: {  	_ =	swait.ge [sflag:s30], $0x6400  }
0x4b0: {  	[sflag:s30] =	ssyncset.done $0x0  }
0x4b1: {  	[sflag:s30] =	ssyncadd.s32 $0xFFFF9C00  }
0x4b2: {  	_ =	swait.ge [sflag:s25], $0x6400  }
0x4b3: {  	[sflag:s25] =	ssyncset.done $0x0  }
0x4b4: {  	s11 =	simm.s32 $0x100;
	[sflag:s25] =	ssyncadd.s32 $0xFFFF9C00  }
0x4b5: {  	v1 =	vld [tilespmem:s11+$0x80];
	_ =	sdelay $0x3  }
0x4b6: {  	v2 =	vld [tilespmem:s11+$0xFFFFFF00]  }
0x4b7: {  	v3 =	vld [tilespmem:s11+$0xFFFFFF80];
	v1 =	vmul.f32 $6.400000000e+01, v1  }
0x4b8: {  	s1 =	simm.s32 $0xC900;
	v4 =	vld [tilespmem:s11+$0x0]  }
0x4b9: {  	[tilespmem:s1+$0x80] =	vst v1  }
0x4ba: {  	v1 =	vld [tilespmem:s11+$0x90]  }
0x4bb: {  	v2 =	vmul.f32 $6.400000000e+01, v2  }
0x4bc: {  	v3 =	vmul.f32 $6.400000000e+01, v3  }
0x4bd: {  	v4 =	vmul.f32 $6.400000000e+01, v4;
	[tilespmem:s1+$0xFFFFFF00] =	vst v2  }
0x4be: {  	[tilespmem:s1+$0xFFFFFF80] =	vst v3;
	v2 =	vld [tilespmem:s11+$0xFFFFFF10]  }
0x4bf: {  	[tilespmem:s1+$0x0] =	vst v4;
	v3 =	vld [tilespmem:s11+$0xFFFFFF90];
	v1 =	vmul.f32 $6.400000000e+01, v1  }
0x4c0: {  	v4 =	vld [tilespmem:s11+$0x10]  }
0x4c1: {  	[tilespmem:s1+$0x90] =	vst v1  }
0x4c2: {  	v1 =	vld [tilespmem:s11+$0xA0]  }
0x4c3: {  	v2 =	vmul.f32 $6.400000000e+01, v2  }
0x4c4: {  	v3 =	vmul.f32 $6.400000000e+01, v3  }
0x4c5: {  	v4 =	vmul.f32 $6.400000000e+01, v4;
	[tilespmem:s1+$0xFFFFFF10] =	vst v2  }
0x4c6: {  	[tilespmem:s1+$0xFFFFFF90] =	vst v3;
	v2 =	vld [tilespmem:s11+$0xFFFFFF20]  }
0x4c7: {  	[tilespmem:s1+$0x10] =	vst v4;
	v3 =	vld [tilespmem:s11+$0xFFFFFFA0];
	v1 =	vmul.f32 $6.400000000e+01, v1  }
0x4c8: {  	v4 =	vld [tilespmem:s11+$0x20]  }
0x4c9: {  	[tilespmem:s1+$0xA0] =	vst v1  }
0x4ca: {  	v1 =	vld [tilespmem:s11+$0xB0]  }
0x4cb: {  	v2 =	vmul.f32 $6.400000000e+01, v2  }
0x4cc: {  	v3 =	vmul.f32 $6.400000000e+01, v3  }
0x4cd: {  	v4 =	vmul.f32 $6.400000000e+01, v4;
	[tilespmem:s1+$0xFFFFFF20] =	vst v2  }
0x4ce: {  	[tilespmem:s1+$0xFFFFFFA0] =	vst v3;
	v2 =	vld [tilespmem:s11+$0xFFFFFF30]  }
0x4cf: {  	[tilespmem:s1+$0x20] =	vst v4;
	v3 =	vld [tilespmem:s11+$0xFFFFFFB0];
	v1 =	vmul.f32 $6.400000000e+01, v1  }
0x4d0: {  	s7 =	simm.s32 $0x300;
	v4 =	vld [tilespmem:s11+$0x30]  }
0x4d1: {  	[tilespmem:s1+$0xB0] =	vst v1;
	v1 =	vld [tilespmem:s7+$0x80]  }
0x4d2: {  	v5 =	vld [tilespmem:s11+$0xC0]  }
0x4d3: {  	v6 =	vld [tilespmem:s7+$0xFFFFFF80];
	v2 =	vmul.f32 $6.400000000e+01, v2  }
0x4d4: {  	v7 =	vld [tilespmem:s7+$0x0];
	v3 =	vmul.f32 $6.400000000e+01, v3  }
0x4d5: {  	v4 =	vmul.f32 $6.400000000e+01, v4;
	[tilespmem:s1+$0xFFFFFF30] =	vst v2;
	v2 =	vld [tilespmem:s7+$0xFFFFFF00]  }
0x4d6: {  	[tilespmem:s1+$0xFFFFFFB0] =	vst v3;
	v3 =	vld [tilespmem:s11+$0xFFFFFF40];
	v1 =	vmul.f32 $6.400000000e+01, v1  }
0x4d7: {  	s8 =	simm.s32 $0xCB00;
	[tilespmem:s1+$0x30] =	vst v4;
	v4 =	vld [tilespmem:s11+$0xFFFFFFC0];
	v5 =	vmul.f32 $6.400000000e+01, v5  }
0x4d8: {  	v6 =	vmul.f32 $6.400000000e+01, v6;
	[tilespmem:s8+$0x80] =	vst v1;
	v1 =	vld [tilespmem:s11+$0x40]  }
0x4d9: {  	v7 =	vmul.f32 $6.400000000e+01, v7;
	v8 =	vld [tilespmem:s7+$0x90];
	[tilespmem:s1+$0xC0] =	vst v5  }
0x4da: {  	[tilespmem:s8+$0xFFFFFF80] =	vst v6;
	v2 =	vmul.f32 $6.400000000e+01, v2;
	v5 =	vld [tilespmem:s11+$0xD0]  }
0x4db: {  	[tilespmem:s8+$0x0] =	vst v7;
	v6 =	vld [tilespmem:s7+$0xFFFFFF90];
	v3 =	vmul.f32 $6.400000000e+01, v3  }
0x4dc: {  	v4 =	vmul.f32 $6.400000000e+01, v4;
	[tilespmem:s8+$0xFFFFFF00] =	vst v2;
	v2 =	vld [tilespmem:s7+$0x10]  }
0x4dd: {  	v7 =	vld [tilespmem:s7+$0xFFFFFF10];
	[tilespmem:s1+$0xFFFFFF40] =	vst v3;
	v1 =	vmul.f32 $6.400000000e+01, v1  }
0x4de: {  	[tilespmem:s1+$0xFFFFFFC0] =	vst v4;
	v3 =	vmul.f32 $6.400000000e+01, v8;
	v8 =	vld [tilespmem:s11+$0xFFFFFF50]  }
0x4df: {  	v4 =	vld [tilespmem:s11+$0xFFFFFFD0];
	[tilespmem:s1+$0x40] =	vst v1;
	v1 =	vmul.f32 $6.400000000e+01, v5  }
0x4e0: {  	v5 =	vmul.f32 $6.400000000e+01, v6;
	[tilespmem:s8+$0x90] =	vst v3;
	v3 =	vld [tilespmem:s11+$0x50]  }
0x4e1: {  	v2 =	vmul.f32 $6.400000000e+01, v2;
	v6 =	vld [tilespmem:s7+$0xA0];
	[tilespmem:s1+$0xD0] =	vst v1  }
0x4e2: {  	v1 =	vmul.f32 $6.400000000e+01, v7;
	[tilespmem:s8+$0xFFFFFF90] =	vst v5;
	v5 =	vld [tilespmem:s11+$0xE0]  }
0x4e3: {  	[tilespmem:s8+$0x10] =	vst v2;
	v7 =	vld [tilespmem:s7+$0xFFFFFFA0];
	v2 =	vmul.f32 $6.400000000e+01, v8  }
0x4e4: {  	v4 =	vmul.f32 $6.400000000e+01, v4;
	[tilespmem:s8+$0xFFFFFF10] =	vst v1;
	v1 =	vld [tilespmem:s7+$0x20]  }
0x4e5: {  	v8 =	vld [tilespmem:s7+$0xFFFFFF20];
	[tilespmem:s1+$0xFFFFFF50] =	vst v2;
	v2 =	vmul.f32 $6.400000000e+01, v3  }
0x4e6: {  	[tilespmem:s1+$0xFFFFFFD0] =	vst v4;
	v3 =	vmul.f32 $6.400000000e+01, v6;
	v6 =	vld [tilespmem:s11+$0xFFFFFF60]  }
0x4e7: {  	v4 =	vld [tilespmem:s11+$0xFFFFFFE0];
	[tilespmem:s1+$0x50] =	vst v2;
	v2 =	vmul.f32 $6.400000000e+01, v5  }
0x4e8: {  	v5 =	vmul.f32 $6.400000000e+01, v7;
	[tilespmem:s8+$0xA0] =	vst v3;
	v3 =	vld [tilespmem:s11+$0x60]  }
0x4e9: {  	v1 =	vmul.f32 $6.400000000e+01, v1;
	v7 =	vld [tilespmem:s7+$0xB0];
	[tilespmem:s1+$0xE0] =	vst v2  }
0x4ea: {  	v2 =	vmul.f32 $6.400000000e+01, v8;
	[tilespmem:s8+$0xFFFFFFA0] =	vst v5;
	v8 =	vld [tilespmem:s11+$0xF0]  }
0x4eb: {  	v9 =	vld [tilespmem:s7+$0xFFFFFFB0];
	[tilespmem:s8+$0x20] =	vst v1;
	v1 =	vmul.f32 $6.400000000e+01, v6  }
0x4ec: {  	v4 =	vmul.f32 $6.400000000e+01, v4;
	[tilespmem:s8+$0xFFFFFF20] =	vst v2;
	v5 =	vld [tilespmem:s7+$0x30]  }
0x4ed: {  	v6 =	vld [tilespmem:s7+$0xFFFFFF30];
	[tilespmem:s1+$0xFFFFFF60] =	vst v1;
	v3 =	vmul.f32 $6.400000000e+01, v3  }
0x4ee: {  	[tilespmem:s1+$0xFFFFFFE0] =	vst v4;
	v10 =	vmul.f32 $6.400000000e+01, v7;
	v2 =	vld [tilespmem:s11+$0xFFFFFF70]  }
0x4ef: {  	v1 =	vld [tilespmem:s11+$0xFFFFFFF0];
	[tilespmem:s1+$0x60] =	vst v3;
	v4 =	vmul.f32 $6.400000000e+01, v8  }
0x4f0: {  	s9 =	simm.s32 $0x4;
	s10 =	simm.s32 $0x500;
	v7 =	vmul.f32 $6.400000000e+01, v9;
	[tilespmem:s8+$0xB0] =	vst v10;
	v3 =	vld [tilespmem:s11+$0x70]  }
.LBB2_29:
0x4f1: {  	v8 =	vld [tilespmem:s10+$0x80];
	v5 =	vmul.f32 $6.400000000e+01, v5;
	[tilespmem:s1+$0xF0] =	vst v4  }
0x4f2: {  	s9 =	sadd.s32 $0x4, s9;
	v4 =	vmul.f32 $6.400000000e+01, v6;
	[tilespmem:s8+$0xFFFFFFB0] =	vst v7;
	v6 =	vld [tilespmem:s7+$0xC0]  }
0x4f3: {  	p0 =	slt.u32 s9, $0xC4;
	v7 =	vld [tilespmem:s10+$0xFFFFFF80];
	[tilespmem:s8+$0x30] =	vst v5;
	v2 =	vmul.f32 $6.400000000e+01, v2  }
0x4f4: {  	v5 =	vld [tilespmem:s10+$0x0];
	[tilespmem:s8+$0xFFFFFF30] =	vst v4;
	v1 =	vmul.f32 $6.400000000e+01, v1  }
0x4f5: {  	v4 =	vld [tilespmem:s10+$0xFFFFFF00];
	[tilespmem:s1+$0xFFFFFF70] =	vst v2;
	v2 =	vmul.f32 $6.400000000e+01, v3  }
0x4f6: {  	v3 =	vmul.f32 $6.400000000e+01, v8;
	v8 =	vld [tilespmem:s7+$0xFFFFFF40];
	[tilespmem:s1+$0xFFFFFFF0] =	vst v1  }
0x4f7: {  	v1 =	vld [tilespmem:s7+$0xFFFFFFC0];
	v6 =	vmul.f32 $6.400000000e+01, v6;
	[tilespmem:s1+$0x70] =	vst v2;
	s1 =	smov.u32 s8;
	s8 =	sadd.s32 $0x200, s8  }
0x4f8: {  	v2 =	vmul.f32 $6.400000000e+01, v7;
	[tilespmem:s8+$0x80] =	vst v3;
	v3 =	vld [tilespmem:s7+$0x40]  }
0x4f9: {  	v5 =	vmul.f32 $6.400000000e+01, v5;
	v7 =	vld [tilespmem:s10+$0x90];
	[tilespmem:s1+$0xC0] =	vst v6  }
0x4fa: {  	v4 =	vmul.f32 $6.400000000e+01, v4;
	[tilespmem:s8+$0xFFFFFF80] =	vst v2;
	v2 =	vld [tilespmem:s7+$0xD0]  }
0x4fb: {  	v6 =	vld [tilespmem:s10+$0xFFFFFF90];
	[tilespmem:s8+$0x0] =	vst v5;
	v5 =	vmul.f32 $6.400000000e+01, v8  }
0x4fc: {  	[tilespmem:s8+$0xFFFFFF00] =	vst v4;
	v4 =	vld [tilespmem:s10+$0x10];
	v1 =	vmul.f32 $6.400000000e+01, v1  }
0x4fd: {  	v8 =	vld [tilespmem:s10+$0xFFFFFF10];
	[tilespmem:s1+$0xFFFFFF40] =	vst v5;
	v3 =	vmul.f32 $6.400000000e+01, v3  }
0x4fe: {  	v5 =	vmul.f32 $6.400000000e+01, v7;
	v7 =	vld [tilespmem:s7+$0xFFFFFF50];
	[tilespmem:s1+$0xFFFFFFC0] =	vst v1  }
0x4ff: {  	v1 =	vld [tilespmem:s7+$0xFFFFFFD0];
	[tilespmem:s1+$0x40] =	vst v3;
	v2 =	vmul.f32 $6.400000000e+01, v2  }
0x500: {  	v3 =	vmul.f32 $6.400000000e+01, v6;
	[tilespmem:s8+$0x90] =	vst v5;
	v5 =	vld [tilespmem:s7+$0x50]  }
0x501: {  	v4 =	vmul.f32 $6.400000000e+01, v4;
	v6 =	vld [tilespmem:s10+$0xA0];
	[tilespmem:s1+$0xD0] =	vst v2  }
0x502: {  	v2 =	vmul.f32 $6.400000000e+01, v8;
	[tilespmem:s8+$0xFFFFFF90] =	vst v3;
	v3 =	vld [tilespmem:s7+$0xE0]  }
0x503: {  	v8 =	vld [tilespmem:s10+$0xFFFFFFA0];
	[tilespmem:s8+$0x10] =	vst v4;
	v4 =	vmul.f32 $6.400000000e+01, v7  }
0x504: {  	[tilespmem:s8+$0xFFFFFF10] =	vst v2;
	v2 =	vld [tilespmem:s10+$0x20];
	v1 =	vmul.f32 $6.400000000e+01, v1  }
0x505: {  	v7 =	vld [tilespmem:s10+$0xFFFFFF20];
	[tilespmem:s1+$0xFFFFFF50] =	vst v4;
	v4 =	vmul.f32 $6.400000000e+01, v5  }
0x506: {  	v5 =	vmul.f32 $6.400000000e+01, v6;
	v6 =	vld [tilespmem:s7+$0xFFFFFF60];
	[tilespmem:s1+$0xFFFFFFD0] =	vst v1  }
0x507: {  	v1 =	vld [tilespmem:s7+$0xFFFFFFE0];
	[tilespmem:s1+$0x50] =	vst v4;
	v3 =	vmul.f32 $6.400000000e+01, v3  }
0x508: {  	v4 =	vmul.f32 $6.400000000e+01, v8;
	[tilespmem:s8+$0xA0] =	vst v5;
	v8 =	vld [tilespmem:s7+$0x60]  }
0x509: {  	v2 =	vmul.f32 $6.400000000e+01, v2;
	v9 =	vld [tilespmem:s10+$0xB0];
	[tilespmem:s1+$0xE0] =	vst v3  }
0x50a: {  	v3 =	vmul.f32 $6.400000000e+01, v7;
	[tilespmem:s8+$0xFFFFFFA0] =	vst v4;
	v4 =	vld [tilespmem:s7+$0xF0]  }
0x50b: {  	v7 =	vld [tilespmem:s10+$0xFFFFFFB0];
	[tilespmem:s8+$0x20] =	vst v2;
	v2 =	vmul.f32 $6.400000000e+01, v6  }
.Ltmp24:
0x50c: {  	[tilespmem:s8+$0xFFFFFF20] =	vst v3;
	v5 =	vld [tilespmem:s10+$0x30];
	v1 =	vmul.f32 $6.400000000e+01, v1;
	(pc) =	sbr.rel @p0 .LBB2_29-.Ltmp24, $4  }
0x50d: {  	v6 =	vld [tilespmem:s10+$0xFFFFFF30];
	[tilespmem:s1+$0xFFFFFF60] =	vst v2;
	v3 =	vmul.f32 $6.400000000e+01, v8  }
0x50e: {  	v8 =	vmul.f32 $6.400000000e+01, v9;
	v2 =	vld [tilespmem:s7+$0xFFFFFF70];
	[tilespmem:s1+$0xFFFFFFE0] =	vst v1  }
0x50f: {  	v1 =	vld [tilespmem:s7+$0xFFFFFFF0];
	[tilespmem:s1+$0x60] =	vst v3;
	v4 =	vmul.f32 $6.400000000e+01, v4  }
0x510: {  	v7 =	vmul.f32 $6.400000000e+01, v7;
	[tilespmem:s8+$0xB0] =	vst v8;
	v3 =	vld [tilespmem:s7+$0x70];
	s7 =	smov.u32 s10;
	s10 =	sadd.s32 $0x200, s10  }
0x511: {  	_ = 	snop  }
0x512: {  	v6 =	vmul.f32 $6.400000000e+01, v6;
	_ =	sdelay $0x1  }
0x513: {  	v5 =	vmul.f32 $6.400000000e+01, v5;
	v8 =	vld [tilespmem:s7+$0xC0];
	[tilespmem:s8+$0xFFFFFF30] =	vst v6  }
0x514: {  	[tilespmem:s8+$0xFFFFFFB0] =	vst v7;
	v6 =	vld [tilespmem:s7+$0xFFFFFF40]  }
0x515: {  	[tilespmem:s8+$0x30] =	vst v5;
	v56 =	vld [tilespmem:s7+$0xFFFFFFC0]  }
0x516: {  	v57 =	vld [tilespmem:s7+$0x40];
	_ =	sdelay $0x1  }
0x517: {  	v8 =	vmul.f32 $6.400000000e+01, v8  }
0x518: {  	v6 =	vmul.f32 $6.400000000e+01, v6  }
0x519: {  	[tilespmem:s8+$0xC0] =	vst v8;
	v5 =	vmul.f32 $6.400000000e+01, v56  }
0x51a: {  	v8 =	vld [tilespmem:s7+$0xD0];
	v58 =	vmul.f32 $6.400000000e+01, v57;
	[tilespmem:s8+$0xFFFFFF40] =	vst v6  }
0x51b: {  	[tilespmem:s8+$0xFFFFFFC0] =	vst v5;
	v59 =	vld [tilespmem:s7+$0xFFFFFF50]  }
0x51c: {  	v5 =	vld [tilespmem:s7+$0xFFFFFFD0];
	[tilespmem:s8+$0x40] =	vst v58  }
0x51d: {  	v6 =	vld [tilespmem:s7+$0x50];
	_ =	sdelay $0x1  }
0x51e: {  	v8 =	vmul.f32 $6.400000000e+01, v8  }
0x51f: {  	v7 =	vmul.f32 $6.400000000e+01, v59  }
0x520: {  	[tilespmem:s8+$0xD0] =	vst v8;
	v5 =	vmul.f32 $6.400000000e+01, v5  }
0x521: {  	v8 =	vld [tilespmem:s7+$0xE0];
	v6 =	vmul.f32 $6.400000000e+01, v6;
	[tilespmem:s8+$0xFFFFFF50] =	vst v7  }
0x522: {  	[tilespmem:s8+$0xFFFFFFD0] =	vst v5;
	v7 =	vld [tilespmem:s7+$0xFFFFFF60]  }
0x523: {  	v5 =	vld [tilespmem:s7+$0xFFFFFFE0];
	[tilespmem:s8+$0x50] =	vst v6  }
0x524: {  	v6 =	vld [tilespmem:s7+$0x60];
	_ =	sdelay $0x1  }
0x525: {  	v8 =	vmul.f32 $6.400000000e+01, v8  }
0x526: {  	v7 =	vmul.f32 $6.400000000e+01, v7  }
0x527: {  	[tilespmem:s8+$0xE0] =	vst v8;
	v5 =	vmul.f32 $6.400000000e+01, v5  }
0x528: {  	v60 =	vld [tilespmem:s7+$0xF0];
	v6 =	vmul.f32 $6.400000000e+01, v6;
	[tilespmem:s8+$0xFFFFFF60] =	vst v7  }
0x529: {  	[tilespmem:s8+$0xFFFFFFE0] =	vst v5;
	v61 =	vld [tilespmem:s7+$0xFFFFFF70]  }
0x52a: {  	v2 =	vmul.f32 $6.400000000e+01, v2;
	[tilespmem:s8+$0x60] =	vst v6;
	v62 =	vld [tilespmem:s7+$0xFFFFFFF0]  }
0x52b: {  	[tilespmem:s1+$0xF0] =	vst v4;
	v1 =	vmul.f32 $6.400000000e+01, v1;
	v63 =	vld [tilespmem:s7+$0x70]  }
0x52c: {  	[tilespmem:s1+$0xFFFFFF70] =	vst v2;
	v2 =	vmul.f32 $6.400000000e+01, v3  }
0x52d: {  	[tilespmem:s1+$0xFFFFFFF0] =	vst v1;
	v1 =	vmul.f32 $6.400000000e+01, v60  }
.Ltmp25:
0x52e: {  	[tilespmem:s1+$0x70] =	vst v2;
	v2 =	vmul.f32 $6.400000000e+01, v61;
	(pc) =	sbr.rel .LBB2_31-.Ltmp25, $4  }
0x52f: {  	[tilespmem:s8+$0xF0] =	vst v1;
	v1 =	vmul.f32 $6.400000000e+01, v62  }
0x530: {  	[tilespmem:s8+$0xFFFFFF70] =	vst v2;
	v2 =	vmul.f32 $6.400000000e+01, v63  }
0x531: {  	[tilespmem:s8+$0xFFFFFFF0] =	vst v1  }
0x532: {  	s1 =	simm.s32 $0x0;
	s7 =	simm.s32 $0x0;
	[tilespmem:s8+$0x70] =	vst v2  }
.LBB2_33:
0x533: {  	s7 =	sadd.s32 $0x1, s7  }
0x534: {  	p0 =	sne.s32 s7, $0x80  }
.Ltmp26:
0x535: {  	_ = 	snop;
	(pc) =	sbr.rel @!p0 .LBB2_34-.Ltmp26, $2  }
0x536: {  	_ =	sdelay $0x2  }
0x537: {  	s1 =	sadd.s32 $0x1, s1  }
.LBB2_31:
0x538: {  	s8 =	sld [smem:s1+$0x0];
	_ =	sdelay $0x2  }
0x539: {  	s8 =	ssub.s32 s8, s5  }
0x53a: {  	s8 =	sadd.s32 $0xFFFF9F20, s8  }
0x53b: {  	p0 =	sgt.u32 s8, $0xC7  }
.Ltmp27:
0x53c: {  	_ = 	snop;
	(pc) =	sbr.rel @p0 .LBB2_33-.Ltmp27, $1  }
0x53d: {  	_ =	sdelay $0x3  }
0x53e: {  	s9 =	sand.u32 $0x70, s7;
	s8 =	sshll.u32 s8, $0x7  }
0x53f: {  	s8 =	sor.u32 s9, s8  }
0x540: {  	v1 =	vld [tilespmem:s8+$0x0];
	_ =	sdelay $0x4  }
0x541: {  	v2 =	vmul.f32 v1, v1;
	_ =	sdelay $0x1  }
0x542: {  	v2 =	vsub.f32 $1.000000000e+00, v2;
	_ =	sdelay $0x1  }
0x543: {  	v2 =	vmax.f32 v2, $0.0e+00  }
0x544: {  	v3 =	vadd.f32 $1.000000000e+00, v2;
	_ =	sdelay $0x1  }
0x545: {  	v3 =	vmul.f32 $5.000000000e-01, v3;
	_ =	sdelay $0x1  }
0x546: {  	(erf) = vrcp.f32 v3;
	_ =	sdelay $0x8  }
0x547: {  	v4 =	vpop (erf)  }
0x548: {  	v4 =	vmul.f32 v4, v2;
	_ =	sdelay $0x1  }
0x549: {  	v3 =	vadd.f32 v4, v3;
	_ =	sdelay $0x1  }
0x54a: {  	v3 =	vmul.f32 $5.000000000e-01, v3;
	_ =	sdelay $0x1  }
0x54b: {  	(erf) = vrcp.f32 v3;
	_ =	sdelay $0x8  }
0x54c: {  	v47 =	vpop (erf)  }
0x54d: {  	v4 =	vmul.f32 v47, v2;
	_ =	sdelay $0x1  }
0x54e: {  	v3 =	vadd.f32 v4, v3;
	_ =	sdelay $0x1  }
0x54f: {  	v3 =	vmul.f32 $5.000000000e-01, v3;
	_ =	sdelay $0x1  }
0x550: {  	(erf) = vrcp.f32 v3;
	_ =	sdelay $0x8  }
0x551: {  	v48 =	vpop (erf)  }
0x552: {  	v4 =	vmul.f32 v48, v2;
	_ =	sdelay $0x1  }
0x553: {  	v3 =	vadd.f32 v4, v3;
	_ =	sdelay $0x1  }
0x554: {  	v3 =	vmul.f32 $5.000000000e-01, v3;
	_ =	sdelay $0x1  }
0x555: {  	(erf) = vrcp.f32 v3;
	_ =	sdelay $0x8  }
0x556: {  	v49 =	vpop (erf)  }
0x557: {  	v4 =	vmul.f32 v49, v2;
	_ =	sdelay $0x1  }
0x558: {  	v3 =	vadd.f32 v4, v3;
	_ =	sdelay $0x1  }
0x559: {  	v3 =	vmul.f32 $5.000000000e-01, v3;
	_ =	sdelay $0x1  }
0x55a: {  	(erf) = vrcp.f32 v3;
	_ =	sdelay $0x8  }
0x55b: {  	v50 =	vpop (erf)  }
0x55c: {  	v4 =	vmul.f32 v50, v2;
	_ =	sdelay $0x1  }
0x55d: {  	v3 =	vadd.f32 v4, v3;
	_ =	sdelay $0x1  }
0x55e: {  	v3 =	vmul.f32 $5.000000000e-01, v3;
	_ =	sdelay $0x1  }
0x55f: {  	(erf) = vrcp.f32 v3;
	_ =	sdelay $0x8  }
0x560: {  	v51 =	vpop (erf)  }
0x561: {  	v4 =	vmul.f32 v51, v2;
	_ =	sdelay $0x1  }
0x562: {  	v3 =	vadd.f32 v4, v3;
	_ =	sdelay $0x1  }
0x563: {  	v3 =	vmul.f32 $5.000000000e-01, v3;
	_ =	sdelay $0x1  }
0x564: {  	(erf) = vrcp.f32 v3;
	_ =	sdelay $0x8  }
0x565: {  	v52 =	vpop (erf)  }
0x566: {  	v4 =	vmul.f32 v52, v2;
	_ =	sdelay $0x1  }
0x567: {  	v3 =	vadd.f32 v4, v3;
	_ =	sdelay $0x1  }
0x568: {  	v3 =	vmul.f32 $5.000000000e-01, v3;
	_ =	sdelay $0x1  }
0x569: {  	(erf) = vrcp.f32 v3;
	_ =	sdelay $0x8  }
0x56a: {  	v53 =	vpop (erf)  }
0x56b: {  	v4 =	vmul.f32 v53, v2;
	_ =	sdelay $0x1  }
0x56c: {  	v3 =	vadd.f32 v4, v3;
	_ =	sdelay $0x1  }
0x56d: {  	v3 =	vmul.f32 $5.000000000e-01, v3;
	_ =	sdelay $0x1  }
0x56e: {  	(erf) = vrcp.f32 v3;
	_ =	sdelay $0x8  }
0x56f: {  	v54 =	vpop (erf)  }
0x570: {  	v4 =	vmul.f32 v54, v2;
	_ =	sdelay $0x1  }
0x571: {  	v3 =	vadd.f32 v4, v3;
	_ =	sdelay $0x1  }
0x572: {  	v3 =	vmul.f32 $5.000000000e-01, v3;
	_ =	sdelay $0x1  }
0x573: {  	(erf) = vrcp.f32 v3;
	_ =	sdelay $0x8  }
0x574: {  	v55 =	vpop (erf)  }
0x575: {  	v4 =	vmul.f32 v55, v2;
	_ =	sdelay $0x1  }
0x576: {  	v3 =	vadd.f32 v4, v3;
	_ =	sdelay $0x1  }
0x577: {  	v3 =	vmul.f32 $5.000000000e-01, v3;
	_ =	sdelay $0x1  }
0x578: {  	(erf) = vrcp.f32 v3;
	_ =	sdelay $0x8  }
0x579: {  	v56 =	vpop (erf)  }
0x57a: {  	v4 =	vmul.f32 v56, v2;
	_ =	sdelay $0x1  }
0x57b: {  	v3 =	vadd.f32 v4, v3;
	_ =	sdelay $0x1  }
0x57c: {  	v3 =	vmul.f32 $5.000000000e-01, v3;
	_ =	sdelay $0x1  }
0x57d: {  	(erf) = vrcp.f32 v3;
	_ =	sdelay $0x8  }
0x57e: {  	v57 =	vpop (erf)  }
0x57f: {  	v4 =	vmul.f32 v57, v2;
	_ =	sdelay $0x1  }
0x580: {  	v3 =	vadd.f32 v4, v3;
	_ =	sdelay $0x1  }
0x581: {  	v3 =	vmul.f32 $5.000000000e-01, v3;
	_ =	sdelay $0x1  }
0x582: {  	(erf) = vrcp.f32 v3;
	_ =	sdelay $0x8  }
0x583: {  	v58 =	vpop (erf)  }
0x584: {  	v4 =	vmul.f32 v58, v2;
	_ =	sdelay $0x1  }
0x585: {  	v3 =	vadd.f32 v4, v3;
	_ =	sdelay $0x1  }
0x586: {  	v3 =	vmul.f32 $5.000000000e-01, v3;
	_ =	sdelay $0x1  }
0x587: {  	(erf) = vrcp.f32 v3;
	_ =	sdelay $0x8  }
0x588: {  	v59 =	vpop (erf)  }
0x589: {  	v4 =	vmul.f32 v59, v2;
	_ =	sdelay $0x1  }
0x58a: {  	v3 =	vadd.f32 v4, v3;
	_ =	sdelay $0x1  }
0x58b: {  	v3 =	vmul.f32 $5.000000000e-01, v3;
	_ =	sdelay $0x1  }
0x58c: {  	(erf) = vrcp.f32 v3;
	_ =	sdelay $0x8  }
0x58d: {  	v60 =	vpop (erf)  }
0x58e: {  	v4 =	vmul.f32 v60, v2;
	_ =	sdelay $0x1  }
0x58f: {  	v3 =	vadd.f32 v4, v3;
	_ =	sdelay $0x1  }
0x590: {  	v3 =	vmul.f32 $5.000000000e-01, v3;
	_ =	sdelay $0x1  }
0x591: {  	(erf) = vrcp.f32 v3;
	_ =	sdelay $0x8  }
0x592: {  	v61 =	vpop (erf)  }
0x593: {  	v4 =	vmul.f32 v61, v2;
	_ =	sdelay $0x1  }
0x594: {  	v3 =	vadd.f32 v4, v3;
	_ =	sdelay $0x1  }
0x595: {  	v3 =	vmul.f32 $5.000000000e-01, v3;
	_ =	sdelay $0x1  }
0x596: {  	(erf) = vrcp.f32 v3;
	_ =	sdelay $0x8  }
0x597: {  	v62 =	vpop (erf)  }
0x598: {  	v4 =	vmul.f32 v62, v2;
	_ =	sdelay $0x1  }
0x599: {  	v3 =	vadd.f32 v4, v3;
	_ =	sdelay $0x1  }
0x59a: {  	v3 =	vmul.f32 $5.000000000e-01, v3;
	_ =	sdelay $0x1  }
0x59b: {  	(erf) = vrcp.f32 v3;
	_ =	sdelay $0x8  }
0x59c: {  	v63 =	vpop (erf)  }
0x59d: {  	v2 =	vmul.f32 v63, v2;
	_ =	sdelay $0x1  }
0x59e: {  	v2 =	vadd.f32 v2, v3;
	_ =	sdelay $0x1  }
0x59f: {  	v2 =	vmul.f32 $5.000000000e-01, v2  }
0x5a0: {  	v3 =	vld [tilespmem:s8+$0xC800]  }
0x5a1: {  	v1 =	vmul.f32 $5.616528320e+01, v1;
	v2 =	vmul.f32 $-3.068323520e+01, v2  }
.Ltmp28:
0x5a2: {  	s20 =	sand.u32 $0xF, s7;
	(pc) =	sbr.rel .LBB2_33-.Ltmp28, $4  }
0x5a3: {  	v1 =	vadd.f32 v2, v1;
	v2 =	vmov s20  }
0x5a4: {  	vm0 =	veq.s32 v2, v0  }
0x5a5: {  	v1 =	vsel vm0, v1, v3  }
0x5a6: {  	[tilespmem:s8+$0xC800] =	vst v1  }
.LBB2_35:
0x5a7: {  	_ =	sfence.sel $0x180000  }
0x5a8: {  	[bflag:$0x0] =	sbarrier.arrive $0xFFFF  }
0x5a9: {  	_ =	strace $0x90000047  }
0x5aa: {  	s0 =	stileid.u32;
	[bflag:$0x2] =	sbarrier.arrive $0xFFFF  }
0x5ab: {  	p0 =	sne.s32 s0, $0x0;
	s0 =	rddreg [dreg:$0x3]  }
0x5ac: {  	s0 =	sadd.s32 @!p0 $0x100000, s0  }
0x5ad: {  	[sflag:s0] =	ssyncadd.tile.s32 @!p0 $0x1;
	_ =	shalt  }
.Lfunc_end2:
_tile_overlayer_lowered:
.L_overlay_start_2:
0x5ae: {  	(tag) =	ssettag $0x2  }
0x5af: {  	s0 =	rddreg [dreg:$0x0];
	s2 =	stileid.u32  }
0x5b0: {  	s1 =	rddreg [dreg:$0x1];
	p0 =	sne.s32 s2, $0x0  }
0x5b1: {  	s3 =	rddreg [dreg:$0x2];
	[bflag:$0x3] =	sbarrier.arrive $0xFFFF;
	s2 =	simm.s32 @!p0 $0x1C05  }
0x5b2: {  	[timem:s3], [sflag:s2] =	dma.local @!p0 [hbm:s0], s1  }
0x5b3: {  	s0 =	simm.s32 @!p0 $0x5  }
0x5b4: {  	_ =	swait.ge @!p0 [sflag:s0], s1  }
0x5b5: {  	s1 =	ssub.s32 @!p0 $0x0, s1;
	[sflag:s0] =	ssyncset.done @!p0 $0x0  }
0x5b6: {  	[sflag:s0] =	ssyncadd.s32 @!p0 s1  }
0x5b7: {  	[bflag:$0x3] =	sbarrier.arrive $0xFFFF  }
0x5b8: {  	_ =	shalt  }

</sc_bundles>
